<compile_context>
chip_gen: v7x
topology: tpu7x:2x2x1
jax: 0.10.2.dev20260603
libtpu: 0.0.44.dev20260713+nightly
codegen_flags: <defaults>
</compile_context>

<pallas_src>
import functools

import jax
import jax.numpy as jnp
from jax import lax
from jax.experimental import pallas as pl
from jax.experimental.pallas import tpu as pltpu
from jax.experimental.pallas import tpu_sc as plsc

VOCAB = 1000000
EMBED_DIM = 32
BATCH = 16384
N_FIELDS = 26

_B = BATCH * N_FIELDS
_IDX_MINOR = 128
_N_IDX_ROWS = _B // _IDX_MINOR
_G = 8


def _make_kernel():
    info = plsc.get_sparse_core_info()
    nc, ns = info.num_cores, info.num_subcores
    nw = nc * ns
    rows_pw = _N_IDX_ROWS // nw
    n_groups = rows_pw // _G

    mesh = plsc.VectorSubcoreMesh(core_axis_name="c", subcore_axis_name="s")

    @functools.partial(
        pl.kernel,
        mesh=mesh,
        compiler_params=pltpu.CompilerParams(use_tc_tiling_on_sc=False),
        out_type=jax.ShapeDtypeStruct((_B, EMBED_DIM), jnp.float32),
        scratch_types=[
            pltpu.VMEM((rows_pw, _IDX_MINOR), jnp.int32),
            pltpu.VMEM((rows_pw, _IDX_MINOR), jnp.int32),
            pltpu.VMEM((rows_pw + 16,), jnp.int32),
            pltpu.VMEM((_G * _IDX_MINOR, EMBED_DIM), jnp.float32),
            pltpu.SemaphoreType.DMA,
        ],
    )
    def emb_kernel(idx_hbm, flags_hbm, table_hbm, out_hbm,
                   idx_v, cidx_v, flags_v, rows_v, sem):
        wid = lax.axis_index("s") * nc + lax.axis_index("c")
        row0 = wid * rows_pw
        out0 = row0 * _IDX_MINOR

        pltpu.sync_copy(idx_hbm.at[pl.ds(row0, rows_pw)], idx_v)
        flags_v[pl.ds(rows_pw, 16)] = jnp.zeros((16,), jnp.int32)
        pltpu.sync_copy(flags_hbm.at[pl.ds(row0, rows_pw)],
                        flags_v.at[pl.ds(0, rows_pw)])

        zrow = jnp.zeros((16,), jnp.float32)
        lane = lax.iota(jnp.int32, 16)

        def group_body(g, _):
            copies = []
            for j in range(_G):
                r = g * _G + j
                for c in range(_IDX_MINOR // 16):
                    v = idx_v[r, pl.ds(c * 16, 16)]
                    cidx_v[r, pl.ds(c * 16, 16)] = jnp.maximum(v - 1, 0)
                copies.append(pltpu.async_copy(
                    table_hbm.at[cidx_v.at[r]],
                    rows_v.at[pl.ds(j * _IDX_MINOR, _IDX_MINOR)],
                    sem,
                ))
            for cp in copies:
                cp.wait()

            fg = flags_v[pl.ds(g * _G, 16)]
            for j in range(_G):
                r = g * _G + j

                @pl.when(fg[j] != 0)
                def _fix(r=r, j=j):
                    def grp_body(c, _):
                        m = jnp.minimum(idx_v[r, pl.ds(c * 16, 16)], 1)
                        rbase = j * _IDX_MINOR + c * 16
                        for l in range(16):
                            @pl.when(m[l] == 0)
                            def _zero(l=l):
                                rows_v[rbase + l, pl.ds(0, 16)] = zrow
                                rows_v[rbase + l, pl.ds(16, 16)] = zrow
                        return ()
                    lax.fori_loop(0, _IDX_MINOR // 16, grp_body, ())

            pltpu.sync_copy(
                rows_v,
                out_hbm.at[pl.ds(out0 + g * _G * _IDX_MINOR, _G * _IDX_MINOR)],
            )
            return ()

        lax.fori_loop(0, n_groups, group_body, ())

    return emb_kernel


def kernel(q_idx, embed_para):
    idx2d = q_idx.astype(jnp.int32).reshape(_N_IDX_ROWS, _IDX_MINOR)
    flags = (idx2d == 0).any(axis=1).astype(jnp.int32)
    out = _make_kernel()(idx2d, flags, embed_para)
    return out.reshape(BATCH, N_FIELDS, EMBED_DIM)

# --- scband reference (transcript-rebuilt; emitter-appended) ---
"""Pipeline reference for scband-embedding-75952201663084 (READ-ONLY COPY).

The authoritative reference and input builder live on the scoring server;
editing this copy changes nothing except your own understanding.
"""

import jax, jax.numpy as jnp
import numpy as np

VOCAB = 1000000
EMBED_DIM = 32
BATCH = 16384
N_FIELDS = 26

def setup_inputs(seed: int = 0) -> dict:
    key = jax.random.key(seed)
    k1, k2 = jax.random.split(key)
    # learned parameter: emb_init table of shape [VOCAB, EMBED_DIM]
    embed_para = jax.random.normal(k1, (VOCAB, EMBED_DIM), dtype=jnp.float32) * 0.01
    # indices in [0, VOCAB] inclusive: padded table has VOCAB+1 rows (row 0 is the pad row)
    q_idx = jax.random.randint(k2, (BATCH, N_FIELDS), 0, VOCAB + 1, dtype=jnp.int64)
    return {"q_idx": q_idx, "embed_para": embed_para}

def reference(q_idx, embed_para):
    # add_pad=True: prepend a zero row, then gather
    pad = jnp.zeros((1, embed_para.shape[-1]), dtype=embed_para.dtype)
    table = jnp.concatenate((pad, embed_para), axis=0)
    return jnp.take(table, q_idx, axis=0)

if __name__ == "__main__":
    import jax
    _d = setup_inputs()
    print(jax.jit(kernel)(*tuple(_d.values())))

</pallas_src>

<mosaic_0001>
#map = affine_map<(d0, d1) -> (0, 0)>
#map1 = affine_map<(d0, d1) -> (0)>
module attributes {stable_mosaic.version = 14 : i64} {
  func.func @emb_kernel(%arg0: i32, %arg1: i32, %arg2: memref<3328x128xi32, #tpu.memory_space<hbm>>, %arg3: memref<3328xi32, #tpu.memory_space<hbm>>, %arg4: memref<1000000x32xf32, #tpu.memory_space<hbm>>, %arg5: memref<425984x32xf32, #tpu.memory_space<hbm>>, %arg6: memref<104x128xi32, #tpu.memory_space<vmem>>, %arg7: memref<104x128xi32, #tpu.memory_space<vmem>>, %arg8: memref<120xi32, #tpu.memory_space<vmem>>, %arg9: memref<1024x32xf32, #tpu.memory_space<vmem>>, %arg10: memref<!tpu.dma_semaphore, #tpu.memory_space<semaphore_mem>>) attributes {dimension_semantics = [#tpu.dimension_semantics<core_parallel>, #tpu.dimension_semantics<subcore_parallel>], iteration_bounds = array<i64: 2, 16>, scalar_prefetch = 0 : i64, scratch_operands = 5 : i64, tpu.core_type = #tpu.core_type<sc_vector_subcore>, window_params = [{transform_indices = #map}, {transform_indices = #map1}, {transform_indices = #map}, {transform_indices = #map}]} {
    %mul3A = arith.constant 2 : i32
    %mul3A_0 = arith.muli %arg1, %mul3A : i32
    %add3A = arith.addi %mul3A_0, %arg0 : i32
    %mul3A_1 = arith.constant 104 : i32
    %mul3A_2 = arith.muli %add3A, %mul3A_1 : i32
    %mul3A_3 = arith.constant 128 : i32
    %mul3A_4 = arith.muli %mul3A_2, %mul3A_3 : i32
    "tpu.region"() ({
      %run_scoped3A = tpu.sem_alloc : memref<!tpu.dma_semaphore, #tpu.memory_space<semaphore_mem>>
      %dma_start3A = arith.constant 0 : i32
      %dma_start3A_15 = tpu.memref_slice %arg2[%mul3A_2, %dma_start3A] : memref<3328x128xi32, #tpu.memory_space<hbm>> -> memref<104x128xi32, #tpu.memory_space<hbm>>
      %dma_start3A_16 = arith.constant 0 : i32
      %dma_start3A_17 = tpu.memref_slice %arg2[%mul3A_2, %dma_start3A_16] : memref<3328x128xi32, #tpu.memory_space<hbm>> -> memref<104x128xi32, #tpu.memory_space<hbm>>
      tpu.enqueue_dma source(%dma_start3A_17 : memref<104x128xi32, #tpu.memory_space<hbm>>) target(%arg6 : memref<104x128xi32, #tpu.memory_space<vmem>>) target_semaphore(%run_scoped3A : memref<!tpu.dma_semaphore, #tpu.memory_space<semaphore_mem>>)
      %dma_wait3A = arith.constant 0 : i32
      %dma_wait3A_18 = tpu.memref_slice %arg2[%mul3A_2, %dma_wait3A] : memref<3328x128xi32, #tpu.memory_space<hbm>> -> memref<104x128xi32, #tpu.memory_space<hbm>>
      %dma_wait3A_19 = arith.constant 0 : i32
      %dma_wait3A_20 = tpu.memref_slice %arg2[%mul3A_2, %dma_wait3A_19] : memref<3328x128xi32, #tpu.memory_space<hbm>> -> memref<104x128xi32, #tpu.memory_space<hbm>>
      tpu.wait_dma2 semaphore(%run_scoped3A : memref<!tpu.dma_semaphore, #tpu.memory_space<semaphore_mem>>) src(%dma_wait3A_20 : memref<104x128xi32, #tpu.memory_space<hbm>>) dst(%arg6 : memref<104x128xi32, #tpu.memory_space<vmem>>)
      tpu.yield
    }) : () -> ()
    %broadcast_in_dim3A = arith.constant 0 : i32
    %broadcast_in_dim3A_5 = vector.broadcast %broadcast_in_dim3A : i32 to vector<16xi32>
    %swap3A = arith.constant 104 : index
    %swap3A_6 = tpu.vector_load %arg8[%swap3A] {strides = array<i32>} : memref<120xi32, #tpu.memory_space<vmem>>, vector<16xi32>,
    %swap3A_7 = vector.shape_cast %swap3A_6 : vector<16xi32> to vector<16xi32>
    %swap3A_8 = vector.shape_cast %broadcast_in_dim3A_5 : vector<16xi32> to vector<16xi32>
    tpu.vector_store %arg8[%swap3A], %swap3A_8 {strides = array<i32>} : memref<120xi32, #tpu.memory_space<vmem>>, vector<16xi32>,
    "tpu.region"() ({
      %run_scoped3A = tpu.sem_alloc : memref<!tpu.dma_semaphore, #tpu.memory_space<semaphore_mem>>
      %dma_start3A = arith.constant 0 : i32
      %dma_start3A_15 = tpu.memref_slice %arg8[%dma_start3A] : memref<120xi32, #tpu.memory_space<vmem>> -> memref<104xi32, #tpu.memory_space<vmem>>
      %dma_start3A_16 = tpu.memref_slice %arg3[%mul3A_2] : memref<3328xi32, #tpu.memory_space<hbm>> -> memref<104xi32, #tpu.memory_space<hbm>>
      %dma_start3A_17 = arith.constant 0 : i32
      %dma_start3A_18 = tpu.memref_slice %arg8[%dma_start3A_17] : memref<120xi32, #tpu.memory_space<vmem>> -> memref<104xi32, #tpu.memory_space<vmem>>
      %dma_start3A_19 = tpu.memref_slice %arg3[%mul3A_2] : memref<3328xi32, #tpu.memory_space<hbm>> -> memref<104xi32, #tpu.memory_space<hbm>>
      tpu.enqueue_dma source(%dma_start3A_19 : memref<104xi32, #tpu.memory_space<hbm>>) target(%dma_start3A_18 : memref<104xi32, #tpu.memory_space<vmem>>) target_semaphore(%run_scoped3A : memref<!tpu.dma_semaphore, #tpu.memory_space<semaphore_mem>>)
      %dma_wait3A = arith.constant 0 : i32
      %dma_wait3A_20 = tpu.memref_slice %arg8[%dma_wait3A] : memref<120xi32, #tpu.memory_space<vmem>> -> memref<104xi32, #tpu.memory_space<vmem>>
      %dma_wait3A_21 = tpu.memref_slice %arg3[%mul3A_2] : memref<3328xi32, #tpu.memory_space<hbm>> -> memref<104xi32, #tpu.memory_space<hbm>>
      %dma_wait3A_22 = arith.constant 0 : i32
      %dma_wait3A_23 = tpu.memref_slice %arg8[%dma_wait3A_22] : memref<120xi32, #tpu.memory_space<vmem>> -> memref<104xi32, #tpu.memory_space<vmem>>
      %dma_wait3A_24 = tpu.memref_slice %arg3[%mul3A_2] : memref<3328xi32, #tpu.memory_space<hbm>> -> memref<104xi32, #tpu.memory_space<hbm>>
      tpu.wait_dma2 semaphore(%run_scoped3A : memref<!tpu.dma_semaphore, #tpu.memory_space<semaphore_mem>>) src(%dma_wait3A_24 : memref<104xi32, #tpu.memory_space<hbm>>) dst(%dma_wait3A_23 : memref<104xi32, #tpu.memory_space<vmem>>)
      tpu.yield
    }) : () -> ()
    %broadcast_in_dim3A_9 = arith.constant 0.000000e+00 : f32
    %broadcast_in_dim3A_10 = vector.broadcast %broadcast_in_dim3A_9 : f32 to vector<16xf32>
    %iota3A = tpu.iota {dimensions = array<i32: 0>} : vector<16xi32>
    %scan3A = arith.constant 0 : i32
    %scan3A_11 = arith.constant 13 : i32
    %scan3A_12 = arith.addi %scan3A, %scan3A_11 : i32
    %scan3A_13 = arith.constant 1 : i32
    scf.for %scan3A_15 = %scan3A to %scan3A_12 step %scan3A_13  : i32 {
      %mul3A_16 = arith.constant 8 : i32
      %mul3A_17 = arith.muli %scan3A_15, %mul3A_16 : i32
      %add3A_18 = arith.constant 0 : i32
      %add3A_19 = arith.addi %mul3A_17, %add3A_18 : i32
      %get3A = arith.index_cast %add3A_19 : i32 to index
      %get3A_20 = arith.constant 0 : index
      %get3A_21 = tpu.vector_load %arg6[%get3A, %get3A_20] {strides = array<i32>} : memref<104x128xi32, #tpu.memory_space<vmem>>, vector<1x16xi32>,
      %get3A_22 = vector.shape_cast %get3A_21 : vector<1x16xi32> to vector<16xi32>
      %sub3A = arith.constant 1 : i32
      %sub3A_23 = vector.broadcast %sub3A : i32 to vector<16xi32>
      %sub3A_24 = arith.subi %get3A_22, %sub3A_23 : vector<16xi32>
      %max3A = arith.constant 0 : i32
      %max3A_25 = vector.broadcast %max3A : i32 to vector<16xi32>
      %max3A_26 = arith.maxsi %sub3A_24, %max3A_25 : vector<16xi32>
      %swap3A_27 = arith.index_cast %add3A_19 : i32 to index
      %swap3A_28 = arith.constant 0 : index
      %swap3A_29 = tpu.vector_load %arg7[%swap3A_27, %swap3A_28] {strides = array<i32>} : memref<104x128xi32, #tpu.memory_space<vmem>>, vector<1x16xi32>,
      %swap3A_30 = vector.shape_cast %swap3A_29 : vector<1x16xi32> to vector<16xi32>
      %swap3A_31 = vector.shape_cast %max3A_26 : vector<16xi32> to vector<1x16xi32>
      tpu.vector_store %arg7[%swap3A_27, %swap3A_28], %swap3A_31 {strides = array<i32>} : memref<104x128xi32, #tpu.memory_space<vmem>>, vector<1x16xi32>,
      %get3A_32 = arith.index_cast %add3A_19 : i32 to index
      %get3A_33 = arith.constant 16 : index
      %get3A_34 = tpu.vector_load %arg6[%get3A_32, %get3A_33] {strides = array<i32>} : memref<104x128xi32, #tpu.memory_space<vmem>>, vector<1x16xi32>,
      %get3A_35 = vector.shape_cast %get3A_34 : vector<1x16xi32> to vector<16xi32>
      %sub3A_36 = arith.constant 1 : i32
      %sub3A_37 = vector.broadcast %sub3A_36 : i32 to vector<16xi32>
      %sub3A_38 = arith.subi %get3A_35, %sub3A_37 : vector<16xi32>
      %max3A_39 = arith.constant 0 : i32
      %max3A_40 = vector.broadcast %max3A_39 : i32 to vector<16xi32>
      %max3A_41 = arith.maxsi %sub3A_38, %max3A_40 : vector<16xi32>
      %swap3A_42 = arith.index_cast %add3A_19 : i32 to index
      %swap3A_43 = arith.constant 16 : index
      %swap3A_44 = tpu.vector_load %arg7[%swap3A_42, %swap3A_43] {strides = array<i32>} : memref<104x128xi32, #tpu.memory_space<vmem>>, vector<1x16xi32>,
      %swap3A_45 = vector.shape_cast %swap3A_44 : vector<1x16xi32> to vector<16xi32>
      %swap3A_46 = vector.shape_cast %max3A_41 : vector<16xi32> to vector<1x16xi32>
      tpu.vector_store %arg7[%swap3A_42, %swap3A_43], %swap3A_46 {strides = array<i32>} : memref<104x128xi32, #tpu.memory_space<vmem>>, vector<1x16xi32>,
      %get3A_47 = arith.index_cast %add3A_19 : i32 to index
      %get3A_48 = arith.constant 32 : index
      %get3A_49 = tpu.vector_load %arg6[%get3A_47, %get3A_48] {strides = array<i32>} : memref<104x128xi32, #tpu.memory_space<vmem>>, vector<1x16xi32>,
      %get3A_50 = vector.shape_cast %get3A_49 : vector<1x16xi32> to vector<16xi32>
      %sub3A_51 = arith.constant 1 : i32
      %sub3A_52 = vector.broadcast %sub3A_51 : i32 to vector<16xi32>
      %sub3A_53 = arith.subi %get3A_50, %sub3A_52 : vector<16xi32>
      %max3A_54 = arith.constant 0 : i32
      %max3A_55 = vector.broadcast %max3A_54 : i32 to vector<16xi32>
      %max3A_56 = arith.maxsi %sub3A_53, %max3A_55 : vector<16xi32>
      %swap3A_57 = arith.index_cast %add3A_19 : i32 to index
      %swap3A_58 = arith.constant 32 : index
      %swap3A_59 = tpu.vector_load %arg7[%swap3A_57, %swap3A_58] {strides = array<i32>} : memref<104x128xi32, #tpu.memory_space<vmem>>, vector<1x16xi32>,
      %swap3A_60 = vector.shape_cast %swap3A_59 : vector<1x16xi32> to vector<16xi32>
      %swap3A_61 = vector.shape_cast %max3A_56 : vector<16xi32> to vector<1x16xi32>
      tpu.vector_store %arg7[%swap3A_57, %swap3A_58], %swap3A_61 {strides = array<i32>} : memref<104x128xi32, #tpu.memory_space<vmem>>, vector<1x16xi32>,
      %get3A_62 = arith.index_cast %add3A_19 : i32 to index
      %get3A_63 = arith.constant 48 : index
      %get3A_64 = tpu.vector_load %arg6[%get3A_62, %get3A_63] {strides = array<i32>} : memref<104x128xi32, #tpu.memory_space<vmem>>, vector<1x16xi32>,
      %get3A_65 = vector.shape_cast %get3A_64 : vector<1x16xi32> to vector<16xi32>
      %sub3A_66 = arith.constant 1 : i32
      %sub3A_67 = vector.broadcast %sub3A_66 : i32 to vector<16xi32>
      %sub3A_68 = arith.subi %get3A_65, %sub3A_67 : vector<16xi32>
      %max3A_69 = arith.constant 0 : i32
      %max3A_70 = vector.broadcast %max3A_69 : i32 to vector<16xi32>
      %max3A_71 = arith.maxsi %sub3A_68, %max3A_70 : vector<16xi32>
      %swap3A_72 = arith.index_cast %add3A_19 : i32 to index
      %swap3A_73 = arith.constant 48 : index
      %swap3A_74 = tpu.vector_load %arg7[%swap3A_72, %swap3A_73] {strides = array<i32>} : memref<104x128xi32, #tpu.memory_space<vmem>>, vector<1x16xi32>,
      %swap3A_75 = vector.shape_cast %swap3A_74 : vector<1x16xi32> to vector<16xi32>
      %swap3A_76 = vector.shape_cast %max3A_71 : vector<16xi32> to vector<1x16xi32>
      tpu.vector_store %arg7[%swap3A_72, %swap3A_73], %swap3A_76 {strides = array<i32>} : memref<104x128xi32, #tpu.memory_space<vmem>>, vector<1x16xi32>,
      %get3A_77 = arith.index_cast %add3A_19 : i32 to index
      %get3A_78 = arith.constant 64 : index
      %get3A_79 = tpu.vector_load %arg6[%get3A_77, %get3A_78] {strides = array<i32>} : memref<104x128xi32, #tpu.memory_space<vmem>>, vector<1x16xi32>,
      %get3A_80 = vector.shape_cast %get3A_79 : vector<1x16xi32> to vector<16xi32>
      %sub3A_81 = arith.constant 1 : i32
      %sub3A_82 = vector.broadcast %sub3A_81 : i32 to vector<16xi32>
      %sub3A_83 = arith.subi %get3A_80, %sub3A_82 : vector<16xi32>
      %max3A_84 = arith.constant 0 : i32
      %max3A_85 = vector.broadcast %max3A_84 : i32 to vector<16xi32>
      %max3A_86 = arith.maxsi %sub3A_83, %max3A_85 : vector<16xi32>
      %swap3A_87 = arith.index_cast %add3A_19 : i32 to index
      %swap3A_88 = arith.constant 64 : index
      %swap3A_89 = tpu.vector_load %arg7[%swap3A_87, %swap3A_88] {strides = array<i32>} : memref<104x128xi32, #tpu.memory_space<vmem>>, vector<1x16xi32>,
      %swap3A_90 = vector.shape_cast %swap3A_89 : vector<1x16xi32> to vector<16xi32>
      %swap3A_91 = vector.shape_cast %max3A_86 : vector<16xi32> to vector<1x16xi32>
      tpu.vector_store %arg7[%swap3A_87, %swap3A_88], %swap3A_91 {strides = array<i32>} : memref<104x128xi32, #tpu.memory_space<vmem>>, vector<1x16xi32>,
      %get3A_92 = arith.index_cast %add3A_19 : i32 to index
      %get3A_93 = arith.constant 80 : index
      %get3A_94 = tpu.vector_load %arg6[%get3A_92, %get3A_93] {strides = array<i32>} : memref<104x128xi32, #tpu.memory_space<vmem>>, vector<1x16xi32>,
      %get3A_95 = vector.shape_cast %get3A_94 : vector<1x16xi32> to vector<16xi32>
      %sub3A_96 = arith.constant 1 : i32
      %sub3A_97 = vector.broadcast %sub3A_96 : i32 to vector<16xi32>
      %sub3A_98 = arith.subi %get3A_95, %sub3A_97 : vector<16xi32>
      %max3A_99 = arith.constant 0 : i32
      %max3A_100 = vector.broadcast %max3A_99 : i32 to vector<16xi32>
      %max3A_101 = arith.maxsi %sub3A_98, %max3A_100 : vector<16xi32>
      %swap3A_102 = arith.index_cast %add3A_19 : i32 to index
      %swap3A_103 = arith.constant 80 : index
      %swap3A_104 = tpu.vector_load %arg7[%swap3A_102, %swap3A_103] {strides = array<i32>} : memref<104x128xi32, #tpu.memory_space<vmem>>, vector<1x16xi32>,
      %swap3A_105 = vector.shape_cast %swap3A_104 : vector<1x16xi32> to vector<16xi32>
      %swap3A_106 = vector.shape_cast %max3A_101 : vector<16xi32> to vector<1x16xi32>
      tpu.vector_store %arg7[%swap3A_102, %swap3A_103], %swap3A_106 {strides = array<i32>} : memref<104x128xi32, #tpu.memory_space<vmem>>, vector<1x16xi32>,
      %get3A_107 = arith.index_cast %add3A_19 : i32 to index
      %get3A_108 = arith.constant 96 : index
      %get3A_109 = tpu.vector_load %arg6[%get3A_107, %get3A_108] {strides = array<i32>} : memref<104x128xi32, #tpu.memory_space<vmem>>, vector<1x16xi32>,
      %get3A_110 = vector.shape_cast %get3A_109 : vector<1x16xi32> to vector<16xi32>
      %sub3A_111 = arith.constant 1 : i32
      %sub3A_112 = vector.broadcast %sub3A_111 : i32 to vector<16xi32>
      %sub3A_113 = arith.subi %get3A_110, %sub3A_112 : vector<16xi32>
      %max3A_114 = arith.constant 0 : i32
      %max3A_115 = vector.broadcast %max3A_114 : i32 to vector<16xi32>
      %max3A_116 = arith.maxsi %sub3A_113, %max3A_115 : vector<16xi32>
      %swap3A_117 = arith.index_cast %add3A_19 : i32 to index
      %swap3A_118 = arith.constant 96 : index
      %swap3A_119 = tpu.vector_load %arg7[%swap3A_117, %swap3A_118] {strides = array<i32>} : memref<104x128xi32, #tpu.memory_space<vmem>>, vector<1x16xi32>,
      %swap3A_120 = vector.shape_cast %swap3A_119 : vector<1x16xi32> to vector<16xi32>
      %swap3A_121 = vector.shape_cast %max3A_116 : vector<16xi32> to vector<1x16xi32>
      tpu.vector_store %arg7[%swap3A_117, %swap3A_118], %swap3A_121 {strides = array<i32>} : memref<104x128xi32, #tpu.memory_space<vmem>>, vector<1x16xi32>,
      %get3A_122 = arith.index_cast %add3A_19 : i32 to index
      %get3A_123 = arith.constant 112 : index
      %get3A_124 = tpu.vector_load %arg6[%get3A_122, %get3A_123] {strides = array<i32>} : memref<104x128xi32, #tpu.memory_space<vmem>>, vector<1x16xi32>,
      %get3A_125 = vector.shape_cast %get3A_124 : vector<1x16xi32> to vector<16xi32>
      %sub3A_126 = arith.constant 1 : i32
      %sub3A_127 = vector.broadcast %sub3A_126 : i32 to vector<16xi32>
      %sub3A_128 = arith.subi %get3A_125, %sub3A_127 : vector<16xi32>
      %max3A_129 = arith.constant 0 : i32
      %max3A_130 = vector.broadcast %max3A_129 : i32 to vector<16xi32>
      %max3A_131 = arith.maxsi %sub3A_128, %max3A_130 : vector<16xi32>
      %swap3A_132 = arith.index_cast %add3A_19 : i32 to index
      %swap3A_133 = arith.constant 112 : index
      %swap3A_134 = tpu.vector_load %arg7[%swap3A_132, %swap3A_133] {strides = array<i32>} : memref<104x128xi32, #tpu.memory_space<vmem>>, vector<1x16xi32>,
      %swap3A_135 = vector.shape_cast %swap3A_134 : vector<1x16xi32> to vector<16xi32>
      %swap3A_136 = vector.shape_cast %max3A_131 : vector<16xi32> to vector<1x16xi32>
      tpu.vector_store %arg7[%swap3A_132, %swap3A_133], %swap3A_136 {strides = array<i32>} : memref<104x128xi32, #tpu.memory_space<vmem>>, vector<1x16xi32>,
      %dma_start3A = arith.constant 0 : i32
      %dma_start3A_137 = arith.constant 0 : i32
      %dma_start3A_138 = tpu.memref_slice %arg9[%dma_start3A, %dma_start3A_137] : memref<1024x32xf32, #tpu.memory_space<vmem>> -> memref<128x32xf32, #tpu.memory_space<vmem>>
      %dma_start3A_139 = arith.constant 0 : i32
      %dma_start3A_140 = tpu.memref_slice %arg7[%add3A_19, %dma_start3A_139] : memref<104x128xi32, #tpu.memory_space<vmem>> -> memref<1x128xi32, #tpu.memory_space<vmem>>
      %dma_start3A_141 = tpu.memref_squeeze %dma_start3A_140 : memref<1x128xi32, #tpu.memory_space<vmem>> -> memref<128xi32, #tpu.memory_space<vmem>>
      %dma_start3A_142 = arith.constant 0 : i32
      %dma_start3A_143 = arith.constant 0 : i32
      %dma_start3A_144 = tpu.memref_slice %arg4[%dma_start3A_142, %dma_start3A_143] : memref<1000000x32xf32, #tpu.memory_space<hbm>> -> memref<1000000x32xf32, #tpu.memory_space<hbm>>
      tpu.enqueue_indirect_dma source(%dma_start3A_144 : memref<1000000x32xf32, #tpu.memory_space<hbm>>) target(%dma_start3A_138 : memref<128x32xf32, #tpu.memory_space<vmem>>) offsets(%dma_start3A_141 : memref<128xi32, #tpu.memory_space<vmem>>) semaphore(%arg10 : memref<!tpu.dma_semaphore, #tpu.memory_space<semaphore_mem>>)
      %mul3A_145 = arith.constant 8 : i32
      %mul3A_146 = arith.muli %scan3A_15, %mul3A_145 : i32
      %add3A_147 = arith.constant 1 : i32
      %add3A_148 = arith.addi %mul3A_146, %add3A_147 : i32
      %get3A_149 = arith.index_cast %add3A_148 : i32 to index
      %get3A_150 = arith.constant 0 : index
      %get3A_151 = tpu.vector_load %arg6[%get3A_149, %get3A_150] {strides = array<i32>} : memref<104x128xi32, #tpu.memory_space<vmem>>, vector<1x16xi32>,
      %get3A_152 = vector.shape_cast %get3A_151 : vector<1x16xi32> to vector<16xi32>
      %sub3A_153 = arith.constant 1 : i32
      %sub3A_154 = vector.broadcast %sub3A_153 : i32 to vector<16xi32>
      %sub3A_155 = arith.subi %get3A_152, %sub3A_154 : vector<16xi32>
      %max3A_156 = arith.constant 0 : i32
      %max3A_157 = vector.broadcast %max3A_156 : i32 to vector<16xi32>
      %max3A_158 = arith.maxsi %sub3A_155, %max3A_157 : vector<16xi32>
      %swap3A_159 = arith.index_cast %add3A_148 : i32 to index
      %swap3A_160 = arith.constant 0 : index
      %swap3A_161 = tpu.vector_load %arg7[%swap3A_159, %swap3A_160] {strides = array<i32>} : memref<104x128xi32, #tpu.memory_space<vmem>>, vector<1x16xi32>,
      %swap3A_162 = vector.shape_cast %swap3A_161 : vector<1x16xi32> to vector<16xi32>
      %swap3A_163 = vector.shape_cast %max3A_158 : vector<16xi32> to vector<1x16xi32>
      tpu.vector_store %arg7[%swap3A_159, %swap3A_160], %swap3A_163 {strides = array<i32>} : memref<104x128xi32, #tpu.memory_space<vmem>>, vector<1x16xi32>,
      %get3A_164 = arith.index_cast %add3A_148 : i32 to index
      %get3A_165 = arith.constant 16 : index
      %get3A_166 = tpu.vector_load %arg6[%get3A_164, %get3A_165] {strides = array<i32>} : memref<104x128xi32, #tpu.memory_space<vmem>>, vector<1x16xi32>,
      %get3A_167 = vector.shape_cast %get3A_166 : vector<1x16xi32> to vector<16xi32>
      %sub3A_168 = arith.constant 1 : i32
      %sub3A_169 = vector.broadcast %sub3A_168 : i32 to vector<16xi32>
      %sub3A_170 = arith.subi %get3A_167, %sub3A_169 : vector<16xi32>
      %max3A_171 = arith.constant 0 : i32
      %max3A_172 = vector.broadcast %max3A_171 : i32 to vector<16xi32>
      %max3A_173 = arith.maxsi %sub3A_170, %max3A_172 : vector<16xi32>
      %swap3A_174 = arith.index_cast %add3A_148 : i32 to index
      %swap3A_175 = arith.constant 16 : index
      %swap3A_176 = tpu.vector_load %arg7[%swap3A_174, %swap3A_175] {strides = array<i32>} : memref<104x128xi32, #tpu.memory_space<vmem>>, vector<1x16xi32>,
      %swap3A_177 = vector.shape_cast %swap3A_176 : vector<1x16xi32> to vector<16xi32>
      %swap3A_178 = vector.shape_cast %max3A_173 : vector<16xi32> to vector<1x16xi32>
      tpu.vector_store %arg7[%swap3A_174, %swap3A_175], %swap3A_178 {strides = array<i32>} : memref<104x128xi32, #tpu.memory_space<vmem>>, vector<1x16xi32>,
      %get3A_179 = arith.index_cast %add3A_148 : i32 to index
      %get3A_180 = arith.constant 32 : index
      %get3A_181 = tpu.vector_load %arg6[%get3A_179, %get3A_180] {strides = array<i32>} : memref<104x128xi32, #tpu.memory_space<vmem>>, vector<1x16xi32>,
      %get3A_182 = vector.shape_cast %get3A_181 : vector<1x16xi32> to vector<16xi32>
      %sub3A_183 = arith.constant 1 : i32
      %sub3A_184 = vector.broadcast %sub3A_183 : i32 to vector<16xi32>
      %sub3A_185 = arith.subi %get3A_182, %sub3A_184 : vector<16xi32>
      %max3A_186 = arith.constant 0 : i32
      %max3A_187 = vector.broadcast %max3A_186 : i32 to vector<16xi32>
      %max3A_188 = arith.maxsi %sub3A_185, %max3A_187 : vector<16xi32>
      %swap3A_189 = arith.index_cast %add3A_148 : i32 to index
      %swap3A_190 = arith.constant 32 : index
      %swap3A_191 = tpu.vector_load %arg7[%swap3A_189, %swap3A_190] {strides = array<i32>} : memref<104x128xi32, #tpu.memory_space<vmem>>, vector<1x16xi32>,
      %swap3A_192 = vector.shape_cast %swap3A_191 : vector<1x16xi32> to vector<16xi32>
      %swap3A_193 = vector.shape_cast %max3A_188 : vector<16xi32> to vector<1x16xi32>
      tpu.vector_store %arg7[%swap3A_189, %swap3A_190], %swap3A_193 {strides = array<i32>} : memref<104x128xi32, #tpu.memory_space<vmem>>, vector<1x16xi32>,
      %get3A_194 = arith.index_cast %add3A_148 : i32 to index
      %get3A_195 = arith.constant 48 : index
      %get3A_196 = tpu.vector_load %arg6[%get3A_194, %get3A_195] {strides = array<i32>} : memref<104x128xi32, #tpu.memory_space<vmem>>, vector<1x16xi32>,
      %get3A_197 = vector.shape_cast %get3A_196 : vector<1x16xi32> to vector<16xi32>
      %sub3A_198 = arith.constant 1 : i32
      %sub3A_199 = vector.broadcast %sub3A_198 : i32 to vector<16xi32>
      %sub3A_200 = arith.subi %get3A_197, %sub3A_199 : vector<16xi32>
      %max3A_201 = arith.constant 0 : i32
      %max3A_202 = vector.broadcast %max3A_201 : i32 to vector<16xi32>
      %max3A_203 = arith.maxsi %sub3A_200, %max3A_202 : vector<16xi32>
      %swap3A_204 = arith.index_cast %add3A_148 : i32 to index
      %swap3A_205 = arith.constant 48 : index
      %swap3A_206 = tpu.vector_load %arg7[%swap3A_204, %swap3A_205] {strides = array<i32>} : memref<104x128xi32, #tpu.memory_space<vmem>>, vector<1x16xi32>,
      %swap3A_207 = vector.shape_cast %swap3A_206 : vector<1x16xi32> to vector<16xi32>
      %swap3A_208 = vector.shape_cast %max3A_203 : vector<16xi32> to vector<1x16xi32>
      tpu.vector_store %arg7[%swap3A_204, %swap3A_205], %swap3A_208 {strides = array<i32>} : memref<104x128xi32, #tpu.memory_space<vmem>>, vector<1x16xi32>,
      %get3A_209 = arith.index_cast %add3A_148 : i32 to index
      %get3A_210 = arith.constant 64 : index
      %get3A_211 = tpu.vector_load %arg6[%get3A_209, %get3A_210] {strides = array<i32>} : memref<104x128xi32, #tpu.memory_space<vmem>>, vector<1x16xi32>,
      %get3A_212 = vector.shape_cast %get3A_211 : vector<1x16xi32> to vector<16xi32>
      %sub3A_213 = arith.constant 1 : i32
      %sub3A_214 = vector.broadcast %sub3A_213 : i32 to vector<16xi32>
      %sub3A_215 = arith.subi %get3A_212, %sub3A_214 : vector<16xi32>
      %max3A_216 = arith.constant 0 : i32
      %max3A_217 = vector.broadcast %max3A_216 : i32 to vector<16xi32>
      %max3A_218 = arith.maxsi %sub3A_215, %max3A_217 : vector<16xi32>
      %swap3A_219 = arith.index_cast %add3A_148 : i32 to index
      %swap3A_220 = arith.constant 64 : index
      %swap3A_221 = tpu.vector_load %arg7[%swap3A_219, %swap3A_220] {strides = array<i32>} : memref<104x128xi32, #tpu.memory_space<vmem>>, vector<1x16xi32>,
      %swap3A_222 = vector.shape_cast %swap3A_221 : vector<1x16xi32> to vector<16xi32>
      %swap3A_223 = vector.shape_cast %max3A_218 : vector<16xi32> to vector<1x16xi32>
      tpu.vector_store %arg7[%swap3A_219, %swap3A_220], %swap3A_223 {strides = array<i32>} : memref<104x128xi32, #tpu.memory_space<vmem>>, vector<1x16xi32>,
      %get3A_224 = arith.index_cast %add3A_148 : i32 to index
      %get3A_225 = arith.constant 80 : index
      %get3A_226 = tpu.vector_load %arg6[%get3A_224, %get3A_225] {strides = array<i32>} : memref<104x128xi32, #tpu.memory_space<vmem>>, vector<1x16xi32>,
      %get3A_227 = vector.shape_cast %get3A_226 : vector<1x16xi32> to vector<16xi32>
      %sub3A_228 = arith.constant 1 : i32
      %sub3A_229 = vector.broadcast %sub3A_228 : i32 to vector<16xi32>
      %sub3A_230 = arith.subi %get3A_227, %sub3A_229 : vector<16xi32>
      %max3A_231 = arith.constant 0 : i32
      %max3A_232 = vector.broadcast %max3A_231 : i32 to vector<16xi32>
      %max3A_233 = arith.maxsi %sub3A_230, %max3A_232 : vector<16xi32>
      %swap3A_234 = arith.index_cast %add3A_148 : i32 to index
      %swap3A_235 = arith.constant 80 : index
      %swap3A_236 = tpu.vector_load %arg7[%swap3A_234, %swap3A_235] {strides = array<i32>} : memref<104x128xi32, #tpu.memory_space<vmem>>, vector<1x16xi32>,
      %swap3A_237 = vector.shape_cast %swap3A_236 : vector<1x16xi32> to vector<16xi32>
      %swap3A_238 = vector.shape_cast %max3A_233 : vector<16xi32> to vector<1x16xi32>
      tpu.vector_store %arg7[%swap3A_234, %swap3A_235], %swap3A_238 {strides = array<i32>} : memref<104x128xi32, #tpu.memory_space<vmem>>, vector<1x16xi32>,
      %get3A_239 = arith.index_cast %add3A_148 : i32 to index
      %get3A_240 = arith.constant 96 : index
      %get3A_241 = tpu.vector_load %arg6[%get3A_239, %get3A_240] {strides = array<i32>} : memref<104x128xi32, #tpu.memory_space<vmem>>, vector<1x16xi32>,
      %get3A_242 = vector.shape_cast %get3A_241 : vector<1x16xi32> to vector<16xi32>
      %sub3A_243 = arith.constant 1 : i32
      %sub3A_244 = vector.broadcast %sub3A_243 : i32 to vector<16xi32>
      %sub3A_245 = arith.subi %get3A_242, %sub3A_244 : vector<16xi32>
      %max3A_246 = arith.constant 0 : i32
      %max3A_247 = vector.broadcast %max3A_246 : i32 to vector<16xi32>
      %max3A_248 = arith.maxsi %sub3A_245, %max3A_247 : vector<16xi32>
      %swap3A_249 = arith.index_cast %add3A_148 : i32 to index
      %swap3A_250 = arith.constant 96 : index
      %swap3A_251 = tpu.vector_load %arg7[%swap3A_249, %swap3A_250] {strides = array<i32>} : memref<104x128xi32, #tpu.memory_space<vmem>>, vector<1x16xi32>,
      %swap3A_252 = vector.shape_cast %swap3A_251 : vector<1x16xi32> to vector<16xi32>
      %swap3A_253 = vector.shape_cast %max3A_248 : vector<16xi32> to vector<1x16xi32>
      tpu.vector_store %arg7[%swap3A_249, %swap3A_250], %swap3A_253 {strides = array<i32>} : memref<104x128xi32, #tpu.memory_space<vmem>>, vector<1x16xi32>,
      %get3A_254 = arith.index_cast %add3A_148 : i32 to index
      %get3A_255 = arith.constant 112 : index
      %get3A_256 = tpu.vector_load %arg6[%get3A_254, %get3A_255] {strides = array<i32>} : memref<104x128xi32, #tpu.memory_space<vmem>>, vector<1x16xi32>,
      %get3A_257 = vector.shape_cast %get3A_256 : vector<1x16xi32> to vector<16xi32>
      %sub3A_258 = arith.constant 1 : i32
      %sub3A_259 = vector.broadcast %sub3A_258 : i32 to vector<16xi32>
      %sub3A_260 = arith.subi %get3A_257, %sub3A_259 : vector<16xi32>
      %max3A_261 = arith.constant 0 : i32
      %max3A_262 = vector.broadcast %max3A_261 : i32 to vector<16xi32>
      %max3A_263 = arith.maxsi %sub3A_260, %max3A_262 : vector<16xi32>
      %swap3A_264 = arith.index_cast %add3A_148 : i32 to index
      %swap3A_265 = arith.constant 112 : index
      %swap3A_266 = tpu.vector_load %arg7[%swap3A_264, %swap3A_265] {strides = array<i32>} : memref<104x128xi32, #tpu.memory_space<vmem>>, vector<1x16xi32>,
      %swap3A_267 = vector.shape_cast %swap3A_266 : vector<1x16xi32> to vector<16xi32>
      %swap3A_268 = vector.shape_cast %max3A_263 : vector<16xi32> to vector<1x16xi32>
      tpu.vector_store %arg7[%swap3A_264, %swap3A_265], %swap3A_268 {strides = array<i32>} : memref<104x128xi32, #tpu.memory_space<vmem>>, vector<1x16xi32>,
      %dma_start3A_269 = arith.constant 128 : i32
      %dma_start3A_270 = arith.constant 0 : i32
      %dma_start3A_271 = tpu.memref_slice %arg9[%dma_start3A_269, %dma_start3A_270] : memref<1024x32xf32, #tpu.memory_space<vmem>> -> memref<128x32xf32, #tpu.memory_space<vmem>>
      %dma_start3A_272 = arith.constant 0 : i32
      %dma_start3A_273 = tpu.memref_slice %arg7[%add3A_148, %dma_start3A_272] : memref<104x128xi32, #tpu.memory_space<vmem>> -> memref<1x128xi32, #tpu.memory_space<vmem>>
      %dma_start3A_274 = tpu.memref_squeeze %dma_start3A_273 : memref<1x128xi32, #tpu.memory_space<vmem>> -> memref<128xi32, #tpu.memory_space<vmem>>
      %dma_start3A_275 = arith.constant 0 : i32
      %dma_start3A_276 = arith.constant 0 : i32
      %dma_start3A_277 = tpu.memref_slice %arg4[%dma_start3A_275, %dma_start3A_276] : memref<1000000x32xf32, #tpu.memory_space<hbm>> -> memref<1000000x32xf32, #tpu.memory_space<hbm>>
      tpu.enqueue_indirect_dma source(%dma_start3A_277 : memref<1000000x32xf32, #tpu.memory_space<hbm>>) target(%dma_start3A_271 : memref<128x32xf32, #tpu.memory_space<vmem>>) offsets(%dma_start3A_274 : memref<128xi32, #tpu.memory_space<vmem>>) semaphore(%arg10 : memref<!tpu.dma_semaphore, #tpu.memory_space<semaphore_mem>>)
      %mul3A_278 = arith.constant 8 : i32
      %mul3A_279 = arith.muli %scan3A_15, %mul3A_278 : i32
      %add3A_280 = arith.constant 2 : i32
      %add3A_281 = arith.addi %mul3A_279, %add3A_280 : i32
      %get3A_282 = arith.index_cast %add3A_281 : i32 to index
      %get3A_283 = arith.constant 0 : index
      %get3A_284 = tpu.vector_load %arg6[%get3A_282, %get3A_283] {strides = array<i32>} : memref<104x128xi32, #tpu.memory_space<vmem>>, vector<1x16xi32>,
      %get3A_285 = vector.shape_cast %get3A_284 : vector<1x16xi32> to vector<16xi32>
      %sub3A_286 = arith.constant 1 : i32
      %sub3A_287 = vector.broadcast %sub3A_286 : i32 to vector<16xi32>
      %sub3A_288 = arith.subi %get3A_285, %sub3A_287 : vector<16xi32>
      %max3A_289 = arith.constant 0 : i32
      %max3A_290 = vector.broadcast %max3A_289 : i32 to vector<16xi32>
      %max3A_291 = arith.maxsi %sub3A_288, %max3A_290 : vector<16xi32>
      %swap3A_292 = arith.index_cast %add3A_281 : i32 to index
      %swap3A_293 = arith.constant 0 : index
      %swap3A_294 = tpu.vector_load %arg7[%swap3A_292, %swap3A_293] {strides = array<i32>} : memref<104x128xi32, #tpu.memory_space<vmem>>, vector<1x16xi32>,
      %swap3A_295 = vector.shape_cast %swap3A_294 : vector<1x16xi32> to vector<16xi32>
      %swap3A_296 = vector.shape_cast %max3A_291 : vector<16xi32> to vector<1x16xi32>
      tpu.vector_store %arg7[%swap3A_292, %swap3A_293], %swap3A_296 {strides = array<i32>} : memref<104x128xi32, #tpu.memory_space<vmem>>, vector<1x16xi32>,
      %get3A_297 = arith.index_cast %add3A_281 : i32 to index
      %get3A_298 = arith.constant 16 : index
      %get3A_299 = tpu.vector_load %arg6[%get3A_297, %get3A_298] {strides = array<i32>} : memref<104x128xi32, #tpu.memory_space<vmem>>, vector<1x16xi32>,
      %get3A_300 = vector.shape_cast %get3A_299 : vector<1x16xi32> to vector<16xi32>
      %sub3A_301 = arith.constant 1 : i32
      %sub3A_302 = vector.broadcast %sub3A_301 : i32 to vector<16xi32>
      %sub3A_303 = arith.subi %get3A_300, %sub3A_302 : vector<16xi32>
      %max3A_304 = arith.constant 0 : i32
      %max3A_305 = vector.broadcast %max3A_304 : i32 to vector<16xi32>
      %max3A_306 = arith.maxsi %sub3A_303, %max3A_305 : vector<16xi32>
      %swap3A_307 = arith.index_cast %add3A_281 : i32 to index
      %swap3A_308 = arith.constant 16 : index
      %swap3A_309 = tpu.vector_load %arg7[%swap3A_307, %swap3A_308] {strides = array<i32>} : memref<104x128xi32, #tpu.memory_space<vmem>>, vector<1x16xi32>,
      %swap3A_310 = vector.shape_cast %swap3A_309 : vector<1x16xi32> to vector<16xi32>
      %swap3A_311 = vector.shape_cast %max3A_306 : vector<16xi32> to vector<1x16xi32>
      tpu.vector_store %arg7[%swap3A_307, %swap3A_308], %swap3A_311 {strides = array<i32>} : memref<104x128xi32, #tpu.memory_space<vmem>>, vector<1x16xi32>,
      %get3A_312 = arith.index_cast %add3A_281 : i32 to index
      %get3A_313 = arith.constant 32 : index
      %get3A_314 = tpu.vector_load %arg6[%get3A_312, %get3A_313] {strides = array<i32>} : memref<104x128xi32, #tpu.memory_space<vmem>>, vector<1x16xi32>,
      %get3A_315 = vector.shape_cast %get3A_314 : vector<1x16xi32> to vector<16xi32>
      %sub3A_316 = arith.constant 1 : i32
      %sub3A_317 = vector.broadcast %sub3A_316 : i32 to vector<16xi32>
      %sub3A_318 = arith.subi %get3A_315, %sub3A_317 : vector<16xi32>
      %max3A_319 = arith.constant 0 : i32
      %max3A_320 = vector.broadcast %max3A_319 : i32 to vector<16xi32>
      %max3A_321 = arith.maxsi %sub3A_318, %max3A_320 : vector<16xi32>
      %swap3A_322 = arith.index_cast %add3A_281 : i32 to index
      %swap3A_323 = arith.constant 32 : index
      %swap3A_324 = tpu.vector_load %arg7[%swap3A_322, %swap3A_323] {strides = array<i32>} : memref<104x128xi32, #tpu.memory_space<vmem>>, vector<1x16xi32>,
      %swap3A_325 = vector.shape_cast %swap3A_324 : vector<1x16xi32> to vector<16xi32>
      %swap3A_326 = vector.shape_cast %max3A_321 : vector<16xi32> to vector<1x16xi32>
      tpu.vector_store %arg7[%swap3A_322, %swap3A_323], %swap3A_326 {strides = array<i32>} : memref<104x128xi32, #tpu.memory_space<vmem>>, vector<1x16xi32>,
      %get3A_327 = arith.index_cast %add3A_281 : i32 to index
      %get3A_328 = arith.constant 48 : index
      %get3A_329 = tpu.vector_load %arg6[%get3A_327, %get3A_328] {strides = array<i32>} : memref<104x128xi32, #tpu.memory_space<vmem>>, vector<1x16xi32>,
      %get3A_330 = vector.shape_cast %get3A_329 : vector<1x16xi32> to vector<16xi32>
      %sub3A_331 = arith.constant 1 : i32
      %sub3A_332 = vector.broadcast %sub3A_331 : i32 to vector<16xi32>
      %sub3A_333 = arith.subi %get3A_330, %sub3A_332 : vector<16xi32>
      %max3A_334 = arith.constant 0 : i32
      %max3A_335 = vector.broadcast %max3A_334 : i32 to vector<16xi32>
      %max3A_336 = arith.maxsi %sub3A_333, %max3A_335 : vector<16xi32>
      %swap3A_337 = arith.index_cast %add3A_281 : i32 to index
      %swap3A_338 = arith.constant 48 : index
      %swap3A_339 = tpu.vector_load %arg7[%swap3A_337, %swap3A_338] {strides = array<i32>} : memref<104x128xi32, #tpu.memory_space<vmem>>, vector<1x16xi32>,
      %swap3A_340 = vector.shape_cast %swap3A_339 : vector<1x16xi32> to vector<16xi32>
      %swap3A_341 = vector.shape_cast %max3A_336 : vector<16xi32> to vector<1x16xi32>
      tpu.vector_store %arg7[%swap3A_337, %swap3A_338], %swap3A_341 {strides = array<i32>} : memref<104x128xi32, #tpu.memory_space<vmem>>, vector<1x16xi32>,
      %get3A_342 = arith.index_cast %add3A_281 : i32 to index
      %get3A_343 = arith.constant 64 : index
      %get3A_344 = tpu.vector_load %arg6[%get3A_342, %get3A_343] {strides = array<i32>} : memref<104x128xi32, #tpu.memory_space<vmem>>, vector<1x16xi32>,
      %get3A_345 = vector.shape_cast %get3A_344 : vector<1x16xi32> to vector<16xi32>
      %sub3A_346 = arith.constant 1 : i32
      %sub3A_347 = vector.broadcast %sub3A_346 : i32 to vector<16xi32>
      %sub3A_348 = arith.subi %get3A_345, %sub3A_347 : vector<16xi32>
      %max3A_349 = arith.constant 0 : i32
      %max3A_350 = vector.broadcast %max3A_349 : i32 to vector<16xi32>
      %max3A_351 = arith.maxsi %sub3A_348, %max3A_350 : vector<16xi32>
      %swap3A_352 = arith.index_cast %add3A_281 : i32 to index
      %swap3A_353 = arith.constant 64 : index
      %swap3A_354 = tpu.vector_load %arg7[%swap3A_352, %swap3A_353] {strides = array<i32>} : memref<104x128xi32, #tpu.memory_space<vmem>>, vector<1x16xi32>,
      %swap3A_355 = vector.shape_cast %swap3A_354 : vector<1x16xi32> to vector<16xi32>
      %swap3A_356 = vector.shape_cast %max3A_351 : vector<16xi32> to vector<1x16xi32>
      tpu.vector_store %arg7[%swap3A_352, %swap3A_353], %swap3A_356 {strides = array<i32>} : memref<104x128xi32, #tpu.memory_space<vmem>>, vector<1x16xi32>,
      %get3A_357 = arith.index_cast %add3A_281 : i32 to index
      %get3A_358 = arith.constant 80 : index
      %get3A_359 = tpu.vector_load %arg6[%get3A_357, %get3A_358] {strides = array<i32>} : memref<104x128xi32, #tpu.memory_space<vmem>>, vector<1x16xi32>,
      %get3A_360 = vector.shape_cast %get3A_359 : vector<1x16xi32> to vector<16xi32>
      %sub3A_361 = arith.constant 1 : i32
      %sub3A_362 = vector.broadcast %sub3A_361 : i32 to vector<16xi32>
      %sub3A_363 = arith.subi %get3A_360, %sub3A_362 : vector<16xi32>
      %max3A_364 = arith.constant 0 : i32
      %max3A_365 = vector.broadcast %max3A_364 : i32 to vector<16xi32>
      %max3A_366 = arith.maxsi %sub3A_363, %max3A_365 : vector<16xi32>
      %swap3A_367 = arith.index_cast %add3A_281 : i32 to index
      %swap3A_368 = arith.constant 80 : index
      %swap3A_369 = tpu.vector_load %arg7[%swap3A_367, %swap3A_368] {strides = array<i32>} : memref<104x128xi32, #tpu.memory_space<vmem>>, vector<1x16xi32>,
      %swap3A_370 = vector.shape_cast %swap3A_369 : vector<1x16xi32> to vector<16xi32>
      %swap3A_371 = vector.shape_cast %max3A_366 : vector<16xi32> to vector<1x16xi32>
      tpu.vector_store %arg7[%swap3A_367, %swap3A_368], %swap3A_371 {strides = array<i32>} : memref<104x128xi32, #tpu.memory_space<vmem>>, vector<1x16xi32>,
      %get3A_372 = arith.index_cast %add3A_281 : i32 to index
      %get3A_373 = arith.constant 96 : index
      %get3A_374 = tpu.vector_load %arg6[%get3A_372, %get3A_373] {strides = array<i32>} : memref<104x128xi32, #tpu.memory_space<vmem>>, vector<1x16xi32>,
      %get3A_375 = vector.shape_cast %get3A_374 : vector<1x16xi32> to vector<16xi32>
      %sub3A_376 = arith.constant 1 : i32
      %sub3A_377 = vector.broadcast %sub3A_376 : i32 to vector<16xi32>
      %sub3A_378 = arith.subi %get3A_375, %sub3A_377 : vector<16xi32>
      %max3A_379 = arith.constant 0 : i32
      %max3A_380 = vector.broadcast %max3A_379 : i32 to vector<16xi32>
      %max3A_381 = arith.maxsi %sub3A_378, %max3A_380 : vector<16xi32>
      %swap3A_382 = arith.index_cast %add3A_281 : i32 to index
      %swap3A_383 = arith.constant 96 : index
      %swap3A_384 = tpu.vector_load %arg7[%swap3A_382, %swap3A_383] {strides = array<i32>} : memref<104x128xi32, #tpu.memory_space<vmem>>, vector<1x16xi32>,
      %swap3A_385 = vector.shape_cast %swap3A_384 : vector<1x16xi32> to vector<16xi32>
      %swap3A_386 = vector.shape_cast %max3A_381 : vector<16xi32> to vector<1x16xi32>
      tpu.vector_store %arg7[%swap3A_382, %swap3A_383], %swap3A_386 {strides = array<i32>} : memref<104x128xi32, #tpu.memory_space<vmem>>, vector<1x16xi32>,
      %get3A_387 = arith.index_cast %add3A_281 : i32 to index
      %get3A_388 = arith.constant 112 : index
      %get3A_389 = tpu.vector_load %arg6[%get3A_387, %get3A_388] {strides = array<i32>} : memref<104x128xi32, #tpu.memory_space<vmem>>, vector<1x16xi32>,
      %get3A_390 = vector.shape_cast %get3A_389 : vector<1x16xi32> to vector<16xi32>
      %sub3A_391 = arith.constant 1 : i32
      %sub3A_392 = vector.broadcast %sub3A_391 : i32 to vector<16xi32>
      %sub3A_393 = arith.subi %get3A_390, %sub3A_392 : vector<16xi32>
      %max3A_394 = arith.constant 0 : i32
      %max3A_395 = vector.broadcast %max3A_394 : i32 to vector<16xi32>
      %max3A_396 = arith.maxsi %sub3A_393, %max3A_395 : vector<16xi32>
      %swap3A_397 = arith.index_cast %add3A_281 : i32 to index
      %swap3A_398 = arith.constant 112 : index
      %swap3A_399 = tpu.vector_load %arg7[%swap3A_397, %swap3A_398] {strides = array<i32>} : memref<104x128xi32, #tpu.memory_space<vmem>>, vector<1x16xi32>,
      %swap3A_400 = vector.shape_cast %swap3A_399 : vector<1x16xi32> to vector<16xi32>
      %swap3A_401 = vector.shape_cast %max3A_396 : vector<16xi32> to vector<1x16xi32>
      tpu.vector_store %arg7[%swap3A_397, %swap3A_398], %swap3A_401 {strides = array<i32>} : memref<104x128xi32, #tpu.memory_space<vmem>>, vector<1x16xi32>,
      %dma_start3A_402 = arith.constant 256 : i32
      %dma_start3A_403 = arith.constant 0 : i32
      %dma_start3A_404 = tpu.memref_slice %arg9[%dma_start3A_402, %dma_start3A_403] : memref<1024x32xf32, #tpu.memory_space<vmem>> -> memref<128x32xf32, #tpu.memory_space<vmem>>
      %dma_start3A_405 = arith.constant 0 : i32
      %dma_start3A_406 = tpu.memref_slice %arg7[%add3A_281, %dma_start3A_405] : memref<104x128xi32, #tpu.memory_space<vmem>> -> memref<1x128xi32, #tpu.memory_space<vmem>>
      %dma_start3A_407 = tpu.memref_squeeze %dma_start3A_406 : memref<1x128xi32, #tpu.memory_space<vmem>> -> memref<128xi32, #tpu.memory_space<vmem>>
      %dma_start3A_408 = arith.constant 0 : i32
      %dma_start3A_409 = arith.constant 0 : i32
      %dma_start3A_410 = tpu.memref_slice %arg4[%dma_start3A_408, %dma_start3A_409] : memref<1000000x32xf32, #tpu.memory_space<hbm>> -> memref<1000000x32xf32, #tpu.memory_space<hbm>>
      tpu.enqueue_indirect_dma source(%dma_start3A_410 : memref<1000000x32xf32, #tpu.memory_space<hbm>>) target(%dma_start3A_404 : memref<128x32xf32, #tpu.memory_space<vmem>>) offsets(%dma_start3A_407 : memref<128xi32, #tpu.memory_space<vmem>>) semaphore(%arg10 : memref<!tpu.dma_semaphore, #tpu.memory_space<semaphore_mem>>)
      %mul3A_411 = arith.constant 8 : i32
      %mul3A_412 = arith.muli %scan3A_15, %mul3A_411 : i32
      %add3A_413 = arith.constant 3 : i32
      %add3A_414 = arith.addi %mul3A_412, %add3A_413 : i32
      %get3A_415 = arith.index_cast %add3A_414 : i32 to index
      %get3A_416 = arith.constant 0 : index
      %get3A_417 = tpu.vector_load %arg6[%get3A_415, %get3A_416] {strides = array<i32>} : memref<104x128xi32, #tpu.memory_space<vmem>>, vector<1x16xi32>,
      %get3A_418 = vector.shape_cast %get3A_417 : vector<1x16xi32> to vector<16xi32>
      %sub3A_419 = arith.constant 1 : i32
      %sub3A_420 = vector.broadcast %sub3A_419 : i32 to vector<16xi32>
      %sub3A_421 = arith.subi %get3A_418, %sub3A_420 : vector<16xi32>
      %max3A_422 = arith.constant 0 : i32
      %max3A_423 = vector.broadcast %max3A_422 : i32 to vector<16xi32>
      %max3A_424 = arith.maxsi %sub3A_421, %max3A_423 : vector<16xi32>
      %swap3A_425 = arith.index_cast %add3A_414 : i32 to index
      %swap3A_426 = arith.constant 0 : index
      %swap3A_427 = tpu.vector_load %arg7[%swap3A_425, %swap3A_426] {strides = array<i32>} : memref<104x128xi32, #tpu.memory_space<vmem>>, vector<1x16xi32>,
      %swap3A_428 = vector.shape_cast %swap3A_427 : vector<1x16xi32> to vector<16xi32>
      %swap3A_429 = vector.shape_cast %max3A_424 : vector<16xi32> to vector<1x16xi32>
      tpu.vector_store %arg7[%swap3A_425, %swap3A_426], %swap3A_429 {strides = array<i32>} : memref<104x128xi32, #tpu.memory_space<vmem>>, vector<1x16xi32>,
      %get3A_430 = arith.index_cast %add3A_414 : i32 to index
      %get3A_431 = arith.constant 16 : index
      %get3A_432 = tpu.vector_load %arg6[%get3A_430, %get3A_431] {strides = array<i32>} : memref<104x128xi32, #tpu.memory_space<vmem>>, vector<1x16xi32>,
      %get3A_433 = vector.shape_cast %get3A_432 : vector<1x16xi32> to vector<16xi32>
      %sub3A_434 = arith.constant 1 : i32
      %sub3A_435 = vector.broadcast %sub3A_434 : i32 to vector<16xi32>
      %sub3A_436 = arith.subi %get3A_433, %sub3A_435 : vector<16xi32>
      %max3A_437 = arith.constant 0 : i32
      %max3A_438 = vector.broadcast %max3A_437 : i32 to vector<16xi32>
      %max3A_439 = arith.maxsi %sub3A_436, %max3A_438 : vector<16xi32>
      %swap3A_440 = arith.index_cast %add3A_414 : i32 to index
      %swap3A_441 = arith.constant 16 : index
      %swap3A_442 = tpu.vector_load %arg7[%swap3A_440, %swap3A_441] {strides = array<i32>} : memref<104x128xi32, #tpu.memory_space<vmem>>, vector<1x16xi32>,
      %swap3A_443 = vector.shape_cast %swap3A_442 : vector<1x16xi32> to vector<16xi32>
      %swap3A_444 = vector.shape_cast %max3A_439 : vector<16xi32> to vector<1x16xi32>
      tpu.vector_store %arg7[%swap3A_440, %swap3A_441], %swap3A_444 {strides = array<i32>} : memref<104x128xi32, #tpu.memory_space<vmem>>, vector<1x16xi32>,
      %get3A_445 = arith.index_cast %add3A_414 : i32 to index
      %get3A_446 = arith.constant 32 : index
      %get3A_447 = tpu.vector_load %arg6[%get3A_445, %get3A_446] {strides = array<i32>} : memref<104x128xi32, #tpu.memory_space<vmem>>, vector<1x16xi32>,
      %get3A_448 = vector.shape_cast %get3A_447 : vector<1x16xi32> to vector<16xi32>
      %sub3A_449 = arith.constant 1 : i32
      %sub3A_450 = vector.broadcast %sub3A_449 : i32 to vector<16xi32>
      %sub3A_451 = arith.subi %get3A_448, %sub3A_450 : vector<16xi32>
      %max3A_452 = arith.constant 0 : i32
      %max3A_453 = vector.broadcast %max3A_452 : i32 to vector<16xi32>
      %max3A_454 = arith.maxsi %sub3A_451, %max3A_453 : vector<16xi32>
      %swap3A_455 = arith.index_cast %add3A_414 : i32 to index
      %swap3A_456 = arith.constant 32 : index
      %swap3A_457 = tpu.vector_load %arg7[%swap3A_455, %swap3A_456] {strides = array<i32>} : memref<104x128xi32, #tpu.memory_space<vmem>>, vector<1x16xi32>,
      %swap3A_458 = vector.shape_cast %swap3A_457 : vector<1x16xi32> to vector<16xi32>
      %swap3A_459 = vector.shape_cast %max3A_454 : vector<16xi32> to vector<1x16xi32>
      tpu.vector_store %arg7[%swap3A_455, %swap3A_456], %swap3A_459 {strides = array<i32>} : memref<104x128xi32, #tpu.memory_space<vmem>>, vector<1x16xi32>,
      %get3A_460 = arith.index_cast %add3A_414 : i32 to index
      %get3A_461 = arith.constant 48 : index
      %get3A_462 = tpu.vector_load %arg6[%get3A_460, %get3A_461] {strides = array<i32>} : memref<104x128xi32, #tpu.memory_space<vmem>>, vector<1x16xi32>,
      %get3A_463 = vector.shape_cast %get3A_462 : vector<1x16xi32> to vector<16xi32>
      %sub3A_464 = arith.constant 1 : i32
      %sub3A_465 = vector.broadcast %sub3A_464 : i32 to vector<16xi32>
      %sub3A_466 = arith.subi %get3A_463, %sub3A_465 : vector<16xi32>
      %max3A_467 = arith.constant 0 : i32
      %max3A_468 = vector.broadcast %max3A_467 : i32 to vector<16xi32>
      %max3A_469 = arith.maxsi %sub3A_466, %max3A_468 : vector<16xi32>
      %swap3A_470 = arith.index_cast %add3A_414 : i32 to index
      %swap3A_471 = arith.constant 48 : index
      %swap3A_472 = tpu.vector_load %arg7[%swap3A_470, %swap3A_471] {strides = array<i32>} : memref<104x128xi32, #tpu.memory_space<vmem>>, vector<1x16xi32>,
      %swap3A_473 = vector.shape_cast %swap3A_472 : vector<1x16xi32> to vector<16xi32>
      %swap3A_474 = vector.shape_cast %max3A_469 : vector<16xi32> to vector<1x16xi32>
      tpu.vector_store %arg7[%swap3A_470, %swap3A_471], %swap3A_474 {strides = array<i32>} : memref<104x128xi32, #tpu.memory_space<vmem>>, vector<1x16xi32>,
      %get3A_475 = arith.index_cast %add3A_414 : i32 to index
      %get3A_476 = arith.constant 64 : index
      %get3A_477 = tpu.vector_load %arg6[%get3A_475, %get3A_476] {strides = array<i32>} : memref<104x128xi32, #tpu.memory_space<vmem>>, vector<1x16xi32>,
      %get3A_478 = vector.shape_cast %get3A_477 : vector<1x16xi32> to vector<16xi32>
      %sub3A_479 = arith.constant 1 : i32
      %sub3A_480 = vector.broadcast %sub3A_479 : i32 to vector<16xi32>
      %sub3A_481 = arith.subi %get3A_478, %sub3A_480 : vector<16xi32>
      %max3A_482 = arith.constant 0 : i32
      %max3A_483 = vector.broadcast %max3A_482 : i32 to vector<16xi32>
      %max3A_484 = arith.maxsi %sub3A_481, %max3A_483 : vector<16xi32>
      %swap3A_485 = arith.index_cast %add3A_414 : i32 to index
      %swap3A_486 = arith.constant 64 : index
      %swap3A_487 = tpu.vector_load %arg7[%swap3A_485, %swap3A_486] {strides = array<i32>} : memref<104x128xi32, #tpu.memory_space<vmem>>, vector<1x16xi32>,
      %swap3A_488 = vector.shape_cast %swap3A_487 : vector<1x16xi32> to vector<16xi32>
      %swap3A_489 = vector.shape_cast %max3A_484 : vector<16xi32> to vector<1x16xi32>
      tpu.vector_store %arg7[%swap3A_485, %swap3A_486], %swap3A_489 {strides = array<i32>} : memref<104x128xi32, #tpu.memory_space<vmem>>, vector<1x16xi32>,
      %get3A_490 = arith.index_cast %add3A_414 : i32 to index
      %get3A_491 = arith.constant 80 : index
      %get3A_492 = tpu.vector_load %arg6[%get3A_490, %get3A_491] {strides = array<i32>} : memref<104x128xi32, #tpu.memory_space<vmem>>, vector<1x16xi32>,
      %get3A_493 = vector.shape_cast %get3A_492 : vector<1x16xi32> to vector<16xi32>
      %sub3A_494 = arith.constant 1 : i32
      %sub3A_495 = vector.broadcast %sub3A_494 : i32 to vector<16xi32>
      %sub3A_496 = arith.subi %get3A_493, %sub3A_495 : vector<16xi32>
      %max3A_497 = arith.constant 0 : i32
      %max3A_498 = vector.broadcast %max3A_497 : i32 to vector<16xi32>
      %max3A_499 = arith.maxsi %sub3A_496, %max3A_498 : vector<16xi32>
      %swap3A_500 = arith.index_cast %add3A_414 : i32 to index
      %swap3A_501 = arith.constant 80 : index
      %swap3A_502 = tpu.vector_load %arg7[%swap3A_500, %swap3A_501] {strides = array<i32>} : memref<104x128xi32, #tpu.memory_space<vmem>>, vector<1x16xi32>,
      %swap3A_503 = vector.shape_cast %swap3A_502 : vector<1x16xi32> to vector<16xi32>
      %swap3A_504 = vector.shape_cast %max3A_499 : vector<16xi32> to vector<1x16xi32>
      tpu.vector_store %arg7[%swap3A_500, %swap3A_501], %swap3A_504 {strides = array<i32>} : memref<104x128xi32, #tpu.memory_space<vmem>>, vector<1x16xi32>,
      %get3A_505 = arith.index_cast %add3A_414 : i32 to index
      %get3A_506 = arith.constant 96 : index
      %get3A_507 = tpu.vector_load %arg6[%get3A_505, %get3A_506] {strides = array<i32>} : memref<104x128xi32, #tpu.memory_space<vmem>>, vector<1x16xi32>,
      %get3A_508 = vector.shape_cast %get3A_507 : vector<1x16xi32> to vector<16xi32>
      %sub3A_509 = arith.constant 1 : i32
      %sub3A_510 = vector.broadcast %sub3A_509 : i32 to vector<16xi32>
      %sub3A_511 = arith.subi %get3A_508, %sub3A_510 : vector<16xi32>
      %max3A_512 = arith.constant 0 : i32
      %max3A_513 = vector.broadcast %max3A_512 : i32 to vector<16xi32>
      %max3A_514 = arith.maxsi %sub3A_511, %max3A_513 : vector<16xi32>
      %swap3A_515 = arith.index_cast %add3A_414 : i32 to index
      %swap3A_516 = arith.constant 96 : index
      %swap3A_517 = tpu.vector_load %arg7[%swap3A_515, %swap3A_516] {strides = array<i32>} : memref<104x128xi32, #tpu.memory_space<vmem>>, vector<1x16xi32>,
      %swap3A_518 = vector.shape_cast %swap3A_517 : vector<1x16xi32> to vector<16xi32>
      %swap3A_519 = vector.shape_cast %max3A_514 : vector<16xi32> to vector<1x16xi32>
      tpu.vector_store %arg7[%swap3A_515, %swap3A_516], %swap3A_519 {strides = array<i32>} : memref<104x128xi32, #tpu.memory_space<vmem>>, vector<1x16xi32>,
      %get3A_520 = arith.index_cast %add3A_414 : i32 to index
      %get3A_521 = arith.constant 112 : index
      %get3A_522 = tpu.vector_load %arg6[%get3A_520, %get3A_521] {strides = array<i32>} : memref<104x128xi32, #tpu.memory_space<vmem>>, vector<1x16xi32>,
      %get3A_523 = vector.shape_cast %get3A_522 : vector<1x16xi32> to vector<16xi32>
      %sub3A_524 = arith.constant 1 : i32
      %sub3A_525 = vector.broadcast %sub3A_524 : i32 to vector<16xi32>
      %sub3A_526 = arith.subi %get3A_523, %sub3A_525 : vector<16xi32>
      %max3A_527 = arith.constant 0 : i32
      %max3A_528 = vector.broadcast %max3A_527 : i32 to vector<16xi32>
      %max3A_529 = arith.maxsi %sub3A_526, %max3A_528 : vector<16xi32>
      %swap3A_530 = arith.index_cast %add3A_414 : i32 to index
      %swap3A_531 = arith.constant 112 : index
      %swap3A_532 = tpu.vector_load %arg7[%swap3A_530, %swap3A_531] {strides = array<i32>} : memref<104x128xi32, #tpu.memory_space<vmem>>, vector<1x16xi32>,
      %swap3A_533 = vector.shape_cast %swap3A_532 : vector<1x16xi32> to vector<16xi32>
      %swap3A_534 = vector.shape_cast %max3A_529 : vector<16xi32> to vector<1x16xi32>
      tpu.vector_store %arg7[%swap3A_530, %swap3A_531], %swap3A_534 {strides = array<i32>} : memref<104x128xi32, #tpu.memory_space<vmem>>, vector<1x16xi32>,
      %dma_start3A_535 = arith.constant 384 : i32
      %dma_start3A_536 = arith.constant 0 : i32
      %dma_start3A_537 = tpu.memref_slice %arg9[%dma_start3A_535, %dma_start3A_536] : memref<1024x32xf32, #tpu.memory_space<vmem>> -> memref<128x32xf32, #tpu.memory_space<vmem>>
      %dma_start3A_538 = arith.constant 0 : i32
      %dma_start3A_539 = tpu.memref_slice %arg7[%add3A_414, %dma_start3A_538] : memref<104x128xi32, #tpu.memory_space<vmem>> -> memref<1x128xi32, #tpu.memory_space<vmem>>
      %dma_start3A_540 = tpu.memref_squeeze %dma_start3A_539 : memref<1x128xi32, #tpu.memory_space<vmem>> -> memref<128xi32, #tpu.memory_space<vmem>>
      %dma_start3A_541 = arith.constant 0 : i32
      %dma_start3A_542 = arith.constant 0 : i32
      %dma_start3A_543 = tpu.memref_slice %arg4[%dma_start3A_541, %dma_start3A_542] : memref<1000000x32xf32, #tpu.memory_space<hbm>> -> memref<1000000x32xf32, #tpu.memory_space<hbm>>
      tpu.enqueue_indirect_dma source(%dma_start3A_543 : memref<1000000x32xf32, #tpu.memory_space<hbm>>) target(%dma_start3A_537 : memref<128x32xf32, #tpu.memory_space<vmem>>) offsets(%dma_start3A_540 : memref<128xi32, #tpu.memory_space<vmem>>) semaphore(%arg10 : memref<!tpu.dma_semaphore, #tpu.memory_space<semaphore_mem>>)
      %mul3A_544 = arith.constant 8 : i32
      %mul3A_545 = arith.muli %scan3A_15, %mul3A_544 : i32
      %add3A_546 = arith.constant 4 : i32
      %add3A_547 = arith.addi %mul3A_545, %add3A_546 : i32
      %get3A_548 = arith.index_cast %add3A_547 : i32 to index
      %get3A_549 = arith.constant 0 : index
      %get3A_550 = tpu.vector_load %arg6[%get3A_548, %get3A_549] {strides = array<i32>} : memref<104x128xi32, #tpu.memory_space<vmem>>, vector<1x16xi32>,
      %get3A_551 = vector.shape_cast %get3A_550 : vector<1x16xi32> to vector<16xi32>
      %sub3A_552 = arith.constant 1 : i32
      %sub3A_553 = vector.broadcast %sub3A_552 : i32 to vector<16xi32>
      %sub3A_554 = arith.subi %get3A_551, %sub3A_553 : vector<16xi32>
      %max3A_555 = arith.constant 0 : i32
      %max3A_556 = vector.broadcast %max3A_555 : i32 to vector<16xi32>
      %max3A_557 = arith.maxsi %sub3A_554, %max3A_556 : vector<16xi32>
      %swap3A_558 = arith.index_cast %add3A_547 : i32 to index
      %swap3A_559 = arith.constant 0 : index
      %swap3A_560 = tpu.vector_load %arg7[%swap3A_558, %swap3A_559] {strides = array<i32>} : memref<104x128xi32, #tpu.memory_space<vmem>>, vector<1x16xi32>,
      %swap3A_561 = vector.shape_cast %swap3A_560 : vector<1x16xi32> to vector<16xi32>
      %swap3A_562 = vector.shape_cast %max3A_557 : vector<16xi32> to vector<1x16xi32>
      tpu.vector_store %arg7[%swap3A_558, %swap3A_559], %swap3A_562 {strides = array<i32>} : memref<104x128xi32, #tpu.memory_space<vmem>>, vector<1x16xi32>,
      %get3A_563 = arith.index_cast %add3A_547 : i32 to index
      %get3A_564 = arith.constant 16 : index
      %get3A_565 = tpu.vector_load %arg6[%get3A_563, %get3A_564] {strides = array<i32>} : memref<104x128xi32, #tpu.memory_space<vmem>>, vector<1x16xi32>,
      %get3A_566 = vector.shape_cast %get3A_565 : vector<1x16xi32> to vector<16xi32>
      %sub3A_567 = arith.constant 1 : i32
      %sub3A_568 = vector.broadcast %sub3A_567 : i32 to vector<16xi32>
      %sub3A_569 = arith.subi %get3A_566, %sub3A_568 : vector<16xi32>
      %max3A_570 = arith.constant 0 : i32
      %max3A_571 = vector.broadcast %max3A_570 : i32 to vector<16xi32>
      %max3A_572 = arith.maxsi %sub3A_569, %max3A_571 : vector<16xi32>
      %swap3A_573 = arith.index_cast %add3A_547 : i32 to index
      %swap3A_574 = arith.constant 16 : index
      %swap3A_575 = tpu.vector_load %arg7[%swap3A_573, %swap3A_574] {strides = array<i32>} : memref<104x128xi32, #tpu.memory_space<vmem>>, vector<1x16xi32>,
      %swap3A_576 = vector.shape_cast %swap3A_575 : vector<1x16xi32> to vector<16xi32>
      %swap3A_577 = vector.shape_cast %max3A_572 : vector<16xi32> to vector<1x16xi32>
      tpu.vector_store %arg7[%swap3A_573, %swap3A_574], %swap3A_577 {strides = array<i32>} : memref<104x128xi32, #tpu.memory_space<vmem>>, vector<1x16xi32>,
      %get3A_578 = arith.index_cast %add3A_547 : i32 to index
      %get3A_579 = arith.constant 32 : index
      %get3A_580 = tpu.vector_load %arg6[%get3A_578, %get3A_579] {strides = array<i32>} : memref<104x128xi32, #tpu.memory_space<vmem>>, vector<1x16xi32>,
      %get3A_581 = vector.shape_cast %get3A_580 : vector<1x16xi32> to vector<16xi32>
      %sub3A_582 = arith.constant 1 : i32
      %sub3A_583 = vector.broadcast %sub3A_582 : i32 to vector<16xi32>
      %sub3A_584 = arith.subi %get3A_581, %sub3A_583 : vector<16xi32>
      %max3A_585 = arith.constant 0 : i32
      %max3A_586 = vector.broadcast %max3A_585 : i32 to vector<16xi32>
      %max3A_587 = arith.maxsi %sub3A_584, %max3A_586 : vector<16xi32>
      %swap3A_588 = arith.index_cast %add3A_547 : i32 to index
      %swap3A_589 = arith.constant 32 : index
      %swap3A_590 = tpu.vector_load %arg7[%swap3A_588, %swap3A_589] {strides = array<i32>} : memref<104x128xi32, #tpu.memory_space<vmem>>, vector<1x16xi32>,
      %swap3A_591 = vector.shape_cast %swap3A_590 : vector<1x16xi32> to vector<16xi32>
      %swap3A_592 = vector.shape_cast %max3A_587 : vector<16xi32> to vector<1x16xi32>
      tpu.vector_store %arg7[%swap3A_588, %swap3A_589], %swap3A_592 {strides = array<i32>} : memref<104x128xi32, #tpu.memory_space<vmem>>, vector<1x16xi32>,
      %get3A_593 = arith.index_cast %add3A_547 : i32 to index
      %get3A_594 = arith.constant 48 : index
      %get3A_595 = tpu.vector_load %arg6[%get3A_593, %get3A_594] {strides = array<i32>} : memref<104x128xi32, #tpu.memory_space<vmem>>, vector<1x16xi32>,
      %get3A_596 = vector.shape_cast %get3A_595 : vector<1x16xi32> to vector<16xi32>
      %sub3A_597 = arith.constant 1 : i32
      %sub3A_598 = vector.broadcast %sub3A_597 : i32 to vector<16xi32>
      %sub3A_599 = arith.subi %get3A_596, %sub3A_598 : vector<16xi32>
      %max3A_600 = arith.constant 0 : i32
      %max3A_601 = vector.broadcast %max3A_600 : i32 to vector<16xi32>
      %max3A_602 = arith.maxsi %sub3A_599, %max3A_601 : vector<16xi32>
      %swap3A_603 = arith.index_cast %add3A_547 : i32 to index
      %swap3A_604 = arith.constant 48 : index
      %swap3A_605 = tpu.vector_load %arg7[%swap3A_603, %swap3A_604] {strides = array<i32>} : memref<104x128xi32, #tpu.memory_space<vmem>>, vector<1x16xi32>,
      %swap3A_606 = vector.shape_cast %swap3A_605 : vector<1x16xi32> to vector<16xi32>
      %swap3A_607 = vector.shape_cast %max3A_602 : vector<16xi32> to vector<1x16xi32>
      tpu.vector_store %arg7[%swap3A_603, %swap3A_604], %swap3A_607 {strides = array<i32>} : memref<104x128xi32, #tpu.memory_space<vmem>>, vector<1x16xi32>,
      %get3A_608 = arith.index_cast %add3A_547 : i32 to index
      %get3A_609 = arith.constant 64 : index
      %get3A_610 = tpu.vector_load %arg6[%get3A_608, %get3A_609] {strides = array<i32>} : memref<104x128xi32, #tpu.memory_space<vmem>>, vector<1x16xi32>,
      %get3A_611 = vector.shape_cast %get3A_610 : vector<1x16xi32> to vector<16xi32>
      %sub3A_612 = arith.constant 1 : i32
      %sub3A_613 = vector.broadcast %sub3A_612 : i32 to vector<16xi32>
      %sub3A_614 = arith.subi %get3A_611, %sub3A_613 : vector<16xi32>
      %max3A_615 = arith.constant 0 : i32
      %max3A_616 = vector.broadcast %max3A_615 : i32 to vector<16xi32>
      %max3A_617 = arith.maxsi %sub3A_614, %max3A_616 : vector<16xi32>
      %swap3A_618 = arith.index_cast %add3A_547 : i32 to index
      %swap3A_619 = arith.constant 64 : index
      %swap3A_620 = tpu.vector_load %arg7[%swap3A_618, %swap3A_619] {strides = array<i32>} : memref<104x128xi32, #tpu.memory_space<vmem>>, vector<1x16xi32>,
      %swap3A_621 = vector.shape_cast %swap3A_620 : vector<1x16xi32> to vector<16xi32>
      %swap3A_622 = vector.shape_cast %max3A_617 : vector<16xi32> to vector<1x16xi32>
      tpu.vector_store %arg7[%swap3A_618, %swap3A_619], %swap3A_622 {strides = array<i32>} : memref<104x128xi32, #tpu.memory_space<vmem>>, vector<1x16xi32>,
      %get3A_623 = arith.index_cast %add3A_547 : i32 to index
      %get3A_624 = arith.constant 80 : index
      %get3A_625 = tpu.vector_load %arg6[%get3A_623, %get3A_624] {strides = array<i32>} : memref<104x128xi32, #tpu.memory_space<vmem>>, vector<1x16xi32>,
      %get3A_626 = vector.shape_cast %get3A_625 : vector<1x16xi32> to vector<16xi32>
      %sub3A_627 = arith.constant 1 : i32
      %sub3A_628 = vector.broadcast %sub3A_627 : i32 to vector<16xi32>
      %sub3A_629 = arith.subi %get3A_626, %sub3A_628 : vector<16xi32>
      %max3A_630 = arith.constant 0 : i32
      %max3A_631 = vector.broadcast %max3A_630 : i32 to vector<16xi32>
      %max3A_632 = arith.maxsi %sub3A_629, %max3A_631 : vector<16xi32>
      %swap3A_633 = arith.index_cast %add3A_547 : i32 to index
      %swap3A_634 = arith.constant 80 : index
      %swap3A_635 = tpu.vector_load %arg7[%swap3A_633, %swap3A_634] {strides = array<i32>} : memref<104x128xi32, #tpu.memory_space<vmem>>, vector<1x16xi32>,
      %swap3A_636 = vector.shape_cast %swap3A_635 : vector<1x16xi32> to vector<16xi32>
      %swap3A_637 = vector.shape_cast %max3A_632 : vector<16xi32> to vector<1x16xi32>
      tpu.vector_store %arg7[%swap3A_633, %swap3A_634], %swap3A_637 {strides = array<i32>} : memref<104x128xi32, #tpu.memory_space<vmem>>, vector<1x16xi32>,
      %get3A_638 = arith.index_cast %add3A_547 : i32 to index
      %get3A_639 = arith.constant 96 : index
      %get3A_640 = tpu.vector_load %arg6[%get3A_638, %get3A_639] {strides = array<i32>} : memref<104x128xi32, #tpu.memory_space<vmem>>, vector<1x16xi32>,
      %get3A_641 = vector.shape_cast %get3A_640 : vector<1x16xi32> to vector<16xi32>
      %sub3A_642 = arith.constant 1 : i32
      %sub3A_643 = vector.broadcast %sub3A_642 : i32 to vector<16xi32>
      %sub3A_644 = arith.subi %get3A_641, %sub3A_643 : vector<16xi32>
      %max3A_645 = arith.constant 0 : i32
      %max3A_646 = vector.broadcast %max3A_645 : i32 to vector<16xi32>
      %max3A_647 = arith.maxsi %sub3A_644, %max3A_646 : vector<16xi32>
      %swap3A_648 = arith.index_cast %add3A_547 : i32 to index
      %swap3A_649 = arith.constant 96 : index
      %swap3A_650 = tpu.vector_load %arg7[%swap3A_648, %swap3A_649] {strides = array<i32>} : memref<104x128xi32, #tpu.memory_space<vmem>>, vector<1x16xi32>,
      %swap3A_651 = vector.shape_cast %swap3A_650 : vector<1x16xi32> to vector<16xi32>
      %swap3A_652 = vector.shape_cast %max3A_647 : vector<16xi32> to vector<1x16xi32>
      tpu.vector_store %arg7[%swap3A_648, %swap3A_649], %swap3A_652 {strides = array<i32>} : memref<104x128xi32, #tpu.memory_space<vmem>>, vector<1x16xi32>,
      %get3A_653 = arith.index_cast %add3A_547 : i32 to index
      %get3A_654 = arith.constant 112 : index
      %get3A_655 = tpu.vector_load %arg6[%get3A_653, %get3A_654] {strides = array<i32>} : memref<104x128xi32, #tpu.memory_space<vmem>>, vector<1x16xi32>,
      %get3A_656 = vector.shape_cast %get3A_655 : vector<1x16xi32> to vector<16xi32>
      %sub3A_657 = arith.constant 1 : i32
      %sub3A_658 = vector.broadcast %sub3A_657 : i32 to vector<16xi32>
      %sub3A_659 = arith.subi %get3A_656, %sub3A_658 : vector<16xi32>
      %max3A_660 = arith.constant 0 : i32
      %max3A_661 = vector.broadcast %max3A_660 : i32 to vector<16xi32>
      %max3A_662 = arith.maxsi %sub3A_659, %max3A_661 : vector<16xi32>
      %swap3A_663 = arith.index_cast %add3A_547 : i32 to index
      %swap3A_664 = arith.constant 112 : index
      %swap3A_665 = tpu.vector_load %arg7[%swap3A_663, %swap3A_664] {strides = array<i32>} : memref<104x128xi32, #tpu.memory_space<vmem>>, vector<1x16xi32>,
      %swap3A_666 = vector.shape_cast %swap3A_665 : vector<1x16xi32> to vector<16xi32>
      %swap3A_667 = vector.shape_cast %max3A_662 : vector<16xi32> to vector<1x16xi32>
      tpu.vector_store %arg7[%swap3A_663, %swap3A_664], %swap3A_667 {strides = array<i32>} : memref<104x128xi32, #tpu.memory_space<vmem>>, vector<1x16xi32>,
      %dma_start3A_668 = arith.constant 512 : i32
      %dma_start3A_669 = arith.constant 0 : i32
      %dma_start3A_670 = tpu.memref_slice %arg9[%dma_start3A_668, %dma_start3A_669] : memref<1024x32xf32, #tpu.memory_space<vmem>> -> memref<128x32xf32, #tpu.memory_space<vmem>>
      %dma_start3A_671 = arith.constant 0 : i32
      %dma_start3A_672 = tpu.memref_slice %arg7[%add3A_547, %dma_start3A_671] : memref<104x128xi32, #tpu.memory_space<vmem>> -> memref<1x128xi32, #tpu.memory_space<vmem>>
      %dma_start3A_673 = tpu.memref_squeeze %dma_start3A_672 : memref<1x128xi32, #tpu.memory_space<vmem>> -> memref<128xi32, #tpu.memory_space<vmem>>
      %dma_start3A_674 = arith.constant 0 : i32
      %dma_start3A_675 = arith.constant 0 : i32
      %dma_start3A_676 = tpu.memref_slice %arg4[%dma_start3A_674, %dma_start3A_675] : memref<1000000x32xf32, #tpu.memory_space<hbm>> -> memref<1000000x32xf32, #tpu.memory_space<hbm>>
      tpu.enqueue_indirect_dma source(%dma_start3A_676 : memref<1000000x32xf32, #tpu.memory_space<hbm>>) target(%dma_start3A_670 : memref<128x32xf32, #tpu.memory_space<vmem>>) offsets(%dma_start3A_673 : memref<128xi32, #tpu.memory_space<vmem>>) semaphore(%arg10 : memref<!tpu.dma_semaphore, #tpu.memory_space<semaphore_mem>>)
      %mul3A_677 = arith.constant 8 : i32
      %mul3A_678 = arith.muli %scan3A_15, %mul3A_677 : i32
      %add3A_679 = arith.constant 5 : i32
      %add3A_680 = arith.addi %mul3A_678, %add3A_679 : i32
      %get3A_681 = arith.index_cast %add3A_680 : i32 to index
      %get3A_682 = arith.constant 0 : index
      %get3A_683 = tpu.vector_load %arg6[%get3A_681, %get3A_682] {strides = array<i32>} : memref<104x128xi32, #tpu.memory_space<vmem>>, vector<1x16xi32>,
      %get3A_684 = vector.shape_cast %get3A_683 : vector<1x16xi32> to vector<16xi32>
      %sub3A_685 = arith.constant 1 : i32
      %sub3A_686 = vector.broadcast %sub3A_685 : i32 to vector<16xi32>
      %sub3A_687 = arith.subi %get3A_684, %sub3A_686 : vector<16xi32>
      %max3A_688 = arith.constant 0 : i32
      %max3A_689 = vector.broadcast %max3A_688 : i32 to vector<16xi32>
      %max3A_690 = arith.maxsi %sub3A_687, %max3A_689 : vector<16xi32>
      %swap3A_691 = arith.index_cast %add3A_680 : i32 to index
      %swap3A_692 = arith.constant 0 : index
      %swap3A_693 = tpu.vector_load %arg7[%swap3A_691, %swap3A_692] {strides = array<i32>} : memref<104x128xi32, #tpu.memory_space<vmem>>, vector<1x16xi32>,
      %swap3A_694 = vector.shape_cast %swap3A_693 : vector<1x16xi32> to vector<16xi32>
      %swap3A_695 = vector.shape_cast %max3A_690 : vector<16xi32> to vector<1x16xi32>
      tpu.vector_store %arg7[%swap3A_691, %swap3A_692], %swap3A_695 {strides = array<i32>} : memref<104x128xi32, #tpu.memory_space<vmem>>, vector<1x16xi32>,
      %get3A_696 = arith.index_cast %add3A_680 : i32 to index
      %get3A_697 = arith.constant 16 : index
      %get3A_698 = tpu.vector_load %arg6[%get3A_696, %get3A_697] {strides = array<i32>} : memref<104x128xi32, #tpu.memory_space<vmem>>, vector<1x16xi32>,
      %get3A_699 = vector.shape_cast %get3A_698 : vector<1x16xi32> to vector<16xi32>
      %sub3A_700 = arith.constant 1 : i32
      %sub3A_701 = vector.broadcast %sub3A_700 : i32 to vector<16xi32>
      %sub3A_702 = arith.subi %get3A_699, %sub3A_701 : vector<16xi32>
      %max3A_703 = arith.constant 0 : i32
      %max3A_704 = vector.broadcast %max3A_703 : i32 to vector<16xi32>
      %max3A_705 = arith.maxsi %sub3A_702, %max3A_704 : vector<16xi32>
      %swap3A_706 = arith.index_cast %add3A_680 : i32 to index
      %swap3A_707 = arith.constant 16 : index
      %swap3A_708 = tpu.vector_load %arg7[%swap3A_706, %swap3A_707] {strides = array<i32>} : memref<104x128xi32, #tpu.memory_space<vmem>>, vector<1x16xi32>,
      %swap3A_709 = vector.shape_cast %swap3A_708 : vector<1x16xi32> to vector<16xi32>
      %swap3A_710 = vector.shape_cast %max3A_705 : vector<16xi32> to vector<1x16xi32>
      tpu.vector_store %arg7[%swap3A_706, %swap3A_707], %swap3A_710 {strides = array<i32>} : memref<104x128xi32, #tpu.memory_space<vmem>>, vector<1x16xi32>,
      %get3A_711 = arith.index_cast %add3A_680 : i32 to index
      %get3A_712 = arith.constant 32 : index
      %get3A_713 = tpu.vector_load %arg6[%get3A_711, %get3A_712] {strides = array<i32>} : memref<104x128xi32, #tpu.memory_space<vmem>>, vector<1x16xi32>,
      %get3A_714 = vector.shape_cast %get3A_713 : vector<1x16xi32> to vector<16xi32>
      %sub3A_715 = arith.constant 1 : i32
      %sub3A_716 = vector.broadcast %sub3A_715 : i32 to vector<16xi32>
      %sub3A_717 = arith.subi %get3A_714, %sub3A_716 : vector<16xi32>
      %max3A_718 = arith.constant 0 : i32
      %max3A_719 = vector.broadcast %max3A_718 : i32 to vector<16xi32>
      %max3A_720 = arith.maxsi %sub3A_717, %max3A_719 : vector<16xi32>
      %swap3A_721 = arith.index_cast %add3A_680 : i32 to index
      %swap3A_722 = arith.constant 32 : index
      %swap3A_723 = tpu.vector_load %arg7[%swap3A_721, %swap3A_722] {strides = array<i32>} : memref<104x128xi32, #tpu.memory_space<vmem>>, vector<1x16xi32>,
      %swap3A_724 = vector.shape_cast %swap3A_723 : vector<1x16xi32> to vector<16xi32>
      %swap3A_725 = vector.shape_cast %max3A_720 : vector<16xi32> to vector<1x16xi32>
      tpu.vector_store %arg7[%swap3A_721, %swap3A_722], %swap3A_725 {strides = array<i32>} : memref<104x128xi32, #tpu.memory_space<vmem>>, vector<1x16xi32>,
      %get3A_726 = arith.index_cast %add3A_680 : i32 to index
      %get3A_727 = arith.constant 48 : index
      %get3A_728 = tpu.vector_load %arg6[%get3A_726, %get3A_727] {strides = array<i32>} : memref<104x128xi32, #tpu.memory_space<vmem>>, vector<1x16xi32>,
      %get3A_729 = vector.shape_cast %get3A_728 : vector<1x16xi32> to vector<16xi32>
      %sub3A_730 = arith.constant 1 : i32
      %sub3A_731 = vector.broadcast %sub3A_730 : i32 to vector<16xi32>
      %sub3A_732 = arith.subi %get3A_729, %sub3A_731 : vector<16xi32>
      %max3A_733 = arith.constant 0 : i32
      %max3A_734 = vector.broadcast %max3A_733 : i32 to vector<16xi32>
      %max3A_735 = arith.maxsi %sub3A_732, %max3A_734 : vector<16xi32>
      %swap3A_736 = arith.index_cast %add3A_680 : i32 to index
      %swap3A_737 = arith.constant 48 : index
      %swap3A_738 = tpu.vector_load %arg7[%swap3A_736, %swap3A_737] {strides = array<i32>} : memref<104x128xi32, #tpu.memory_space<vmem>>, vector<1x16xi32>,
      %swap3A_739 = vector.shape_cast %swap3A_738 : vector<1x16xi32> to vector<16xi32>
      %swap3A_740 = vector.shape_cast %max3A_735 : vector<16xi32> to vector<1x16xi32>
      tpu.vector_store %arg7[%swap3A_736, %swap3A_737], %swap3A_740 {strides = array<i32>} : memref<104x128xi32, #tpu.memory_space<vmem>>, vector<1x16xi32>,
      %get3A_741 = arith.index_cast %add3A_680 : i32 to index
      %get3A_742 = arith.constant 64 : index
      %get3A_743 = tpu.vector_load %arg6[%get3A_741, %get3A_742] {strides = array<i32>} : memref<104x128xi32, #tpu.memory_space<vmem>>, vector<1x16xi32>,
      %get3A_744 = vector.shape_cast %get3A_743 : vector<1x16xi32> to vector<16xi32>
      %sub3A_745 = arith.constant 1 : i32
      %sub3A_746 = vector.broadcast %sub3A_745 : i32 to vector<16xi32>
      %sub3A_747 = arith.subi %get3A_744, %sub3A_746 : vector<16xi32>
      %max3A_748 = arith.constant 0 : i32
      %max3A_749 = vector.broadcast %max3A_748 : i32 to vector<16xi32>
      %max3A_750 = arith.maxsi %sub3A_747, %max3A_749 : vector<16xi32>
      %swap3A_751 = arith.index_cast %add3A_680 : i32 to index
      %swap3A_752 = arith.constant 64 : index
      %swap3A_753 = tpu.vector_load %arg7[%swap3A_751, %swap3A_752] {strides = array<i32>} : memref<104x128xi32, #tpu.memory_space<vmem>>, vector<1x16xi32>,
      %swap3A_754 = vector.shape_cast %swap3A_753 : vector<1x16xi32> to vector<16xi32>
      %swap3A_755 = vector.shape_cast %max3A_750 : vector<16xi32> to vector<1x16xi32>
      tpu.vector_store %arg7[%swap3A_751, %swap3A_752], %swap3A_755 {strides = array<i32>} : memref<104x128xi32, #tpu.memory_space<vmem>>, vector<1x16xi32>,
      %get3A_756 = arith.index_cast %add3A_680 : i32 to index
      %get3A_757 = arith.constant 80 : index
      %get3A_758 = tpu.vector_load %arg6[%get3A_756, %get3A_757] {strides = array<i32>} : memref<104x128xi32, #tpu.memory_space<vmem>>, vector<1x16xi32>,
      %get3A_759 = vector.shape_cast %get3A_758 : vector<1x16xi32> to vector<16xi32>
      %sub3A_760 = arith.constant 1 : i32
      %sub3A_761 = vector.broadcast %sub3A_760 : i32 to vector<16xi32>
      %sub3A_762 = arith.subi %get3A_759, %sub3A_761 : vector<16xi32>
      %max3A_763 = arith.constant 0 : i32
      %max3A_764 = vector.broadcast %max3A_763 : i32 to vector<16xi32>
      %max3A_765 = arith.maxsi %sub3A_762, %max3A_764 : vector<16xi32>
      %swap3A_766 = arith.index_cast %add3A_680 : i32 to index
      %swap3A_767 = arith.constant 80 : index
      %swap3A_768 = tpu.vector_load %arg7[%swap3A_766, %swap3A_767] {strides = array<i32>} : memref<104x128xi32, #tpu.memory_space<vmem>>, vector<1x16xi32>,
      %swap3A_769 = vector.shape_cast %swap3A_768 : vector<1x16xi32> to vector<16xi32>
      %swap3A_770 = vector.shape_cast %max3A_765 : vector<16xi32> to vector<1x16xi32>
      tpu.vector_store %arg7[%swap3A_766, %swap3A_767], %swap3A_770 {strides = array<i32>} : memref<104x128xi32, #tpu.memory_space<vmem>>, vector<1x16xi32>,
      %get3A_771 = arith.index_cast %add3A_680 : i32 to index
      %get3A_772 = arith.constant 96 : index
      %get3A_773 = tpu.vector_load %arg6[%get3A_771, %get3A_772] {strides = array<i32>} : memref<104x128xi32, #tpu.memory_space<vmem>>, vector<1x16xi32>,
      %get3A_774 = vector.shape_cast %get3A_773 : vector<1x16xi32> to vector<16xi32>
      %sub3A_775 = arith.constant 1 : i32
      %sub3A_776 = vector.broadcast %sub3A_775 : i32 to vector<16xi32>
      %sub3A_777 = arith.subi %get3A_774, %sub3A_776 : vector<16xi32>
      %max3A_778 = arith.constant 0 : i32
      %max3A_779 = vector.broadcast %max3A_778 : i32 to vector<16xi32>
      %max3A_780 = arith.maxsi %sub3A_777, %max3A_779 : vector<16xi32>
      %swap3A_781 = arith.index_cast %add3A_680 : i32 to index
      %swap3A_782 = arith.constant 96 : index
      %swap3A_783 = tpu.vector_load %arg7[%swap3A_781, %swap3A_782] {strides = array<i32>} : memref<104x128xi32, #tpu.memory_space<vmem>>, vector<1x16xi32>,
      %swap3A_784 = vector.shape_cast %swap3A_783 : vector<1x16xi32> to vector<16xi32>
      %swap3A_785 = vector.shape_cast %max3A_780 : vector<16xi32> to vector<1x16xi32>
      tpu.vector_store %arg7[%swap3A_781, %swap3A_782], %swap3A_785 {strides = array<i32>} : memref<104x128xi32, #tpu.memory_space<vmem>>, vector<1x16xi32>,
      %get3A_786 = arith.index_cast %add3A_680 : i32 to index
      %get3A_787 = arith.constant 112 : index
      %get3A_788 = tpu.vector_load %arg6[%get3A_786, %get3A_787] {strides = array<i32>} : memref<104x128xi32, #tpu.memory_space<vmem>>, vector<1x16xi32>,
      %get3A_789 = vector.shape_cast %get3A_788 : vector<1x16xi32> to vector<16xi32>
      %sub3A_790 = arith.constant 1 : i32
      %sub3A_791 = vector.broadcast %sub3A_790 : i32 to vector<16xi32>
      %sub3A_792 = arith.subi %get3A_789, %sub3A_791 : vector<16xi32>
      %max3A_793 = arith.constant 0 : i32
      %max3A_794 = vector.broadcast %max3A_793 : i32 to vector<16xi32>
      %max3A_795 = arith.maxsi %sub3A_792, %max3A_794 : vector<16xi32>
      %swap3A_796 = arith.index_cast %add3A_680 : i32 to index
      %swap3A_797 = arith.constant 112 : index
      %swap3A_798 = tpu.vector_load %arg7[%swap3A_796, %swap3A_797] {strides = array<i32>} : memref<104x128xi32, #tpu.memory_space<vmem>>, vector<1x16xi32>,
      %swap3A_799 = vector.shape_cast %swap3A_798 : vector<1x16xi32> to vector<16xi32>
      %swap3A_800 = vector.shape_cast %max3A_795 : vector<16xi32> to vector<1x16xi32>
      tpu.vector_store %arg7[%swap3A_796, %swap3A_797], %swap3A_800 {strides = array<i32>} : memref<104x128xi32, #tpu.memory_space<vmem>>, vector<1x16xi32>,
      %dma_start3A_801 = arith.constant 640 : i32
      %dma_start3A_802 = arith.constant 0 : i32
      %dma_start3A_803 = tpu.memref_slice %arg9[%dma_start3A_801, %dma_start3A_802] : memref<1024x32xf32, #tpu.memory_space<vmem>> -> memref<128x32xf32, #tpu.memory_space<vmem>>
      %dma_start3A_804 = arith.constant 0 : i32
      %dma_start3A_805 = tpu.memref_slice %arg7[%add3A_680, %dma_start3A_804] : memref<104x128xi32, #tpu.memory_space<vmem>> -> memref<1x128xi32, #tpu.memory_space<vmem>>
      %dma_start3A_806 = tpu.memref_squeeze %dma_start3A_805 : memref<1x128xi32, #tpu.memory_space<vmem>> -> memref<128xi32, #tpu.memory_space<vmem>>
      %dma_start3A_807 = arith.constant 0 : i32
      %dma_start3A_808 = arith.constant 0 : i32
      %dma_start3A_809 = tpu.memref_slice %arg4[%dma_start3A_807, %dma_start3A_808] : memref<1000000x32xf32, #tpu.memory_space<hbm>> -> memref<1000000x32xf32, #tpu.memory_space<hbm>>
      tpu.enqueue_indirect_dma source(%dma_start3A_809 : memref<1000000x32xf32, #tpu.memory_space<hbm>>) target(%dma_start3A_803 : memref<128x32xf32, #tpu.memory_space<vmem>>) offsets(%dma_start3A_806 : memref<128xi32, #tpu.memory_space<vmem>>) semaphore(%arg10 : memref<!tpu.dma_semaphore, #tpu.memory_space<semaphore_mem>>)
      %mul3A_810 = arith.constant 8 : i32
      %mul3A_811 = arith.muli %scan3A_15, %mul3A_810 : i32
      %add3A_812 = arith.constant 6 : i32
      %add3A_813 = arith.addi %mul3A_811, %add3A_812 : i32
      %get3A_814 = arith.index_cast %add3A_813 : i32 to index
      %get3A_815 = arith.constant 0 : index
      %get3A_816 = tpu.vector_load %arg6[%get3A_814, %get3A_815] {strides = array<i32>} : memref<104x128xi32, #tpu.memory_space<vmem>>, vector<1x16xi32>,
      %get3A_817 = vector.shape_cast %get3A_816 : vector<1x16xi32> to vector<16xi32>
      %sub3A_818 = arith.constant 1 : i32
      %sub3A_819 = vector.broadcast %sub3A_818 : i32 to vector<16xi32>
      %sub3A_820 = arith.subi %get3A_817, %sub3A_819 : vector<16xi32>
      %max3A_821 = arith.constant 0 : i32
      %max3A_822 = vector.broadcast %max3A_821 : i32 to vector<16xi32>
      %max3A_823 = arith.maxsi %sub3A_820, %max3A_822 : vector<16xi32>
      %swap3A_824 = arith.index_cast %add3A_813 : i32 to index
      %swap3A_825 = arith.constant 0 : index
      %swap3A_826 = tpu.vector_load %arg7[%swap3A_824, %swap3A_825] {strides = array<i32>} : memref<104x128xi32, #tpu.memory_space<vmem>>, vector<1x16xi32>,
      %swap3A_827 = vector.shape_cast %swap3A_826 : vector<1x16xi32> to vector<16xi32>
      %swap3A_828 = vector.shape_cast %max3A_823 : vector<16xi32> to vector<1x16xi32>
      tpu.vector_store %arg7[%swap3A_824, %swap3A_825], %swap3A_828 {strides = array<i32>} : memref<104x128xi32, #tpu.memory_space<vmem>>, vector<1x16xi32>,
      %get3A_829 = arith.index_cast %add3A_813 : i32 to index
      %get3A_830 = arith.constant 16 : index
      %get3A_831 = tpu.vector_load %arg6[%get3A_829, %get3A_830] {strides = array<i32>} : memref<104x128xi32, #tpu.memory_space<vmem>>, vector<1x16xi32>,
      %get3A_832 = vector.shape_cast %get3A_831 : vector<1x16xi32> to vector<16xi32>
      %sub3A_833 = arith.constant 1 : i32
      %sub3A_834 = vector.broadcast %sub3A_833 : i32 to vector<16xi32>
      %sub3A_835 = arith.subi %get3A_832, %sub3A_834 : vector<16xi32>
      %max3A_836 = arith.constant 0 : i32
      %max3A_837 = vector.broadcast %max3A_836 : i32 to vector<16xi32>
      %max3A_838 = arith.maxsi %sub3A_835, %max3A_837 : vector<16xi32>
      %swap3A_839 = arith.index_cast %add3A_813 : i32 to index
      %swap3A_840 = arith.constant 16 : index
      %swap3A_841 = tpu.vector_load %arg7[%swap3A_839, %swap3A_840] {strides = array<i32>} : memref<104x128xi32, #tpu.memory_space<vmem>>, vector<1x16xi32>,
      %swap3A_842 = vector.shape_cast %swap3A_841 : vector<1x16xi32> to vector<16xi32>
      %swap3A_843 = vector.shape_cast %max3A_838 : vector<16xi32> to vector<1x16xi32>
      tpu.vector_store %arg7[%swap3A_839, %swap3A_840], %swap3A_843 {strides = array<i32>} : memref<104x128xi32, #tpu.memory_space<vmem>>, vector<1x16xi32>,
      %get3A_844 = arith.index_cast %add3A_813 : i32 to index
      %get3A_845 = arith.constant 32 : index
      %get3A_846 = tpu.vector_load %arg6[%get3A_844, %get3A_845] {strides = array<i32>} : memref<104x128xi32, #tpu.memory_space<vmem>>, vector<1x16xi32>,
      %get3A_847 = vector.shape_cast %get3A_846 : vector<1x16xi32> to vector<16xi32>
      %sub3A_848 = arith.constant 1 : i32
      %sub3A_849 = vector.broadcast %sub3A_848 : i32 to vector<16xi32>
      %sub3A_850 = arith.subi %get3A_847, %sub3A_849 : vector<16xi32>
      %max3A_851 = arith.constant 0 : i32
      %max3A_852 = vector.broadcast %max3A_851 : i32 to vector<16xi32>
      %max3A_853 = arith.maxsi %sub3A_850, %max3A_852 : vector<16xi32>
      %swap3A_854 = arith.index_cast %add3A_813 : i32 to index
      %swap3A_855 = arith.constant 32 : index
      %swap3A_856 = tpu.vector_load %arg7[%swap3A_854, %swap3A_855] {strides = array<i32>} : memref<104x128xi32, #tpu.memory_space<vmem>>, vector<1x16xi32>,
      %swap3A_857 = vector.shape_cast %swap3A_856 : vector<1x16xi32> to vector<16xi32>
      %swap3A_858 = vector.shape_cast %max3A_853 : vector<16xi32> to vector<1x16xi32>
      tpu.vector_store %arg7[%swap3A_854, %swap3A_855], %swap3A_858 {strides = array<i32>} : memref<104x128xi32, #tpu.memory_space<vmem>>, vector<1x16xi32>,
      %get3A_859 = arith.index_cast %add3A_813 : i32 to index
      %get3A_860 = arith.constant 48 : index
      %get3A_861 = tpu.vector_load %arg6[%get3A_859, %get3A_860] {strides = array<i32>} : memref<104x128xi32, #tpu.memory_space<vmem>>, vector<1x16xi32>,
      %get3A_862 = vector.shape_cast %get3A_861 : vector<1x16xi32> to vector<16xi32>
      %sub3A_863 = arith.constant 1 : i32
      %sub3A_864 = vector.broadcast %sub3A_863 : i32 to vector<16xi32>
      %sub3A_865 = arith.subi %get3A_862, %sub3A_864 : vector<16xi32>
      %max3A_866 = arith.constant 0 : i32
      %max3A_867 = vector.broadcast %max3A_866 : i32 to vector<16xi32>
      %max3A_868 = arith.maxsi %sub3A_865, %max3A_867 : vector<16xi32>
      %swap3A_869 = arith.index_cast %add3A_813 : i32 to index
      %swap3A_870 = arith.constant 48 : index
      %swap3A_871 = tpu.vector_load %arg7[%swap3A_869, %swap3A_870] {strides = array<i32>} : memref<104x128xi32, #tpu.memory_space<vmem>>, vector<1x16xi32>,
      %swap3A_872 = vector.shape_cast %swap3A_871 : vector<1x16xi32> to vector<16xi32>
      %swap3A_873 = vector.shape_cast %max3A_868 : vector<16xi32> to vector<1x16xi32>
      tpu.vector_store %arg7[%swap3A_869, %swap3A_870], %swap3A_873 {strides = array<i32>} : memref<104x128xi32, #tpu.memory_space<vmem>>, vector<1x16xi32>,
      %get3A_874 = arith.index_cast %add3A_813 : i32 to index
      %get3A_875 = arith.constant 64 : index
      %get3A_876 = tpu.vector_load %arg6[%get3A_874, %get3A_875] {strides = array<i32>} : memref<104x128xi32, #tpu.memory_space<vmem>>, vector<1x16xi32>,
      %get3A_877 = vector.shape_cast %get3A_876 : vector<1x16xi32> to vector<16xi32>
      %sub3A_878 = arith.constant 1 : i32
      %sub3A_879 = vector.broadcast %sub3A_878 : i32 to vector<16xi32>
      %sub3A_880 = arith.subi %get3A_877, %sub3A_879 : vector<16xi32>
      %max3A_881 = arith.constant 0 : i32
      %max3A_882 = vector.broadcast %max3A_881 : i32 to vector<16xi32>
      %max3A_883 = arith.maxsi %sub3A_880, %max3A_882 : vector<16xi32>
      %swap3A_884 = arith.index_cast %add3A_813 : i32 to index
      %swap3A_885 = arith.constant 64 : index
      %swap3A_886 = tpu.vector_load %arg7[%swap3A_884, %swap3A_885] {strides = array<i32>} : memref<104x128xi32, #tpu.memory_space<vmem>>, vector<1x16xi32>,
      %swap3A_887 = vector.shape_cast %swap3A_886 : vector<1x16xi32> to vector<16xi32>
      %swap3A_888 = vector.shape_cast %max3A_883 : vector<16xi32> to vector<1x16xi32>
      tpu.vector_store %arg7[%swap3A_884, %swap3A_885], %swap3A_888 {strides = array<i32>} : memref<104x128xi32, #tpu.memory_space<vmem>>, vector<1x16xi32>,
      %get3A_889 = arith.index_cast %add3A_813 : i32 to index
      %get3A_890 = arith.constant 80 : index
      %get3A_891 = tpu.vector_load %arg6[%get3A_889, %get3A_890] {strides = array<i32>} : memref<104x128xi32, #tpu.memory_space<vmem>>, vector<1x16xi32>,
      %get3A_892 = vector.shape_cast %get3A_891 : vector<1x16xi32> to vector<16xi32>
      %sub3A_893 = arith.constant 1 : i32
      %sub3A_894 = vector.broadcast %sub3A_893 : i32 to vector<16xi32>
      %sub3A_895 = arith.subi %get3A_892, %sub3A_894 : vector<16xi32>
      %max3A_896 = arith.constant 0 : i32
      %max3A_897 = vector.broadcast %max3A_896 : i32 to vector<16xi32>
      %max3A_898 = arith.maxsi %sub3A_895, %max3A_897 : vector<16xi32>
      %swap3A_899 = arith.index_cast %add3A_813 : i32 to index
      %swap3A_900 = arith.constant 80 : index
      %swap3A_901 = tpu.vector_load %arg7[%swap3A_899, %swap3A_900] {strides = array<i32>} : memref<104x128xi32, #tpu.memory_space<vmem>>, vector<1x16xi32>,
      %swap3A_902 = vector.shape_cast %swap3A_901 : vector<1x16xi32> to vector<16xi32>
      %swap3A_903 = vector.shape_cast %max3A_898 : vector<16xi32> to vector<1x16xi32>
      tpu.vector_store %arg7[%swap3A_899, %swap3A_900], %swap3A_903 {strides = array<i32>} : memref<104x128xi32, #tpu.memory_space<vmem>>, vector<1x16xi32>,
      %get3A_904 = arith.index_cast %add3A_813 : i32 to index
      %get3A_905 = arith.constant 96 : index
      %get3A_906 = tpu.vector_load %arg6[%get3A_904, %get3A_905] {strides = array<i32>} : memref<104x128xi32, #tpu.memory_space<vmem>>, vector<1x16xi32>,
      %get3A_907 = vector.shape_cast %get3A_906 : vector<1x16xi32> to vector<16xi32>
      %sub3A_908 = arith.constant 1 : i32
      %sub3A_909 = vector.broadcast %sub3A_908 : i32 to vector<16xi32>
      %sub3A_910 = arith.subi %get3A_907, %sub3A_909 : vector<16xi32>
      %max3A_911 = arith.constant 0 : i32
      %max3A_912 = vector.broadcast %max3A_911 : i32 to vector<16xi32>
      %max3A_913 = arith.maxsi %sub3A_910, %max3A_912 : vector<16xi32>
      %swap3A_914 = arith.index_cast %add3A_813 : i32 to index
      %swap3A_915 = arith.constant 96 : index
      %swap3A_916 = tpu.vector_load %arg7[%swap3A_914, %swap3A_915] {strides = array<i32>} : memref<104x128xi32, #tpu.memory_space<vmem>>, vector<1x16xi32>,
      %swap3A_917 = vector.shape_cast %swap3A_916 : vector<1x16xi32> to vector<16xi32>
      %swap3A_918 = vector.shape_cast %max3A_913 : vector<16xi32> to vector<1x16xi32>
      tpu.vector_store %arg7[%swap3A_914, %swap3A_915], %swap3A_918 {strides = array<i32>} : memref<104x128xi32, #tpu.memory_space<vmem>>, vector<1x16xi32>,
      %get3A_919 = arith.index_cast %add3A_813 : i32 to index
      %get3A_920 = arith.constant 112 : index
      %get3A_921 = tpu.vector_load %arg6[%get3A_919, %get3A_920] {strides = array<i32>} : memref<104x128xi32, #tpu.memory_space<vmem>>, vector<1x16xi32>,
      %get3A_922 = vector.shape_cast %get3A_921 : vector<1x16xi32> to vector<16xi32>
      %sub3A_923 = arith.constant 1 : i32
      %sub3A_924 = vector.broadcast %sub3A_923 : i32 to vector<16xi32>
      %sub3A_925 = arith.subi %get3A_922, %sub3A_924 : vector<16xi32>
      %max3A_926 = arith.constant 0 : i32
      %max3A_927 = vector.broadcast %max3A_926 : i32 to vector<16xi32>
      %max3A_928 = arith.maxsi %sub3A_925, %max3A_927 : vector<16xi32>
      %swap3A_929 = arith.index_cast %add3A_813 : i32 to index
      %swap3A_930 = arith.constant 112 : index
      %swap3A_931 = tpu.vector_load %arg7[%swap3A_929, %swap3A_930] {strides = array<i32>} : memref<104x128xi32, #tpu.memory_space<vmem>>, vector<1x16xi32>,
      %swap3A_932 = vector.shape_cast %swap3A_931 : vector<1x16xi32> to vector<16xi32>
      %swap3A_933 = vector.shape_cast %max3A_928 : vector<16xi32> to vector<1x16xi32>
      tpu.vector_store %arg7[%swap3A_929, %swap3A_930], %swap3A_933 {strides = array<i32>} : memref<104x128xi32, #tpu.memory_space<vmem>>, vector<1x16xi32>,
      %dma_start3A_934 = arith.constant 768 : i32
      %dma_start3A_935 = arith.constant 0 : i32
      %dma_start3A_936 = tpu.memref_slice %arg9[%dma_start3A_934, %dma_start3A_935] : memref<1024x32xf32, #tpu.memory_space<vmem>> -> memref<128x32xf32, #tpu.memory_space<vmem>>
      %dma_start3A_937 = arith.constant 0 : i32
      %dma_start3A_938 = tpu.memref_slice %arg7[%add3A_813, %dma_start3A_937] : memref<104x128xi32, #tpu.memory_space<vmem>> -> memref<1x128xi32, #tpu.memory_space<vmem>>
      %dma_start3A_939 = tpu.memref_squeeze %dma_start3A_938 : memref<1x128xi32, #tpu.memory_space<vmem>> -> memref<128xi32, #tpu.memory_space<vmem>>
      %dma_start3A_940 = arith.constant 0 : i32
      %dma_start3A_941 = arith.constant 0 : i32
      %dma_start3A_942 = tpu.memref_slice %arg4[%dma_start3A_940, %dma_start3A_941] : memref<1000000x32xf32, #tpu.memory_space<hbm>> -> memref<1000000x32xf32, #tpu.memory_space<hbm>>
      tpu.enqueue_indirect_dma source(%dma_start3A_942 : memref<1000000x32xf32, #tpu.memory_space<hbm>>) target(%dma_start3A_936 : memref<128x32xf32, #tpu.memory_space<vmem>>) offsets(%dma_start3A_939 : memref<128xi32, #tpu.memory_space<vmem>>) semaphore(%arg10 : memref<!tpu.dma_semaphore, #tpu.memory_space<semaphore_mem>>)
      %mul3A_943 = arith.constant 8 : i32
      %mul3A_944 = arith.muli %scan3A_15, %mul3A_943 : i32
      %add3A_945 = arith.constant 7 : i32
      %add3A_946 = arith.addi %mul3A_944, %add3A_945 : i32
      %get3A_947 = arith.index_cast %add3A_946 : i32 to index
      %get3A_948 = arith.constant 0 : index
      %get3A_949 = tpu.vector_load %arg6[%get3A_947, %get3A_948] {strides = array<i32>} : memref<104x128xi32, #tpu.memory_space<vmem>>, vector<1x16xi32>,
      %get3A_950 = vector.shape_cast %get3A_949 : vector<1x16xi32> to vector<16xi32>
      %sub3A_951 = arith.constant 1 : i32
      %sub3A_952 = vector.broadcast %sub3A_951 : i32 to vector<16xi32>
      %sub3A_953 = arith.subi %get3A_950, %sub3A_952 : vector<16xi32>
      %max3A_954 = arith.constant 0 : i32
      %max3A_955 = vector.broadcast %max3A_954 : i32 to vector<16xi32>
      %max3A_956 = arith.maxsi %sub3A_953, %max3A_955 : vector<16xi32>
      %swap3A_957 = arith.index_cast %add3A_946 : i32 to index
      %swap3A_958 = arith.constant 0 : index
      %swap3A_959 = tpu.vector_load %arg7[%swap3A_957, %swap3A_958] {strides = array<i32>} : memref<104x128xi32, #tpu.memory_space<vmem>>, vector<1x16xi32>,
      %swap3A_960 = vector.shape_cast %swap3A_959 : vector<1x16xi32> to vector<16xi32>
      %swap3A_961 = vector.shape_cast %max3A_956 : vector<16xi32> to vector<1x16xi32>
      tpu.vector_store %arg7[%swap3A_957, %swap3A_958], %swap3A_961 {strides = array<i32>} : memref<104x128xi32, #tpu.memory_space<vmem>>, vector<1x16xi32>,
      %get3A_962 = arith.index_cast %add3A_946 : i32 to index
      %get3A_963 = arith.constant 16 : index
      %get3A_964 = tpu.vector_load %arg6[%get3A_962, %get3A_963] {strides = array<i32>} : memref<104x128xi32, #tpu.memory_space<vmem>>, vector<1x16xi32>,
      %get3A_965 = vector.shape_cast %get3A_964 : vector<1x16xi32> to vector<16xi32>
      %sub3A_966 = arith.constant 1 : i32
      %sub3A_967 = vector.broadcast %sub3A_966 : i32 to vector<16xi32>
      %sub3A_968 = arith.subi %get3A_965, %sub3A_967 : vector<16xi32>
      %max3A_969 = arith.constant 0 : i32
      %max3A_970 = vector.broadcast %max3A_969 : i32 to vector<16xi32>
      %max3A_971 = arith.maxsi %sub3A_968, %max3A_970 : vector<16xi32>
      %swap3A_972 = arith.index_cast %add3A_946 : i32 to index
      %swap3A_973 = arith.constant 16 : index
      %swap3A_974 = tpu.vector_load %arg7[%swap3A_972, %swap3A_973] {strides = array<i32>} : memref<104x128xi32, #tpu.memory_space<vmem>>, vector<1x16xi32>,
      %swap3A_975 = vector.shape_cast %swap3A_974 : vector<1x16xi32> to vector<16xi32>
      %swap3A_976 = vector.shape_cast %max3A_971 : vector<16xi32> to vector<1x16xi32>
      tpu.vector_store %arg7[%swap3A_972, %swap3A_973], %swap3A_976 {strides = array<i32>} : memref<104x128xi32, #tpu.memory_space<vmem>>, vector<1x16xi32>,
      %get3A_977 = arith.index_cast %add3A_946 : i32 to index
      %get3A_978 = arith.constant 32 : index
      %get3A_979 = tpu.vector_load %arg6[%get3A_977, %get3A_978] {strides = array<i32>} : memref<104x128xi32, #tpu.memory_space<vmem>>, vector<1x16xi32>,
      %get3A_980 = vector.shape_cast %get3A_979 : vector<1x16xi32> to vector<16xi32>
      %sub3A_981 = arith.constant 1 : i32
      %sub3A_982 = vector.broadcast %sub3A_981 : i32 to vector<16xi32>
      %sub3A_983 = arith.subi %get3A_980, %sub3A_982 : vector<16xi32>
      %max3A_984 = arith.constant 0 : i32
      %max3A_985 = vector.broadcast %max3A_984 : i32 to vector<16xi32>
      %max3A_986 = arith.maxsi %sub3A_983, %max3A_985 : vector<16xi32>
      %swap3A_987 = arith.index_cast %add3A_946 : i32 to index
      %swap3A_988 = arith.constant 32 : index
      %swap3A_989 = tpu.vector_load %arg7[%swap3A_987, %swap3A_988] {strides = array<i32>} : memref<104x128xi32, #tpu.memory_space<vmem>>, vector<1x16xi32>,
      %swap3A_990 = vector.shape_cast %swap3A_989 : vector<1x16xi32> to vector<16xi32>
      %swap3A_991 = vector.shape_cast %max3A_986 : vector<16xi32> to vector<1x16xi32>
      tpu.vector_store %arg7[%swap3A_987, %swap3A_988], %swap3A_991 {strides = array<i32>} : memref<104x128xi32, #tpu.memory_space<vmem>>, vector<1x16xi32>,
      %get3A_992 = arith.index_cast %add3A_946 : i32 to index
      %get3A_993 = arith.constant 48 : index
      %get3A_994 = tpu.vector_load %arg6[%get3A_992, %get3A_993] {strides = array<i32>} : memref<104x128xi32, #tpu.memory_space<vmem>>, vector<1x16xi32>,
      %get3A_995 = vector.shape_cast %get3A_994 : vector<1x16xi32> to vector<16xi32>
      %sub3A_996 = arith.constant 1 : i32
      %sub3A_997 = vector.broadcast %sub3A_996 : i32 to vector<16xi32>
      %sub3A_998 = arith.subi %get3A_995, %sub3A_997 : vector<16xi32>
      %max3A_999 = arith.constant 0 : i32
      %max3A_1000 = vector.broadcast %max3A_999 : i32 to vector<16xi32>
      %max3A_1001 = arith.maxsi %sub3A_998, %max3A_1000 : vector<16xi32>
      %swap3A_1002 = arith.index_cast %add3A_946 : i32 to index
      %swap3A_1003 = arith.constant 48 : index
      %swap3A_1004 = tpu.vector_load %arg7[%swap3A_1002, %swap3A_1003] {strides = array<i32>} : memref<104x128xi32, #tpu.memory_space<vmem>>, vector<1x16xi32>,
      %swap3A_1005 = vector.shape_cast %swap3A_1004 : vector<1x16xi32> to vector<16xi32>
      %swap3A_1006 = vector.shape_cast %max3A_1001 : vector<16xi32> to vector<1x16xi32>
      tpu.vector_store %arg7[%swap3A_1002, %swap3A_1003], %swap3A_1006 {strides = array<i32>} : memref<104x128xi32, #tpu.memory_space<vmem>>, vector<1x16xi32>,
      %get3A_1007 = arith.index_cast %add3A_946 : i32 to index
      %get3A_1008 = arith.constant 64 : index
      %get3A_1009 = tpu.vector_load %arg6[%get3A_1007, %get3A_1008] {strides = array<i32>} : memref<104x128xi32, #tpu.memory_space<vmem>>, vector<1x16xi32>,
      %get3A_1010 = vector.shape_cast %get3A_1009 : vector<1x16xi32> to vector<16xi32>
      %sub3A_1011 = arith.constant 1 : i32
      %sub3A_1012 = vector.broadcast %sub3A_1011 : i32 to vector<16xi32>
      %sub3A_1013 = arith.subi %get3A_1010, %sub3A_1012 : vector<16xi32>
      %max3A_1014 = arith.constant 0 : i32
      %max3A_1015 = vector.broadcast %max3A_1014 : i32 to vector<16xi32>
      %max3A_1016 = arith.maxsi %sub3A_1013, %max3A_1015 : vector<16xi32>
      %swap3A_1017 = arith.index_cast %add3A_946 : i32 to index
      %swap3A_1018 = arith.constant 64 : index
      %swap3A_1019 = tpu.vector_load %arg7[%swap3A_1017, %swap3A_1018] {strides = array<i32>} : memref<104x128xi32, #tpu.memory_space<vmem>>, vector<1x16xi32>,
      %swap3A_1020 = vector.shape_cast %swap3A_1019 : vector<1x16xi32> to vector<16xi32>
      %swap3A_1021 = vector.shape_cast %max3A_1016 : vector<16xi32> to vector<1x16xi32>
      tpu.vector_store %arg7[%swap3A_1017, %swap3A_1018], %swap3A_1021 {strides = array<i32>} : memref<104x128xi32, #tpu.memory_space<vmem>>, vector<1x16xi32>,
      %get3A_1022 = arith.index_cast %add3A_946 : i32 to index
      %get3A_1023 = arith.constant 80 : index
      %get3A_1024 = tpu.vector_load %arg6[%get3A_1022, %get3A_1023] {strides = array<i32>} : memref<104x128xi32, #tpu.memory_space<vmem>>, vector<1x16xi32>,
      %get3A_1025 = vector.shape_cast %get3A_1024 : vector<1x16xi32> to vector<16xi32>
      %sub3A_1026 = arith.constant 1 : i32
      %sub3A_1027 = vector.broadcast %sub3A_1026 : i32 to vector<16xi32>
      %sub3A_1028 = arith.subi %get3A_1025, %sub3A_1027 : vector<16xi32>
      %max3A_1029 = arith.constant 0 : i32
      %max3A_1030 = vector.broadcast %max3A_1029 : i32 to vector<16xi32>
      %max3A_1031 = arith.maxsi %sub3A_1028, %max3A_1030 : vector<16xi32>
      %swap3A_1032 = arith.index_cast %add3A_946 : i32 to index
      %swap3A_1033 = arith.constant 80 : index
      %swap3A_1034 = tpu.vector_load %arg7[%swap3A_1032, %swap3A_1033] {strides = array<i32>} : memref<104x128xi32, #tpu.memory_space<vmem>>, vector<1x16xi32>,
      %swap3A_1035 = vector.shape_cast %swap3A_1034 : vector<1x16xi32> to vector<16xi32>
      %swap3A_1036 = vector.shape_cast %max3A_1031 : vector<16xi32> to vector<1x16xi32>
      tpu.vector_store %arg7[%swap3A_1032, %swap3A_1033], %swap3A_1036 {strides = array<i32>} : memref<104x128xi32, #tpu.memory_space<vmem>>, vector<1x16xi32>,
      %get3A_1037 = arith.index_cast %add3A_946 : i32 to index
      %get3A_1038 = arith.constant 96 : index
      %get3A_1039 = tpu.vector_load %arg6[%get3A_1037, %get3A_1038] {strides = array<i32>} : memref<104x128xi32, #tpu.memory_space<vmem>>, vector<1x16xi32>,
      %get3A_1040 = vector.shape_cast %get3A_1039 : vector<1x16xi32> to vector<16xi32>
      %sub3A_1041 = arith.constant 1 : i32
      %sub3A_1042 = vector.broadcast %sub3A_1041 : i32 to vector<16xi32>
      %sub3A_1043 = arith.subi %get3A_1040, %sub3A_1042 : vector<16xi32>
      %max3A_1044 = arith.constant 0 : i32
      %max3A_1045 = vector.broadcast %max3A_1044 : i32 to vector<16xi32>
      %max3A_1046 = arith.maxsi %sub3A_1043, %max3A_1045 : vector<16xi32>
      %swap3A_1047 = arith.index_cast %add3A_946 : i32 to index
      %swap3A_1048 = arith.constant 96 : index
      %swap3A_1049 = tpu.vector_load %arg7[%swap3A_1047, %swap3A_1048] {strides = array<i32>} : memref<104x128xi32, #tpu.memory_space<vmem>>, vector<1x16xi32>,
      %swap3A_1050 = vector.shape_cast %swap3A_1049 : vector<1x16xi32> to vector<16xi32>
      %swap3A_1051 = vector.shape_cast %max3A_1046 : vector<16xi32> to vector<1x16xi32>
      tpu.vector_store %arg7[%swap3A_1047, %swap3A_1048], %swap3A_1051 {strides = array<i32>} : memref<104x128xi32, #tpu.memory_space<vmem>>, vector<1x16xi32>,
      %get3A_1052 = arith.index_cast %add3A_946 : i32 to index
      %get3A_1053 = arith.constant 112 : index
      %get3A_1054 = tpu.vector_load %arg6[%get3A_1052, %get3A_1053] {strides = array<i32>} : memref<104x128xi32, #tpu.memory_space<vmem>>, vector<1x16xi32>,
      %get3A_1055 = vector.shape_cast %get3A_1054 : vector<1x16xi32> to vector<16xi32>
      %sub3A_1056 = arith.constant 1 : i32
      %sub3A_1057 = vector.broadcast %sub3A_1056 : i32 to vector<16xi32>
      %sub3A_1058 = arith.subi %get3A_1055, %sub3A_1057 : vector<16xi32>
      %max3A_1059 = arith.constant 0 : i32
      %max3A_1060 = vector.broadcast %max3A_1059 : i32 to vector<16xi32>
      %max3A_1061 = arith.maxsi %sub3A_1058, %max3A_1060 : vector<16xi32>
      %swap3A_1062 = arith.index_cast %add3A_946 : i32 to index
      %swap3A_1063 = arith.constant 112 : index
      %swap3A_1064 = tpu.vector_load %arg7[%swap3A_1062, %swap3A_1063] {strides = array<i32>} : memref<104x128xi32, #tpu.memory_space<vmem>>, vector<1x16xi32>,
      %swap3A_1065 = vector.shape_cast %swap3A_1064 : vector<1x16xi32> to vector<16xi32>
      %swap3A_1066 = vector.shape_cast %max3A_1061 : vector<16xi32> to vector<1x16xi32>
      tpu.vector_store %arg7[%swap3A_1062, %swap3A_1063], %swap3A_1066 {strides = array<i32>} : memref<104x128xi32, #tpu.memory_space<vmem>>, vector<1x16xi32>,
      %dma_start3A_1067 = arith.constant 896 : i32
      %dma_start3A_1068 = arith.constant 0 : i32
      %dma_start3A_1069 = tpu.memref_slice %arg9[%dma_start3A_1067, %dma_start3A_1068] : memref<1024x32xf32, #tpu.memory_space<vmem>> -> memref<128x32xf32, #tpu.memory_space<vmem>>
      %dma_start3A_1070 = arith.constant 0 : i32
      %dma_start3A_1071 = tpu.memref_slice %arg7[%add3A_946, %dma_start3A_1070] : memref<104x128xi32, #tpu.memory_space<vmem>> -> memref<1x128xi32, #tpu.memory_space<vmem>>
      %dma_start3A_1072 = tpu.memref_squeeze %dma_start3A_1071 : memref<1x128xi32, #tpu.memory_space<vmem>> -> memref<128xi32, #tpu.memory_space<vmem>>
      %dma_start3A_1073 = arith.constant 0 : i32
      %dma_start3A_1074 = arith.constant 0 : i32
      %dma_start3A_1075 = tpu.memref_slice %arg4[%dma_start3A_1073, %dma_start3A_1074] : memref<1000000x32xf32, #tpu.memory_space<hbm>> -> memref<1000000x32xf32, #tpu.memory_space<hbm>>
      tpu.enqueue_indirect_dma source(%dma_start3A_1075 : memref<1000000x32xf32, #tpu.memory_space<hbm>>) target(%dma_start3A_1069 : memref<128x32xf32, #tpu.memory_space<vmem>>) offsets(%dma_start3A_1072 : memref<128xi32, #tpu.memory_space<vmem>>) semaphore(%arg10 : memref<!tpu.dma_semaphore, #tpu.memory_space<semaphore_mem>>)
      %dma_wait3A = arith.constant 0 : i32
      %dma_wait3A_1076 = arith.constant 0 : i32
      %dma_wait3A_1077 = tpu.memref_slice %arg9[%dma_wait3A, %dma_wait3A_1076] : memref<1024x32xf32, #tpu.memory_space<vmem>> -> memref<128x32xf32, #tpu.memory_space<vmem>>
      %dma_wait3A_1078 = arith.constant 0 : i32
      %dma_wait3A_1079 = tpu.memref_slice %arg7[%add3A_19, %dma_wait3A_1078] : memref<104x128xi32, #tpu.memory_space<vmem>> -> memref<1x128xi32, #tpu.memory_space<vmem>>
      %dma_wait3A_1080 = tpu.memref_squeeze %dma_wait3A_1079 : memref<1x128xi32, #tpu.memory_space<vmem>> -> memref<128xi32, #tpu.memory_space<vmem>>
      %dma_wait3A_1081 = arith.constant 0 : i32
      %dma_wait3A_1082 = arith.constant 0 : i32
      %dma_wait3A_1083 = tpu.memref_slice %arg4[%dma_wait3A_1081, %dma_wait3A_1082] : memref<1000000x32xf32, #tpu.memory_space<hbm>> -> memref<1000000x32xf32, #tpu.memory_space<hbm>>
      tpu.wait_indirect_dma semaphore(%arg10 : memref<!tpu.dma_semaphore, #tpu.memory_space<semaphore_mem>>) src(%dma_wait3A_1083 : memref<1000000x32xf32, #tpu.memory_space<hbm>>) dst(%dma_wait3A_1077 : memref<128x32xf32, #tpu.memory_space<vmem>>)
      %dma_wait3A_1084 = arith.constant 128 : i32
      %dma_wait3A_1085 = arith.constant 0 : i32
      %dma_wait3A_1086 = tpu.memref_slice %arg9[%dma_wait3A_1084, %dma_wait3A_1085] : memref<1024x32xf32, #tpu.memory_space<vmem>> -> memref<128x32xf32, #tpu.memory_space<vmem>>
      %dma_wait3A_1087 = arith.constant 0 : i32
      %dma_wait3A_1088 = tpu.memref_slice %arg7[%add3A_148, %dma_wait3A_1087] : memref<104x128xi32, #tpu.memory_space<vmem>> -> memref<1x128xi32, #tpu.memory_space<vmem>>
      %dma_wait3A_1089 = tpu.memref_squeeze %dma_wait3A_1088 : memref<1x128xi32, #tpu.memory_space<vmem>> -> memref<128xi32, #tpu.memory_space<vmem>>
      %dma_wait3A_1090 = arith.constant 0 : i32
      %dma_wait3A_1091 = arith.constant 0 : i32
      %dma_wait3A_1092 = tpu.memref_slice %arg4[%dma_wait3A_1090, %dma_wait3A_1091] : memref<1000000x32xf32, #tpu.memory_space<hbm>> -> memref<1000000x32xf32, #tpu.memory_space<hbm>>
      tpu.wait_indirect_dma semaphore(%arg10 : memref<!tpu.dma_semaphore, #tpu.memory_space<semaphore_mem>>) src(%dma_wait3A_1092 : memref<1000000x32xf32, #tpu.memory_space<hbm>>) dst(%dma_wait3A_1086 : memref<128x32xf32, #tpu.memory_space<vmem>>)
      %dma_wait3A_1093 = arith.constant 256 : i32
      %dma_wait3A_1094 = arith.constant 0 : i32
      %dma_wait3A_1095 = tpu.memref_slice %arg9[%dma_wait3A_1093, %dma_wait3A_1094] : memref<1024x32xf32, #tpu.memory_space<vmem>> -> memref<128x32xf32, #tpu.memory_space<vmem>>
      %dma_wait3A_1096 = arith.constant 0 : i32
      %dma_wait3A_1097 = tpu.memref_slice %arg7[%add3A_281, %dma_wait3A_1096] : memref<104x128xi32, #tpu.memory_space<vmem>> -> memref<1x128xi32, #tpu.memory_space<vmem>>
      %dma_wait3A_1098 = tpu.memref_squeeze %dma_wait3A_1097 : memref<1x128xi32, #tpu.memory_space<vmem>> -> memref<128xi32, #tpu.memory_space<vmem>>
      %dma_wait3A_1099 = arith.constant 0 : i32
      %dma_wait3A_1100 = arith.constant 0 : i32
      %dma_wait3A_1101 = tpu.memref_slice %arg4[%dma_wait3A_1099, %dma_wait3A_1100] : memref<1000000x32xf32, #tpu.memory_space<hbm>> -> memref<1000000x32xf32, #tpu.memory_space<hbm>>
      tpu.wait_indirect_dma semaphore(%arg10 : memref<!tpu.dma_semaphore, #tpu.memory_space<semaphore_mem>>) src(%dma_wait3A_1101 : memref<1000000x32xf32, #tpu.memory_space<hbm>>) dst(%dma_wait3A_1095 : memref<128x32xf32, #tpu.memory_space<vmem>>)
      %dma_wait3A_1102 = arith.constant 384 : i32
      %dma_wait3A_1103 = arith.constant 0 : i32
      %dma_wait3A_1104 = tpu.memref_slice %arg9[%dma_wait3A_1102, %dma_wait3A_1103] : memref<1024x32xf32, #tpu.memory_space<vmem>> -> memref<128x32xf32, #tpu.memory_space<vmem>>
      %dma_wait3A_1105 = arith.constant 0 : i32
      %dma_wait3A_1106 = tpu.memref_slice %arg7[%add3A_414, %dma_wait3A_1105] : memref<104x128xi32, #tpu.memory_space<vmem>> -> memref<1x128xi32, #tpu.memory_space<vmem>>
      %dma_wait3A_1107 = tpu.memref_squeeze %dma_wait3A_1106 : memref<1x128xi32, #tpu.memory_space<vmem>> -> memref<128xi32, #tpu.memory_space<vmem>>
      %dma_wait3A_1108 = arith.constant 0 : i32
      %dma_wait3A_1109 = arith.constant 0 : i32
      %dma_wait3A_1110 = tpu.memref_slice %arg4[%dma_wait3A_1108, %dma_wait3A_1109] : memref<1000000x32xf32, #tpu.memory_space<hbm>> -> memref<1000000x32xf32, #tpu.memory_space<hbm>>
      tpu.wait_indirect_dma semaphore(%arg10 : memref<!tpu.dma_semaphore, #tpu.memory_space<semaphore_mem>>) src(%dma_wait3A_1110 : memref<1000000x32xf32, #tpu.memory_space<hbm>>) dst(%dma_wait3A_1104 : memref<128x32xf32, #tpu.memory_space<vmem>>)
      %dma_wait3A_1111 = arith.constant 512 : i32
      %dma_wait3A_1112 = arith.constant 0 : i32
      %dma_wait3A_1113 = tpu.memref_slice %arg9[%dma_wait3A_1111, %dma_wait3A_1112] : memref<1024x32xf32, #tpu.memory_space<vmem>> -> memref<128x32xf32, #tpu.memory_space<vmem>>
      %dma_wait3A_1114 = arith.constant 0 : i32
      %dma_wait3A_1115 = tpu.memref_slice %arg7[%add3A_547, %dma_wait3A_1114] : memref<104x128xi32, #tpu.memory_space<vmem>> -> memref<1x128xi32, #tpu.memory_space<vmem>>
      %dma_wait3A_1116 = tpu.memref_squeeze %dma_wait3A_1115 : memref<1x128xi32, #tpu.memory_space<vmem>> -> memref<128xi32, #tpu.memory_space<vmem>>
      %dma_wait3A_1117 = arith.constant 0 : i32
      %dma_wait3A_1118 = arith.constant 0 : i32
      %dma_wait3A_1119 = tpu.memref_slice %arg4[%dma_wait3A_1117, %dma_wait3A_1118] : memref<1000000x32xf32, #tpu.memory_space<hbm>> -> memref<1000000x32xf32, #tpu.memory_space<hbm>>
      tpu.wait_indirect_dma semaphore(%arg10 : memref<!tpu.dma_semaphore, #tpu.memory_space<semaphore_mem>>) src(%dma_wait3A_1119 : memref<1000000x32xf32, #tpu.memory_space<hbm>>) dst(%dma_wait3A_1113 : memref<128x32xf32, #tpu.memory_space<vmem>>)
      %dma_wait3A_1120 = arith.constant 640 : i32
      %dma_wait3A_1121 = arith.constant 0 : i32
      %dma_wait3A_1122 = tpu.memref_slice %arg9[%dma_wait3A_1120, %dma_wait3A_1121] : memref<1024x32xf32, #tpu.memory_space<vmem>> -> memref<128x32xf32, #tpu.memory_space<vmem>>
      %dma_wait3A_1123 = arith.constant 0 : i32
      %dma_wait3A_1124 = tpu.memref_slice %arg7[%add3A_680, %dma_wait3A_1123] : memref<104x128xi32, #tpu.memory_space<vmem>> -> memref<1x128xi32, #tpu.memory_space<vmem>>
      %dma_wait3A_1125 = tpu.memref_squeeze %dma_wait3A_1124 : memref<1x128xi32, #tpu.memory_space<vmem>> -> memref<128xi32, #tpu.memory_space<vmem>>
      %dma_wait3A_1126 = arith.constant 0 : i32
      %dma_wait3A_1127 = arith.constant 0 : i32
      %dma_wait3A_1128 = tpu.memref_slice %arg4[%dma_wait3A_1126, %dma_wait3A_1127] : memref<1000000x32xf32, #tpu.memory_space<hbm>> -> memref<1000000x32xf32, #tpu.memory_space<hbm>>
      tpu.wait_indirect_dma semaphore(%arg10 : memref<!tpu.dma_semaphore, #tpu.memory_space<semaphore_mem>>) src(%dma_wait3A_1128 : memref<1000000x32xf32, #tpu.memory_space<hbm>>) dst(%dma_wait3A_1122 : memref<128x32xf32, #tpu.memory_space<vmem>>)
      %dma_wait3A_1129 = arith.constant 768 : i32
      %dma_wait3A_1130 = arith.constant 0 : i32
      %dma_wait3A_1131 = tpu.memref_slice %arg9[%dma_wait3A_1129, %dma_wait3A_1130] : memref<1024x32xf32, #tpu.memory_space<vmem>> -> memref<128x32xf32, #tpu.memory_space<vmem>>
      %dma_wait3A_1132 = arith.constant 0 : i32
      %dma_wait3A_1133 = tpu.memref_slice %arg7[%add3A_813, %dma_wait3A_1132] : memref<104x128xi32, #tpu.memory_space<vmem>> -> memref<1x128xi32, #tpu.memory_space<vmem>>
      %dma_wait3A_1134 = tpu.memref_squeeze %dma_wait3A_1133 : memref<1x128xi32, #tpu.memory_space<vmem>> -> memref<128xi32, #tpu.memory_space<vmem>>
      %dma_wait3A_1135 = arith.constant 0 : i32
      %dma_wait3A_1136 = arith.constant 0 : i32
      %dma_wait3A_1137 = tpu.memref_slice %arg4[%dma_wait3A_1135, %dma_wait3A_1136] : memref<1000000x32xf32, #tpu.memory_space<hbm>> -> memref<1000000x32xf32, #tpu.memory_space<hbm>>
      tpu.wait_indirect_dma semaphore(%arg10 : memref<!tpu.dma_semaphore, #tpu.memory_space<semaphore_mem>>) src(%dma_wait3A_1137 : memref<1000000x32xf32, #tpu.memory_space<hbm>>) dst(%dma_wait3A_1131 : memref<128x32xf32, #tpu.memory_space<vmem>>)
      %dma_wait3A_1138 = arith.constant 896 : i32
      %dma_wait3A_1139 = arith.constant 0 : i32
      %dma_wait3A_1140 = tpu.memref_slice %arg9[%dma_wait3A_1138, %dma_wait3A_1139] : memref<1024x32xf32, #tpu.memory_space<vmem>> -> memref<128x32xf32, #tpu.memory_space<vmem>>
      %dma_wait3A_1141 = arith.constant 0 : i32
      %dma_wait3A_1142 = tpu.memref_slice %arg7[%add3A_946, %dma_wait3A_1141] : memref<104x128xi32, #tpu.memory_space<vmem>> -> memref<1x128xi32, #tpu.memory_space<vmem>>
      %dma_wait3A_1143 = tpu.memref_squeeze %dma_wait3A_1142 : memref<1x128xi32, #tpu.memory_space<vmem>> -> memref<128xi32, #tpu.memory_space<vmem>>
      %dma_wait3A_1144 = arith.constant 0 : i32
      %dma_wait3A_1145 = arith.constant 0 : i32
      %dma_wait3A_1146 = tpu.memref_slice %arg4[%dma_wait3A_1144, %dma_wait3A_1145] : memref<1000000x32xf32, #tpu.memory_space<hbm>> -> memref<1000000x32xf32, #tpu.memory_space<hbm>>
      tpu.wait_indirect_dma semaphore(%arg10 : memref<!tpu.dma_semaphore, #tpu.memory_space<semaphore_mem>>) src(%dma_wait3A_1146 : memref<1000000x32xf32, #tpu.memory_space<hbm>>) dst(%dma_wait3A_1140 : memref<128x32xf32, #tpu.memory_space<vmem>>)
      %mul3A_1147 = arith.constant 8 : i32
      %mul3A_1148 = arith.muli %scan3A_15, %mul3A_1147 : i32
      %get3A_1149 = arith.index_cast %mul3A_1148 : i32 to index
      %get3A_1150 = tpu.vector_load %arg8[%get3A_1149] {strides = array<i32>} : memref<120xi32, #tpu.memory_space<vmem>>, vector<16xi32>,
      %get3A_1151 = vector.shape_cast %get3A_1150 : vector<16xi32> to vector<16xi32>
      %mul3A_1152 = arith.constant 8 : i32
      %mul3A_1153 = arith.muli %scan3A_15, %mul3A_1152 : i32
      %add3A_1154 = arith.constant 0 : i32
      %add3A_1155 = arith.addi %mul3A_1153, %add3A_1154 : i32
      %slice3A = vector.extract_strided_slice %get3A_1151 {offsets = [0], sizes = [1], strides = [1]} : vector<16xi32> to vector<1xi32>
      %squeeze3A = vector.extract %slice3A[0] : i32 from vector<1xi32>
      %ne3A = arith.constant 0 : i32
      %ne3A_1156 = arith.cmpi ne, %squeeze3A, %ne3A : i32
      %convert_element_type3A = arith.extui %ne3A_1156 : i1 to i32
      %cond3A = arith.constant 0 : i32
      %cond3A_1157 = arith.cmpi ne, %convert_element_type3A, %cond3A : i32
      scf.if %cond3A_1157 {
        %scan3A_1240 = arith.constant 0 : i32
        %scan3A_1241 = arith.constant 8 : i32
        %scan3A_1242 = arith.addi %scan3A_1240, %scan3A_1241 : i32
        %scan3A_1243 = arith.constant 1 : i32
        scf.for %scan3A_1245 = %scan3A_1240 to %scan3A_1242 step %scan3A_1243  : i32 {
          %mul3A_1246 = arith.constant 16 : i32
          %mul3A_1247 = arith.muli %scan3A_1245, %mul3A_1246 : i32
          %get3A_1248 = arith.index_cast %add3A_1155 : i32 to index
          %get3A_1249 = arith.index_cast %mul3A_1247 : i32 to index
          %get3A_1250 = tpu.vector_load %arg6[%get3A_1248, %get3A_1249] {strides = array<i32>} : memref<104x128xi32, #tpu.memory_space<vmem>>, vector<1x16xi32>,
          %get3A_1251 = vector.shape_cast %get3A_1250 : vector<1x16xi32> to vector<16xi32>
          %min3A = arith.constant 1 : i32
          %min3A_1252 = vector.broadcast %min3A : i32 to vector<16xi32>
          %min3A_1253 = arith.minsi %get3A_1251, %min3A_1252 : vector<16xi32>
          %mul3A_1254 = arith.constant 16 : i32
          %mul3A_1255 = arith.muli %scan3A_1245, %mul3A_1254 : i32
          %add3A_1256 = arith.constant 0 : i32
          %add3A_1257 = arith.addi %add3A_1256, %mul3A_1255 : i32
          %slice3A_1258 = vector.extract_strided_slice %min3A_1253 {offsets = [0], sizes = [1], strides = [1]} : vector<16xi32> to vector<1xi32>
          %squeeze3A_1259 = vector.extract %slice3A_1258[0] : i32 from vector<1xi32>
          %eq3A = arith.constant 0 : i32
          %eq3A_1260 = arith.cmpi eq, %squeeze3A_1259, %eq3A : i32
          %convert_element_type3A_1261 = arith.extui %eq3A_1260 : i1 to i32
          %cond3A_1262 = arith.constant 0 : i32
          %cond3A_1263 = arith.cmpi ne, %convert_element_type3A_1261, %cond3A_1262 : i32
          scf.if %cond3A_1263 {
            %add3A_1369 = arith.constant 0 : i32
            %add3A_1370 = arith.addi %add3A_1257, %add3A_1369 : i32
            %swap3A_1371 = arith.index_cast %add3A_1370 : i32 to index
            %swap3A_1372 = arith.constant 0 : index
            %swap3A_1373 = tpu.vector_load %arg9[%swap3A_1371, %swap3A_1372] {strides = array<i32>} : memref<1024x32xf32, #tpu.memory_space<vmem>>, vector<1x16xf32>,
            %swap3A_1374 = vector.shape_cast %swap3A_1373 : vector<1x16xf32> to vector<16xf32>
            %swap3A_1375 = vector.shape_cast %broadcast_in_dim3A_10 : vector<16xf32> to vector<1x16xf32>
            tpu.vector_store %arg9[%swap3A_1371, %swap3A_1372], %swap3A_1375 {strides = array<i32>} : memref<1024x32xf32, #tpu.memory_space<vmem>>, vector<1x16xf32>,
            %add3A_1376 = arith.constant 0 : i32
            %add3A_1377 = arith.addi %add3A_1257, %add3A_1376 : i32
            %swap3A_1378 = arith.index_cast %add3A_1377 : i32 to index
            %swap3A_1379 = arith.constant 16 : index
            %swap3A_1380 = tpu.vector_load %arg9[%swap3A_1378, %swap3A_1379] {strides = array<i32>} : memref<1024x32xf32, #tpu.memory_space<vmem>>, vector<1x16xf32>,
            %swap3A_1381 = vector.shape_cast %swap3A_1380 : vector<1x16xf32> to vector<16xf32>
            %swap3A_1382 = vector.shape_cast %broadcast_in_dim3A_10 : vector<16xf32> to vector<1x16xf32>
            tpu.vector_store %arg9[%swap3A_1378, %swap3A_1379], %swap3A_1382 {strides = array<i32>} : memref<1024x32xf32, #tpu.memory_space<vmem>>, vector<1x16xf32>,
          } else {
          }
          %slice3A_1264 = vector.extract_strided_slice %min3A_1253 {offsets = [1], sizes = [1], strides = [1]} : vector<16xi32> to vector<1xi32>
          %squeeze3A_1265 = vector.extract %slice3A_1264[0] : i32 from vector<1xi32>
          %eq3A_1266 = arith.constant 0 : i32
          %eq3A_1267 = arith.cmpi eq, %squeeze3A_1265, %eq3A_1266 : i32
          %convert_element_type3A_1268 = arith.extui %eq3A_1267 : i1 to i32
          %cond3A_1269 = arith.constant 0 : i32
          %cond3A_1270 = arith.cmpi ne, %convert_element_type3A_1268, %cond3A_1269 : i32
          scf.if %cond3A_1270 {
            %add3A_1369 = arith.constant 1 : i32
            %add3A_1370 = arith.addi %add3A_1257, %add3A_1369 : i32
            %swap3A_1371 = arith.index_cast %add3A_1370 : i32 to index
            %swap3A_1372 = arith.constant 0 : index
            %swap3A_1373 = tpu.vector_load %arg9[%swap3A_1371, %swap3A_1372] {strides = array<i32>} : memref<1024x32xf32, #tpu.memory_space<vmem>>, vector<1x16xf32>,
            %swap3A_1374 = vector.shape_cast %swap3A_1373 : vector<1x16xf32> to vector<16xf32>
            %swap3A_1375 = vector.shape_cast %broadcast_in_dim3A_10 : vector<16xf32> to vector<1x16xf32>
            tpu.vector_store %arg9[%swap3A_1371, %swap3A_1372], %swap3A_1375 {strides = array<i32>} : memref<1024x32xf32, #tpu.memory_space<vmem>>, vector<1x16xf32>,
            %add3A_1376 = arith.constant 1 : i32
            %add3A_1377 = arith.addi %add3A_1257, %add3A_1376 : i32
            %swap3A_1378 = arith.index_cast %add3A_1377 : i32 to index
            %swap3A_1379 = arith.constant 16 : index
            %swap3A_1380 = tpu.vector_load %arg9[%swap3A_1378, %swap3A_1379] {strides = array<i32>} : memref<1024x32xf32, #tpu.memory_space<vmem>>, vector<1x16xf32>,
            %swap3A_1381 = vector.shape_cast %swap3A_1380 : vector<1x16xf32> to vector<16xf32>
            %swap3A_1382 = vector.shape_cast %broadcast_in_dim3A_10 : vector<16xf32> to vector<1x16xf32>
            tpu.vector_store %arg9[%swap3A_1378, %swap3A_1379], %swap3A_1382 {strides = array<i32>} : memref<1024x32xf32, #tpu.memory_space<vmem>>, vector<1x16xf32>,
          } else {
          }
          %slice3A_1271 = vector.extract_strided_slice %min3A_1253 {offsets = [2], sizes = [1], strides = [1]} : vector<16xi32> to vector<1xi32>
          %squeeze3A_1272 = vector.extract %slice3A_1271[0] : i32 from vector<1xi32>
          %eq3A_1273 = arith.constant 0 : i32
          %eq3A_1274 = arith.cmpi eq, %squeeze3A_1272, %eq3A_1273 : i32
          %convert_element_type3A_1275 = arith.extui %eq3A_1274 : i1 to i32
          %cond3A_1276 = arith.constant 0 : i32
          %cond3A_1277 = arith.cmpi ne, %convert_element_type3A_1275, %cond3A_1276 : i32
          scf.if %cond3A_1277 {
            %add3A_1369 = arith.constant 2 : i32
            %add3A_1370 = arith.addi %add3A_1257, %add3A_1369 : i32
            %swap3A_1371 = arith.index_cast %add3A_1370 : i32 to index
            %swap3A_1372 = arith.constant 0 : index
            %swap3A_1373 = tpu.vector_load %arg9[%swap3A_1371, %swap3A_1372] {strides = array<i32>} : memref<1024x32xf32, #tpu.memory_space<vmem>>, vector<1x16xf32>,
            %swap3A_1374 = vector.shape_cast %swap3A_1373 : vector<1x16xf32> to vector<16xf32>
            %swap3A_1375 = vector.shape_cast %broadcast_in_dim3A_10 : vector<16xf32> to vector<1x16xf32>
            tpu.vector_store %arg9[%swap3A_1371, %swap3A_1372], %swap3A_1375 {strides = array<i32>} : memref<1024x32xf32, #tpu.memory_space<vmem>>, vector<1x16xf32>,
            %add3A_1376 = arith.constant 2 : i32
            %add3A_1377 = arith.addi %add3A_1257, %add3A_1376 : i32
            %swap3A_1378 = arith.index_cast %add3A_1377 : i32 to index
            %swap3A_1379 = arith.constant 16 : index
            %swap3A_1380 = tpu.vector_load %arg9[%swap3A_1378, %swap3A_1379] {strides = array<i32>} : memref<1024x32xf32, #tpu.memory_space<vmem>>, vector<1x16xf32>,
            %swap3A_1381 = vector.shape_cast %swap3A_1380 : vector<1x16xf32> to vector<16xf32>
            %swap3A_1382 = vector.shape_cast %broadcast_in_dim3A_10 : vector<16xf32> to vector<1x16xf32>
            tpu.vector_store %arg9[%swap3A_1378, %swap3A_1379], %swap3A_1382 {strides = array<i32>} : memref<1024x32xf32, #tpu.memory_space<vmem>>, vector<1x16xf32>,
          } else {
          }
          %slice3A_1278 = vector.extract_strided_slice %min3A_1253 {offsets = [3], sizes = [1], strides = [1]} : vector<16xi32> to vector<1xi32>
          %squeeze3A_1279 = vector.extract %slice3A_1278[0] : i32 from vector<1xi32>
          %eq3A_1280 = arith.constant 0 : i32
          %eq3A_1281 = arith.cmpi eq, %squeeze3A_1279, %eq3A_1280 : i32
          %convert_element_type3A_1282 = arith.extui %eq3A_1281 : i1 to i32
          %cond3A_1283 = arith.constant 0 : i32
          %cond3A_1284 = arith.cmpi ne, %convert_element_type3A_1282, %cond3A_1283 : i32
          scf.if %cond3A_1284 {
            %add3A_1369 = arith.constant 3 : i32
            %add3A_1370 = arith.addi %add3A_1257, %add3A_1369 : i32
            %swap3A_1371 = arith.index_cast %add3A_1370 : i32 to index
            %swap3A_1372 = arith.constant 0 : index
            %swap3A_1373 = tpu.vector_load %arg9[%swap3A_1371, %swap3A_1372] {strides = array<i32>} : memref<1024x32xf32, #tpu.memory_space<vmem>>, vector<1x16xf32>,
            %swap3A_1374 = vector.shape_cast %swap3A_1373 : vector<1x16xf32> to vector<16xf32>
            %swap3A_1375 = vector.shape_cast %broadcast_in_dim3A_10 : vector<16xf32> to vector<1x16xf32>
            tpu.vector_store %arg9[%swap3A_1371, %swap3A_1372], %swap3A_1375 {strides = array<i32>} : memref<1024x32xf32, #tpu.memory_space<vmem>>, vector<1x16xf32>,
            %add3A_1376 = arith.constant 3 : i32
            %add3A_1377 = arith.addi %add3A_1257, %add3A_1376 : i32
            %swap3A_1378 = arith.index_cast %add3A_1377 : i32 to index
            %swap3A_1379 = arith.constant 16 : index
            %swap3A_1380 = tpu.vector_load %arg9[%swap3A_1378, %swap3A_1379] {strides = array<i32>} : memref<1024x32xf32, #tpu.memory_space<vmem>>, vector<1x16xf32>,
            %swap3A_1381 = vector.shape_cast %swap3A_1380 : vector<1x16xf32> to vector<16xf32>
            %swap3A_1382 = vector.shape_cast %broadcast_in_dim3A_10 : vector<16xf32> to vector<1x16xf32>
            tpu.vector_store %arg9[%swap3A_1378, %swap3A_1379], %swap3A_1382 {strides = array<i32>} : memref<1024x32xf32, #tpu.memory_space<vmem>>, vector<1x16xf32>,
          } else {
          }
          %slice3A_1285 = vector.extract_strided_slice %min3A_1253 {offsets = [4], sizes = [1], strides = [1]} : vector<16xi32> to vector<1xi32>
          %squeeze3A_1286 = vector.extract %slice3A_1285[0] : i32 from vector<1xi32>
          %eq3A_1287 = arith.constant 0 : i32
          %eq3A_1288 = arith.cmpi eq, %squeeze3A_1286, %eq3A_1287 : i32
          %convert_element_type3A_1289 = arith.extui %eq3A_1288 : i1 to i32
          %cond3A_1290 = arith.constant 0 : i32
          %cond3A_1291 = arith.cmpi ne, %convert_element_type3A_1289, %cond3A_1290 : i32
          scf.if %cond3A_1291 {
            %add3A_1369 = arith.constant 4 : i32
            %add3A_1370 = arith.addi %add3A_1257, %add3A_1369 : i32
            %swap3A_1371 = arith.index_cast %add3A_1370 : i32 to index
            %swap3A_1372 = arith.constant 0 : index
            %swap3A_1373 = tpu.vector_load %arg9[%swap3A_1371, %swap3A_1372] {strides = array<i32>} : memref<1024x32xf32, #tpu.memory_space<vmem>>, vector<1x16xf32>,
            %swap3A_1374 = vector.shape_cast %swap3A_1373 : vector<1x16xf32> to vector<16xf32>
            %swap3A_1375 = vector.shape_cast %broadcast_in_dim3A_10 : vector<16xf32> to vector<1x16xf32>
            tpu.vector_store %arg9[%swap3A_1371, %swap3A_1372], %swap3A_1375 {strides = array<i32>} : memref<1024x32xf32, #tpu.memory_space<vmem>>, vector<1x16xf32>,
            %add3A_1376 = arith.constant 4 : i32
            %add3A_1377 = arith.addi %add3A_1257, %add3A_1376 : i32
            %swap3A_1378 = arith.index_cast %add3A_1377 : i32 to index
            %swap3A_1379 = arith.constant 16 : index
            %swap3A_1380 = tpu.vector_load %arg9[%swap3A_1378, %swap3A_1379] {strides = array<i32>} : memref<1024x32xf32, #tpu.memory_space<vmem>>, vector<1x16xf32>,
            %swap3A_1381 = vector.shape_cast %swap3A_1380 : vector<1x16xf32> to vector<16xf32>
            %swap3A_1382 = vector.shape_cast %broadcast_in_dim3A_10 : vector<16xf32> to vector<1x16xf32>
            tpu.vector_store %arg9[%swap3A_1378, %swap3A_1379], %swap3A_1382 {strides = array<i32>} : memref<1024x32xf32, #tpu.memory_space<vmem>>, vector<1x16xf32>,
          } else {
          }
          %slice3A_1292 = vector.extract_strided_slice %min3A_1253 {offsets = [5], sizes = [1], strides = [1]} : vector<16xi32> to vector<1xi32>
          %squeeze3A_1293 = vector.extract %slice3A_1292[0] : i32 from vector<1xi32>
          %eq3A_1294 = arith.constant 0 : i32
          %eq3A_1295 = arith.cmpi eq, %squeeze3A_1293, %eq3A_1294 : i32
          %convert_element_type3A_1296 = arith.extui %eq3A_1295 : i1 to i32
          %cond3A_1297 = arith.constant 0 : i32
          %cond3A_1298 = arith.cmpi ne, %convert_element_type3A_1296, %cond3A_1297 : i32
          scf.if %cond3A_1298 {
            %add3A_1369 = arith.constant 5 : i32
            %add3A_1370 = arith.addi %add3A_1257, %add3A_1369 : i32
            %swap3A_1371 = arith.index_cast %add3A_1370 : i32 to index
            %swap3A_1372 = arith.constant 0 : index
            %swap3A_1373 = tpu.vector_load %arg9[%swap3A_1371, %swap3A_1372] {strides = array<i32>} : memref<1024x32xf32, #tpu.memory_space<vmem>>, vector<1x16xf32>,
            %swap3A_1374 = vector.shape_cast %swap3A_1373 : vector<1x16xf32> to vector<16xf32>
            %swap3A_1375 = vector.shape_cast %broadcast_in_dim3A_10 : vector<16xf32> to vector<1x16xf32>
            tpu.vector_store %arg9[%swap3A_1371, %swap3A_1372], %swap3A_1375 {strides = array<i32>} : memref<1024x32xf32, #tpu.memory_space<vmem>>, vector<1x16xf32>,
            %add3A_1376 = arith.constant 5 : i32
            %add3A_1377 = arith.addi %add3A_1257, %add3A_1376 : i32
            %swap3A_1378 = arith.index_cast %add3A_1377 : i32 to index
            %swap3A_1379 = arith.constant 16 : index
            %swap3A_1380 = tpu.vector_load %arg9[%swap3A_1378, %swap3A_1379] {strides = array<i32>} : memref<1024x32xf32, #tpu.memory_space<vmem>>, vector<1x16xf32>,
            %swap3A_1381 = vector.shape_cast %swap3A_1380 : vector<1x16xf32> to vector<16xf32>
            %swap3A_1382 = vector.shape_cast %broadcast_in_dim3A_10 : vector<16xf32> to vector<1x16xf32>
            tpu.vector_store %arg9[%swap3A_1378, %swap3A_1379], %swap3A_1382 {strides = array<i32>} : memref<1024x32xf32, #tpu.memory_space<vmem>>, vector<1x16xf32>,
          } else {
          }
          %slice3A_1299 = vector.extract_strided_slice %min3A_1253 {offsets = [6], sizes = [1], strides = [1]} : vector<16xi32> to vector<1xi32>
          %squeeze3A_1300 = vector.extract %slice3A_1299[0] : i32 from vector<1xi32>
          %eq3A_1301 = arith.constant 0 : i32
          %eq3A_1302 = arith.cmpi eq, %squeeze3A_1300, %eq3A_1301 : i32
          %convert_element_type3A_1303 = arith.extui %eq3A_1302 : i1 to i32
          %cond3A_1304 = arith.constant 0 : i32
          %cond3A_1305 = arith.cmpi ne, %convert_element_type3A_1303, %cond3A_1304 : i32
          scf.if %cond3A_1305 {
            %add3A_1369 = arith.constant 6 : i32
            %add3A_1370 = arith.addi %add3A_1257, %add3A_1369 : i32
            %swap3A_1371 = arith.index_cast %add3A_1370 : i32 to index
            %swap3A_1372 = arith.constant 0 : index
            %swap3A_1373 = tpu.vector_load %arg9[%swap3A_1371, %swap3A_1372] {strides = array<i32>} : memref<1024x32xf32, #tpu.memory_space<vmem>>, vector<1x16xf32>,
            %swap3A_1374 = vector.shape_cast %swap3A_1373 : vector<1x16xf32> to vector<16xf32>
            %swap3A_1375 = vector.shape_cast %broadcast_in_dim3A_10 : vector<16xf32> to vector<1x16xf32>
            tpu.vector_store %arg9[%swap3A_1371, %swap3A_1372], %swap3A_1375 {strides = array<i32>} : memref<1024x32xf32, #tpu.memory_space<vmem>>, vector<1x16xf32>,
            %add3A_1376 = arith.constant 6 : i32
            %add3A_1377 = arith.addi %add3A_1257, %add3A_1376 : i32
            %swap3A_1378 = arith.index_cast %add3A_1377 : i32 to index
            %swap3A_1379 = arith.constant 16 : index
            %swap3A_1380 = tpu.vector_load %arg9[%swap3A_1378, %swap3A_1379] {strides = array<i32>} : memref<1024x32xf32, #tpu.memory_space<vmem>>, vector<1x16xf32>,
            %swap3A_1381 = vector.shape_cast %swap3A_1380 : vector<1x16xf32> to vector<16xf32>
            %swap3A_1382 = vector.shape_cast %broadcast_in_dim3A_10 : vector<16xf32> to vector<1x16xf32>
            tpu.vector_store %arg9[%swap3A_1378, %swap3A_1379], %swap3A_1382 {strides = array<i32>} : memref<1024x32xf32, #tpu.memory_space<vmem>>, vector<1x16xf32>,
          } else {
          }
          %slice3A_1306 = vector.extract_strided_slice %min3A_1253 {offsets = [7], sizes = [1], strides = [1]} : vector<16xi32> to vector<1xi32>
          %squeeze3A_1307 = vector.extract %slice3A_1306[0] : i32 from vector<1xi32>
          %eq3A_1308 = arith.constant 0 : i32
          %eq3A_1309 = arith.cmpi eq, %squeeze3A_1307, %eq3A_1308 : i32
          %convert_element_type3A_1310 = arith.extui %eq3A_1309 : i1 to i32
          %cond3A_1311 = arith.constant 0 : i32
          %cond3A_1312 = arith.cmpi ne, %convert_element_type3A_1310, %cond3A_1311 : i32
          scf.if %cond3A_1312 {
            %add3A_1369 = arith.constant 7 : i32
            %add3A_1370 = arith.addi %add3A_1257, %add3A_1369 : i32
            %swap3A_1371 = arith.index_cast %add3A_1370 : i32 to index
            %swap3A_1372 = arith.constant 0 : index
            %swap3A_1373 = tpu.vector_load %arg9[%swap3A_1371, %swap3A_1372] {strides = array<i32>} : memref<1024x32xf32, #tpu.memory_space<vmem>>, vector<1x16xf32>,
            %swap3A_1374 = vector.shape_cast %swap3A_1373 : vector<1x16xf32> to vector<16xf32>
            %swap3A_1375 = vector.shape_cast %broadcast_in_dim3A_10 : vector<16xf32> to vector<1x16xf32>
            tpu.vector_store %arg9[%swap3A_1371, %swap3A_1372], %swap3A_1375 {strides = array<i32>} : memref<1024x32xf32, #tpu.memory_space<vmem>>, vector<1x16xf32>,
            %add3A_1376 = arith.constant 7 : i32
            %add3A_1377 = arith.addi %add3A_1257, %add3A_1376 : i32
            %swap3A_1378 = arith.index_cast %add3A_1377 : i32 to index
            %swap3A_1379 = arith.constant 16 : index
            %swap3A_1380 = tpu.vector_load %arg9[%swap3A_1378, %swap3A_1379] {strides = array<i32>} : memref<1024x32xf32, #tpu.memory_space<vmem>>, vector<1x16xf32>,
            %swap3A_1381 = vector.shape_cast %swap3A_1380 : vector<1x16xf32> to vector<16xf32>
            %swap3A_1382 = vector.shape_cast %broadcast_in_dim3A_10 : vector<16xf32> to vector<1x16xf32>
            tpu.vector_store %arg9[%swap3A_1378, %swap3A_1379], %swap3A_1382 {strides = array<i32>} : memref<1024x32xf32, #tpu.memory_space<vmem>>, vector<1x16xf32>,
          } else {
          }
          %slice3A_1313 = vector.extract_strided_slice %min3A_1253 {offsets = [8], sizes = [1], strides = [1]} : vector<16xi32> to vector<1xi32>
          %squeeze3A_1314 = vector.extract %slice3A_1313[0] : i32 from vector<1xi32>
          %eq3A_1315 = arith.constant 0 : i32
          %eq3A_1316 = arith.cmpi eq, %squeeze3A_1314, %eq3A_1315 : i32
          %convert_element_type3A_1317 = arith.extui %eq3A_1316 : i1 to i32
          %cond3A_1318 = arith.constant 0 : i32
          %cond3A_1319 = arith.cmpi ne, %convert_element_type3A_1317, %cond3A_1318 : i32
          scf.if %cond3A_1319 {
            %add3A_1369 = arith.constant 8 : i32
            %add3A_1370 = arith.addi %add3A_1257, %add3A_1369 : i32
            %swap3A_1371 = arith.index_cast %add3A_1370 : i32 to index
            %swap3A_1372 = arith.constant 0 : index
            %swap3A_1373 = tpu.vector_load %arg9[%swap3A_1371, %swap3A_1372] {strides = array<i32>} : memref<1024x32xf32, #tpu.memory_space<vmem>>, vector<1x16xf32>,
            %swap3A_1374 = vector.shape_cast %swap3A_1373 : vector<1x16xf32> to vector<16xf32>
            %swap3A_1375 = vector.shape_cast %broadcast_in_dim3A_10 : vector<16xf32> to vector<1x16xf32>
            tpu.vector_store %arg9[%swap3A_1371, %swap3A_1372], %swap3A_1375 {strides = array<i32>} : memref<1024x32xf32, #tpu.memory_space<vmem>>, vector<1x16xf32>,
            %add3A_1376 = arith.constant 8 : i32
            %add3A_1377 = arith.addi %add3A_1257, %add3A_1376 : i32
            %swap3A_1378 = arith.index_cast %add3A_1377 : i32 to index
            %swap3A_1379 = arith.constant 16 : index
            %swap3A_1380 = tpu.vector_load %arg9[%swap3A_1378, %swap3A_1379] {strides = array<i32>} : memref<1024x32xf32, #tpu.memory_space<vmem>>, vector<1x16xf32>,
            %swap3A_1381 = vector.shape_cast %swap3A_1380 : vector<1x16xf32> to vector<16xf32>
            %swap3A_1382 = vector.shape_cast %broadcast_in_dim3A_10 : vector<16xf32> to vector<1x16xf32>
            tpu.vector_store %arg9[%swap3A_1378, %swap3A_1379], %swap3A_1382 {strides = array<i32>} : memref<1024x32xf32, #tpu.memory_space<vmem>>, vector<1x16xf32>,
          } else {
          }
          %slice3A_1320 = vector.extract_strided_slice %min3A_1253 {offsets = [9], sizes = [1], strides = [1]} : vector<16xi32> to vector<1xi32>
          %squeeze3A_1321 = vector.extract %slice3A_1320[0] : i32 from vector<1xi32>
          %eq3A_1322 = arith.constant 0 : i32
          %eq3A_1323 = arith.cmpi eq, %squeeze3A_1321, %eq3A_1322 : i32
          %convert_element_type3A_1324 = arith.extui %eq3A_1323 : i1 to i32
          %cond3A_1325 = arith.constant 0 : i32
          %cond3A_1326 = arith.cmpi ne, %convert_element_type3A_1324, %cond3A_1325 : i32
          scf.if %cond3A_1326 {
            %add3A_1369 = arith.constant 9 : i32
            %add3A_1370 = arith.addi %add3A_1257, %add3A_1369 : i32
            %swap3A_1371 = arith.index_cast %add3A_1370 : i32 to index
            %swap3A_1372 = arith.constant 0 : index
            %swap3A_1373 = tpu.vector_load %arg9[%swap3A_1371, %swap3A_1372] {strides = array<i32>} : memref<1024x32xf32, #tpu.memory_space<vmem>>, vector<1x16xf32>,
            %swap3A_1374 = vector.shape_cast %swap3A_1373 : vector<1x16xf32> to vector<16xf32>
            %swap3A_1375 = vector.shape_cast %broadcast_in_dim3A_10 : vector<16xf32> to vector<1x16xf32>
            tpu.vector_store %arg9[%swap3A_1371, %swap3A_1372], %swap3A_1375 {strides = array<i32>} : memref<1024x32xf32, #tpu.memory_space<vmem>>, vector<1x16xf32>,
            %add3A_1376 = arith.constant 9 : i32
            %add3A_1377 = arith.addi %add3A_1257, %add3A_1376 : i32
            %swap3A_1378 = arith.index_cast %add3A_1377 : i32 to index
            %swap3A_1379 = arith.constant 16 : index
            %swap3A_1380 = tpu.vector_load %arg9[%swap3A_1378, %swap3A_1379] {strides = array<i32>} : memref<1024x32xf32, #tpu.memory_space<vmem>>, vector<1x16xf32>,
            %swap3A_1381 = vector.shape_cast %swap3A_1380 : vector<1x16xf32> to vector<16xf32>
            %swap3A_1382 = vector.shape_cast %broadcast_in_dim3A_10 : vector<16xf32> to vector<1x16xf32>
            tpu.vector_store %arg9[%swap3A_1378, %swap3A_1379], %swap3A_1382 {strides = array<i32>} : memref<1024x32xf32, #tpu.memory_space<vmem>>, vector<1x16xf32>,
          } else {
          }
          %slice3A_1327 = vector.extract_strided_slice %min3A_1253 {offsets = [10], sizes = [1], strides = [1]} : vector<16xi32> to vector<1xi32>
          %squeeze3A_1328 = vector.extract %slice3A_1327[0] : i32 from vector<1xi32>
          %eq3A_1329 = arith.constant 0 : i32
          %eq3A_1330 = arith.cmpi eq, %squeeze3A_1328, %eq3A_1329 : i32
          %convert_element_type3A_1331 = arith.extui %eq3A_1330 : i1 to i32
          %cond3A_1332 = arith.constant 0 : i32
          %cond3A_1333 = arith.cmpi ne, %convert_element_type3A_1331, %cond3A_1332 : i32
          scf.if %cond3A_1333 {
            %add3A_1369 = arith.constant 10 : i32
            %add3A_1370 = arith.addi %add3A_1257, %add3A_1369 : i32
            %swap3A_1371 = arith.index_cast %add3A_1370 : i32 to index
            %swap3A_1372 = arith.constant 0 : index
            %swap3A_1373 = tpu.vector_load %arg9[%swap3A_1371, %swap3A_1372] {strides = array<i32>} : memref<1024x32xf32, #tpu.memory_space<vmem>>, vector<1x16xf32>,
            %swap3A_1374 = vector.shape_cast %swap3A_1373 : vector<1x16xf32> to vector<16xf32>
            %swap3A_1375 = vector.shape_cast %broadcast_in_dim3A_10 : vector<16xf32> to vector<1x16xf32>
            tpu.vector_store %arg9[%swap3A_1371, %swap3A_1372], %swap3A_1375 {strides = array<i32>} : memref<1024x32xf32, #tpu.memory_space<vmem>>, vector<1x16xf32>,
            %add3A_1376 = arith.constant 10 : i32
            %add3A_1377 = arith.addi %add3A_1257, %add3A_1376 : i32
            %swap3A_1378 = arith.index_cast %add3A_1377 : i32 to index
            %swap3A_1379 = arith.constant 16 : index
            %swap3A_1380 = tpu.vector_load %arg9[%swap3A_1378, %swap3A_1379] {strides = array<i32>} : memref<1024x32xf32, #tpu.memory_space<vmem>>, vector<1x16xf32>,
            %swap3A_1381 = vector.shape_cast %swap3A_1380 : vector<1x16xf32> to vector<16xf32>
            %swap3A_1382 = vector.shape_cast %broadcast_in_dim3A_10 : vector<16xf32> to vector<1x16xf32>
            tpu.vector_store %arg9[%swap3A_1378, %swap3A_1379], %swap3A_1382 {strides = array<i32>} : memref<1024x32xf32, #tpu.memory_space<vmem>>, vector<1x16xf32>,
          } else {
          }
          %slice3A_1334 = vector.extract_strided_slice %min3A_1253 {offsets = [11], sizes = [1], strides = [1]} : vector<16xi32> to vector<1xi32>
          %squeeze3A_1335 = vector.extract %slice3A_1334[0] : i32 from vector<1xi32>
          %eq3A_1336 = arith.constant 0 : i32
          %eq3A_1337 = arith.cmpi eq, %squeeze3A_1335, %eq3A_1336 : i32
          %convert_element_type3A_1338 = arith.extui %eq3A_1337 : i1 to i32
          %cond3A_1339 = arith.constant 0 : i32
          %cond3A_1340 = arith.cmpi ne, %convert_element_type3A_1338, %cond3A_1339 : i32
          scf.if %cond3A_1340 {
            %add3A_1369 = arith.constant 11 : i32
            %add3A_1370 = arith.addi %add3A_1257, %add3A_1369 : i32
            %swap3A_1371 = arith.index_cast %add3A_1370 : i32 to index
            %swap3A_1372 = arith.constant 0 : index
            %swap3A_1373 = tpu.vector_load %arg9[%swap3A_1371, %swap3A_1372] {strides = array<i32>} : memref<1024x32xf32, #tpu.memory_space<vmem>>, vector<1x16xf32>,
            %swap3A_1374 = vector.shape_cast %swap3A_1373 : vector<1x16xf32> to vector<16xf32>
            %swap3A_1375 = vector.shape_cast %broadcast_in_dim3A_10 : vector<16xf32> to vector<1x16xf32>
            tpu.vector_store %arg9[%swap3A_1371, %swap3A_1372], %swap3A_1375 {strides = array<i32>} : memref<1024x32xf32, #tpu.memory_space<vmem>>, vector<1x16xf32>,
            %add3A_1376 = arith.constant 11 : i32
            %add3A_1377 = arith.addi %add3A_1257, %add3A_1376 : i32
            %swap3A_1378 = arith.index_cast %add3A_1377 : i32 to index
            %swap3A_1379 = arith.constant 16 : index
            %swap3A_1380 = tpu.vector_load %arg9[%swap3A_1378, %swap3A_1379] {strides = array<i32>} : memref<1024x32xf32, #tpu.memory_space<vmem>>, vector<1x16xf32>,
            %swap3A_1381 = vector.shape_cast %swap3A_1380 : vector<1x16xf32> to vector<16xf32>
            %swap3A_1382 = vector.shape_cast %broadcast_in_dim3A_10 : vector<16xf32> to vector<1x16xf32>
            tpu.vector_store %arg9[%swap3A_1378, %swap3A_1379], %swap3A_1382 {strides = array<i32>} : memref<1024x32xf32, #tpu.memory_space<vmem>>, vector<1x16xf32>,
          } else {
          }
          %slice3A_1341 = vector.extract_strided_slice %min3A_1253 {offsets = [12], sizes = [1], strides = [1]} : vector<16xi32> to vector<1xi32>
          %squeeze3A_1342 = vector.extract %slice3A_1341[0] : i32 from vector<1xi32>
          %eq3A_1343 = arith.constant 0 : i32
          %eq3A_1344 = arith.cmpi eq, %squeeze3A_1342, %eq3A_1343 : i32
          %convert_element_type3A_1345 = arith.extui %eq3A_1344 : i1 to i32
          %cond3A_1346 = arith.constant 0 : i32
          %cond3A_1347 = arith.cmpi ne, %convert_element_type3A_1345, %cond3A_1346 : i32
          scf.if %cond3A_1347 {
            %add3A_1369 = arith.constant 12 : i32
            %add3A_1370 = arith.addi %add3A_1257, %add3A_1369 : i32
            %swap3A_1371 = arith.index_cast %add3A_1370 : i32 to index
            %swap3A_1372 = arith.constant 0 : index
            %swap3A_1373 = tpu.vector_load %arg9[%swap3A_1371, %swap3A_1372] {strides = array<i32>} : memref<1024x32xf32, #tpu.memory_space<vmem>>, vector<1x16xf32>,
            %swap3A_1374 = vector.shape_cast %swap3A_1373 : vector<1x16xf32> to vector<16xf32>
            %swap3A_1375 = vector.shape_cast %broadcast_in_dim3A_10 : vector<16xf32> to vector<1x16xf32>
            tpu.vector_store %arg9[%swap3A_1371, %swap3A_1372], %swap3A_1375 {strides = array<i32>} : memref<1024x32xf32, #tpu.memory_space<vmem>>, vector<1x16xf32>,
            %add3A_1376 = arith.constant 12 : i32
            %add3A_1377 = arith.addi %add3A_1257, %add3A_1376 : i32
            %swap3A_1378 = arith.index_cast %add3A_1377 : i32 to index
            %swap3A_1379 = arith.constant 16 : index
            %swap3A_1380 = tpu.vector_load %arg9[%swap3A_1378, %swap3A_1379] {strides = array<i32>} : memref<1024x32xf32, #tpu.memory_space<vmem>>, vector<1x16xf32>,
            %swap3A_1381 = vector.shape_cast %swap3A_1380 : vector<1x16xf32> to vector<16xf32>
            %swap3A_1382 = vector.shape_cast %broadcast_in_dim3A_10 : vector<16xf32> to vector<1x16xf32>
            tpu.vector_store %arg9[%swap3A_1378, %swap3A_1379], %swap3A_1382 {strides = array<i32>} : memref<1024x32xf32, #tpu.memory_space<vmem>>, vector<1x16xf32>,
          } else {
          }
          %slice3A_1348 = vector.extract_strided_slice %min3A_1253 {offsets = [13], sizes = [1], strides = [1]} : vector<16xi32> to vector<1xi32>
          %squeeze3A_1349 = vector.extract %slice3A_1348[0] : i32 from vector<1xi32>
          %eq3A_1350 = arith.constant 0 : i32
          %eq3A_1351 = arith.cmpi eq, %squeeze3A_1349, %eq3A_1350 : i32
          %convert_element_type3A_1352 = arith.extui %eq3A_1351 : i1 to i32
          %cond3A_1353 = arith.constant 0 : i32
          %cond3A_1354 = arith.cmpi ne, %convert_element_type3A_1352, %cond3A_1353 : i32
          scf.if %cond3A_1354 {
            %add3A_1369 = arith.constant 13 : i32
            %add3A_1370 = arith.addi %add3A_1257, %add3A_1369 : i32
            %swap3A_1371 = arith.index_cast %add3A_1370 : i32 to index
            %swap3A_1372 = arith.constant 0 : index
            %swap3A_1373 = tpu.vector_load %arg9[%swap3A_1371, %swap3A_1372] {strides = array<i32>} : memref<1024x32xf32, #tpu.memory_space<vmem>>, vector<1x16xf32>,
            %swap3A_1374 = vector.shape_cast %swap3A_1373 : vector<1x16xf32> to vector<16xf32>
            %swap3A_1375 = vector.shape_cast %broadcast_in_dim3A_10 : vector<16xf32> to vector<1x16xf32>
            tpu.vector_store %arg9[%swap3A_1371, %swap3A_1372], %swap3A_1375 {strides = array<i32>} : memref<1024x32xf32, #tpu.memory_space<vmem>>, vector<1x16xf32>,
            %add3A_1376 = arith.constant 13 : i32
            %add3A_1377 = arith.addi %add3A_1257, %add3A_1376 : i32
            %swap3A_1378 = arith.index_cast %add3A_1377 : i32 to index
            %swap3A_1379 = arith.constant 16 : index
            %swap3A_1380 = tpu.vector_load %arg9[%swap3A_1378, %swap3A_1379] {strides = array<i32>} : memref<1024x32xf32, #tpu.memory_space<vmem>>, vector<1x16xf32>,
            %swap3A_1381 = vector.shape_cast %swap3A_1380 : vector<1x16xf32> to vector<16xf32>
            %swap3A_1382 = vector.shape_cast %broadcast_in_dim3A_10 : vector<16xf32> to vector<1x16xf32>
            tpu.vector_store %arg9[%swap3A_1378, %swap3A_1379], %swap3A_1382 {strides = array<i32>} : memref<1024x32xf32, #tpu.memory_space<vmem>>, vector<1x16xf32>,
          } else {
          }
          %slice3A_1355 = vector.extract_strided_slice %min3A_1253 {offsets = [14], sizes = [1], strides = [1]} : vector<16xi32> to vector<1xi32>
          %squeeze3A_1356 = vector.extract %slice3A_1355[0] : i32 from vector<1xi32>
          %eq3A_1357 = arith.constant 0 : i32
          %eq3A_1358 = arith.cmpi eq, %squeeze3A_1356, %eq3A_1357 : i32
          %convert_element_type3A_1359 = arith.extui %eq3A_1358 : i1 to i32
          %cond3A_1360 = arith.constant 0 : i32
          %cond3A_1361 = arith.cmpi ne, %convert_element_type3A_1359, %cond3A_1360 : i32
          scf.if %cond3A_1361 {
            %add3A_1369 = arith.constant 14 : i32
            %add3A_1370 = arith.addi %add3A_1257, %add3A_1369 : i32
            %swap3A_1371 = arith.index_cast %add3A_1370 : i32 to index
            %swap3A_1372 = arith.constant 0 : index
            %swap3A_1373 = tpu.vector_load %arg9[%swap3A_1371, %swap3A_1372] {strides = array<i32>} : memref<1024x32xf32, #tpu.memory_space<vmem>>, vector<1x16xf32>,
            %swap3A_1374 = vector.shape_cast %swap3A_1373 : vector<1x16xf32> to vector<16xf32>
            %swap3A_1375 = vector.shape_cast %broadcast_in_dim3A_10 : vector<16xf32> to vector<1x16xf32>
            tpu.vector_store %arg9[%swap3A_1371, %swap3A_1372], %swap3A_1375 {strides = array<i32>} : memref<1024x32xf32, #tpu.memory_space<vmem>>, vector<1x16xf32>,
            %add3A_1376 = arith.constant 14 : i32
            %add3A_1377 = arith.addi %add3A_1257, %add3A_1376 : i32
            %swap3A_1378 = arith.index_cast %add3A_1377 : i32 to index
            %swap3A_1379 = arith.constant 16 : index
            %swap3A_1380 = tpu.vector_load %arg9[%swap3A_1378, %swap3A_1379] {strides = array<i32>} : memref<1024x32xf32, #tpu.memory_space<vmem>>, vector<1x16xf32>,
            %swap3A_1381 = vector.shape_cast %swap3A_1380 : vector<1x16xf32> to vector<16xf32>
            %swap3A_1382 = vector.shape_cast %broadcast_in_dim3A_10 : vector<16xf32> to vector<1x16xf32>
            tpu.vector_store %arg9[%swap3A_1378, %swap3A_1379], %swap3A_1382 {strides = array<i32>} : memref<1024x32xf32, #tpu.memory_space<vmem>>, vector<1x16xf32>,
          } else {
          }
          %slice3A_1362 = vector.extract_strided_slice %min3A_1253 {offsets = [15], sizes = [1], strides = [1]} : vector<16xi32> to vector<1xi32>
          %squeeze3A_1363 = vector.extract %slice3A_1362[0] : i32 from vector<1xi32>
          %eq3A_1364 = arith.constant 0 : i32
          %eq3A_1365 = arith.cmpi eq, %squeeze3A_1363, %eq3A_1364 : i32
          %convert_element_type3A_1366 = arith.extui %eq3A_1365 : i1 to i32
          %cond3A_1367 = arith.constant 0 : i32
          %cond3A_1368 = arith.cmpi ne, %convert_element_type3A_1366, %cond3A_1367 : i32
          scf.if %cond3A_1368 {
            %add3A_1369 = arith.constant 15 : i32
            %add3A_1370 = arith.addi %add3A_1257, %add3A_1369 : i32
            %swap3A_1371 = arith.index_cast %add3A_1370 : i32 to index
            %swap3A_1372 = arith.constant 0 : index
            %swap3A_1373 = tpu.vector_load %arg9[%swap3A_1371, %swap3A_1372] {strides = array<i32>} : memref<1024x32xf32, #tpu.memory_space<vmem>>, vector<1x16xf32>,
            %swap3A_1374 = vector.shape_cast %swap3A_1373 : vector<1x16xf32> to vector<16xf32>
            %swap3A_1375 = vector.shape_cast %broadcast_in_dim3A_10 : vector<16xf32> to vector<1x16xf32>
            tpu.vector_store %arg9[%swap3A_1371, %swap3A_1372], %swap3A_1375 {strides = array<i32>} : memref<1024x32xf32, #tpu.memory_space<vmem>>, vector<1x16xf32>,
            %add3A_1376 = arith.constant 15 : i32
            %add3A_1377 = arith.addi %add3A_1257, %add3A_1376 : i32
            %swap3A_1378 = arith.index_cast %add3A_1377 : i32 to index
            %swap3A_1379 = arith.constant 16 : index
            %swap3A_1380 = tpu.vector_load %arg9[%swap3A_1378, %swap3A_1379] {strides = array<i32>} : memref<1024x32xf32, #tpu.memory_space<vmem>>, vector<1x16xf32>,
            %swap3A_1381 = vector.shape_cast %swap3A_1380 : vector<1x16xf32> to vector<16xf32>
            %swap3A_1382 = vector.shape_cast %broadcast_in_dim3A_10 : vector<16xf32> to vector<1x16xf32>
            tpu.vector_store %arg9[%swap3A_1378, %swap3A_1379], %swap3A_1382 {strides = array<i32>} : memref<1024x32xf32, #tpu.memory_space<vmem>>, vector<1x16xf32>,
          } else {
          }
        }
        %scan3A_1244 = arith.constant 8 : i32
      } else {
      }
      %mul3A_1158 = arith.constant 8 : i32
      %mul3A_1159 = arith.muli %scan3A_15, %mul3A_1158 : i32
      %add3A_1160 = arith.constant 1 : i32
      %add3A_1161 = arith.addi %mul3A_1159, %add3A_1160 : i32
      %slice3A_1162 = vector.extract_strided_slice %get3A_1151 {offsets = [1], sizes = [1], strides = [1]} : vector<16xi32> to vector<1xi32>
      %squeeze3A_1163 = vector.extract %slice3A_1162[0] : i32 from vector<1xi32>
      %ne3A_1164 = arith.constant 0 : i32
      %ne3A_1165 = arith.cmpi ne, %squeeze3A_1163, %ne3A_1164 : i32
      %convert_element_type3A_1166 = arith.extui %ne3A_1165 : i1 to i32
      %cond3A_1167 = arith.constant 0 : i32
      %cond3A_1168 = arith.cmpi ne, %convert_element_type3A_1166, %cond3A_1167 : i32
      scf.if %cond3A_1168 {
        %scan3A_1240 = arith.constant 0 : i32
        %scan3A_1241 = arith.constant 8 : i32
        %scan3A_1242 = arith.addi %scan3A_1240, %scan3A_1241 : i32
        %scan3A_1243 = arith.constant 1 : i32
        scf.for %scan3A_1245 = %scan3A_1240 to %scan3A_1242 step %scan3A_1243  : i32 {
          %mul3A_1246 = arith.constant 16 : i32
          %mul3A_1247 = arith.muli %scan3A_1245, %mul3A_1246 : i32
          %get3A_1248 = arith.index_cast %add3A_1161 : i32 to index
          %get3A_1249 = arith.index_cast %mul3A_1247 : i32 to index
          %get3A_1250 = tpu.vector_load %arg6[%get3A_1248, %get3A_1249] {strides = array<i32>} : memref<104x128xi32, #tpu.memory_space<vmem>>, vector<1x16xi32>,
          %get3A_1251 = vector.shape_cast %get3A_1250 : vector<1x16xi32> to vector<16xi32>
          %min3A = arith.constant 1 : i32
          %min3A_1252 = vector.broadcast %min3A : i32 to vector<16xi32>
          %min3A_1253 = arith.minsi %get3A_1251, %min3A_1252 : vector<16xi32>
          %mul3A_1254 = arith.constant 16 : i32
          %mul3A_1255 = arith.muli %scan3A_1245, %mul3A_1254 : i32
          %add3A_1256 = arith.constant 128 : i32
          %add3A_1257 = arith.addi %add3A_1256, %mul3A_1255 : i32
          %slice3A_1258 = vector.extract_strided_slice %min3A_1253 {offsets = [0], sizes = [1], strides = [1]} : vector<16xi32> to vector<1xi32>
          %squeeze3A_1259 = vector.extract %slice3A_1258[0] : i32 from vector<1xi32>
          %eq3A = arith.constant 0 : i32
          %eq3A_1260 = arith.cmpi eq, %squeeze3A_1259, %eq3A : i32
          %convert_element_type3A_1261 = arith.extui %eq3A_1260 : i1 to i32
          %cond3A_1262 = arith.constant 0 : i32
          %cond3A_1263 = arith.cmpi ne, %convert_element_type3A_1261, %cond3A_1262 : i32
          scf.if %cond3A_1263 {
            %add3A_1369 = arith.constant 0 : i32
            %add3A_1370 = arith.addi %add3A_1257, %add3A_1369 : i32
            %swap3A_1371 = arith.index_cast %add3A_1370 : i32 to index
            %swap3A_1372 = arith.constant 0 : index
            %swap3A_1373 = tpu.vector_load %arg9[%swap3A_1371, %swap3A_1372] {strides = array<i32>} : memref<1024x32xf32, #tpu.memory_space<vmem>>, vector<1x16xf32>,
            %swap3A_1374 = vector.shape_cast %swap3A_1373 : vector<1x16xf32> to vector<16xf32>
            %swap3A_1375 = vector.shape_cast %broadcast_in_dim3A_10 : vector<16xf32> to vector<1x16xf32>
            tpu.vector_store %arg9[%swap3A_1371, %swap3A_1372], %swap3A_1375 {strides = array<i32>} : memref<1024x32xf32, #tpu.memory_space<vmem>>, vector<1x16xf32>,
            %add3A_1376 = arith.constant 0 : i32
            %add3A_1377 = arith.addi %add3A_1257, %add3A_1376 : i32
            %swap3A_1378 = arith.index_cast %add3A_1377 : i32 to index
            %swap3A_1379 = arith.constant 16 : index
            %swap3A_1380 = tpu.vector_load %arg9[%swap3A_1378, %swap3A_1379] {strides = array<i32>} : memref<1024x32xf32, #tpu.memory_space<vmem>>, vector<1x16xf32>,
            %swap3A_1381 = vector.shape_cast %swap3A_1380 : vector<1x16xf32> to vector<16xf32>
            %swap3A_1382 = vector.shape_cast %broadcast_in_dim3A_10 : vector<16xf32> to vector<1x16xf32>
            tpu.vector_store %arg9[%swap3A_1378, %swap3A_1379], %swap3A_1382 {strides = array<i32>} : memref<1024x32xf32, #tpu.memory_space<vmem>>, vector<1x16xf32>,
          } else {
          }
          %slice3A_1264 = vector.extract_strided_slice %min3A_1253 {offsets = [1], sizes = [1], strides = [1]} : vector<16xi32> to vector<1xi32>
          %squeeze3A_1265 = vector.extract %slice3A_1264[0] : i32 from vector<1xi32>
          %eq3A_1266 = arith.constant 0 : i32
          %eq3A_1267 = arith.cmpi eq, %squeeze3A_1265, %eq3A_1266 : i32
          %convert_element_type3A_1268 = arith.extui %eq3A_1267 : i1 to i32
          %cond3A_1269 = arith.constant 0 : i32
          %cond3A_1270 = arith.cmpi ne, %convert_element_type3A_1268, %cond3A_1269 : i32
          scf.if %cond3A_1270 {
            %add3A_1369 = arith.constant 1 : i32
            %add3A_1370 = arith.addi %add3A_1257, %add3A_1369 : i32
            %swap3A_1371 = arith.index_cast %add3A_1370 : i32 to index
            %swap3A_1372 = arith.constant 0 : index
            %swap3A_1373 = tpu.vector_load %arg9[%swap3A_1371, %swap3A_1372] {strides = array<i32>} : memref<1024x32xf32, #tpu.memory_space<vmem>>, vector<1x16xf32>,
            %swap3A_1374 = vector.shape_cast %swap3A_1373 : vector<1x16xf32> to vector<16xf32>
            %swap3A_1375 = vector.shape_cast %broadcast_in_dim3A_10 : vector<16xf32> to vector<1x16xf32>
            tpu.vector_store %arg9[%swap3A_1371, %swap3A_1372], %swap3A_1375 {strides = array<i32>} : memref<1024x32xf32, #tpu.memory_space<vmem>>, vector<1x16xf32>,
            %add3A_1376 = arith.constant 1 : i32
            %add3A_1377 = arith.addi %add3A_1257, %add3A_1376 : i32
            %swap3A_1378 = arith.index_cast %add3A_1377 : i32 to index
            %swap3A_1379 = arith.constant 16 : index
            %swap3A_1380 = tpu.vector_load %arg9[%swap3A_1378, %swap3A_1379] {strides = array<i32>} : memref<1024x32xf32, #tpu.memory_space<vmem>>, vector<1x16xf32>,
            %swap3A_1381 = vector.shape_cast %swap3A_1380 : vector<1x16xf32> to vector<16xf32>
            %swap3A_1382 = vector.shape_cast %broadcast_in_dim3A_10 : vector<16xf32> to vector<1x16xf32>
            tpu.vector_store %arg9[%swap3A_1378, %swap3A_1379], %swap3A_1382 {strides = array<i32>} : memref<1024x32xf32, #tpu.memory_space<vmem>>, vector<1x16xf32>,
          } else {
          }
          %slice3A_1271 = vector.extract_strided_slice %min3A_1253 {offsets = [2], sizes = [1], strides = [1]} : vector<16xi32> to vector<1xi32>
          %squeeze3A_1272 = vector.extract %slice3A_1271[0] : i32 from vector<1xi32>
          %eq3A_1273 = arith.constant 0 : i32
          %eq3A_1274 = arith.cmpi eq, %squeeze3A_1272, %eq3A_1273 : i32
          %convert_element_type3A_1275 = arith.extui %eq3A_1274 : i1 to i32
          %cond3A_1276 = arith.constant 0 : i32
          %cond3A_1277 = arith.cmpi ne, %convert_element_type3A_1275, %cond3A_1276 : i32
          scf.if %cond3A_1277 {
            %add3A_1369 = arith.constant 2 : i32
            %add3A_1370 = arith.addi %add3A_1257, %add3A_1369 : i32
            %swap3A_1371 = arith.index_cast %add3A_1370 : i32 to index
            %swap3A_1372 = arith.constant 0 : index
            %swap3A_1373 = tpu.vector_load %arg9[%swap3A_1371, %swap3A_1372] {strides = array<i32>} : memref<1024x32xf32, #tpu.memory_space<vmem>>, vector<1x16xf32>,
            %swap3A_1374 = vector.shape_cast %swap3A_1373 : vector<1x16xf32> to vector<16xf32>
            %swap3A_1375 = vector.shape_cast %broadcast_in_dim3A_10 : vector<16xf32> to vector<1x16xf32>
            tpu.vector_store %arg9[%swap3A_1371, %swap3A_1372], %swap3A_1375 {strides = array<i32>} : memref<1024x32xf32, #tpu.memory_space<vmem>>, vector<1x16xf32>,
            %add3A_1376 = arith.constant 2 : i32
            %add3A_1377 = arith.addi %add3A_1257, %add3A_1376 : i32
            %swap3A_1378 = arith.index_cast %add3A_1377 : i32 to index
            %swap3A_1379 = arith.constant 16 : index
            %swap3A_1380 = tpu.vector_load %arg9[%swap3A_1378, %swap3A_1379] {strides = array<i32>} : memref<1024x32xf32, #tpu.memory_space<vmem>>, vector<1x16xf32>,
            %swap3A_1381 = vector.shape_cast %swap3A_1380 : vector<1x16xf32> to vector<16xf32>
            %swap3A_1382 = vector.shape_cast %broadcast_in_dim3A_10 : vector<16xf32> to vector<1x16xf32>
            tpu.vector_store %arg9[%swap3A_1378, %swap3A_1379], %swap3A_1382 {strides = array<i32>} : memref<1024x32xf32, #tpu.memory_space<vmem>>, vector<1x16xf32>,
          } else {
          }
          %slice3A_1278 = vector.extract_strided_slice %min3A_1253 {offsets = [3], sizes = [1], strides = [1]} : vector<16xi32> to vector<1xi32>
          %squeeze3A_1279 = vector.extract %slice3A_1278[0] : i32 from vector<1xi32>
          %eq3A_1280 = arith.constant 0 : i32
          %eq3A_1281 = arith.cmpi eq, %squeeze3A_1279, %eq3A_1280 : i32
          %convert_element_type3A_1282 = arith.extui %eq3A_1281 : i1 to i32
          %cond3A_1283 = arith.constant 0 : i32
          %cond3A_1284 = arith.cmpi ne, %convert_element_type3A_1282, %cond3A_1283 : i32
          scf.if %cond3A_1284 {
            %add3A_1369 = arith.constant 3 : i32
            %add3A_1370 = arith.addi %add3A_1257, %add3A_1369 : i32
            %swap3A_1371 = arith.index_cast %add3A_1370 : i32 to index
            %swap3A_1372 = arith.constant 0 : index
            %swap3A_1373 = tpu.vector_load %arg9[%swap3A_1371, %swap3A_1372] {strides = array<i32>} : memref<1024x32xf32, #tpu.memory_space<vmem>>, vector<1x16xf32>,
            %swap3A_1374 = vector.shape_cast %swap3A_1373 : vector<1x16xf32> to vector<16xf32>
            %swap3A_1375 = vector.shape_cast %broadcast_in_dim3A_10 : vector<16xf32> to vector<1x16xf32>
            tpu.vector_store %arg9[%swap3A_1371, %swap3A_1372], %swap3A_1375 {strides = array<i32>} : memref<1024x32xf32, #tpu.memory_space<vmem>>, vector<1x16xf32>,
            %add3A_1376 = arith.constant 3 : i32
            %add3A_1377 = arith.addi %add3A_1257, %add3A_1376 : i32
            %swap3A_1378 = arith.index_cast %add3A_1377 : i32 to index
            %swap3A_1379 = arith.constant 16 : index
            %swap3A_1380 = tpu.vector_load %arg9[%swap3A_1378, %swap3A_1379] {strides = array<i32>} : memref<1024x32xf32, #tpu.memory_space<vmem>>, vector<1x16xf32>,
            %swap3A_1381 = vector.shape_cast %swap3A_1380 : vector<1x16xf32> to vector<16xf32>
            %swap3A_1382 = vector.shape_cast %broadcast_in_dim3A_10 : vector<16xf32> to vector<1x16xf32>
            tpu.vector_store %arg9[%swap3A_1378, %swap3A_1379], %swap3A_1382 {strides = array<i32>} : memref<1024x32xf32, #tpu.memory_space<vmem>>, vector<1x16xf32>,
          } else {
          }
          %slice3A_1285 = vector.extract_strided_slice %min3A_1253 {offsets = [4], sizes = [1], strides = [1]} : vector<16xi32> to vector<1xi32>
          %squeeze3A_1286 = vector.extract %slice3A_1285[0] : i32 from vector<1xi32>
          %eq3A_1287 = arith.constant 0 : i32
          %eq3A_1288 = arith.cmpi eq, %squeeze3A_1286, %eq3A_1287 : i32
          %convert_element_type3A_1289 = arith.extui %eq3A_1288 : i1 to i32
          %cond3A_1290 = arith.constant 0 : i32
          %cond3A_1291 = arith.cmpi ne, %convert_element_type3A_1289, %cond3A_1290 : i32
          scf.if %cond3A_1291 {
            %add3A_1369 = arith.constant 4 : i32
            %add3A_1370 = arith.addi %add3A_1257, %add3A_1369 : i32
            %swap3A_1371 = arith.index_cast %add3A_1370 : i32 to index
            %swap3A_1372 = arith.constant 0 : index
            %swap3A_1373 = tpu.vector_load %arg9[%swap3A_1371, %swap3A_1372] {strides = array<i32>} : memref<1024x32xf32, #tpu.memory_space<vmem>>, vector<1x16xf32>,
            %swap3A_1374 = vector.shape_cast %swap3A_1373 : vector<1x16xf32> to vector<16xf32>
            %swap3A_1375 = vector.shape_cast %broadcast_in_dim3A_10 : vector<16xf32> to vector<1x16xf32>
            tpu.vector_store %arg9[%swap3A_1371, %swap3A_1372], %swap3A_1375 {strides = array<i32>} : memref<1024x32xf32, #tpu.memory_space<vmem>>, vector<1x16xf32>,
            %add3A_1376 = arith.constant 4 : i32
            %add3A_1377 = arith.addi %add3A_1257, %add3A_1376 : i32
            %swap3A_1378 = arith.index_cast %add3A_1377 : i32 to index
            %swap3A_1379 = arith.constant 16 : index
            %swap3A_1380 = tpu.vector_load %arg9[%swap3A_1378, %swap3A_1379] {strides = array<i32>} : memref<1024x32xf32, #tpu.memory_space<vmem>>, vector<1x16xf32>,
            %swap3A_1381 = vector.shape_cast %swap3A_1380 : vector<1x16xf32> to vector<16xf32>
            %swap3A_1382 = vector.shape_cast %broadcast_in_dim3A_10 : vector<16xf32> to vector<1x16xf32>
            tpu.vector_store %arg9[%swap3A_1378, %swap3A_1379], %swap3A_1382 {strides = array<i32>} : memref<1024x32xf32, #tpu.memory_space<vmem>>, vector<1x16xf32>,
          } else {
          }
          %slice3A_1292 = vector.extract_strided_slice %min3A_1253 {offsets = [5], sizes = [1], strides = [1]} : vector<16xi32> to vector<1xi32>
          %squeeze3A_1293 = vector.extract %slice3A_1292[0] : i32 from vector<1xi32>
          %eq3A_1294 = arith.constant 0 : i32
          %eq3A_1295 = arith.cmpi eq, %squeeze3A_1293, %eq3A_1294 : i32
          %convert_element_type3A_1296 = arith.extui %eq3A_1295 : i1 to i32
          %cond3A_1297 = arith.constant 0 : i32
          %cond3A_1298 = arith.cmpi ne, %convert_element_type3A_1296, %cond3A_1297 : i32
          scf.if %cond3A_1298 {
            %add3A_1369 = arith.constant 5 : i32
            %add3A_1370 = arith.addi %add3A_1257, %add3A_1369 : i32
            %swap3A_1371 = arith.index_cast %add3A_1370 : i32 to index
            %swap3A_1372 = arith.constant 0 : index
            %swap3A_1373 = tpu.vector_load %arg9[%swap3A_1371, %swap3A_1372] {strides = array<i32>} : memref<1024x32xf32, #tpu.memory_space<vmem>>, vector<1x16xf32>,
            %swap3A_1374 = vector.shape_cast %swap3A_1373 : vector<1x16xf32> to vector<16xf32>
            %swap3A_1375 = vector.shape_cast %broadcast_in_dim3A_10 : vector<16xf32> to vector<1x16xf32>
            tpu.vector_store %arg9[%swap3A_1371, %swap3A_1372], %swap3A_1375 {strides = array<i32>} : memref<1024x32xf32, #tpu.memory_space<vmem>>, vector<1x16xf32>,
            %add3A_1376 = arith.constant 5 : i32
            %add3A_1377 = arith.addi %add3A_1257, %add3A_1376 : i32
            %swap3A_1378 = arith.index_cast %add3A_1377 : i32 to index
            %swap3A_1379 = arith.constant 16 : index
            %swap3A_1380 = tpu.vector_load %arg9[%swap3A_1378, %swap3A_1379] {strides = array<i32>} : memref<1024x32xf32, #tpu.memory_space<vmem>>, vector<1x16xf32>,
            %swap3A_1381 = vector.shape_cast %swap3A_1380 : vector<1x16xf32> to vector<16xf32>
            %swap3A_1382 = vector.shape_cast %broadcast_in_dim3A_10 : vector<16xf32> to vector<1x16xf32>
            tpu.vector_store %arg9[%swap3A_1378, %swap3A_1379], %swap3A_1382 {strides = array<i32>} : memref<1024x32xf32, #tpu.memory_space<vmem>>, vector<1x16xf32>,
          } else {
          }
          %slice3A_1299 = vector.extract_strided_slice %min3A_1253 {offsets = [6], sizes = [1], strides = [1]} : vector<16xi32> to vector<1xi32>
          %squeeze3A_1300 = vector.extract %slice3A_1299[0] : i32 from vector<1xi32>
          %eq3A_1301 = arith.constant 0 : i32
          %eq3A_1302 = arith.cmpi eq, %squeeze3A_1300, %eq3A_1301 : i32
          %convert_element_type3A_1303 = arith.extui %eq3A_1302 : i1 to i32
          %cond3A_1304 = arith.constant 0 : i32
          %cond3A_1305 = arith.cmpi ne, %convert_element_type3A_1303, %cond3A_1304 : i32
          scf.if %cond3A_1305 {
            %add3A_1369 = arith.constant 6 : i32
            %add3A_1370 = arith.addi %add3A_1257, %add3A_1369 : i32
            %swap3A_1371 = arith.index_cast %add3A_1370 : i32 to index
            %swap3A_1372 = arith.constant 0 : index
            %swap3A_1373 = tpu.vector_load %arg9[%swap3A_1371, %swap3A_1372] {strides = array<i32>} : memref<1024x32xf32, #tpu.memory_space<vmem>>, vector<1x16xf32>,
            %swap3A_1374 = vector.shape_cast %swap3A_1373 : vector<1x16xf32> to vector<16xf32>
            %swap3A_1375 = vector.shape_cast %broadcast_in_dim3A_10 : vector<16xf32> to vector<1x16xf32>
            tpu.vector_store %arg9[%swap3A_1371, %swap3A_1372], %swap3A_1375 {strides = array<i32>} : memref<1024x32xf32, #tpu.memory_space<vmem>>, vector<1x16xf32>,
            %add3A_1376 = arith.constant 6 : i32
            %add3A_1377 = arith.addi %add3A_1257, %add3A_1376 : i32
            %swap3A_1378 = arith.index_cast %add3A_1377 : i32 to index
            %swap3A_1379 = arith.constant 16 : index
            %swap3A_1380 = tpu.vector_load %arg9[%swap3A_1378, %swap3A_1379] {strides = array<i32>} : memref<1024x32xf32, #tpu.memory_space<vmem>>, vector<1x16xf32>,
            %swap3A_1381 = vector.shape_cast %swap3A_1380 : vector<1x16xf32> to vector<16xf32>
            %swap3A_1382 = vector.shape_cast %broadcast_in_dim3A_10 : vector<16xf32> to vector<1x16xf32>
            tpu.vector_store %arg9[%swap3A_1378, %swap3A_1379], %swap3A_1382 {strides = array<i32>} : memref<1024x32xf32, #tpu.memory_space<vmem>>, vector<1x16xf32>,
          } else {
          }
          %slice3A_1306 = vector.extract_strided_slice %min3A_1253 {offsets = [7], sizes = [1], strides = [1]} : vector<16xi32> to vector<1xi32>
          %squeeze3A_1307 = vector.extract %slice3A_1306[0] : i32 from vector<1xi32>
          %eq3A_1308 = arith.constant 0 : i32
          %eq3A_1309 = arith.cmpi eq, %squeeze3A_1307, %eq3A_1308 : i32
          %convert_element_type3A_1310 = arith.extui %eq3A_1309 : i1 to i32
          %cond3A_1311 = arith.constant 0 : i32
          %cond3A_1312 = arith.cmpi ne, %convert_element_type3A_1310, %cond3A_1311 : i32
          scf.if %cond3A_1312 {
            %add3A_1369 = arith.constant 7 : i32
            %add3A_1370 = arith.addi %add3A_1257, %add3A_1369 : i32
            %swap3A_1371 = arith.index_cast %add3A_1370 : i32 to index
            %swap3A_1372 = arith.constant 0 : index
            %swap3A_1373 = tpu.vector_load %arg9[%swap3A_1371, %swap3A_1372] {strides = array<i32>} : memref<1024x32xf32, #tpu.memory_space<vmem>>, vector<1x16xf32>,
            %swap3A_1374 = vector.shape_cast %swap3A_1373 : vector<1x16xf32> to vector<16xf32>
            %swap3A_1375 = vector.shape_cast %broadcast_in_dim3A_10 : vector<16xf32> to vector<1x16xf32>
            tpu.vector_store %arg9[%swap3A_1371, %swap3A_1372], %swap3A_1375 {strides = array<i32>} : memref<1024x32xf32, #tpu.memory_space<vmem>>, vector<1x16xf32>,
            %add3A_1376 = arith.constant 7 : i32
            %add3A_1377 = arith.addi %add3A_1257, %add3A_1376 : i32
            %swap3A_1378 = arith.index_cast %add3A_1377 : i32 to index
            %swap3A_1379 = arith.constant 16 : index
            %swap3A_1380 = tpu.vector_load %arg9[%swap3A_1378, %swap3A_1379] {strides = array<i32>} : memref<1024x32xf32, #tpu.memory_space<vmem>>, vector<1x16xf32>,
            %swap3A_1381 = vector.shape_cast %swap3A_1380 : vector<1x16xf32> to vector<16xf32>
            %swap3A_1382 = vector.shape_cast %broadcast_in_dim3A_10 : vector<16xf32> to vector<1x16xf32>
            tpu.vector_store %arg9[%swap3A_1378, %swap3A_1379], %swap3A_1382 {strides = array<i32>} : memref<1024x32xf32, #tpu.memory_space<vmem>>, vector<1x16xf32>,
          } else {
          }
          %slice3A_1313 = vector.extract_strided_slice %min3A_1253 {offsets = [8], sizes = [1], strides = [1]} : vector<16xi32> to vector<1xi32>
          %squeeze3A_1314 = vector.extract %slice3A_1313[0] : i32 from vector<1xi32>
          %eq3A_1315 = arith.constant 0 : i32
          %eq3A_1316 = arith.cmpi eq, %squeeze3A_1314, %eq3A_1315 : i32
          %convert_element_type3A_1317 = arith.extui %eq3A_1316 : i1 to i32
          %cond3A_1318 = arith.constant 0 : i32
          %cond3A_1319 = arith.cmpi ne, %convert_element_type3A_1317, %cond3A_1318 : i32
          scf.if %cond3A_1319 {
            %add3A_1369 = arith.constant 8 : i32
            %add3A_1370 = arith.addi %add3A_1257, %add3A_1369 : i32
            %swap3A_1371 = arith.index_cast %add3A_1370 : i32 to index
            %swap3A_1372 = arith.constant 0 : index
            %swap3A_1373 = tpu.vector_load %arg9[%swap3A_1371, %swap3A_1372] {strides = array<i32>} : memref<1024x32xf32, #tpu.memory_space<vmem>>, vector<1x16xf32>,
            %swap3A_1374 = vector.shape_cast %swap3A_1373 : vector<1x16xf32> to vector<16xf32>
            %swap3A_1375 = vector.shape_cast %broadcast_in_dim3A_10 : vector<16xf32> to vector<1x16xf32>
            tpu.vector_store %arg9[%swap3A_1371, %swap3A_1372], %swap3A_1375 {strides = array<i32>} : memref<1024x32xf32, #tpu.memory_space<vmem>>, vector<1x16xf32>,
            %add3A_1376 = arith.constant 8 : i32
            %add3A_1377 = arith.addi %add3A_1257, %add3A_1376 : i32
            %swap3A_1378 = arith.index_cast %add3A_1377 : i32 to index
            %swap3A_1379 = arith.constant 16 : index
            %swap3A_1380 = tpu.vector_load %arg9[%swap3A_1378, %swap3A_1379] {strides = array<i32>} : memref<1024x32xf32, #tpu.memory_space<vmem>>, vector<1x16xf32>,
            %swap3A_1381 = vector.shape_cast %swap3A_1380 : vector<1x16xf32> to vector<16xf32>
            %swap3A_1382 = vector.shape_cast %broadcast_in_dim3A_10 : vector<16xf32> to vector<1x16xf32>
            tpu.vector_store %arg9[%swap3A_1378, %swap3A_1379], %swap3A_1382 {strides = array<i32>} : memref<1024x32xf32, #tpu.memory_space<vmem>>, vector<1x16xf32>,
          } else {
          }
          %slice3A_1320 = vector.extract_strided_slice %min3A_1253 {offsets = [9], sizes = [1], strides = [1]} : vector<16xi32> to vector<1xi32>
          %squeeze3A_1321 = vector.extract %slice3A_1320[0] : i32 from vector<1xi32>
          %eq3A_1322 = arith.constant 0 : i32
          %eq3A_1323 = arith.cmpi eq, %squeeze3A_1321, %eq3A_1322 : i32
          %convert_element_type3A_1324 = arith.extui %eq3A_1323 : i1 to i32
          %cond3A_1325 = arith.constant 0 : i32
          %cond3A_1326 = arith.cmpi ne, %convert_element_type3A_1324, %cond3A_1325 : i32
          scf.if %cond3A_1326 {
            %add3A_1369 = arith.constant 9 : i32
            %add3A_1370 = arith.addi %add3A_1257, %add3A_1369 : i32
            %swap3A_1371 = arith.index_cast %add3A_1370 : i32 to index
            %swap3A_1372 = arith.constant 0 : index
            %swap3A_1373 = tpu.vector_load %arg9[%swap3A_1371, %swap3A_1372] {strides = array<i32>} : memref<1024x32xf32, #tpu.memory_space<vmem>>, vector<1x16xf32>,
            %swap3A_1374 = vector.shape_cast %swap3A_1373 : vector<1x16xf32> to vector<16xf32>
            %swap3A_1375 = vector.shape_cast %broadcast_in_dim3A_10 : vector<16xf32> to vector<1x16xf32>
            tpu.vector_store %arg9[%swap3A_1371, %swap3A_1372], %swap3A_1375 {strides = array<i32>} : memref<1024x32xf32, #tpu.memory_space<vmem>>, vector<1x16xf32>,
            %add3A_1376 = arith.constant 9 : i32
            %add3A_1377 = arith.addi %add3A_1257, %add3A_1376 : i32
            %swap3A_1378 = arith.index_cast %add3A_1377 : i32 to index
            %swap3A_1379 = arith.constant 16 : index
            %swap3A_1380 = tpu.vector_load %arg9[%swap3A_1378, %swap3A_1379] {strides = array<i32>} : memref<1024x32xf32, #tpu.memory_space<vmem>>, vector<1x16xf32>,
            %swap3A_1381 = vector.shape_cast %swap3A_1380 : vector<1x16xf32> to vector<16xf32>
            %swap3A_1382 = vector.shape_cast %broadcast_in_dim3A_10 : vector<16xf32> to vector<1x16xf32>
            tpu.vector_store %arg9[%swap3A_1378, %swap3A_1379], %swap3A_1382 {strides = array<i32>} : memref<1024x32xf32, #tpu.memory_space<vmem>>, vector<1x16xf32>,
          } else {
          }
          %slice3A_1327 = vector.extract_strided_slice %min3A_1253 {offsets = [10], sizes = [1], strides = [1]} : vector<16xi32> to vector<1xi32>
          %squeeze3A_1328 = vector.extract %slice3A_1327[0] : i32 from vector<1xi32>
          %eq3A_1329 = arith.constant 0 : i32
          %eq3A_1330 = arith.cmpi eq, %squeeze3A_1328, %eq3A_1329 : i32
          %convert_element_type3A_1331 = arith.extui %eq3A_1330 : i1 to i32
          %cond3A_1332 = arith.constant 0 : i32
          %cond3A_1333 = arith.cmpi ne, %convert_element_type3A_1331, %cond3A_1332 : i32
          scf.if %cond3A_1333 {
            %add3A_1369 = arith.constant 10 : i32
            %add3A_1370 = arith.addi %add3A_1257, %add3A_1369 : i32
            %swap3A_1371 = arith.index_cast %add3A_1370 : i32 to index
            %swap3A_1372 = arith.constant 0 : index
            %swap3A_1373 = tpu.vector_load %arg9[%swap3A_1371, %swap3A_1372] {strides = array<i32>} : memref<1024x32xf32, #tpu.memory_space<vmem>>, vector<1x16xf32>,
            %swap3A_1374 = vector.shape_cast %swap3A_1373 : vector<1x16xf32> to vector<16xf32>
            %swap3A_1375 = vector.shape_cast %broadcast_in_dim3A_10 : vector<16xf32> to vector<1x16xf32>
            tpu.vector_store %arg9[%swap3A_1371, %swap3A_1372], %swap3A_1375 {strides = array<i32>} : memref<1024x32xf32, #tpu.memory_space<vmem>>, vector<1x16xf32>,
            %add3A_1376 = arith.constant 10 : i32
            %add3A_1377 = arith.addi %add3A_1257, %add3A_1376 : i32
            %swap3A_1378 = arith.index_cast %add3A_1377 : i32 to index
            %swap3A_1379 = arith.constant 16 : index
            %swap3A_1380 = tpu.vector_load %arg9[%swap3A_1378, %swap3A_1379] {strides = array<i32>} : memref<1024x32xf32, #tpu.memory_space<vmem>>, vector<1x16xf32>,
            %swap3A_1381 = vector.shape_cast %swap3A_1380 : vector<1x16xf32> to vector<16xf32>
            %swap3A_1382 = vector.shape_cast %broadcast_in_dim3A_10 : vector<16xf32> to vector<1x16xf32>
            tpu.vector_store %arg9[%swap3A_1378, %swap3A_1379], %swap3A_1382 {strides = array<i32>} : memref<1024x32xf32, #tpu.memory_space<vmem>>, vector<1x16xf32>,
          } else {
          }
          %slice3A_1334 = vector.extract_strided_slice %min3A_1253 {offsets = [11], sizes = [1], strides = [1]} : vector<16xi32> to vector<1xi32>
          %squeeze3A_1335 = vector.extract %slice3A_1334[0] : i32 from vector<1xi32>
          %eq3A_1336 = arith.constant 0 : i32
          %eq3A_1337 = arith.cmpi eq, %squeeze3A_1335, %eq3A_1336 : i32
          %convert_element_type3A_1338 = arith.extui %eq3A_1337 : i1 to i32
          %cond3A_1339 = arith.constant 0 : i32
          %cond3A_1340 = arith.cmpi ne, %convert_element_type3A_1338, %cond3A_1339 : i32
          scf.if %cond3A_1340 {
            %add3A_1369 = arith.constant 11 : i32
            %add3A_1370 = arith.addi %add3A_1257, %add3A_1369 : i32
            %swap3A_1371 = arith.index_cast %add3A_1370 : i32 to index
            %swap3A_1372 = arith.constant 0 : index
            %swap3A_1373 = tpu.vector_load %arg9[%swap3A_1371, %swap3A_1372] {strides = array<i32>} : memref<1024x32xf32, #tpu.memory_space<vmem>>, vector<1x16xf32>,
            %swap3A_1374 = vector.shape_cast %swap3A_1373 : vector<1x16xf32> to vector<16xf32>
            %swap3A_1375 = vector.shape_cast %broadcast_in_dim3A_10 : vector<16xf32> to vector<1x16xf32>
            tpu.vector_store %arg9[%swap3A_1371, %swap3A_1372], %swap3A_1375 {strides = array<i32>} : memref<1024x32xf32, #tpu.memory_space<vmem>>, vector<1x16xf32>,
            %add3A_1376 = arith.constant 11 : i32
            %add3A_1377 = arith.addi %add3A_1257, %add3A_1376 : i32
            %swap3A_1378 = arith.index_cast %add3A_1377 : i32 to index
            %swap3A_1379 = arith.constant 16 : index
            %swap3A_1380 = tpu.vector_load %arg9[%swap3A_1378, %swap3A_1379] {strides = array<i32>} : memref<1024x32xf32, #tpu.memory_space<vmem>>, vector<1x16xf32>,
            %swap3A_1381 = vector.shape_cast %swap3A_1380 : vector<1x16xf32> to vector<16xf32>
            %swap3A_1382 = vector.shape_cast %broadcast_in_dim3A_10 : vector<16xf32> to vector<1x16xf32>
            tpu.vector_store %arg9[%swap3A_1378, %swap3A_1379], %swap3A_1382 {strides = array<i32>} : memref<1024x32xf32, #tpu.memory_space<vmem>>, vector<1x16xf32>,
          } else {
          }
          %slice3A_1341 = vector.extract_strided_slice %min3A_1253 {offsets = [12], sizes = [1], strides = [1]} : vector<16xi32> to vector<1xi32>
          %squeeze3A_1342 = vector.extract %slice3A_1341[0] : i32 from vector<1xi32>
          %eq3A_1343 = arith.constant 0 : i32
          %eq3A_1344 = arith.cmpi eq, %squeeze3A_1342, %eq3A_1343 : i32
          %convert_element_type3A_1345 = arith.extui %eq3A_1344 : i1 to i32
          %cond3A_1346 = arith.constant 0 : i32
          %cond3A_1347 = arith.cmpi ne, %convert_element_type3A_1345, %cond3A_1346 : i32
          scf.if %cond3A_1347 {
            %add3A_1369 = arith.constant 12 : i32
            %add3A_1370 = arith.addi %add3A_1257, %add3A_1369 : i32
            %swap3A_1371 = arith.index_cast %add3A_1370 : i32 to index
            %swap3A_1372 = arith.constant 0 : index
            %swap3A_1373 = tpu.vector_load %arg9[%swap3A_1371, %swap3A_1372] {strides = array<i32>} : memref<1024x32xf32, #tpu.memory_space<vmem>>, vector<1x16xf32>,
            %swap3A_1374 = vector.shape_cast %swap3A_1373 : vector<1x16xf32> to vector<16xf32>
            %swap3A_1375 = vector.shape_cast %broadcast_in_dim3A_10 : vector<16xf32> to vector<1x16xf32>
            tpu.vector_store %arg9[%swap3A_1371, %swap3A_1372], %swap3A_1375 {strides = array<i32>} : memref<1024x32xf32, #tpu.memory_space<vmem>>, vector<1x16xf32>,
            %add3A_1376 = arith.constant 12 : i32
            %add3A_1377 = arith.addi %add3A_1257, %add3A_1376 : i32
            %swap3A_1378 = arith.index_cast %add3A_1377 : i32 to index
            %swap3A_1379 = arith.constant 16 : index
            %swap3A_1380 = tpu.vector_load %arg9[%swap3A_1378, %swap3A_1379] {strides = array<i32>} : memref<1024x32xf32, #tpu.memory_space<vmem>>, vector<1x16xf32>,
            %swap3A_1381 = vector.shape_cast %swap3A_1380 : vector<1x16xf32> to vector<16xf32>
            %swap3A_1382 = vector.shape_cast %broadcast_in_dim3A_10 : vector<16xf32> to vector<1x16xf32>
            tpu.vector_store %arg9[%swap3A_1378, %swap3A_1379], %swap3A_1382 {strides = array<i32>} : memref<1024x32xf32, #tpu.memory_space<vmem>>, vector<1x16xf32>,
          } else {
          }
          %slice3A_1348 = vector.extract_strided_slice %min3A_1253 {offsets = [13], sizes = [1], strides = [1]} : vector<16xi32> to vector<1xi32>
          %squeeze3A_1349 = vector.extract %slice3A_1348[0] : i32 from vector<1xi32>
          %eq3A_1350 = arith.constant 0 : i32
          %eq3A_1351 = arith.cmpi eq, %squeeze3A_1349, %eq3A_1350 : i32
          %convert_element_type3A_1352 = arith.extui %eq3A_1351 : i1 to i32
          %cond3A_1353 = arith.constant 0 : i32
          %cond3A_1354 = arith.cmpi ne, %convert_element_type3A_1352, %cond3A_1353 : i32
          scf.if %cond3A_1354 {
            %add3A_1369 = arith.constant 13 : i32
            %add3A_1370 = arith.addi %add3A_1257, %add3A_1369 : i32
            %swap3A_1371 = arith.index_cast %add3A_1370 : i32 to index
            %swap3A_1372 = arith.constant 0 : index
            %swap3A_1373 = tpu.vector_load %arg9[%swap3A_1371, %swap3A_1372] {strides = array<i32>} : memref<1024x32xf32, #tpu.memory_space<vmem>>, vector<1x16xf32>,
            %swap3A_1374 = vector.shape_cast %swap3A_1373 : vector<1x16xf32> to vector<16xf32>
            %swap3A_1375 = vector.shape_cast %broadcast_in_dim3A_10 : vector<16xf32> to vector<1x16xf32>
            tpu.vector_store %arg9[%swap3A_1371, %swap3A_1372], %swap3A_1375 {strides = array<i32>} : memref<1024x32xf32, #tpu.memory_space<vmem>>, vector<1x16xf32>,
            %add3A_1376 = arith.constant 13 : i32
            %add3A_1377 = arith.addi %add3A_1257, %add3A_1376 : i32
            %swap3A_1378 = arith.index_cast %add3A_1377 : i32 to index
            %swap3A_1379 = arith.constant 16 : index
            %swap3A_1380 = tpu.vector_load %arg9[%swap3A_1378, %swap3A_1379] {strides = array<i32>} : memref<1024x32xf32, #tpu.memory_space<vmem>>, vector<1x16xf32>,
            %swap3A_1381 = vector.shape_cast %swap3A_1380 : vector<1x16xf32> to vector<16xf32>
            %swap3A_1382 = vector.shape_cast %broadcast_in_dim3A_10 : vector<16xf32> to vector<1x16xf32>
            tpu.vector_store %arg9[%swap3A_1378, %swap3A_1379], %swap3A_1382 {strides = array<i32>} : memref<1024x32xf32, #tpu.memory_space<vmem>>, vector<1x16xf32>,
          } else {
          }
          %slice3A_1355 = vector.extract_strided_slice %min3A_1253 {offsets = [14], sizes = [1], strides = [1]} : vector<16xi32> to vector<1xi32>
          %squeeze3A_1356 = vector.extract %slice3A_1355[0] : i32 from vector<1xi32>
          %eq3A_1357 = arith.constant 0 : i32
          %eq3A_1358 = arith.cmpi eq, %squeeze3A_1356, %eq3A_1357 : i32
          %convert_element_type3A_1359 = arith.extui %eq3A_1358 : i1 to i32
          %cond3A_1360 = arith.constant 0 : i32
          %cond3A_1361 = arith.cmpi ne, %convert_element_type3A_1359, %cond3A_1360 : i32
          scf.if %cond3A_1361 {
            %add3A_1369 = arith.constant 14 : i32
            %add3A_1370 = arith.addi %add3A_1257, %add3A_1369 : i32
            %swap3A_1371 = arith.index_cast %add3A_1370 : i32 to index
            %swap3A_1372 = arith.constant 0 : index
            %swap3A_1373 = tpu.vector_load %arg9[%swap3A_1371, %swap3A_1372] {strides = array<i32>} : memref<1024x32xf32, #tpu.memory_space<vmem>>, vector<1x16xf32>,
            %swap3A_1374 = vector.shape_cast %swap3A_1373 : vector<1x16xf32> to vector<16xf32>
            %swap3A_1375 = vector.shape_cast %broadcast_in_dim3A_10 : vector<16xf32> to vector<1x16xf32>
            tpu.vector_store %arg9[%swap3A_1371, %swap3A_1372], %swap3A_1375 {strides = array<i32>} : memref<1024x32xf32, #tpu.memory_space<vmem>>, vector<1x16xf32>,
            %add3A_1376 = arith.constant 14 : i32
            %add3A_1377 = arith.addi %add3A_1257, %add3A_1376 : i32
            %swap3A_1378 = arith.index_cast %add3A_1377 : i32 to index
            %swap3A_1379 = arith.constant 16 : index
            %swap3A_1380 = tpu.vector_load %arg9[%swap3A_1378, %swap3A_1379] {strides = array<i32>} : memref<1024x32xf32, #tpu.memory_space<vmem>>, vector<1x16xf32>,
            %swap3A_1381 = vector.shape_cast %swap3A_1380 : vector<1x16xf32> to vector<16xf32>
            %swap3A_1382 = vector.shape_cast %broadcast_in_dim3A_10 : vector<16xf32> to vector<1x16xf32>
            tpu.vector_store %arg9[%swap3A_1378, %swap3A_1379], %swap3A_1382 {strides = array<i32>} : memref<1024x32xf32, #tpu.memory_space<vmem>>, vector<1x16xf32>,
          } else {
          }
          %slice3A_1362 = vector.extract_strided_slice %min3A_1253 {offsets = [15], sizes = [1], strides = [1]} : vector<16xi32> to vector<1xi32>
          %squeeze3A_1363 = vector.extract %slice3A_1362[0] : i32 from vector<1xi32>
          %eq3A_1364 = arith.constant 0 : i32
          %eq3A_1365 = arith.cmpi eq, %squeeze3A_1363, %eq3A_1364 : i32
          %convert_element_type3A_1366 = arith.extui %eq3A_1365 : i1 to i32
          %cond3A_1367 = arith.constant 0 : i32
          %cond3A_1368 = arith.cmpi ne, %convert_element_type3A_1366, %cond3A_1367 : i32
          scf.if %cond3A_1368 {
            %add3A_1369 = arith.constant 15 : i32
            %add3A_1370 = arith.addi %add3A_1257, %add3A_1369 : i32
            %swap3A_1371 = arith.index_cast %add3A_1370 : i32 to index
            %swap3A_1372 = arith.constant 0 : index
            %swap3A_1373 = tpu.vector_load %arg9[%swap3A_1371, %swap3A_1372] {strides = array<i32>} : memref<1024x32xf32, #tpu.memory_space<vmem>>, vector<1x16xf32>,
            %swap3A_1374 = vector.shape_cast %swap3A_1373 : vector<1x16xf32> to vector<16xf32>
            %swap3A_1375 = vector.shape_cast %broadcast_in_dim3A_10 : vector<16xf32> to vector<1x16xf32>
            tpu.vector_store %arg9[%swap3A_1371, %swap3A_1372], %swap3A_1375 {strides = array<i32>} : memref<1024x32xf32, #tpu.memory_space<vmem>>, vector<1x16xf32>,
            %add3A_1376 = arith.constant 15 : i32
            %add3A_1377 = arith.addi %add3A_1257, %add3A_1376 : i32
            %swap3A_1378 = arith.index_cast %add3A_1377 : i32 to index
            %swap3A_1379 = arith.constant 16 : index
            %swap3A_1380 = tpu.vector_load %arg9[%swap3A_1378, %swap3A_1379] {strides = array<i32>} : memref<1024x32xf32, #tpu.memory_space<vmem>>, vector<1x16xf32>,
            %swap3A_1381 = vector.shape_cast %swap3A_1380 : vector<1x16xf32> to vector<16xf32>
            %swap3A_1382 = vector.shape_cast %broadcast_in_dim3A_10 : vector<16xf32> to vector<1x16xf32>
            tpu.vector_store %arg9[%swap3A_1378, %swap3A_1379], %swap3A_1382 {strides = array<i32>} : memref<1024x32xf32, #tpu.memory_space<vmem>>, vector<1x16xf32>,
          } else {
          }
        }
        %scan3A_1244 = arith.constant 8 : i32
      } else {
      }
      %mul3A_1169 = arith.constant 8 : i32
      %mul3A_1170 = arith.muli %scan3A_15, %mul3A_1169 : i32
      %add3A_1171 = arith.constant 2 : i32
      %add3A_1172 = arith.addi %mul3A_1170, %add3A_1171 : i32
      %slice3A_1173 = vector.extract_strided_slice %get3A_1151 {offsets = [2], sizes = [1], strides = [1]} : vector<16xi32> to vector<1xi32>
      %squeeze3A_1174 = vector.extract %slice3A_1173[0] : i32 from vector<1xi32>
      %ne3A_1175 = arith.constant 0 : i32
      %ne3A_1176 = arith.cmpi ne, %squeeze3A_1174, %ne3A_1175 : i32
      %convert_element_type3A_1177 = arith.extui %ne3A_1176 : i1 to i32
      %cond3A_1178 = arith.constant 0 : i32
      %cond3A_1179 = arith.cmpi ne, %convert_element_type3A_1177, %cond3A_1178 : i32
      scf.if %cond3A_1179 {
        %scan3A_1240 = arith.constant 0 : i32
        %scan3A_1241 = arith.constant 8 : i32
        %scan3A_1242 = arith.addi %scan3A_1240, %scan3A_1241 : i32
        %scan3A_1243 = arith.constant 1 : i32
        scf.for %scan3A_1245 = %scan3A_1240 to %scan3A_1242 step %scan3A_1243  : i32 {
          %mul3A_1246 = arith.constant 16 : i32
          %mul3A_1247 = arith.muli %scan3A_1245, %mul3A_1246 : i32
          %get3A_1248 = arith.index_cast %add3A_1172 : i32 to index
          %get3A_1249 = arith.index_cast %mul3A_1247 : i32 to index
          %get3A_1250 = tpu.vector_load %arg6[%get3A_1248, %get3A_1249] {strides = array<i32>} : memref<104x128xi32, #tpu.memory_space<vmem>>, vector<1x16xi32>,
          %get3A_1251 = vector.shape_cast %get3A_1250 : vector<1x16xi32> to vector<16xi32>
          %min3A = arith.constant 1 : i32
          %min3A_1252 = vector.broadcast %min3A : i32 to vector<16xi32>
          %min3A_1253 = arith.minsi %get3A_1251, %min3A_1252 : vector<16xi32>
          %mul3A_1254 = arith.constant 16 : i32
          %mul3A_1255 = arith.muli %scan3A_1245, %mul3A_1254 : i32
          %add3A_1256 = arith.constant 256 : i32
          %add3A_1257 = arith.addi %add3A_1256, %mul3A_1255 : i32
          %slice3A_1258 = vector.extract_strided_slice %min3A_1253 {offsets = [0], sizes = [1], strides = [1]} : vector<16xi32> to vector<1xi32>
          %squeeze3A_1259 = vector.extract %slice3A_1258[0] : i32 from vector<1xi32>
          %eq3A = arith.constant 0 : i32
          %eq3A_1260 = arith.cmpi eq, %squeeze3A_1259, %eq3A : i32
          %convert_element_type3A_1261 = arith.extui %eq3A_1260 : i1 to i32
          %cond3A_1262 = arith.constant 0 : i32
          %cond3A_1263 = arith.cmpi ne, %convert_element_type3A_1261, %cond3A_1262 : i32
          scf.if %cond3A_1263 {
            %add3A_1369 = arith.constant 0 : i32
            %add3A_1370 = arith.addi %add3A_1257, %add3A_1369 : i32
            %swap3A_1371 = arith.index_cast %add3A_1370 : i32 to index
            %swap3A_1372 = arith.constant 0 : index
            %swap3A_1373 = tpu.vector_load %arg9[%swap3A_1371, %swap3A_1372] {strides = array<i32>} : memref<1024x32xf32, #tpu.memory_space<vmem>>, vector<1x16xf32>,
            %swap3A_1374 = vector.shape_cast %swap3A_1373 : vector<1x16xf32> to vector<16xf32>
            %swap3A_1375 = vector.shape_cast %broadcast_in_dim3A_10 : vector<16xf32> to vector<1x16xf32>
            tpu.vector_store %arg9[%swap3A_1371, %swap3A_1372], %swap3A_1375 {strides = array<i32>} : memref<1024x32xf32, #tpu.memory_space<vmem>>, vector<1x16xf32>,
            %add3A_1376 = arith.constant 0 : i32
            %add3A_1377 = arith.addi %add3A_1257, %add3A_1376 : i32
            %swap3A_1378 = arith.index_cast %add3A_1377 : i32 to index
            %swap3A_1379 = arith.constant 16 : index
            %swap3A_1380 = tpu.vector_load %arg9[%swap3A_1378, %swap3A_1379] {strides = array<i32>} : memref<1024x32xf32, #tpu.memory_space<vmem>>, vector<1x16xf32>,
            %swap3A_1381 = vector.shape_cast %swap3A_1380 : vector<1x16xf32> to vector<16xf32>
            %swap3A_1382 = vector.shape_cast %broadcast_in_dim3A_10 : vector<16xf32> to vector<1x16xf32>
            tpu.vector_store %arg9[%swap3A_1378, %swap3A_1379], %swap3A_1382 {strides = array<i32>} : memref<1024x32xf32, #tpu.memory_space<vmem>>, vector<1x16xf32>,
          } else {
          }
          %slice3A_1264 = vector.extract_strided_slice %min3A_1253 {offsets = [1], sizes = [1], strides = [1]} : vector<16xi32> to vector<1xi32>
          %squeeze3A_1265 = vector.extract %slice3A_1264[0] : i32 from vector<1xi32>
          %eq3A_1266 = arith.constant 0 : i32
          %eq3A_1267 = arith.cmpi eq, %squeeze3A_1265, %eq3A_1266 : i32
          %convert_element_type3A_1268 = arith.extui %eq3A_1267 : i1 to i32
          %cond3A_1269 = arith.constant 0 : i32
          %cond3A_1270 = arith.cmpi ne, %convert_element_type3A_1268, %cond3A_1269 : i32
          scf.if %cond3A_1270 {
            %add3A_1369 = arith.constant 1 : i32
            %add3A_1370 = arith.addi %add3A_1257, %add3A_1369 : i32
            %swap3A_1371 = arith.index_cast %add3A_1370 : i32 to index
            %swap3A_1372 = arith.constant 0 : index
            %swap3A_1373 = tpu.vector_load %arg9[%swap3A_1371, %swap3A_1372] {strides = array<i32>} : memref<1024x32xf32, #tpu.memory_space<vmem>>, vector<1x16xf32>,
            %swap3A_1374 = vector.shape_cast %swap3A_1373 : vector<1x16xf32> to vector<16xf32>
            %swap3A_1375 = vector.shape_cast %broadcast_in_dim3A_10 : vector<16xf32> to vector<1x16xf32>
            tpu.vector_store %arg9[%swap3A_1371, %swap3A_1372], %swap3A_1375 {strides = array<i32>} : memref<1024x32xf32, #tpu.memory_space<vmem>>, vector<1x16xf32>,
            %add3A_1376 = arith.constant 1 : i32
            %add3A_1377 = arith.addi %add3A_1257, %add3A_1376 : i32
            %swap3A_1378 = arith.index_cast %add3A_1377 : i32 to index
            %swap3A_1379 = arith.constant 16 : index
            %swap3A_1380 = tpu.vector_load %arg9[%swap3A_1378, %swap3A_1379] {strides = array<i32>} : memref<1024x32xf32, #tpu.memory_space<vmem>>, vector<1x16xf32>,
            %swap3A_1381 = vector.shape_cast %swap3A_1380 : vector<1x16xf32> to vector<16xf32>
            %swap3A_1382 = vector.shape_cast %broadcast_in_dim3A_10 : vector<16xf32> to vector<1x16xf32>
            tpu.vector_store %arg9[%swap3A_1378, %swap3A_1379], %swap3A_1382 {strides = array<i32>} : memref<1024x32xf32, #tpu.memory_space<vmem>>, vector<1x16xf32>,
          } else {
          }
          %slice3A_1271 = vector.extract_strided_slice %min3A_1253 {offsets = [2], sizes = [1], strides = [1]} : vector<16xi32> to vector<1xi32>
          %squeeze3A_1272 = vector.extract %slice3A_1271[0] : i32 from vector<1xi32>
          %eq3A_1273 = arith.constant 0 : i32
          %eq3A_1274 = arith.cmpi eq, %squeeze3A_1272, %eq3A_1273 : i32
          %convert_element_type3A_1275 = arith.extui %eq3A_1274 : i1 to i32
          %cond3A_1276 = arith.constant 0 : i32
          %cond3A_1277 = arith.cmpi ne, %convert_element_type3A_1275, %cond3A_1276 : i32
          scf.if %cond3A_1277 {
            %add3A_1369 = arith.constant 2 : i32
            %add3A_1370 = arith.addi %add3A_1257, %add3A_1369 : i32
            %swap3A_1371 = arith.index_cast %add3A_1370 : i32 to index
            %swap3A_1372 = arith.constant 0 : index
            %swap3A_1373 = tpu.vector_load %arg9[%swap3A_1371, %swap3A_1372] {strides = array<i32>} : memref<1024x32xf32, #tpu.memory_space<vmem>>, vector<1x16xf32>,
            %swap3A_1374 = vector.shape_cast %swap3A_1373 : vector<1x16xf32> to vector<16xf32>
            %swap3A_1375 = vector.shape_cast %broadcast_in_dim3A_10 : vector<16xf32> to vector<1x16xf32>
            tpu.vector_store %arg9[%swap3A_1371, %swap3A_1372], %swap3A_1375 {strides = array<i32>} : memref<1024x32xf32, #tpu.memory_space<vmem>>, vector<1x16xf32>,
            %add3A_1376 = arith.constant 2 : i32
            %add3A_1377 = arith.addi %add3A_1257, %add3A_1376 : i32
            %swap3A_1378 = arith.index_cast %add3A_1377 : i32 to index
            %swap3A_1379 = arith.constant 16 : index
            %swap3A_1380 = tpu.vector_load %arg9[%swap3A_1378, %swap3A_1379] {strides = array<i32>} : memref<1024x32xf32, #tpu.memory_space<vmem>>, vector<1x16xf32>,
            %swap3A_1381 = vector.shape_cast %swap3A_1380 : vector<1x16xf32> to vector<16xf32>
            %swap3A_1382 = vector.shape_cast %broadcast_in_dim3A_10 : vector<16xf32> to vector<1x16xf32>
            tpu.vector_store %arg9[%swap3A_1378, %swap3A_1379], %swap3A_1382 {strides = array<i32>} : memref<1024x32xf32, #tpu.memory_space<vmem>>, vector<1x16xf32>,
          } else {
          }
          %slice3A_1278 = vector.extract_strided_slice %min3A_1253 {offsets = [3], sizes = [1], strides = [1]} : vector<16xi32> to vector<1xi32>
          %squeeze3A_1279 = vector.extract %slice3A_1278[0] : i32 from vector<1xi32>
          %eq3A_1280 = arith.constant 0 : i32
          %eq3A_1281 = arith.cmpi eq, %squeeze3A_1279, %eq3A_1280 : i32
          %convert_element_type3A_1282 = arith.extui %eq3A_1281 : i1 to i32
          %cond3A_1283 = arith.constant 0 : i32
          %cond3A_1284 = arith.cmpi ne, %convert_element_type3A_1282, %cond3A_1283 : i32
          scf.if %cond3A_1284 {
            %add3A_1369 = arith.constant 3 : i32
            %add3A_1370 = arith.addi %add3A_1257, %add3A_1369 : i32
            %swap3A_1371 = arith.index_cast %add3A_1370 : i32 to index
            %swap3A_1372 = arith.constant 0 : index
            %swap3A_1373 = tpu.vector_load %arg9[%swap3A_1371, %swap3A_1372] {strides = array<i32>} : memref<1024x32xf32, #tpu.memory_space<vmem>>, vector<1x16xf32>,
            %swap3A_1374 = vector.shape_cast %swap3A_1373 : vector<1x16xf32> to vector<16xf32>
            %swap3A_1375 = vector.shape_cast %broadcast_in_dim3A_10 : vector<16xf32> to vector<1x16xf32>
            tpu.vector_store %arg9[%swap3A_1371, %swap3A_1372], %swap3A_1375 {strides = array<i32>} : memref<1024x32xf32, #tpu.memory_space<vmem>>, vector<1x16xf32>,
            %add3A_1376 = arith.constant 3 : i32
            %add3A_1377 = arith.addi %add3A_1257, %add3A_1376 : i32
            %swap3A_1378 = arith.index_cast %add3A_1377 : i32 to index
            %swap3A_1379 = arith.constant 16 : index
            %swap3A_1380 = tpu.vector_load %arg9[%swap3A_1378, %swap3A_1379] {strides = array<i32>} : memref<1024x32xf32, #tpu.memory_space<vmem>>, vector<1x16xf32>,
            %swap3A_1381 = vector.shape_cast %swap3A_1380 : vector<1x16xf32> to vector<16xf32>
            %swap3A_1382 = vector.shape_cast %broadcast_in_dim3A_10 : vector<16xf32> to vector<1x16xf32>
            tpu.vector_store %arg9[%swap3A_1378, %swap3A_1379], %swap3A_1382 {strides = array<i32>} : memref<1024x32xf32, #tpu.memory_space<vmem>>, vector<1x16xf32>,
          } else {
          }
          %slice3A_1285 = vector.extract_strided_slice %min3A_1253 {offsets = [4], sizes = [1], strides = [1]} : vector<16xi32> to vector<1xi32>
          %squeeze3A_1286 = vector.extract %slice3A_1285[0] : i32 from vector<1xi32>
          %eq3A_1287 = arith.constant 0 : i32
          %eq3A_1288 = arith.cmpi eq, %squeeze3A_1286, %eq3A_1287 : i32
          %convert_element_type3A_1289 = arith.extui %eq3A_1288 : i1 to i32
          %cond3A_1290 = arith.constant 0 : i32
          %cond3A_1291 = arith.cmpi ne, %convert_element_type3A_1289, %cond3A_1290 : i32
          scf.if %cond3A_1291 {
            %add3A_1369 = arith.constant 4 : i32
            %add3A_1370 = arith.addi %add3A_1257, %add3A_1369 : i32
            %swap3A_1371 = arith.index_cast %add3A_1370 : i32 to index
            %swap3A_1372 = arith.constant 0 : index
            %swap3A_1373 = tpu.vector_load %arg9[%swap3A_1371, %swap3A_1372] {strides = array<i32>} : memref<1024x32xf32, #tpu.memory_space<vmem>>, vector<1x16xf32>,
            %swap3A_1374 = vector.shape_cast %swap3A_1373 : vector<1x16xf32> to vector<16xf32>
            %swap3A_1375 = vector.shape_cast %broadcast_in_dim3A_10 : vector<16xf32> to vector<1x16xf32>
            tpu.vector_store %arg9[%swap3A_1371, %swap3A_1372], %swap3A_1375 {strides = array<i32>} : memref<1024x32xf32, #tpu.memory_space<vmem>>, vector<1x16xf32>,
            %add3A_1376 = arith.constant 4 : i32
            %add3A_1377 = arith.addi %add3A_1257, %add3A_1376 : i32
            %swap3A_1378 = arith.index_cast %add3A_1377 : i32 to index
            %swap3A_1379 = arith.constant 16 : index
            %swap3A_1380 = tpu.vector_load %arg9[%swap3A_1378, %swap3A_1379] {strides = array<i32>} : memref<1024x32xf32, #tpu.memory_space<vmem>>, vector<1x16xf32>,
            %swap3A_1381 = vector.shape_cast %swap3A_1380 : vector<1x16xf32> to vector<16xf32>
            %swap3A_1382 = vector.shape_cast %broadcast_in_dim3A_10 : vector<16xf32> to vector<1x16xf32>
            tpu.vector_store %arg9[%swap3A_1378, %swap3A_1379], %swap3A_1382 {strides = array<i32>} : memref<1024x32xf32, #tpu.memory_space<vmem>>, vector<1x16xf32>,
          } else {
          }
          %slice3A_1292 = vector.extract_strided_slice %min3A_1253 {offsets = [5], sizes = [1], strides = [1]} : vector<16xi32> to vector<1xi32>
          %squeeze3A_1293 = vector.extract %slice3A_1292[0] : i32 from vector<1xi32>
          %eq3A_1294 = arith.constant 0 : i32
          %eq3A_1295 = arith.cmpi eq, %squeeze3A_1293, %eq3A_1294 : i32
          %convert_element_type3A_1296 = arith.extui %eq3A_1295 : i1 to i32
          %cond3A_1297 = arith.constant 0 : i32
          %cond3A_1298 = arith.cmpi ne, %convert_element_type3A_1296, %cond3A_1297 : i32
          scf.if %cond3A_1298 {
            %add3A_1369 = arith.constant 5 : i32
            %add3A_1370 = arith.addi %add3A_1257, %add3A_1369 : i32
            %swap3A_1371 = arith.index_cast %add3A_1370 : i32 to index
            %swap3A_1372 = arith.constant 0 : index
            %swap3A_1373 = tpu.vector_load %arg9[%swap3A_1371, %swap3A_1372] {strides = array<i32>} : memref<1024x32xf32, #tpu.memory_space<vmem>>, vector<1x16xf32>,
            %swap3A_1374 = vector.shape_cast %swap3A_1373 : vector<1x16xf32> to vector<16xf32>
            %swap3A_1375 = vector.shape_cast %broadcast_in_dim3A_10 : vector<16xf32> to vector<1x16xf32>
            tpu.vector_store %arg9[%swap3A_1371, %swap3A_1372], %swap3A_1375 {strides = array<i32>} : memref<1024x32xf32, #tpu.memory_space<vmem>>, vector<1x16xf32>,
            %add3A_1376 = arith.constant 5 : i32
            %add3A_1377 = arith.addi %add3A_1257, %add3A_1376 : i32
            %swap3A_1378 = arith.index_cast %add3A_1377 : i32 to index
            %swap3A_1379 = arith.constant 16 : index
            %swap3A_1380 = tpu.vector_load %arg9[%swap3A_1378, %swap3A_1379] {strides = array<i32>} : memref<1024x32xf32, #tpu.memory_space<vmem>>, vector<1x16xf32>,
            %swap3A_1381 = vector.shape_cast %swap3A_1380 : vector<1x16xf32> to vector<16xf32>
            %swap3A_1382 = vector.shape_cast %broadcast_in_dim3A_10 : vector<16xf32> to vector<1x16xf32>
            tpu.vector_store %arg9[%swap3A_1378, %swap3A_1379], %swap3A_1382 {strides = array<i32>} : memref<1024x32xf32, #tpu.memory_space<vmem>>, vector<1x16xf32>,
          } else {
          }
          %slice3A_1299 = vector.extract_strided_slice %min3A_1253 {offsets = [6], sizes = [1], strides = [1]} : vector<16xi32> to vector<1xi32>
          %squeeze3A_1300 = vector.extract %slice3A_1299[0] : i32 from vector<1xi32>
          %eq3A_1301 = arith.constant 0 : i32
          %eq3A_1302 = arith.cmpi eq, %squeeze3A_1300, %eq3A_1301 : i32
          %convert_element_type3A_1303 = arith.extui %eq3A_1302 : i1 to i32
          %cond3A_1304 = arith.constant 0 : i32
          %cond3A_1305 = arith.cmpi ne, %convert_element_type3A_1303, %cond3A_1304 : i32
          scf.if %cond3A_1305 {
            %add3A_1369 = arith.constant 6 : i32
            %add3A_1370 = arith.addi %add3A_1257, %add3A_1369 : i32
            %swap3A_1371 = arith.index_cast %add3A_1370 : i32 to index
            %swap3A_1372 = arith.constant 0 : index
            %swap3A_1373 = tpu.vector_load %arg9[%swap3A_1371, %swap3A_1372] {strides = array<i32>} : memref<1024x32xf32, #tpu.memory_space<vmem>>, vector<1x16xf32>,
            %swap3A_1374 = vector.shape_cast %swap3A_1373 : vector<1x16xf32> to vector<16xf32>
            %swap3A_1375 = vector.shape_cast %broadcast_in_dim3A_10 : vector<16xf32> to vector<1x16xf32>
            tpu.vector_store %arg9[%swap3A_1371, %swap3A_1372], %swap3A_1375 {strides = array<i32>} : memref<1024x32xf32, #tpu.memory_space<vmem>>, vector<1x16xf32>,
            %add3A_1376 = arith.constant 6 : i32
            %add3A_1377 = arith.addi %add3A_1257, %add3A_1376 : i32
            %swap3A_1378 = arith.index_cast %add3A_1377 : i32 to index
            %swap3A_1379 = arith.constant 16 : index
            %swap3A_1380 = tpu.vector_load %arg9[%swap3A_1378, %swap3A_1379] {strides = array<i32>} : memref<1024x32xf32, #tpu.memory_space<vmem>>, vector<1x16xf32>,
            %swap3A_1381 = vector.shape_cast %swap3A_1380 : vector<1x16xf32> to vector<16xf32>
            %swap3A_1382 = vector.shape_cast %broadcast_in_dim3A_10 : vector<16xf32> to vector<1x16xf32>
            tpu.vector_store %arg9[%swap3A_1378, %swap3A_1379], %swap3A_1382 {strides = array<i32>} : memref<1024x32xf32, #tpu.memory_space<vmem>>, vector<1x16xf32>,
          } else {
          }
          %slice3A_1306 = vector.extract_strided_slice %min3A_1253 {offsets = [7], sizes = [1], strides = [1]} : vector<16xi32> to vector<1xi32>
          %squeeze3A_1307 = vector.extract %slice3A_1306[0] : i32 from vector<1xi32>
          %eq3A_1308 = arith.constant 0 : i32
          %eq3A_1309 = arith.cmpi eq, %squeeze3A_1307, %eq3A_1308 : i32
          %convert_element_type3A_1310 = arith.extui %eq3A_1309 : i1 to i32
          %cond3A_1311 = arith.constant 0 : i32
          %cond3A_1312 = arith.cmpi ne, %convert_element_type3A_1310, %cond3A_1311 : i32
          scf.if %cond3A_1312 {
            %add3A_1369 = arith.constant 7 : i32
            %add3A_1370 = arith.addi %add3A_1257, %add3A_1369 : i32
            %swap3A_1371 = arith.index_cast %add3A_1370 : i32 to index
            %swap3A_1372 = arith.constant 0 : index
            %swap3A_1373 = tpu.vector_load %arg9[%swap3A_1371, %swap3A_1372] {strides = array<i32>} : memref<1024x32xf32, #tpu.memory_space<vmem>>, vector<1x16xf32>,
            %swap3A_1374 = vector.shape_cast %swap3A_1373 : vector<1x16xf32> to vector<16xf32>
            %swap3A_1375 = vector.shape_cast %broadcast_in_dim3A_10 : vector<16xf32> to vector<1x16xf32>
            tpu.vector_store %arg9[%swap3A_1371, %swap3A_1372], %swap3A_1375 {strides = array<i32>} : memref<1024x32xf32, #tpu.memory_space<vmem>>, vector<1x16xf32>,
            %add3A_1376 = arith.constant 7 : i32
            %add3A_1377 = arith.addi %add3A_1257, %add3A_1376 : i32
            %swap3A_1378 = arith.index_cast %add3A_1377 : i32 to index
            %swap3A_1379 = arith.constant 16 : index
            %swap3A_1380 = tpu.vector_load %arg9[%swap3A_1378, %swap3A_1379] {strides = array<i32>} : memref<1024x32xf32, #tpu.memory_space<vmem>>, vector<1x16xf32>,
            %swap3A_1381 = vector.shape_cast %swap3A_1380 : vector<1x16xf32> to vector<16xf32>
            %swap3A_1382 = vector.shape_cast %broadcast_in_dim3A_10 : vector<16xf32> to vector<1x16xf32>
            tpu.vector_store %arg9[%swap3A_1378, %swap3A_1379], %swap3A_1382 {strides = array<i32>} : memref<1024x32xf32, #tpu.memory_space<vmem>>, vector<1x16xf32>,
          } else {
          }
          %slice3A_1313 = vector.extract_strided_slice %min3A_1253 {offsets = [8], sizes = [1], strides = [1]} : vector<16xi32> to vector<1xi32>
          %squeeze3A_1314 = vector.extract %slice3A_1313[0] : i32 from vector<1xi32>
          %eq3A_1315 = arith.constant 0 : i32
          %eq3A_1316 = arith.cmpi eq, %squeeze3A_1314, %eq3A_1315 : i32
          %convert_element_type3A_1317 = arith.extui %eq3A_1316 : i1 to i32
          %cond3A_1318 = arith.constant 0 : i32
          %cond3A_1319 = arith.cmpi ne, %convert_element_type3A_1317, %cond3A_1318 : i32
          scf.if %cond3A_1319 {
            %add3A_1369 = arith.constant 8 : i32
            %add3A_1370 = arith.addi %add3A_1257, %add3A_1369 : i32
            %swap3A_1371 = arith.index_cast %add3A_1370 : i32 to index
            %swap3A_1372 = arith.constant 0 : index
            %swap3A_1373 = tpu.vector_load %arg9[%swap3A_1371, %swap3A_1372] {strides = array<i32>} : memref<1024x32xf32, #tpu.memory_space<vmem>>, vector<1x16xf32>,
            %swap3A_1374 = vector.shape_cast %swap3A_1373 : vector<1x16xf32> to vector<16xf32>
            %swap3A_1375 = vector.shape_cast %broadcast_in_dim3A_10 : vector<16xf32> to vector<1x16xf32>
            tpu.vector_store %arg9[%swap3A_1371, %swap3A_1372], %swap3A_1375 {strides = array<i32>} : memref<1024x32xf32, #tpu.memory_space<vmem>>, vector<1x16xf32>,
            %add3A_1376 = arith.constant 8 : i32
            %add3A_1377 = arith.addi %add3A_1257, %add3A_1376 : i32
            %swap3A_1378 = arith.index_cast %add3A_1377 : i32 to index
            %swap3A_1379 = arith.constant 16 : index
            %swap3A_1380 = tpu.vector_load %arg9[%swap3A_1378, %swap3A_1379] {strides = array<i32>} : memref<1024x32xf32, #tpu.memory_space<vmem>>, vector<1x16xf32>,
            %swap3A_1381 = vector.shape_cast %swap3A_1380 : vector<1x16xf32> to vector<16xf32>
            %swap3A_1382 = vector.shape_cast %broadcast_in_dim3A_10 : vector<16xf32> to vector<1x16xf32>
            tpu.vector_store %arg9[%swap3A_1378, %swap3A_1379], %swap3A_1382 {strides = array<i32>} : memref<1024x32xf32, #tpu.memory_space<vmem>>, vector<1x16xf32>,
          } else {
          }
          %slice3A_1320 = vector.extract_strided_slice %min3A_1253 {offsets = [9], sizes = [1], strides = [1]} : vector<16xi32> to vector<1xi32>
          %squeeze3A_1321 = vector.extract %slice3A_1320[0] : i32 from vector<1xi32>
          %eq3A_1322 = arith.constant 0 : i32
          %eq3A_1323 = arith.cmpi eq, %squeeze3A_1321, %eq3A_1322 : i32
          %convert_element_type3A_1324 = arith.extui %eq3A_1323 : i1 to i32
          %cond3A_1325 = arith.constant 0 : i32
          %cond3A_1326 = arith.cmpi ne, %convert_element_type3A_1324, %cond3A_1325 : i32
          scf.if %cond3A_1326 {
            %add3A_1369 = arith.constant 9 : i32
            %add3A_1370 = arith.addi %add3A_1257, %add3A_1369 : i32
            %swap3A_1371 = arith.index_cast %add3A_1370 : i32 to index
            %swap3A_1372 = arith.constant 0 : index
            %swap3A_1373 = tpu.vector_load %arg9[%swap3A_1371, %swap3A_1372] {strides = array<i32>} : memref<1024x32xf32, #tpu.memory_space<vmem>>, vector<1x16xf32>,
            %swap3A_1374 = vector.shape_cast %swap3A_1373 : vector<1x16xf32> to vector<16xf32>
            %swap3A_1375 = vector.shape_cast %broadcast_in_dim3A_10 : vector<16xf32> to vector<1x16xf32>
            tpu.vector_store %arg9[%swap3A_1371, %swap3A_1372], %swap3A_1375 {strides = array<i32>} : memref<1024x32xf32, #tpu.memory_space<vmem>>, vector<1x16xf32>,
            %add3A_1376 = arith.constant 9 : i32
            %add3A_1377 = arith.addi %add3A_1257, %add3A_1376 : i32
            %swap3A_1378 = arith.index_cast %add3A_1377 : i32 to index
            %swap3A_1379 = arith.constant 16 : index
            %swap3A_1380 = tpu.vector_load %arg9[%swap3A_1378, %swap3A_1379] {strides = array<i32>} : memref<1024x32xf32, #tpu.memory_space<vmem>>, vector<1x16xf32>,
            %swap3A_1381 = vector.shape_cast %swap3A_1380 : vector<1x16xf32> to vector<16xf32>
            %swap3A_1382 = vector.shape_cast %broadcast_in_dim3A_10 : vector<16xf32> to vector<1x16xf32>
            tpu.vector_store %arg9[%swap3A_1378, %swap3A_1379], %swap3A_1382 {strides = array<i32>} : memref<1024x32xf32, #tpu.memory_space<vmem>>, vector<1x16xf32>,
          } else {
          }
          %slice3A_1327 = vector.extract_strided_slice %min3A_1253 {offsets = [10], sizes = [1], strides = [1]} : vector<16xi32> to vector<1xi32>
          %squeeze3A_1328 = vector.extract %slice3A_1327[0] : i32 from vector<1xi32>
          %eq3A_1329 = arith.constant 0 : i32
          %eq3A_1330 = arith.cmpi eq, %squeeze3A_1328, %eq3A_1329 : i32
          %convert_element_type3A_1331 = arith.extui %eq3A_1330 : i1 to i32
          %cond3A_1332 = arith.constant 0 : i32
          %cond3A_1333 = arith.cmpi ne, %convert_element_type3A_1331, %cond3A_1332 : i32
          scf.if %cond3A_1333 {
            %add3A_1369 = arith.constant 10 : i32
            %add3A_1370 = arith.addi %add3A_1257, %add3A_1369 : i32
            %swap3A_1371 = arith.index_cast %add3A_1370 : i32 to index
            %swap3A_1372 = arith.constant 0 : index
            %swap3A_1373 = tpu.vector_load %arg9[%swap3A_1371, %swap3A_1372] {strides = array<i32>} : memref<1024x32xf32, #tpu.memory_space<vmem>>, vector<1x16xf32>,
            %swap3A_1374 = vector.shape_cast %swap3A_1373 : vector<1x16xf32> to vector<16xf32>
            %swap3A_1375 = vector.shape_cast %broadcast_in_dim3A_10 : vector<16xf32> to vector<1x16xf32>
            tpu.vector_store %arg9[%swap3A_1371, %swap3A_1372], %swap3A_1375 {strides = array<i32>} : memref<1024x32xf32, #tpu.memory_space<vmem>>, vector<1x16xf32>,
            %add3A_1376 = arith.constant 10 : i32
            %add3A_1377 = arith.addi %add3A_1257, %add3A_1376 : i32
            %swap3A_1378 = arith.index_cast %add3A_1377 : i32 to index
            %swap3A_1379 = arith.constant 16 : index
            %swap3A_1380 = tpu.vector_load %arg9[%swap3A_1378, %swap3A_1379] {strides = array<i32>} : memref<1024x32xf32, #tpu.memory_space<vmem>>, vector<1x16xf32>,
            %swap3A_1381 = vector.shape_cast %swap3A_1380 : vector<1x16xf32> to vector<16xf32>
            %swap3A_1382 = vector.shape_cast %broadcast_in_dim3A_10 : vector<16xf32> to vector<1x16xf32>
            tpu.vector_store %arg9[%swap3A_1378, %swap3A_1379], %swap3A_1382 {strides = array<i32>} : memref<1024x32xf32, #tpu.memory_space<vmem>>, vector<1x16xf32>,
          } else {
          }
          %slice3A_1334 = vector.extract_strided_slice %min3A_1253 {offsets = [11], sizes = [1], strides = [1]} : vector<16xi32> to vector<1xi32>
          %squeeze3A_1335 = vector.extract %slice3A_1334[0] : i32 from vector<1xi32>
          %eq3A_1336 = arith.constant 0 : i32
          %eq3A_1337 = arith.cmpi eq, %squeeze3A_1335, %eq3A_1336 : i32
          %convert_element_type3A_1338 = arith.extui %eq3A_1337 : i1 to i32
          %cond3A_1339 = arith.constant 0 : i32
          %cond3A_1340 = arith.cmpi ne, %convert_element_type3A_1338, %cond3A_1339 : i32
          scf.if %cond3A_1340 {
            %add3A_1369 = arith.constant 11 : i32
            %add3A_1370 = arith.addi %add3A_1257, %add3A_1369 : i32
            %swap3A_1371 = arith.index_cast %add3A_1370 : i32 to index
            %swap3A_1372 = arith.constant 0 : index
            %swap3A_1373 = tpu.vector_load %arg9[%swap3A_1371, %swap3A_1372] {strides = array<i32>} : memref<1024x32xf32, #tpu.memory_space<vmem>>, vector<1x16xf32>,
            %swap3A_1374 = vector.shape_cast %swap3A_1373 : vector<1x16xf32> to vector<16xf32>
            %swap3A_1375 = vector.shape_cast %broadcast_in_dim3A_10 : vector<16xf32> to vector<1x16xf32>
            tpu.vector_store %arg9[%swap3A_1371, %swap3A_1372], %swap3A_1375 {strides = array<i32>} : memref<1024x32xf32, #tpu.memory_space<vmem>>, vector<1x16xf32>,
            %add3A_1376 = arith.constant 11 : i32
            %add3A_1377 = arith.addi %add3A_1257, %add3A_1376 : i32
            %swap3A_1378 = arith.index_cast %add3A_1377 : i32 to index
            %swap3A_1379 = arith.constant 16 : index
            %swap3A_1380 = tpu.vector_load %arg9[%swap3A_1378, %swap3A_1379] {strides = array<i32>} : memref<1024x32xf32, #tpu.memory_space<vmem>>, vector<1x16xf32>,
            %swap3A_1381 = vector.shape_cast %swap3A_1380 : vector<1x16xf32> to vector<16xf32>
            %swap3A_1382 = vector.shape_cast %broadcast_in_dim3A_10 : vector<16xf32> to vector<1x16xf32>
            tpu.vector_store %arg9[%swap3A_1378, %swap3A_1379], %swap3A_1382 {strides = array<i32>} : memref<1024x32xf32, #tpu.memory_space<vmem>>, vector<1x16xf32>,
          } else {
          }
          %slice3A_1341 = vector.extract_strided_slice %min3A_1253 {offsets = [12], sizes = [1], strides = [1]} : vector<16xi32> to vector<1xi32>
          %squeeze3A_1342 = vector.extract %slice3A_1341[0] : i32 from vector<1xi32>
          %eq3A_1343 = arith.constant 0 : i32
          %eq3A_1344 = arith.cmpi eq, %squeeze3A_1342, %eq3A_1343 : i32
          %convert_element_type3A_1345 = arith.extui %eq3A_1344 : i1 to i32
          %cond3A_1346 = arith.constant 0 : i32
          %cond3A_1347 = arith.cmpi ne, %convert_element_type3A_1345, %cond3A_1346 : i32
          scf.if %cond3A_1347 {
            %add3A_1369 = arith.constant 12 : i32
            %add3A_1370 = arith.addi %add3A_1257, %add3A_1369 : i32
            %swap3A_1371 = arith.index_cast %add3A_1370 : i32 to index
            %swap3A_1372 = arith.constant 0 : index
            %swap3A_1373 = tpu.vector_load %arg9[%swap3A_1371, %swap3A_1372] {strides = array<i32>} : memref<1024x32xf32, #tpu.memory_space<vmem>>, vector<1x16xf32>,
            %swap3A_1374 = vector.shape_cast %swap3A_1373 : vector<1x16xf32> to vector<16xf32>
            %swap3A_1375 = vector.shape_cast %broadcast_in_dim3A_10 : vector<16xf32> to vector<1x16xf32>
            tpu.vector_store %arg9[%swap3A_1371, %swap3A_1372], %swap3A_1375 {strides = array<i32>} : memref<1024x32xf32, #tpu.memory_space<vmem>>, vector<1x16xf32>,
            %add3A_1376 = arith.constant 12 : i32
            %add3A_1377 = arith.addi %add3A_1257, %add3A_1376 : i32
            %swap3A_1378 = arith.index_cast %add3A_1377 : i32 to index
            %swap3A_1379 = arith.constant 16 : index
            %swap3A_1380 = tpu.vector_load %arg9[%swap3A_1378, %swap3A_1379] {strides = array<i32>} : memref<1024x32xf32, #tpu.memory_space<vmem>>, vector<1x16xf32>,
            %swap3A_1381 = vector.shape_cast %swap3A_1380 : vector<1x16xf32> to vector<16xf32>
            %swap3A_1382 = vector.shape_cast %broadcast_in_dim3A_10 : vector<16xf32> to vector<1x16xf32>
            tpu.vector_store %arg9[%swap3A_1378, %swap3A_1379], %swap3A_1382 {strides = array<i32>} : memref<1024x32xf32, #tpu.memory_space<vmem>>, vector<1x16xf32>,
          } else {
          }
          %slice3A_1348 = vector.extract_strided_slice %min3A_1253 {offsets = [13], sizes = [1], strides = [1]} : vector<16xi32> to vector<1xi32>
          %squeeze3A_1349 = vector.extract %slice3A_1348[0] : i32 from vector<1xi32>
          %eq3A_1350 = arith.constant 0 : i32
          %eq3A_1351 = arith.cmpi eq, %squeeze3A_1349, %eq3A_1350 : i32
          %convert_element_type3A_1352 = arith.extui %eq3A_1351 : i1 to i32
          %cond3A_1353 = arith.constant 0 : i32
          %cond3A_1354 = arith.cmpi ne, %convert_element_type3A_1352, %cond3A_1353 : i32
          scf.if %cond3A_1354 {
            %add3A_1369 = arith.constant 13 : i32
            %add3A_1370 = arith.addi %add3A_1257, %add3A_1369 : i32
            %swap3A_1371 = arith.index_cast %add3A_1370 : i32 to index
            %swap3A_1372 = arith.constant 0 : index
            %swap3A_1373 = tpu.vector_load %arg9[%swap3A_1371, %swap3A_1372] {strides = array<i32>} : memref<1024x32xf32, #tpu.memory_space<vmem>>, vector<1x16xf32>,
            %swap3A_1374 = vector.shape_cast %swap3A_1373 : vector<1x16xf32> to vector<16xf32>
            %swap3A_1375 = vector.shape_cast %broadcast_in_dim3A_10 : vector<16xf32> to vector<1x16xf32>
            tpu.vector_store %arg9[%swap3A_1371, %swap3A_1372], %swap3A_1375 {strides = array<i32>} : memref<1024x32xf32, #tpu.memory_space<vmem>>, vector<1x16xf32>,
            %add3A_1376 = arith.constant 13 : i32
            %add3A_1377 = arith.addi %add3A_1257, %add3A_1376 : i32
            %swap3A_1378 = arith.index_cast %add3A_1377 : i32 to index
            %swap3A_1379 = arith.constant 16 : index
            %swap3A_1380 = tpu.vector_load %arg9[%swap3A_1378, %swap3A_1379] {strides = array<i32>} : memref<1024x32xf32, #tpu.memory_space<vmem>>, vector<1x16xf32>,
            %swap3A_1381 = vector.shape_cast %swap3A_1380 : vector<1x16xf32> to vector<16xf32>
            %swap3A_1382 = vector.shape_cast %broadcast_in_dim3A_10 : vector<16xf32> to vector<1x16xf32>
            tpu.vector_store %arg9[%swap3A_1378, %swap3A_1379], %swap3A_1382 {strides = array<i32>} : memref<1024x32xf32, #tpu.memory_space<vmem>>, vector<1x16xf32>,
          } else {
          }
          %slice3A_1355 = vector.extract_strided_slice %min3A_1253 {offsets = [14], sizes = [1], strides = [1]} : vector<16xi32> to vector<1xi32>
          %squeeze3A_1356 = vector.extract %slice3A_1355[0] : i32 from vector<1xi32>
          %eq3A_1357 = arith.constant 0 : i32
          %eq3A_1358 = arith.cmpi eq, %squeeze3A_1356, %eq3A_1357 : i32
          %convert_element_type3A_1359 = arith.extui %eq3A_1358 : i1 to i32
          %cond3A_1360 = arith.constant 0 : i32
          %cond3A_1361 = arith.cmpi ne, %convert_element_type3A_1359, %cond3A_1360 : i32
          scf.if %cond3A_1361 {
            %add3A_1369 = arith.constant 14 : i32
            %add3A_1370 = arith.addi %add3A_1257, %add3A_1369 : i32
            %swap3A_1371 = arith.index_cast %add3A_1370 : i32 to index
            %swap3A_1372 = arith.constant 0 : index
            %swap3A_1373 = tpu.vector_load %arg9[%swap3A_1371, %swap3A_1372] {strides = array<i32>} : memref<1024x32xf32, #tpu.memory_space<vmem>>, vector<1x16xf32>,
            %swap3A_1374 = vector.shape_cast %swap3A_1373 : vector<1x16xf32> to vector<16xf32>
            %swap3A_1375 = vector.shape_cast %broadcast_in_dim3A_10 : vector<16xf32> to vector<1x16xf32>
            tpu.vector_store %arg9[%swap3A_1371, %swap3A_1372], %swap3A_1375 {strides = array<i32>} : memref<1024x32xf32, #tpu.memory_space<vmem>>, vector<1x16xf32>,
            %add3A_1376 = arith.constant 14 : i32
            %add3A_1377 = arith.addi %add3A_1257, %add3A_1376 : i32
            %swap3A_1378 = arith.index_cast %add3A_1377 : i32 to index
            %swap3A_1379 = arith.constant 16 : index
            %swap3A_1380 = tpu.vector_load %arg9[%swap3A_1378, %swap3A_1379] {strides = array<i32>} : memref<1024x32xf32, #tpu.memory_space<vmem>>, vector<1x16xf32>,
            %swap3A_1381 = vector.shape_cast %swap3A_1380 : vector<1x16xf32> to vector<16xf32>
            %swap3A_1382 = vector.shape_cast %broadcast_in_dim3A_10 : vector<16xf32> to vector<1x16xf32>
            tpu.vector_store %arg9[%swap3A_1378, %swap3A_1379], %swap3A_1382 {strides = array<i32>} : memref<1024x32xf32, #tpu.memory_space<vmem>>, vector<1x16xf32>,
          } else {
          }
          %slice3A_1362 = vector.extract_strided_slice %min3A_1253 {offsets = [15], sizes = [1], strides = [1]} : vector<16xi32> to vector<1xi32>
          %squeeze3A_1363 = vector.extract %slice3A_1362[0] : i32 from vector<1xi32>
          %eq3A_1364 = arith.constant 0 : i32
          %eq3A_1365 = arith.cmpi eq, %squeeze3A_1363, %eq3A_1364 : i32
          %convert_element_type3A_1366 = arith.extui %eq3A_1365 : i1 to i32
          %cond3A_1367 = arith.constant 0 : i32
          %cond3A_1368 = arith.cmpi ne, %convert_element_type3A_1366, %cond3A_1367 : i32
          scf.if %cond3A_1368 {
            %add3A_1369 = arith.constant 15 : i32
            %add3A_1370 = arith.addi %add3A_1257, %add3A_1369 : i32
            %swap3A_1371 = arith.index_cast %add3A_1370 : i32 to index
            %swap3A_1372 = arith.constant 0 : index
            %swap3A_1373 = tpu.vector_load %arg9[%swap3A_1371, %swap3A_1372] {strides = array<i32>} : memref<1024x32xf32, #tpu.memory_space<vmem>>, vector<1x16xf32>,
            %swap3A_1374 = vector.shape_cast %swap3A_1373 : vector<1x16xf32> to vector<16xf32>
            %swap3A_1375 = vector.shape_cast %broadcast_in_dim3A_10 : vector<16xf32> to vector<1x16xf32>
            tpu.vector_store %arg9[%swap3A_1371, %swap3A_1372], %swap3A_1375 {strides = array<i32>} : memref<1024x32xf32, #tpu.memory_space<vmem>>, vector<1x16xf32>,
            %add3A_1376 = arith.constant 15 : i32
            %add3A_1377 = arith.addi %add3A_1257, %add3A_1376 : i32
            %swap3A_1378 = arith.index_cast %add3A_1377 : i32 to index
            %swap3A_1379 = arith.constant 16 : index
            %swap3A_1380 = tpu.vector_load %arg9[%swap3A_1378, %swap3A_1379] {strides = array<i32>} : memref<1024x32xf32, #tpu.memory_space<vmem>>, vector<1x16xf32>,
            %swap3A_1381 = vector.shape_cast %swap3A_1380 : vector<1x16xf32> to vector<16xf32>
            %swap3A_1382 = vector.shape_cast %broadcast_in_dim3A_10 : vector<16xf32> to vector<1x16xf32>
            tpu.vector_store %arg9[%swap3A_1378, %swap3A_1379], %swap3A_1382 {strides = array<i32>} : memref<1024x32xf32, #tpu.memory_space<vmem>>, vector<1x16xf32>,
          } else {
          }
        }
        %scan3A_1244 = arith.constant 8 : i32
      } else {
      }
      %mul3A_1180 = arith.constant 8 : i32
      %mul3A_1181 = arith.muli %scan3A_15, %mul3A_1180 : i32
      %add3A_1182 = arith.constant 3 : i32
      %add3A_1183 = arith.addi %mul3A_1181, %add3A_1182 : i32
      %slice3A_1184 = vector.extract_strided_slice %get3A_1151 {offsets = [3], sizes = [1], strides = [1]} : vector<16xi32> to vector<1xi32>
      %squeeze3A_1185 = vector.extract %slice3A_1184[0] : i32 from vector<1xi32>
      %ne3A_1186 = arith.constant 0 : i32
      %ne3A_1187 = arith.cmpi ne, %squeeze3A_1185, %ne3A_1186 : i32
      %convert_element_type3A_1188 = arith.extui %ne3A_1187 : i1 to i32
      %cond3A_1189 = arith.constant 0 : i32
      %cond3A_1190 = arith.cmpi ne, %convert_element_type3A_1188, %cond3A_1189 : i32
      scf.if %cond3A_1190 {
        %scan3A_1240 = arith.constant 0 : i32
        %scan3A_1241 = arith.constant 8 : i32
        %scan3A_1242 = arith.addi %scan3A_1240, %scan3A_1241 : i32
        %scan3A_1243 = arith.constant 1 : i32
        scf.for %scan3A_1245 = %scan3A_1240 to %scan3A_1242 step %scan3A_1243  : i32 {
          %mul3A_1246 = arith.constant 16 : i32
          %mul3A_1247 = arith.muli %scan3A_1245, %mul3A_1246 : i32
          %get3A_1248 = arith.index_cast %add3A_1183 : i32 to index
          %get3A_1249 = arith.index_cast %mul3A_1247 : i32 to index
          %get3A_1250 = tpu.vector_load %arg6[%get3A_1248, %get3A_1249] {strides = array<i32>} : memref<104x128xi32, #tpu.memory_space<vmem>>, vector<1x16xi32>,
          %get3A_1251 = vector.shape_cast %get3A_1250 : vector<1x16xi32> to vector<16xi32>
          %min3A = arith.constant 1 : i32
          %min3A_1252 = vector.broadcast %min3A : i32 to vector<16xi32>
          %min3A_1253 = arith.minsi %get3A_1251, %min3A_1252 : vector<16xi32>
          %mul3A_1254 = arith.constant 16 : i32
          %mul3A_1255 = arith.muli %scan3A_1245, %mul3A_1254 : i32
          %add3A_1256 = arith.constant 384 : i32
          %add3A_1257 = arith.addi %add3A_1256, %mul3A_1255 : i32
          %slice3A_1258 = vector.extract_strided_slice %min3A_1253 {offsets = [0], sizes = [1], strides = [1]} : vector<16xi32> to vector<1xi32>
          %squeeze3A_1259 = vector.extract %slice3A_1258[0] : i32 from vector<1xi32>
          %eq3A = arith.constant 0 : i32
          %eq3A_1260 = arith.cmpi eq, %squeeze3A_1259, %eq3A : i32
          %convert_element_type3A_1261 = arith.extui %eq3A_1260 : i1 to i32
          %cond3A_1262 = arith.constant 0 : i32
          %cond3A_1263 = arith.cmpi ne, %convert_element_type3A_1261, %cond3A_1262 : i32
          scf.if %cond3A_1263 {
            %add3A_1369 = arith.constant 0 : i32
            %add3A_1370 = arith.addi %add3A_1257, %add3A_1369 : i32
            %swap3A_1371 = arith.index_cast %add3A_1370 : i32 to index
            %swap3A_1372 = arith.constant 0 : index
            %swap3A_1373 = tpu.vector_load %arg9[%swap3A_1371, %swap3A_1372] {strides = array<i32>} : memref<1024x32xf32, #tpu.memory_space<vmem>>, vector<1x16xf32>,
            %swap3A_1374 = vector.shape_cast %swap3A_1373 : vector<1x16xf32> to vector<16xf32>
            %swap3A_1375 = vector.shape_cast %broadcast_in_dim3A_10 : vector<16xf32> to vector<1x16xf32>
            tpu.vector_store %arg9[%swap3A_1371, %swap3A_1372], %swap3A_1375 {strides = array<i32>} : memref<1024x32xf32, #tpu.memory_space<vmem>>, vector<1x16xf32>,
            %add3A_1376 = arith.constant 0 : i32
            %add3A_1377 = arith.addi %add3A_1257, %add3A_1376 : i32
            %swap3A_1378 = arith.index_cast %add3A_1377 : i32 to index
            %swap3A_1379 = arith.constant 16 : index
            %swap3A_1380 = tpu.vector_load %arg9[%swap3A_1378, %swap3A_1379] {strides = array<i32>} : memref<1024x32xf32, #tpu.memory_space<vmem>>, vector<1x16xf32>,
            %swap3A_1381 = vector.shape_cast %swap3A_1380 : vector<1x16xf32> to vector<16xf32>
            %swap3A_1382 = vector.shape_cast %broadcast_in_dim3A_10 : vector<16xf32> to vector<1x16xf32>
            tpu.vector_store %arg9[%swap3A_1378, %swap3A_1379], %swap3A_1382 {strides = array<i32>} : memref<1024x32xf32, #tpu.memory_space<vmem>>, vector<1x16xf32>,
          } else {
          }
          %slice3A_1264 = vector.extract_strided_slice %min3A_1253 {offsets = [1], sizes = [1], strides = [1]} : vector<16xi32> to vector<1xi32>
          %squeeze3A_1265 = vector.extract %slice3A_1264[0] : i32 from vector<1xi32>
          %eq3A_1266 = arith.constant 0 : i32
          %eq3A_1267 = arith.cmpi eq, %squeeze3A_1265, %eq3A_1266 : i32
          %convert_element_type3A_1268 = arith.extui %eq3A_1267 : i1 to i32
          %cond3A_1269 = arith.constant 0 : i32
          %cond3A_1270 = arith.cmpi ne, %convert_element_type3A_1268, %cond3A_1269 : i32
          scf.if %cond3A_1270 {
            %add3A_1369 = arith.constant 1 : i32
            %add3A_1370 = arith.addi %add3A_1257, %add3A_1369 : i32
            %swap3A_1371 = arith.index_cast %add3A_1370 : i32 to index
            %swap3A_1372 = arith.constant 0 : index
            %swap3A_1373 = tpu.vector_load %arg9[%swap3A_1371, %swap3A_1372] {strides = array<i32>} : memref<1024x32xf32, #tpu.memory_space<vmem>>, vector<1x16xf32>,
            %swap3A_1374 = vector.shape_cast %swap3A_1373 : vector<1x16xf32> to vector<16xf32>
            %swap3A_1375 = vector.shape_cast %broadcast_in_dim3A_10 : vector<16xf32> to vector<1x16xf32>
            tpu.vector_store %arg9[%swap3A_1371, %swap3A_1372], %swap3A_1375 {strides = array<i32>} : memref<1024x32xf32, #tpu.memory_space<vmem>>, vector<1x16xf32>,
            %add3A_1376 = arith.constant 1 : i32
            %add3A_1377 = arith.addi %add3A_1257, %add3A_1376 : i32
            %swap3A_1378 = arith.index_cast %add3A_1377 : i32 to index
            %swap3A_1379 = arith.constant 16 : index
            %swap3A_1380 = tpu.vector_load %arg9[%swap3A_1378, %swap3A_1379] {strides = array<i32>} : memref<1024x32xf32, #tpu.memory_space<vmem>>, vector<1x16xf32>,
            %swap3A_1381 = vector.shape_cast %swap3A_1380 : vector<1x16xf32> to vector<16xf32>
            %swap3A_1382 = vector.shape_cast %broadcast_in_dim3A_10 : vector<16xf32> to vector<1x16xf32>
            tpu.vector_store %arg9[%swap3A_1378, %swap3A_1379], %swap3A_1382 {strides = array<i32>} : memref<1024x32xf32, #tpu.memory_space<vmem>>, vector<1x16xf32>,
          } else {
          }
          %slice3A_1271 = vector.extract_strided_slice %min3A_1253 {offsets = [2], sizes = [1], strides = [1]} : vector<16xi32> to vector<1xi32>
          %squeeze3A_1272 = vector.extract %slice3A_1271[0] : i32 from vector<1xi32>
          %eq3A_1273 = arith.constant 0 : i32
          %eq3A_1274 = arith.cmpi eq, %squeeze3A_1272, %eq3A_1273 : i32
          %convert_element_type3A_1275 = arith.extui %eq3A_1274 : i1 to i32
          %cond3A_1276 = arith.constant 0 : i32
          %cond3A_1277 = arith.cmpi ne, %convert_element_type3A_1275, %cond3A_1276 : i32
          scf.if %cond3A_1277 {
            %add3A_1369 = arith.constant 2 : i32
            %add3A_1370 = arith.addi %add3A_1257, %add3A_1369 : i32
            %swap3A_1371 = arith.index_cast %add3A_1370 : i32 to index
            %swap3A_1372 = arith.constant 0 : index
            %swap3A_1373 = tpu.vector_load %arg9[%swap3A_1371, %swap3A_1372] {strides = array<i32>} : memref<1024x32xf32, #tpu.memory_space<vmem>>, vector<1x16xf32>,
            %swap3A_1374 = vector.shape_cast %swap3A_1373 : vector<1x16xf32> to vector<16xf32>
            %swap3A_1375 = vector.shape_cast %broadcast_in_dim3A_10 : vector<16xf32> to vector<1x16xf32>
            tpu.vector_store %arg9[%swap3A_1371, %swap3A_1372], %swap3A_1375 {strides = array<i32>} : memref<1024x32xf32, #tpu.memory_space<vmem>>, vector<1x16xf32>,
            %add3A_1376 = arith.constant 2 : i32
            %add3A_1377 = arith.addi %add3A_1257, %add3A_1376 : i32
            %swap3A_1378 = arith.index_cast %add3A_1377 : i32 to index
            %swap3A_1379 = arith.constant 16 : index
            %swap3A_1380 = tpu.vector_load %arg9[%swap3A_1378, %swap3A_1379] {strides = array<i32>} : memref<1024x32xf32, #tpu.memory_space<vmem>>, vector<1x16xf32>,
            %swap3A_1381 = vector.shape_cast %swap3A_1380 : vector<1x16xf32> to vector<16xf32>
            %swap3A_1382 = vector.shape_cast %broadcast_in_dim3A_10 : vector<16xf32> to vector<1x16xf32>
            tpu.vector_store %arg9[%swap3A_1378, %swap3A_1379], %swap3A_1382 {strides = array<i32>} : memref<1024x32xf32, #tpu.memory_space<vmem>>, vector<1x16xf32>,
          } else {
          }
          %slice3A_1278 = vector.extract_strided_slice %min3A_1253 {offsets = [3], sizes = [1], strides = [1]} : vector<16xi32> to vector<1xi32>
          %squeeze3A_1279 = vector.extract %slice3A_1278[0] : i32 from vector<1xi32>
          %eq3A_1280 = arith.constant 0 : i32
          %eq3A_1281 = arith.cmpi eq, %squeeze3A_1279, %eq3A_1280 : i32
          %convert_element_type3A_1282 = arith.extui %eq3A_1281 : i1 to i32
          %cond3A_1283 = arith.constant 0 : i32
          %cond3A_1284 = arith.cmpi ne, %convert_element_type3A_1282, %cond3A_1283 : i32
          scf.if %cond3A_1284 {
            %add3A_1369 = arith.constant 3 : i32
            %add3A_1370 = arith.addi %add3A_1257, %add3A_1369 : i32
            %swap3A_1371 = arith.index_cast %add3A_1370 : i32 to index
            %swap3A_1372 = arith.constant 0 : index
            %swap3A_1373 = tpu.vector_load %arg9[%swap3A_1371, %swap3A_1372] {strides = array<i32>} : memref<1024x32xf32, #tpu.memory_space<vmem>>, vector<1x16xf32>,
            %swap3A_1374 = vector.shape_cast %swap3A_1373 : vector<1x16xf32> to vector<16xf32>
            %swap3A_1375 = vector.shape_cast %broadcast_in_dim3A_10 : vector<16xf32> to vector<1x16xf32>
            tpu.vector_store %arg9[%swap3A_1371, %swap3A_1372], %swap3A_1375 {strides = array<i32>} : memref<1024x32xf32, #tpu.memory_space<vmem>>, vector<1x16xf32>,
            %add3A_1376 = arith.constant 3 : i32
            %add3A_1377 = arith.addi %add3A_1257, %add3A_1376 : i32
            %swap3A_1378 = arith.index_cast %add3A_1377 : i32 to index
            %swap3A_1379 = arith.constant 16 : index
            %swap3A_1380 = tpu.vector_load %arg9[%swap3A_1378, %swap3A_1379] {strides = array<i32>} : memref<1024x32xf32, #tpu.memory_space<vmem>>, vector<1x16xf32>,
            %swap3A_1381 = vector.shape_cast %swap3A_1380 : vector<1x16xf32> to vector<16xf32>
            %swap3A_1382 = vector.shape_cast %broadcast_in_dim3A_10 : vector<16xf32> to vector<1x16xf32>
            tpu.vector_store %arg9[%swap3A_1378, %swap3A_1379], %swap3A_1382 {strides = array<i32>} : memref<1024x32xf32, #tpu.memory_space<vmem>>, vector<1x16xf32>,
          } else {
          }
          %slice3A_1285 = vector.extract_strided_slice %min3A_1253 {offsets = [4], sizes = [1], strides = [1]} : vector<16xi32> to vector<1xi32>
          %squeeze3A_1286 = vector.extract %slice3A_1285[0] : i32 from vector<1xi32>
          %eq3A_1287 = arith.constant 0 : i32
          %eq3A_1288 = arith.cmpi eq, %squeeze3A_1286, %eq3A_1287 : i32
          %convert_element_type3A_1289 = arith.extui %eq3A_1288 : i1 to i32
          %cond3A_1290 = arith.constant 0 : i32
          %cond3A_1291 = arith.cmpi ne, %convert_element_type3A_1289, %cond3A_1290 : i32
          scf.if %cond3A_1291 {
            %add3A_1369 = arith.constant 4 : i32
            %add3A_1370 = arith.addi %add3A_1257, %add3A_1369 : i32
            %swap3A_1371 = arith.index_cast %add3A_1370 : i32 to index
            %swap3A_1372 = arith.constant 0 : index
            %swap3A_1373 = tpu.vector_load %arg9[%swap3A_1371, %swap3A_1372] {strides = array<i32>} : memref<1024x32xf32, #tpu.memory_space<vmem>>, vector<1x16xf32>,
            %swap3A_1374 = vector.shape_cast %swap3A_1373 : vector<1x16xf32> to vector<16xf32>
            %swap3A_1375 = vector.shape_cast %broadcast_in_dim3A_10 : vector<16xf32> to vector<1x16xf32>
            tpu.vector_store %arg9[%swap3A_1371, %swap3A_1372], %swap3A_1375 {strides = array<i32>} : memref<1024x32xf32, #tpu.memory_space<vmem>>, vector<1x16xf32>,
            %add3A_1376 = arith.constant 4 : i32
            %add3A_1377 = arith.addi %add3A_1257, %add3A_1376 : i32
            %swap3A_1378 = arith.index_cast %add3A_1377 : i32 to index
            %swap3A_1379 = arith.constant 16 : index
            %swap3A_1380 = tpu.vector_load %arg9[%swap3A_1378, %swap3A_1379] {strides = array<i32>} : memref<1024x32xf32, #tpu.memory_space<vmem>>, vector<1x16xf32>,
            %swap3A_1381 = vector.shape_cast %swap3A_1380 : vector<1x16xf32> to vector<16xf32>
            %swap3A_1382 = vector.shape_cast %broadcast_in_dim3A_10 : vector<16xf32> to vector<1x16xf32>
            tpu.vector_store %arg9[%swap3A_1378, %swap3A_1379], %swap3A_1382 {strides = array<i32>} : memref<1024x32xf32, #tpu.memory_space<vmem>>, vector<1x16xf32>,
          } else {
          }
          %slice3A_1292 = vector.extract_strided_slice %min3A_1253 {offsets = [5], sizes = [1], strides = [1]} : vector<16xi32> to vector<1xi32>
          %squeeze3A_1293 = vector.extract %slice3A_1292[0] : i32 from vector<1xi32>
          %eq3A_1294 = arith.constant 0 : i32
          %eq3A_1295 = arith.cmpi eq, %squeeze3A_1293, %eq3A_1294 : i32
          %convert_element_type3A_1296 = arith.extui %eq3A_1295 : i1 to i32
          %cond3A_1297 = arith.constant 0 : i32
          %cond3A_1298 = arith.cmpi ne, %convert_element_type3A_1296, %cond3A_1297 : i32
          scf.if %cond3A_1298 {
            %add3A_1369 = arith.constant 5 : i32
            %add3A_1370 = arith.addi %add3A_1257, %add3A_1369 : i32
            %swap3A_1371 = arith.index_cast %add3A_1370 : i32 to index
            %swap3A_1372 = arith.constant 0 : index
            %swap3A_1373 = tpu.vector_load %arg9[%swap3A_1371, %swap3A_1372] {strides = array<i32>} : memref<1024x32xf32, #tpu.memory_space<vmem>>, vector<1x16xf32>,
            %swap3A_1374 = vector.shape_cast %swap3A_1373 : vector<1x16xf32> to vector<16xf32>
            %swap3A_1375 = vector.shape_cast %broadcast_in_dim3A_10 : vector<16xf32> to vector<1x16xf32>
            tpu.vector_store %arg9[%swap3A_1371, %swap3A_1372], %swap3A_1375 {strides = array<i32>} : memref<1024x32xf32, #tpu.memory_space<vmem>>, vector<1x16xf32>,
            %add3A_1376 = arith.constant 5 : i32
            %add3A_1377 = arith.addi %add3A_1257, %add3A_1376 : i32
            %swap3A_1378 = arith.index_cast %add3A_1377 : i32 to index
            %swap3A_1379 = arith.constant 16 : index
            %swap3A_1380 = tpu.vector_load %arg9[%swap3A_1378, %swap3A_1379] {strides = array<i32>} : memref<1024x32xf32, #tpu.memory_space<vmem>>, vector<1x16xf32>,
            %swap3A_1381 = vector.shape_cast %swap3A_1380 : vector<1x16xf32> to vector<16xf32>
            %swap3A_1382 = vector.shape_cast %broadcast_in_dim3A_10 : vector<16xf32> to vector<1x16xf32>
            tpu.vector_store %arg9[%swap3A_1378, %swap3A_1379], %swap3A_1382 {strides = array<i32>} : memref<1024x32xf32, #tpu.memory_space<vmem>>, vector<1x16xf32>,
          } else {
          }
          %slice3A_1299 = vector.extract_strided_slice %min3A_1253 {offsets = [6], sizes = [1], strides = [1]} : vector<16xi32> to vector<1xi32>
          %squeeze3A_1300 = vector.extract %slice3A_1299[0] : i32 from vector<1xi32>
          %eq3A_1301 = arith.constant 0 : i32
          %eq3A_1302 = arith.cmpi eq, %squeeze3A_1300, %eq3A_1301 : i32
          %convert_element_type3A_1303 = arith.extui %eq3A_1302 : i1 to i32
          %cond3A_1304 = arith.constant 0 : i32
          %cond3A_1305 = arith.cmpi ne, %convert_element_type3A_1303, %cond3A_1304 : i32
          scf.if %cond3A_1305 {
            %add3A_1369 = arith.constant 6 : i32
            %add3A_1370 = arith.addi %add3A_1257, %add3A_1369 : i32
            %swap3A_1371 = arith.index_cast %add3A_1370 : i32 to index
            %swap3A_1372 = arith.constant 0 : index
            %swap3A_1373 = tpu.vector_load %arg9[%swap3A_1371, %swap3A_1372] {strides = array<i32>} : memref<1024x32xf32, #tpu.memory_space<vmem>>, vector<1x16xf32>,
            %swap3A_1374 = vector.shape_cast %swap3A_1373 : vector<1x16xf32> to vector<16xf32>
            %swap3A_1375 = vector.shape_cast %broadcast_in_dim3A_10 : vector<16xf32> to vector<1x16xf32>
            tpu.vector_store %arg9[%swap3A_1371, %swap3A_1372], %swap3A_1375 {strides = array<i32>} : memref<1024x32xf32, #tpu.memory_space<vmem>>, vector<1x16xf32>,
            %add3A_1376 = arith.constant 6 : i32
            %add3A_1377 = arith.addi %add3A_1257, %add3A_1376 : i32
            %swap3A_1378 = arith.index_cast %add3A_1377 : i32 to index
            %swap3A_1379 = arith.constant 16 : index
            %swap3A_1380 = tpu.vector_load %arg9[%swap3A_1378, %swap3A_1379] {strides = array<i32>} : memref<1024x32xf32, #tpu.memory_space<vmem>>, vector<1x16xf32>,
            %swap3A_1381 = vector.shape_cast %swap3A_1380 : vector<1x16xf32> to vector<16xf32>
            %swap3A_1382 = vector.shape_cast %broadcast_in_dim3A_10 : vector<16xf32> to vector<1x16xf32>
            tpu.vector_store %arg9[%swap3A_1378, %swap3A_1379], %swap3A_1382 {strides = array<i32>} : memref<1024x32xf32, #tpu.memory_space<vmem>>, vector<1x16xf32>,
          } else {
          }
          %slice3A_1306 = vector.extract_strided_slice %min3A_1253 {offsets = [7], sizes = [1], strides = [1]} : vector<16xi32> to vector<1xi32>
          %squeeze3A_1307 = vector.extract %slice3A_1306[0] : i32 from vector<1xi32>
          %eq3A_1308 = arith.constant 0 : i32
          %eq3A_1309 = arith.cmpi eq, %squeeze3A_1307, %eq3A_1308 : i32
          %convert_element_type3A_1310 = arith.extui %eq3A_1309 : i1 to i32
          %cond3A_1311 = arith.constant 0 : i32
          %cond3A_1312 = arith.cmpi ne, %convert_element_type3A_1310, %cond3A_1311 : i32
          scf.if %cond3A_1312 {
            %add3A_1369 = arith.constant 7 : i32
            %add3A_1370 = arith.addi %add3A_1257, %add3A_1369 : i32
            %swap3A_1371 = arith.index_cast %add3A_1370 : i32 to index
            %swap3A_1372 = arith.constant 0 : index
            %swap3A_1373 = tpu.vector_load %arg9[%swap3A_1371, %swap3A_1372] {strides = array<i32>} : memref<1024x32xf32, #tpu.memory_space<vmem>>, vector<1x16xf32>,
            %swap3A_1374 = vector.shape_cast %swap3A_1373 : vector<1x16xf32> to vector<16xf32>
            %swap3A_1375 = vector.shape_cast %broadcast_in_dim3A_10 : vector<16xf32> to vector<1x16xf32>
            tpu.vector_store %arg9[%swap3A_1371, %swap3A_1372], %swap3A_1375 {strides = array<i32>} : memref<1024x32xf32, #tpu.memory_space<vmem>>, vector<1x16xf32>,
            %add3A_1376 = arith.constant 7 : i32
            %add3A_1377 = arith.addi %add3A_1257, %add3A_1376 : i32
            %swap3A_1378 = arith.index_cast %add3A_1377 : i32 to index
            %swap3A_1379 = arith.constant 16 : index
            %swap3A_1380 = tpu.vector_load %arg9[%swap3A_1378, %swap3A_1379] {strides = array<i32>} : memref<1024x32xf32, #tpu.memory_space<vmem>>, vector<1x16xf32>,
            %swap3A_1381 = vector.shape_cast %swap3A_1380 : vector<1x16xf32> to vector<16xf32>
            %swap3A_1382 = vector.shape_cast %broadcast_in_dim3A_10 : vector<16xf32> to vector<1x16xf32>
            tpu.vector_store %arg9[%swap3A_1378, %swap3A_1379], %swap3A_1382 {strides = array<i32>} : memref<1024x32xf32, #tpu.memory_space<vmem>>, vector<1x16xf32>,
          } else {
          }
          %slice3A_1313 = vector.extract_strided_slice %min3A_1253 {offsets = [8], sizes = [1], strides = [1]} : vector<16xi32> to vector<1xi32>
          %squeeze3A_1314 = vector.extract %slice3A_1313[0] : i32 from vector<1xi32>
          %eq3A_1315 = arith.constant 0 : i32
          %eq3A_1316 = arith.cmpi eq, %squeeze3A_1314, %eq3A_1315 : i32
          %convert_element_type3A_1317 = arith.extui %eq3A_1316 : i1 to i32
          %cond3A_1318 = arith.constant 0 : i32
          %cond3A_1319 = arith.cmpi ne, %convert_element_type3A_1317, %cond3A_1318 : i32
          scf.if %cond3A_1319 {
            %add3A_1369 = arith.constant 8 : i32
            %add3A_1370 = arith.addi %add3A_1257, %add3A_1369 : i32
            %swap3A_1371 = arith.index_cast %add3A_1370 : i32 to index
            %swap3A_1372 = arith.constant 0 : index
            %swap3A_1373 = tpu.vector_load %arg9[%swap3A_1371, %swap3A_1372] {strides = array<i32>} : memref<1024x32xf32, #tpu.memory_space<vmem>>, vector<1x16xf32>,
            %swap3A_1374 = vector.shape_cast %swap3A_1373 : vector<1x16xf32> to vector<16xf32>
            %swap3A_1375 = vector.shape_cast %broadcast_in_dim3A_10 : vector<16xf32> to vector<1x16xf32>
            tpu.vector_store %arg9[%swap3A_1371, %swap3A_1372], %swap3A_1375 {strides = array<i32>} : memref<1024x32xf32, #tpu.memory_space<vmem>>, vector<1x16xf32>,
            %add3A_1376 = arith.constant 8 : i32
            %add3A_1377 = arith.addi %add3A_1257, %add3A_1376 : i32
            %swap3A_1378 = arith.index_cast %add3A_1377 : i32 to index
            %swap3A_1379 = arith.constant 16 : index
            %swap3A_1380 = tpu.vector_load %arg9[%swap3A_1378, %swap3A_1379] {strides = array<i32>} : memref<1024x32xf32, #tpu.memory_space<vmem>>, vector<1x16xf32>,
            %swap3A_1381 = vector.shape_cast %swap3A_1380 : vector<1x16xf32> to vector<16xf32>
            %swap3A_1382 = vector.shape_cast %broadcast_in_dim3A_10 : vector<16xf32> to vector<1x16xf32>
            tpu.vector_store %arg9[%swap3A_1378, %swap3A_1379], %swap3A_1382 {strides = array<i32>} : memref<1024x32xf32, #tpu.memory_space<vmem>>, vector<1x16xf32>,
          } else {
          }
          %slice3A_1320 = vector.extract_strided_slice %min3A_1253 {offsets = [9], sizes = [1], strides = [1]} : vector<16xi32> to vector<1xi32>
          %squeeze3A_1321 = vector.extract %slice3A_1320[0] : i32 from vector<1xi32>
          %eq3A_1322 = arith.constant 0 : i32
          %eq3A_1323 = arith.cmpi eq, %squeeze3A_1321, %eq3A_1322 : i32
          %convert_element_type3A_1324 = arith.extui %eq3A_1323 : i1 to i32
          %cond3A_1325 = arith.constant 0 : i32
          %cond3A_1326 = arith.cmpi ne, %convert_element_type3A_1324, %cond3A_1325 : i32
          scf.if %cond3A_1326 {
            %add3A_1369 = arith.constant 9 : i32
            %add3A_1370 = arith.addi %add3A_1257, %add3A_1369 : i32
            %swap3A_1371 = arith.index_cast %add3A_1370 : i32 to index
            %swap3A_1372 = arith.constant 0 : index
            %swap3A_1373 = tpu.vector_load %arg9[%swap3A_1371, %swap3A_1372] {strides = array<i32>} : memref<1024x32xf32, #tpu.memory_space<vmem>>, vector<1x16xf32>,
            %swap3A_1374 = vector.shape_cast %swap3A_1373 : vector<1x16xf32> to vector<16xf32>
            %swap3A_1375 = vector.shape_cast %broadcast_in_dim3A_10 : vector<16xf32> to vector<1x16xf32>
            tpu.vector_store %arg9[%swap3A_1371, %swap3A_1372], %swap3A_1375 {strides = array<i32>} : memref<1024x32xf32, #tpu.memory_space<vmem>>, vector<1x16xf32>,
            %add3A_1376 = arith.constant 9 : i32
            %add3A_1377 = arith.addi %add3A_1257, %add3A_1376 : i32
            %swap3A_1378 = arith.index_cast %add3A_1377 : i32 to index
            %swap3A_1379 = arith.constant 16 : index
            %swap3A_1380 = tpu.vector_load %arg9[%swap3A_1378, %swap3A_1379] {strides = array<i32>} : memref<1024x32xf32, #tpu.memory_space<vmem>>, vector<1x16xf32>,
            %swap3A_1381 = vector.shape_cast %swap3A_1380 : vector<1x16xf32> to vector<16xf32>
            %swap3A_1382 = vector.shape_cast %broadcast_in_dim3A_10 : vector<16xf32> to vector<1x16xf32>
            tpu.vector_store %arg9[%swap3A_1378, %swap3A_1379], %swap3A_1382 {strides = array<i32>} : memref<1024x32xf32, #tpu.memory_space<vmem>>, vector<1x16xf32>,
          } else {
          }
          %slice3A_1327 = vector.extract_strided_slice %min3A_1253 {offsets = [10], sizes = [1], strides = [1]} : vector<16xi32> to vector<1xi32>
          %squeeze3A_1328 = vector.extract %slice3A_1327[0] : i32 from vector<1xi32>
          %eq3A_1329 = arith.constant 0 : i32
          %eq3A_1330 = arith.cmpi eq, %squeeze3A_1328, %eq3A_1329 : i32
          %convert_element_type3A_1331 = arith.extui %eq3A_1330 : i1 to i32
          %cond3A_1332 = arith.constant 0 : i32
          %cond3A_1333 = arith.cmpi ne, %convert_element_type3A_1331, %cond3A_1332 : i32
          scf.if %cond3A_1333 {
            %add3A_1369 = arith.constant 10 : i32
            %add3A_1370 = arith.addi %add3A_1257, %add3A_1369 : i32
            %swap3A_1371 = arith.index_cast %add3A_1370 : i32 to index
            %swap3A_1372 = arith.constant 0 : index
            %swap3A_1373 = tpu.vector_load %arg9[%swap3A_1371, %swap3A_1372] {strides = array<i32>} : memref<1024x32xf32, #tpu.memory_space<vmem>>, vector<1x16xf32>,
            %swap3A_1374 = vector.shape_cast %swap3A_1373 : vector<1x16xf32> to vector<16xf32>
            %swap3A_1375 = vector.shape_cast %broadcast_in_dim3A_10 : vector<16xf32> to vector<1x16xf32>
            tpu.vector_store %arg9[%swap3A_1371, %swap3A_1372], %swap3A_1375 {strides = array<i32>} : memref<1024x32xf32, #tpu.memory_space<vmem>>, vector<1x16xf32>,
            %add3A_1376 = arith.constant 10 : i32
            %add3A_1377 = arith.addi %add3A_1257, %add3A_1376 : i32
            %swap3A_1378 = arith.index_cast %add3A_1377 : i32 to index
            %swap3A_1379 = arith.constant 16 : index
            %swap3A_1380 = tpu.vector_load %arg9[%swap3A_1378, %swap3A_1379] {strides = array<i32>} : memref<1024x32xf32, #tpu.memory_space<vmem>>, vector<1x16xf32>,
            %swap3A_1381 = vector.shape_cast %swap3A_1380 : vector<1x16xf32> to vector<16xf32>
            %swap3A_1382 = vector.shape_cast %broadcast_in_dim3A_10 : vector<16xf32> to vector<1x16xf32>
            tpu.vector_store %arg9[%swap3A_1378, %swap3A_1379], %swap3A_1382 {strides = array<i32>} : memref<1024x32xf32, #tpu.memory_space<vmem>>, vector<1x16xf32>,
          } else {
          }
          %slice3A_1334 = vector.extract_strided_slice %min3A_1253 {offsets = [11], sizes = [1], strides = [1]} : vector<16xi32> to vector<1xi32>
          %squeeze3A_1335 = vector.extract %slice3A_1334[0] : i32 from vector<1xi32>
          %eq3A_1336 = arith.constant 0 : i32
          %eq3A_1337 = arith.cmpi eq, %squeeze3A_1335, %eq3A_1336 : i32
          %convert_element_type3A_1338 = arith.extui %eq3A_1337 : i1 to i32
          %cond3A_1339 = arith.constant 0 : i32
          %cond3A_1340 = arith.cmpi ne, %convert_element_type3A_1338, %cond3A_1339 : i32
          scf.if %cond3A_1340 {
            %add3A_1369 = arith.constant 11 : i32
            %add3A_1370 = arith.addi %add3A_1257, %add3A_1369 : i32
            %swap3A_1371 = arith.index_cast %add3A_1370 : i32 to index
            %swap3A_1372 = arith.constant 0 : index
            %swap3A_1373 = tpu.vector_load %arg9[%swap3A_1371, %swap3A_1372] {strides = array<i32>} : memref<1024x32xf32, #tpu.memory_space<vmem>>, vector<1x16xf32>,
            %swap3A_1374 = vector.shape_cast %swap3A_1373 : vector<1x16xf32> to vector<16xf32>
            %swap3A_1375 = vector.shape_cast %broadcast_in_dim3A_10 : vector<16xf32> to vector<1x16xf32>
            tpu.vector_store %arg9[%swap3A_1371, %swap3A_1372], %swap3A_1375 {strides = array<i32>} : memref<1024x32xf32, #tpu.memory_space<vmem>>, vector<1x16xf32>,
            %add3A_1376 = arith.constant 11 : i32
            %add3A_1377 = arith.addi %add3A_1257, %add3A_1376 : i32
            %swap3A_1378 = arith.index_cast %add3A_1377 : i32 to index
            %swap3A_1379 = arith.constant 16 : index
            %swap3A_1380 = tpu.vector_load %arg9[%swap3A_1378, %swap3A_1379] {strides = array<i32>} : memref<1024x32xf32, #tpu.memory_space<vmem>>, vector<1x16xf32>,
            %swap3A_1381 = vector.shape_cast %swap3A_1380 : vector<1x16xf32> to vector<16xf32>
            %swap3A_1382 = vector.shape_cast %broadcast_in_dim3A_10 : vector<16xf32> to vector<1x16xf32>
            tpu.vector_store %arg9[%swap3A_1378, %swap3A_1379], %swap3A_1382 {strides = array<i32>} : memref<1024x32xf32, #tpu.memory_space<vmem>>, vector<1x16xf32>,
          } else {
          }
          %slice3A_1341 = vector.extract_strided_slice %min3A_1253 {offsets = [12], sizes = [1], strides = [1]} : vector<16xi32> to vector<1xi32>
          %squeeze3A_1342 = vector.extract %slice3A_1341[0] : i32 from vector<1xi32>
          %eq3A_1343 = arith.constant 0 : i32
          %eq3A_1344 = arith.cmpi eq, %squeeze3A_1342, %eq3A_1343 : i32
          %convert_element_type3A_1345 = arith.extui %eq3A_1344 : i1 to i32
          %cond3A_1346 = arith.constant 0 : i32
          %cond3A_1347 = arith.cmpi ne, %convert_element_type3A_1345, %cond3A_1346 : i32
          scf.if %cond3A_1347 {
            %add3A_1369 = arith.constant 12 : i32
            %add3A_1370 = arith.addi %add3A_1257, %add3A_1369 : i32
            %swap3A_1371 = arith.index_cast %add3A_1370 : i32 to index
            %swap3A_1372 = arith.constant 0 : index
            %swap3A_1373 = tpu.vector_load %arg9[%swap3A_1371, %swap3A_1372] {strides = array<i32>} : memref<1024x32xf32, #tpu.memory_space<vmem>>, vector<1x16xf32>,
            %swap3A_1374 = vector.shape_cast %swap3A_1373 : vector<1x16xf32> to vector<16xf32>
            %swap3A_1375 = vector.shape_cast %broadcast_in_dim3A_10 : vector<16xf32> to vector<1x16xf32>
            tpu.vector_store %arg9[%swap3A_1371, %swap3A_1372], %swap3A_1375 {strides = array<i32>} : memref<1024x32xf32, #tpu.memory_space<vmem>>, vector<1x16xf32>,
            %add3A_1376 = arith.constant 12 : i32
            %add3A_1377 = arith.addi %add3A_1257, %add3A_1376 : i32
            %swap3A_1378 = arith.index_cast %add3A_1377 : i32 to index
            %swap3A_1379 = arith.constant 16 : index
            %swap3A_1380 = tpu.vector_load %arg9[%swap3A_1378, %swap3A_1379] {strides = array<i32>} : memref<1024x32xf32, #tpu.memory_space<vmem>>, vector<1x16xf32>,
            %swap3A_1381 = vector.shape_cast %swap3A_1380 : vector<1x16xf32> to vector<16xf32>
            %swap3A_1382 = vector.shape_cast %broadcast_in_dim3A_10 : vector<16xf32> to vector<1x16xf32>
            tpu.vector_store %arg9[%swap3A_1378, %swap3A_1379], %swap3A_1382 {strides = array<i32>} : memref<1024x32xf32, #tpu.memory_space<vmem>>, vector<1x16xf32>,
          } else {
          }
          %slice3A_1348 = vector.extract_strided_slice %min3A_1253 {offsets = [13], sizes = [1], strides = [1]} : vector<16xi32> to vector<1xi32>
          %squeeze3A_1349 = vector.extract %slice3A_1348[0] : i32 from vector<1xi32>
          %eq3A_1350 = arith.constant 0 : i32
          %eq3A_1351 = arith.cmpi eq, %squeeze3A_1349, %eq3A_1350 : i32
          %convert_element_type3A_1352 = arith.extui %eq3A_1351 : i1 to i32
          %cond3A_1353 = arith.constant 0 : i32
          %cond3A_1354 = arith.cmpi ne, %convert_element_type3A_1352, %cond3A_1353 : i32
          scf.if %cond3A_1354 {
            %add3A_1369 = arith.constant 13 : i32
            %add3A_1370 = arith.addi %add3A_1257, %add3A_1369 : i32
            %swap3A_1371 = arith.index_cast %add3A_1370 : i32 to index
            %swap3A_1372 = arith.constant 0 : index
            %swap3A_1373 = tpu.vector_load %arg9[%swap3A_1371, %swap3A_1372] {strides = array<i32>} : memref<1024x32xf32, #tpu.memory_space<vmem>>, vector<1x16xf32>,
            %swap3A_1374 = vector.shape_cast %swap3A_1373 : vector<1x16xf32> to vector<16xf32>
            %swap3A_1375 = vector.shape_cast %broadcast_in_dim3A_10 : vector<16xf32> to vector<1x16xf32>
            tpu.vector_store %arg9[%swap3A_1371, %swap3A_1372], %swap3A_1375 {strides = array<i32>} : memref<1024x32xf32, #tpu.memory_space<vmem>>, vector<1x16xf32>,
            %add3A_1376 = arith.constant 13 : i32
            %add3A_1377 = arith.addi %add3A_1257, %add3A_1376 : i32
            %swap3A_1378 = arith.index_cast %add3A_1377 : i32 to index
            %swap3A_1379 = arith.constant 16 : index
            %swap3A_1380 = tpu.vector_load %arg9[%swap3A_1378, %swap3A_1379] {strides = array<i32>} : memref<1024x32xf32, #tpu.memory_space<vmem>>, vector<1x16xf32>,
            %swap3A_1381 = vector.shape_cast %swap3A_1380 : vector<1x16xf32> to vector<16xf32>
            %swap3A_1382 = vector.shape_cast %broadcast_in_dim3A_10 : vector<16xf32> to vector<1x16xf32>
            tpu.vector_store %arg9[%swap3A_1378, %swap3A_1379], %swap3A_1382 {strides = array<i32>} : memref<1024x32xf32, #tpu.memory_space<vmem>>, vector<1x16xf32>,
          } else {
          }
          %slice3A_1355 = vector.extract_strided_slice %min3A_1253 {offsets = [14], sizes = [1], strides = [1]} : vector<16xi32> to vector<1xi32>
          %squeeze3A_1356 = vector.extract %slice3A_1355[0] : i32 from vector<1xi32>
          %eq3A_1357 = arith.constant 0 : i32
          %eq3A_1358 = arith.cmpi eq, %squeeze3A_1356, %eq3A_1357 : i32
          %convert_element_type3A_1359 = arith.extui %eq3A_1358 : i1 to i32
          %cond3A_1360 = arith.constant 0 : i32
          %cond3A_1361 = arith.cmpi ne, %convert_element_type3A_1359, %cond3A_1360 : i32
          scf.if %cond3A_1361 {
            %add3A_1369 = arith.constant 14 : i32
            %add3A_1370 = arith.addi %add3A_1257, %add3A_1369 : i32
            %swap3A_1371 = arith.index_cast %add3A_1370 : i32 to index
            %swap3A_1372 = arith.constant 0 : index
            %swap3A_1373 = tpu.vector_load %arg9[%swap3A_1371, %swap3A_1372] {strides = array<i32>} : memref<1024x32xf32, #tpu.memory_space<vmem>>, vector<1x16xf32>,
            %swap3A_1374 = vector.shape_cast %swap3A_1373 : vector<1x16xf32> to vector<16xf32>
            %swap3A_1375 = vector.shape_cast %broadcast_in_dim3A_10 : vector<16xf32> to vector<1x16xf32>
            tpu.vector_store %arg9[%swap3A_1371, %swap3A_1372], %swap3A_1375 {strides = array<i32>} : memref<1024x32xf32, #tpu.memory_space<vmem>>, vector<1x16xf32>,
            %add3A_1376 = arith.constant 14 : i32
            %add3A_1377 = arith.addi %add3A_1257, %add3A_1376 : i32
            %swap3A_1378 = arith.index_cast %add3A_1377 : i32 to index
            %swap3A_1379 = arith.constant 16 : index
            %swap3A_1380 = tpu.vector_load %arg9[%swap3A_1378, %swap3A_1379] {strides = array<i32>} : memref<1024x32xf32, #tpu.memory_space<vmem>>, vector<1x16xf32>,
            %swap3A_1381 = vector.shape_cast %swap3A_1380 : vector<1x16xf32> to vector<16xf32>
            %swap3A_1382 = vector.shape_cast %broadcast_in_dim3A_10 : vector<16xf32> to vector<1x16xf32>
            tpu.vector_store %arg9[%swap3A_1378, %swap3A_1379], %swap3A_1382 {strides = array<i32>} : memref<1024x32xf32, #tpu.memory_space<vmem>>, vector<1x16xf32>,
          } else {
          }
          %slice3A_1362 = vector.extract_strided_slice %min3A_1253 {offsets = [15], sizes = [1], strides = [1]} : vector<16xi32> to vector<1xi32>
          %squeeze3A_1363 = vector.extract %slice3A_1362[0] : i32 from vector<1xi32>
          %eq3A_1364 = arith.constant 0 : i32
          %eq3A_1365 = arith.cmpi eq, %squeeze3A_1363, %eq3A_1364 : i32
          %convert_element_type3A_1366 = arith.extui %eq3A_1365 : i1 to i32
          %cond3A_1367 = arith.constant 0 : i32
          %cond3A_1368 = arith.cmpi ne, %convert_element_type3A_1366, %cond3A_1367 : i32
          scf.if %cond3A_1368 {
            %add3A_1369 = arith.constant 15 : i32
            %add3A_1370 = arith.addi %add3A_1257, %add3A_1369 : i32
            %swap3A_1371 = arith.index_cast %add3A_1370 : i32 to index
            %swap3A_1372 = arith.constant 0 : index
            %swap3A_1373 = tpu.vector_load %arg9[%swap3A_1371, %swap3A_1372] {strides = array<i32>} : memref<1024x32xf32, #tpu.memory_space<vmem>>, vector<1x16xf32>,
            %swap3A_1374 = vector.shape_cast %swap3A_1373 : vector<1x16xf32> to vector<16xf32>
            %swap3A_1375 = vector.shape_cast %broadcast_in_dim3A_10 : vector<16xf32> to vector<1x16xf32>
            tpu.vector_store %arg9[%swap3A_1371, %swap3A_1372], %swap3A_1375 {strides = array<i32>} : memref<1024x32xf32, #tpu.memory_space<vmem>>, vector<1x16xf32>,
            %add3A_1376 = arith.constant 15 : i32
            %add3A_1377 = arith.addi %add3A_1257, %add3A_1376 : i32
            %swap3A_1378 = arith.index_cast %add3A_1377 : i32 to index
            %swap3A_1379 = arith.constant 16 : index
            %swap3A_1380 = tpu.vector_load %arg9[%swap3A_1378, %swap3A_1379] {strides = array<i32>} : memref<1024x32xf32, #tpu.memory_space<vmem>>, vector<1x16xf32>,
            %swap3A_1381 = vector.shape_cast %swap3A_1380 : vector<1x16xf32> to vector<16xf32>
            %swap3A_1382 = vector.shape_cast %broadcast_in_dim3A_10 : vector<16xf32> to vector<1x16xf32>
            tpu.vector_store %arg9[%swap3A_1378, %swap3A_1379], %swap3A_1382 {strides = array<i32>} : memref<1024x32xf32, #tpu.memory_space<vmem>>, vector<1x16xf32>,
          } else {
          }
        }
        %scan3A_1244 = arith.constant 8 : i32
      } else {
      }
      %mul3A_1191 = arith.constant 8 : i32
      %mul3A_1192 = arith.muli %scan3A_15, %mul3A_1191 : i32
      %add3A_1193 = arith.constant 4 : i32
      %add3A_1194 = arith.addi %mul3A_1192, %add3A_1193 : i32
      %slice3A_1195 = vector.extract_strided_slice %get3A_1151 {offsets = [4], sizes = [1], strides = [1]} : vector<16xi32> to vector<1xi32>
      %squeeze3A_1196 = vector.extract %slice3A_1195[0] : i32 from vector<1xi32>
      %ne3A_1197 = arith.constant 0 : i32
      %ne3A_1198 = arith.cmpi ne, %squeeze3A_1196, %ne3A_1197 : i32
      %convert_element_type3A_1199 = arith.extui %ne3A_1198 : i1 to i32
      %cond3A_1200 = arith.constant 0 : i32
      %cond3A_1201 = arith.cmpi ne, %convert_element_type3A_1199, %cond3A_1200 : i32
      scf.if %cond3A_1201 {
        %scan3A_1240 = arith.constant 0 : i32
        %scan3A_1241 = arith.constant 8 : i32
        %scan3A_1242 = arith.addi %scan3A_1240, %scan3A_1241 : i32
        %scan3A_1243 = arith.constant 1 : i32
        scf.for %scan3A_1245 = %scan3A_1240 to %scan3A_1242 step %scan3A_1243  : i32 {
          %mul3A_1246 = arith.constant 16 : i32
          %mul3A_1247 = arith.muli %scan3A_1245, %mul3A_1246 : i32
          %get3A_1248 = arith.index_cast %add3A_1194 : i32 to index
          %get3A_1249 = arith.index_cast %mul3A_1247 : i32 to index
          %get3A_1250 = tpu.vector_load %arg6[%get3A_1248, %get3A_1249] {strides = array<i32>} : memref<104x128xi32, #tpu.memory_space<vmem>>, vector<1x16xi32>,
          %get3A_1251 = vector.shape_cast %get3A_1250 : vector<1x16xi32> to vector<16xi32>
          %min3A = arith.constant 1 : i32
          %min3A_1252 = vector.broadcast %min3A : i32 to vector<16xi32>
          %min3A_1253 = arith.minsi %get3A_1251, %min3A_1252 : vector<16xi32>
          %mul3A_1254 = arith.constant 16 : i32
          %mul3A_1255 = arith.muli %scan3A_1245, %mul3A_1254 : i32
          %add3A_1256 = arith.constant 512 : i32
          %add3A_1257 = arith.addi %add3A_1256, %mul3A_1255 : i32
          %slice3A_1258 = vector.extract_strided_slice %min3A_1253 {offsets = [0], sizes = [1], strides = [1]} : vector<16xi32> to vector<1xi32>
          %squeeze3A_1259 = vector.extract %slice3A_1258[0] : i32 from vector<1xi32>
          %eq3A = arith.constant 0 : i32
          %eq3A_1260 = arith.cmpi eq, %squeeze3A_1259, %eq3A : i32
          %convert_element_type3A_1261 = arith.extui %eq3A_1260 : i1 to i32
          %cond3A_1262 = arith.constant 0 : i32
          %cond3A_1263 = arith.cmpi ne, %convert_element_type3A_1261, %cond3A_1262 : i32
          scf.if %cond3A_1263 {
            %add3A_1369 = arith.constant 0 : i32
            %add3A_1370 = arith.addi %add3A_1257, %add3A_1369 : i32
            %swap3A_1371 = arith.index_cast %add3A_1370 : i32 to index
            %swap3A_1372 = arith.constant 0 : index
            %swap3A_1373 = tpu.vector_load %arg9[%swap3A_1371, %swap3A_1372] {strides = array<i32>} : memref<1024x32xf32, #tpu.memory_space<vmem>>, vector<1x16xf32>,
            %swap3A_1374 = vector.shape_cast %swap3A_1373 : vector<1x16xf32> to vector<16xf32>
            %swap3A_1375 = vector.shape_cast %broadcast_in_dim3A_10 : vector<16xf32> to vector<1x16xf32>
            tpu.vector_store %arg9[%swap3A_1371, %swap3A_1372], %swap3A_1375 {strides = array<i32>} : memref<1024x32xf32, #tpu.memory_space<vmem>>, vector<1x16xf32>,
            %add3A_1376 = arith.constant 0 : i32
            %add3A_1377 = arith.addi %add3A_1257, %add3A_1376 : i32
            %swap3A_1378 = arith.index_cast %add3A_1377 : i32 to index
            %swap3A_1379 = arith.constant 16 : index
            %swap3A_1380 = tpu.vector_load %arg9[%swap3A_1378, %swap3A_1379] {strides = array<i32>} : memref<1024x32xf32, #tpu.memory_space<vmem>>, vector<1x16xf32>,
            %swap3A_1381 = vector.shape_cast %swap3A_1380 : vector<1x16xf32> to vector<16xf32>
            %swap3A_1382 = vector.shape_cast %broadcast_in_dim3A_10 : vector<16xf32> to vector<1x16xf32>
            tpu.vector_store %arg9[%swap3A_1378, %swap3A_1379], %swap3A_1382 {strides = array<i32>} : memref<1024x32xf32, #tpu.memory_space<vmem>>, vector<1x16xf32>,
          } else {
          }
          %slice3A_1264 = vector.extract_strided_slice %min3A_1253 {offsets = [1], sizes = [1], strides = [1]} : vector<16xi32> to vector<1xi32>
          %squeeze3A_1265 = vector.extract %slice3A_1264[0] : i32 from vector<1xi32>
          %eq3A_1266 = arith.constant 0 : i32
          %eq3A_1267 = arith.cmpi eq, %squeeze3A_1265, %eq3A_1266 : i32
          %convert_element_type3A_1268 = arith.extui %eq3A_1267 : i1 to i32
          %cond3A_1269 = arith.constant 0 : i32
          %cond3A_1270 = arith.cmpi ne, %convert_element_type3A_1268, %cond3A_1269 : i32
          scf.if %cond3A_1270 {
            %add3A_1369 = arith.constant 1 : i32
            %add3A_1370 = arith.addi %add3A_1257, %add3A_1369 : i32
            %swap3A_1371 = arith.index_cast %add3A_1370 : i32 to index
            %swap3A_1372 = arith.constant 0 : index
            %swap3A_1373 = tpu.vector_load %arg9[%swap3A_1371, %swap3A_1372] {strides = array<i32>} : memref<1024x32xf32, #tpu.memory_space<vmem>>, vector<1x16xf32>,
            %swap3A_1374 = vector.shape_cast %swap3A_1373 : vector<1x16xf32> to vector<16xf32>
            %swap3A_1375 = vector.shape_cast %broadcast_in_dim3A_10 : vector<16xf32> to vector<1x16xf32>
            tpu.vector_store %arg9[%swap3A_1371, %swap3A_1372], %swap3A_1375 {strides = array<i32>} : memref<1024x32xf32, #tpu.memory_space<vmem>>, vector<1x16xf32>,
            %add3A_1376 = arith.constant 1 : i32
            %add3A_1377 = arith.addi %add3A_1257, %add3A_1376 : i32
            %swap3A_1378 = arith.index_cast %add3A_1377 : i32 to index
            %swap3A_1379 = arith.constant 16 : index
            %swap3A_1380 = tpu.vector_load %arg9[%swap3A_1378, %swap3A_1379] {strides = array<i32>} : memref<1024x32xf32, #tpu.memory_space<vmem>>, vector<1x16xf32>,
            %swap3A_1381 = vector.shape_cast %swap3A_1380 : vector<1x16xf32> to vector<16xf32>
            %swap3A_1382 = vector.shape_cast %broadcast_in_dim3A_10 : vector<16xf32> to vector<1x16xf32>
            tpu.vector_store %arg9[%swap3A_1378, %swap3A_1379], %swap3A_1382 {strides = array<i32>} : memref<1024x32xf32, #tpu.memory_space<vmem>>, vector<1x16xf32>,
          } else {
          }
          %slice3A_1271 = vector.extract_strided_slice %min3A_1253 {offsets = [2], sizes = [1], strides = [1]} : vector<16xi32> to vector<1xi32>
          %squeeze3A_1272 = vector.extract %slice3A_1271[0] : i32 from vector<1xi32>
          %eq3A_1273 = arith.constant 0 : i32
          %eq3A_1274 = arith.cmpi eq, %squeeze3A_1272, %eq3A_1273 : i32
          %convert_element_type3A_1275 = arith.extui %eq3A_1274 : i1 to i32
          %cond3A_1276 = arith.constant 0 : i32
          %cond3A_1277 = arith.cmpi ne, %convert_element_type3A_1275, %cond3A_1276 : i32
          scf.if %cond3A_1277 {
            %add3A_1369 = arith.constant 2 : i32
            %add3A_1370 = arith.addi %add3A_1257, %add3A_1369 : i32
            %swap3A_1371 = arith.index_cast %add3A_1370 : i32 to index
            %swap3A_1372 = arith.constant 0 : index
            %swap3A_1373 = tpu.vector_load %arg9[%swap3A_1371, %swap3A_1372] {strides = array<i32>} : memref<1024x32xf32, #tpu.memory_space<vmem>>, vector<1x16xf32>,
            %swap3A_1374 = vector.shape_cast %swap3A_1373 : vector<1x16xf32> to vector<16xf32>
            %swap3A_1375 = vector.shape_cast %broadcast_in_dim3A_10 : vector<16xf32> to vector<1x16xf32>
            tpu.vector_store %arg9[%swap3A_1371, %swap3A_1372], %swap3A_1375 {strides = array<i32>} : memref<1024x32xf32, #tpu.memory_space<vmem>>, vector<1x16xf32>,
            %add3A_1376 = arith.constant 2 : i32
            %add3A_1377 = arith.addi %add3A_1257, %add3A_1376 : i32
            %swap3A_1378 = arith.index_cast %add3A_1377 : i32 to index
            %swap3A_1379 = arith.constant 16 : index
            %swap3A_1380 = tpu.vector_load %arg9[%swap3A_1378, %swap3A_1379] {strides = array<i32>} : memref<1024x32xf32, #tpu.memory_space<vmem>>, vector<1x16xf32>,
            %swap3A_1381 = vector.shape_cast %swap3A_1380 : vector<1x16xf32> to vector<16xf32>
            %swap3A_1382 = vector.shape_cast %broadcast_in_dim3A_10 : vector<16xf32> to vector<1x16xf32>
            tpu.vector_store %arg9[%swap3A_1378, %swap3A_1379], %swap3A_1382 {strides = array<i32>} : memref<1024x32xf32, #tpu.memory_space<vmem>>, vector<1x16xf32>,
          } else {
          }
          %slice3A_1278 = vector.extract_strided_slice %min3A_1253 {offsets = [3], sizes = [1], strides = [1]} : vector<16xi32> to vector<1xi32>
          %squeeze3A_1279 = vector.extract %slice3A_1278[0] : i32 from vector<1xi32>
          %eq3A_1280 = arith.constant 0 : i32
          %eq3A_1281 = arith.cmpi eq, %squeeze3A_1279, %eq3A_1280 : i32
          %convert_element_type3A_1282 = arith.extui %eq3A_1281 : i1 to i32
          %cond3A_1283 = arith.constant 0 : i32
          %cond3A_1284 = arith.cmpi ne, %convert_element_type3A_1282, %cond3A_1283 : i32
          scf.if %cond3A_1284 {
            %add3A_1369 = arith.constant 3 : i32
            %add3A_1370 = arith.addi %add3A_1257, %add3A_1369 : i32
            %swap3A_1371 = arith.index_cast %add3A_1370 : i32 to index
            %swap3A_1372 = arith.constant 0 : index
            %swap3A_1373 = tpu.vector_load %arg9[%swap3A_1371, %swap3A_1372] {strides = array<i32>} : memref<1024x32xf32, #tpu.memory_space<vmem>>, vector<1x16xf32>,
            %swap3A_1374 = vector.shape_cast %swap3A_1373 : vector<1x16xf32> to vector<16xf32>
            %swap3A_1375 = vector.shape_cast %broadcast_in_dim3A_10 : vector<16xf32> to vector<1x16xf32>
            tpu.vector_store %arg9[%swap3A_1371, %swap3A_1372], %swap3A_1375 {strides = array<i32>} : memref<1024x32xf32, #tpu.memory_space<vmem>>, vector<1x16xf32>,
            %add3A_1376 = arith.constant 3 : i32
            %add3A_1377 = arith.addi %add3A_1257, %add3A_1376 : i32
            %swap3A_1378 = arith.index_cast %add3A_1377 : i32 to index
            %swap3A_1379 = arith.constant 16 : index
            %swap3A_1380 = tpu.vector_load %arg9[%swap3A_1378, %swap3A_1379] {strides = array<i32>} : memref<1024x32xf32, #tpu.memory_space<vmem>>, vector<1x16xf32>,
            %swap3A_1381 = vector.shape_cast %swap3A_1380 : vector<1x16xf32> to vector<16xf32>
            %swap3A_1382 = vector.shape_cast %broadcast_in_dim3A_10 : vector<16xf32> to vector<1x16xf32>
            tpu.vector_store %arg9[%swap3A_1378, %swap3A_1379], %swap3A_1382 {strides = array<i32>} : memref<1024x32xf32, #tpu.memory_space<vmem>>, vector<1x16xf32>,
          } else {
          }
          %slice3A_1285 = vector.extract_strided_slice %min3A_1253 {offsets = [4], sizes = [1], strides = [1]} : vector<16xi32> to vector<1xi32>
          %squeeze3A_1286 = vector.extract %slice3A_1285[0] : i32 from vector<1xi32>
          %eq3A_1287 = arith.constant 0 : i32
          %eq3A_1288 = arith.cmpi eq, %squeeze3A_1286, %eq3A_1287 : i32
          %convert_element_type3A_1289 = arith.extui %eq3A_1288 : i1 to i32
          %cond3A_1290 = arith.constant 0 : i32
          %cond3A_1291 = arith.cmpi ne, %convert_element_type3A_1289, %cond3A_1290 : i32
          scf.if %cond3A_1291 {
            %add3A_1369 = arith.constant 4 : i32
            %add3A_1370 = arith.addi %add3A_1257, %add3A_1369 : i32
            %swap3A_1371 = arith.index_cast %add3A_1370 : i32 to index
            %swap3A_1372 = arith.constant 0 : index
            %swap3A_1373 = tpu.vector_load %arg9[%swap3A_1371, %swap3A_1372] {strides = array<i32>} : memref<1024x32xf32, #tpu.memory_space<vmem>>, vector<1x16xf32>,
            %swap3A_1374 = vector.shape_cast %swap3A_1373 : vector<1x16xf32> to vector<16xf32>
            %swap3A_1375 = vector.shape_cast %broadcast_in_dim3A_10 : vector<16xf32> to vector<1x16xf32>
            tpu.vector_store %arg9[%swap3A_1371, %swap3A_1372], %swap3A_1375 {strides = array<i32>} : memref<1024x32xf32, #tpu.memory_space<vmem>>, vector<1x16xf32>,
            %add3A_1376 = arith.constant 4 : i32
            %add3A_1377 = arith.addi %add3A_1257, %add3A_1376 : i32
            %swap3A_1378 = arith.index_cast %add3A_1377 : i32 to index
            %swap3A_1379 = arith.constant 16 : index
            %swap3A_1380 = tpu.vector_load %arg9[%swap3A_1378, %swap3A_1379] {strides = array<i32>} : memref<1024x32xf32, #tpu.memory_space<vmem>>, vector<1x16xf32>,
            %swap3A_1381 = vector.shape_cast %swap3A_1380 : vector<1x16xf32> to vector<16xf32>
            %swap3A_1382 = vector.shape_cast %broadcast_in_dim3A_10 : vector<16xf32> to vector<1x16xf32>
            tpu.vector_store %arg9[%swap3A_1378, %swap3A_1379], %swap3A_1382 {strides = array<i32>} : memref<1024x32xf32, #tpu.memory_space<vmem>>, vector<1x16xf32>,
          } else {
          }
          %slice3A_1292 = vector.extract_strided_slice %min3A_1253 {offsets = [5], sizes = [1], strides = [1]} : vector<16xi32> to vector<1xi32>
          %squeeze3A_1293 = vector.extract %slice3A_1292[0] : i32 from vector<1xi32>
          %eq3A_1294 = arith.constant 0 : i32
          %eq3A_1295 = arith.cmpi eq, %squeeze3A_1293, %eq3A_1294 : i32
          %convert_element_type3A_1296 = arith.extui %eq3A_1295 : i1 to i32
          %cond3A_1297 = arith.constant 0 : i32
          %cond3A_1298 = arith.cmpi ne, %convert_element_type3A_1296, %cond3A_1297 : i32
          scf.if %cond3A_1298 {
            %add3A_1369 = arith.constant 5 : i32
            %add3A_1370 = arith.addi %add3A_1257, %add3A_1369 : i32
            %swap3A_1371 = arith.index_cast %add3A_1370 : i32 to index
            %swap3A_1372 = arith.constant 0 : index
            %swap3A_1373 = tpu.vector_load %arg9[%swap3A_1371, %swap3A_1372] {strides = array<i32>} : memref<1024x32xf32, #tpu.memory_space<vmem>>, vector<1x16xf32>,
            %swap3A_1374 = vector.shape_cast %swap3A_1373 : vector<1x16xf32> to vector<16xf32>
            %swap3A_1375 = vector.shape_cast %broadcast_in_dim3A_10 : vector<16xf32> to vector<1x16xf32>
            tpu.vector_store %arg9[%swap3A_1371, %swap3A_1372], %swap3A_1375 {strides = array<i32>} : memref<1024x32xf32, #tpu.memory_space<vmem>>, vector<1x16xf32>,
            %add3A_1376 = arith.constant 5 : i32
            %add3A_1377 = arith.addi %add3A_1257, %add3A_1376 : i32
            %swap3A_1378 = arith.index_cast %add3A_1377 : i32 to index
            %swap3A_1379 = arith.constant 16 : index
            %swap3A_1380 = tpu.vector_load %arg9[%swap3A_1378, %swap3A_1379] {strides = array<i32>} : memref<1024x32xf32, #tpu.memory_space<vmem>>, vector<1x16xf32>,
            %swap3A_1381 = vector.shape_cast %swap3A_1380 : vector<1x16xf32> to vector<16xf32>
            %swap3A_1382 = vector.shape_cast %broadcast_in_dim3A_10 : vector<16xf32> to vector<1x16xf32>
            tpu.vector_store %arg9[%swap3A_1378, %swap3A_1379], %swap3A_1382 {strides = array<i32>} : memref<1024x32xf32, #tpu.memory_space<vmem>>, vector<1x16xf32>,
          } else {
          }
          %slice3A_1299 = vector.extract_strided_slice %min3A_1253 {offsets = [6], sizes = [1], strides = [1]} : vector<16xi32> to vector<1xi32>
          %squeeze3A_1300 = vector.extract %slice3A_1299[0] : i32 from vector<1xi32>
          %eq3A_1301 = arith.constant 0 : i32
          %eq3A_1302 = arith.cmpi eq, %squeeze3A_1300, %eq3A_1301 : i32
          %convert_element_type3A_1303 = arith.extui %eq3A_1302 : i1 to i32
          %cond3A_1304 = arith.constant 0 : i32
          %cond3A_1305 = arith.cmpi ne, %convert_element_type3A_1303, %cond3A_1304 : i32
          scf.if %cond3A_1305 {
            %add3A_1369 = arith.constant 6 : i32
            %add3A_1370 = arith.addi %add3A_1257, %add3A_1369 : i32
            %swap3A_1371 = arith.index_cast %add3A_1370 : i32 to index
            %swap3A_1372 = arith.constant 0 : index
            %swap3A_1373 = tpu.vector_load %arg9[%swap3A_1371, %swap3A_1372] {strides = array<i32>} : memref<1024x32xf32, #tpu.memory_space<vmem>>, vector<1x16xf32>,
            %swap3A_1374 = vector.shape_cast %swap3A_1373 : vector<1x16xf32> to vector<16xf32>
            %swap3A_1375 = vector.shape_cast %broadcast_in_dim3A_10 : vector<16xf32> to vector<1x16xf32>
            tpu.vector_store %arg9[%swap3A_1371, %swap3A_1372], %swap3A_1375 {strides = array<i32>} : memref<1024x32xf32, #tpu.memory_space<vmem>>, vector<1x16xf32>,
            %add3A_1376 = arith.constant 6 : i32
            %add3A_1377 = arith.addi %add3A_1257, %add3A_1376 : i32
            %swap3A_1378 = arith.index_cast %add3A_1377 : i32 to index
            %swap3A_1379 = arith.constant 16 : index
            %swap3A_1380 = tpu.vector_load %arg9[%swap3A_1378, %swap3A_1379] {strides = array<i32>} : memref<1024x32xf32, #tpu.memory_space<vmem>>, vector<1x16xf32>,
            %swap3A_1381 = vector.shape_cast %swap3A_1380 : vector<1x16xf32> to vector<16xf32>
            %swap3A_1382 = vector.shape_cast %broadcast_in_dim3A_10 : vector<16xf32> to vector<1x16xf32>
            tpu.vector_store %arg9[%swap3A_1378, %swap3A_1379], %swap3A_1382 {strides = array<i32>} : memref<1024x32xf32, #tpu.memory_space<vmem>>, vector<1x16xf32>,
          } else {
          }
          %slice3A_1306 = vector.extract_strided_slice %min3A_1253 {offsets = [7], sizes = [1], strides = [1]} : vector<16xi32> to vector<1xi32>
          %squeeze3A_1307 = vector.extract %slice3A_1306[0] : i32 from vector<1xi32>
          %eq3A_1308 = arith.constant 0 : i32
          %eq3A_1309 = arith.cmpi eq, %squeeze3A_1307, %eq3A_1308 : i32
          %convert_element_type3A_1310 = arith.extui %eq3A_1309 : i1 to i32
          %cond3A_1311 = arith.constant 0 : i32
          %cond3A_1312 = arith.cmpi ne, %convert_element_type3A_1310, %cond3A_1311 : i32
          scf.if %cond3A_1312 {
            %add3A_1369 = arith.constant 7 : i32
            %add3A_1370 = arith.addi %add3A_1257, %add3A_1369 : i32
            %swap3A_1371 = arith.index_cast %add3A_1370 : i32 to index
            %swap3A_1372 = arith.constant 0 : index
            %swap3A_1373 = tpu.vector_load %arg9[%swap3A_1371, %swap3A_1372] {strides = array<i32>} : memref<1024x32xf32, #tpu.memory_space<vmem>>, vector<1x16xf32>,
            %swap3A_1374 = vector.shape_cast %swap3A_1373 : vector<1x16xf32> to vector<16xf32>
            %swap3A_1375 = vector.shape_cast %broadcast_in_dim3A_10 : vector<16xf32> to vector<1x16xf32>
            tpu.vector_store %arg9[%swap3A_1371, %swap3A_1372], %swap3A_1375 {strides = array<i32>} : memref<1024x32xf32, #tpu.memory_space<vmem>>, vector<1x16xf32>,
            %add3A_1376 = arith.constant 7 : i32
            %add3A_1377 = arith.addi %add3A_1257, %add3A_1376 : i32
            %swap3A_1378 = arith.index_cast %add3A_1377 : i32 to index
            %swap3A_1379 = arith.constant 16 : index
            %swap3A_1380 = tpu.vector_load %arg9[%swap3A_1378, %swap3A_1379] {strides = array<i32>} : memref<1024x32xf32, #tpu.memory_space<vmem>>, vector<1x16xf32>,
            %swap3A_1381 = vector.shape_cast %swap3A_1380 : vector<1x16xf32> to vector<16xf32>
            %swap3A_1382 = vector.shape_cast %broadcast_in_dim3A_10 : vector<16xf32> to vector<1x16xf32>
            tpu.vector_store %arg9[%swap3A_1378, %swap3A_1379], %swap3A_1382 {strides = array<i32>} : memref<1024x32xf32, #tpu.memory_space<vmem>>, vector<1x16xf32>,
          } else {
          }
          %slice3A_1313 = vector.extract_strided_slice %min3A_1253 {offsets = [8], sizes = [1], strides = [1]} : vector<16xi32> to vector<1xi32>
          %squeeze3A_1314 = vector.extract %slice3A_1313[0] : i32 from vector<1xi32>
          %eq3A_1315 = arith.constant 0 : i32
          %eq3A_1316 = arith.cmpi eq, %squeeze3A_1314, %eq3A_1315 : i32
          %convert_element_type3A_1317 = arith.extui %eq3A_1316 : i1 to i32
          %cond3A_1318 = arith.constant 0 : i32
          %cond3A_1319 = arith.cmpi ne, %convert_element_type3A_1317, %cond3A_1318 : i32
          scf.if %cond3A_1319 {
            %add3A_1369 = arith.constant 8 : i32
            %add3A_1370 = arith.addi %add3A_1257, %add3A_1369 : i32
            %swap3A_1371 = arith.index_cast %add3A_1370 : i32 to index
            %swap3A_1372 = arith.constant 0 : index
            %swap3A_1373 = tpu.vector_load %arg9[%swap3A_1371, %swap3A_1372] {strides = array<i32>} : memref<1024x32xf32, #tpu.memory_space<vmem>>, vector<1x16xf32>,
            %swap3A_1374 = vector.shape_cast %swap3A_1373 : vector<1x16xf32> to vector<16xf32>
            %swap3A_1375 = vector.shape_cast %broadcast_in_dim3A_10 : vector<16xf32> to vector<1x16xf32>
            tpu.vector_store %arg9[%swap3A_1371, %swap3A_1372], %swap3A_1375 {strides = array<i32>} : memref<1024x32xf32, #tpu.memory_space<vmem>>, vector<1x16xf32>,
            %add3A_1376 = arith.constant 8 : i32
            %add3A_1377 = arith.addi %add3A_1257, %add3A_1376 : i32
            %swap3A_1378 = arith.index_cast %add3A_1377 : i32 to index
            %swap3A_1379 = arith.constant 16 : index
            %swap3A_1380 = tpu.vector_load %arg9[%swap3A_1378, %swap3A_1379] {strides = array<i32>} : memref<1024x32xf32, #tpu.memory_space<vmem>>, vector<1x16xf32>,
            %swap3A_1381 = vector.shape_cast %swap3A_1380 : vector<1x16xf32> to vector<16xf32>
            %swap3A_1382 = vector.shape_cast %broadcast_in_dim3A_10 : vector<16xf32> to vector<1x16xf32>
            tpu.vector_store %arg9[%swap3A_1378, %swap3A_1379], %swap3A_1382 {strides = array<i32>} : memref<1024x32xf32, #tpu.memory_space<vmem>>, vector<1x16xf32>,
          } else {
          }
          %slice3A_1320 = vector.extract_strided_slice %min3A_1253 {offsets = [9], sizes = [1], strides = [1]} : vector<16xi32> to vector<1xi32>
          %squeeze3A_1321 = vector.extract %slice3A_1320[0] : i32 from vector<1xi32>
          %eq3A_1322 = arith.constant 0 : i32
          %eq3A_1323 = arith.cmpi eq, %squeeze3A_1321, %eq3A_1322 : i32
          %convert_element_type3A_1324 = arith.extui %eq3A_1323 : i1 to i32
          %cond3A_1325 = arith.constant 0 : i32
          %cond3A_1326 = arith.cmpi ne, %convert_element_type3A_1324, %cond3A_1325 : i32
          scf.if %cond3A_1326 {
            %add3A_1369 = arith.constant 9 : i32
            %add3A_1370 = arith.addi %add3A_1257, %add3A_1369 : i32
            %swap3A_1371 = arith.index_cast %add3A_1370 : i32 to index
            %swap3A_1372 = arith.constant 0 : index
            %swap3A_1373 = tpu.vector_load %arg9[%swap3A_1371, %swap3A_1372] {strides = array<i32>} : memref<1024x32xf32, #tpu.memory_space<vmem>>, vector<1x16xf32>,
            %swap3A_1374 = vector.shape_cast %swap3A_1373 : vector<1x16xf32> to vector<16xf32>
            %swap3A_1375 = vector.shape_cast %broadcast_in_dim3A_10 : vector<16xf32> to vector<1x16xf32>
            tpu.vector_store %arg9[%swap3A_1371, %swap3A_1372], %swap3A_1375 {strides = array<i32>} : memref<1024x32xf32, #tpu.memory_space<vmem>>, vector<1x16xf32>,
            %add3A_1376 = arith.constant 9 : i32
            %add3A_1377 = arith.addi %add3A_1257, %add3A_1376 : i32
            %swap3A_1378 = arith.index_cast %add3A_1377 : i32 to index
            %swap3A_1379 = arith.constant 16 : index
            %swap3A_1380 = tpu.vector_load %arg9[%swap3A_1378, %swap3A_1379] {strides = array<i32>} : memref<1024x32xf32, #tpu.memory_space<vmem>>, vector<1x16xf32>,
            %swap3A_1381 = vector.shape_cast %swap3A_1380 : vector<1x16xf32> to vector<16xf32>
            %swap3A_1382 = vector.shape_cast %broadcast_in_dim3A_10 : vector<16xf32> to vector<1x16xf32>
            tpu.vector_store %arg9[%swap3A_1378, %swap3A_1379], %swap3A_1382 {strides = array<i32>} : memref<1024x32xf32, #tpu.memory_space<vmem>>, vector<1x16xf32>,
          } else {
          }
          %slice3A_1327 = vector.extract_strided_slice %min3A_1253 {offsets = [10], sizes = [1], strides = [1]} : vector<16xi32> to vector<1xi32>
          %squeeze3A_1328 = vector.extract %slice3A_1327[0] : i32 from vector<1xi32>
          %eq3A_1329 = arith.constant 0 : i32
          %eq3A_1330 = arith.cmpi eq, %squeeze3A_1328, %eq3A_1329 : i32
          %convert_element_type3A_1331 = arith.extui %eq3A_1330 : i1 to i32
          %cond3A_1332 = arith.constant 0 : i32
          %cond3A_1333 = arith.cmpi ne, %convert_element_type3A_1331, %cond3A_1332 : i32
          scf.if %cond3A_1333 {
            %add3A_1369 = arith.constant 10 : i32
            %add3A_1370 = arith.addi %add3A_1257, %add3A_1369 : i32
            %swap3A_1371 = arith.index_cast %add3A_1370 : i32 to index
            %swap3A_1372 = arith.constant 0 : index
            %swap3A_1373 = tpu.vector_load %arg9[%swap3A_1371, %swap3A_1372] {strides = array<i32>} : memref<1024x32xf32, #tpu.memory_space<vmem>>, vector<1x16xf32>,
            %swap3A_1374 = vector.shape_cast %swap3A_1373 : vector<1x16xf32> to vector<16xf32>
            %swap3A_1375 = vector.shape_cast %broadcast_in_dim3A_10 : vector<16xf32> to vector<1x16xf32>
            tpu.vector_store %arg9[%swap3A_1371, %swap3A_1372], %swap3A_1375 {strides = array<i32>} : memref<1024x32xf32, #tpu.memory_space<vmem>>, vector<1x16xf32>,
            %add3A_1376 = arith.constant 10 : i32
            %add3A_1377 = arith.addi %add3A_1257, %add3A_1376 : i32
            %swap3A_1378 = arith.index_cast %add3A_1377 : i32 to index
            %swap3A_1379 = arith.constant 16 : index
            %swap3A_1380 = tpu.vector_load %arg9[%swap3A_1378, %swap3A_1379] {strides = array<i32>} : memref<1024x32xf32, #tpu.memory_space<vmem>>, vector<1x16xf32>,
            %swap3A_1381 = vector.shape_cast %swap3A_1380 : vector<1x16xf32> to vector<16xf32>
            %swap3A_1382 = vector.shape_cast %broadcast_in_dim3A_10 : vector<16xf32> to vector<1x16xf32>
            tpu.vector_store %arg9[%swap3A_1378, %swap3A_1379], %swap3A_1382 {strides = array<i32>} : memref<1024x32xf32, #tpu.memory_space<vmem>>, vector<1x16xf32>,
          } else {
          }
          %slice3A_1334 = vector.extract_strided_slice %min3A_1253 {offsets = [11], sizes = [1], strides = [1]} : vector<16xi32> to vector<1xi32>
          %squeeze3A_1335 = vector.extract %slice3A_1334[0] : i32 from vector<1xi32>
          %eq3A_1336 = arith.constant 0 : i32
          %eq3A_1337 = arith.cmpi eq, %squeeze3A_1335, %eq3A_1336 : i32
          %convert_element_type3A_1338 = arith.extui %eq3A_1337 : i1 to i32
          %cond3A_1339 = arith.constant 0 : i32
          %cond3A_1340 = arith.cmpi ne, %convert_element_type3A_1338, %cond3A_1339 : i32
          scf.if %cond3A_1340 {
            %add3A_1369 = arith.constant 11 : i32
            %add3A_1370 = arith.addi %add3A_1257, %add3A_1369 : i32
            %swap3A_1371 = arith.index_cast %add3A_1370 : i32 to index
            %swap3A_1372 = arith.constant 0 : index
            %swap3A_1373 = tpu.vector_load %arg9[%swap3A_1371, %swap3A_1372] {strides = array<i32>} : memref<1024x32xf32, #tpu.memory_space<vmem>>, vector<1x16xf32>,
            %swap3A_1374 = vector.shape_cast %swap3A_1373 : vector<1x16xf32> to vector<16xf32>
            %swap3A_1375 = vector.shape_cast %broadcast_in_dim3A_10 : vector<16xf32> to vector<1x16xf32>
            tpu.vector_store %arg9[%swap3A_1371, %swap3A_1372], %swap3A_1375 {strides = array<i32>} : memref<1024x32xf32, #tpu.memory_space<vmem>>, vector<1x16xf32>,
            %add3A_1376 = arith.constant 11 : i32
            %add3A_1377 = arith.addi %add3A_1257, %add3A_1376 : i32
            %swap3A_1378 = arith.index_cast %add3A_1377 : i32 to index
            %swap3A_1379 = arith.constant 16 : index
            %swap3A_1380 = tpu.vector_load %arg9[%swap3A_1378, %swap3A_1379] {strides = array<i32>} : memref<1024x32xf32, #tpu.memory_space<vmem>>, vector<1x16xf32>,
            %swap3A_1381 = vector.shape_cast %swap3A_1380 : vector<1x16xf32> to vector<16xf32>
            %swap3A_1382 = vector.shape_cast %broadcast_in_dim3A_10 : vector<16xf32> to vector<1x16xf32>
            tpu.vector_store %arg9[%swap3A_1378, %swap3A_1379], %swap3A_1382 {strides = array<i32>} : memref<1024x32xf32, #tpu.memory_space<vmem>>, vector<1x16xf32>,
          } else {
          }
          %slice3A_1341 = vector.extract_strided_slice %min3A_1253 {offsets = [12], sizes = [1], strides = [1]} : vector<16xi32> to vector<1xi32>
          %squeeze3A_1342 = vector.extract %slice3A_1341[0] : i32 from vector<1xi32>
          %eq3A_1343 = arith.constant 0 : i32
          %eq3A_1344 = arith.cmpi eq, %squeeze3A_1342, %eq3A_1343 : i32
          %convert_element_type3A_1345 = arith.extui %eq3A_1344 : i1 to i32
          %cond3A_1346 = arith.constant 0 : i32
          %cond3A_1347 = arith.cmpi ne, %convert_element_type3A_1345, %cond3A_1346 : i32
          scf.if %cond3A_1347 {
            %add3A_1369 = arith.constant 12 : i32
            %add3A_1370 = arith.addi %add3A_1257, %add3A_1369 : i32
            %swap3A_1371 = arith.index_cast %add3A_1370 : i32 to index
            %swap3A_1372 = arith.constant 0 : index
            %swap3A_1373 = tpu.vector_load %arg9[%swap3A_1371, %swap3A_1372] {strides = array<i32>} : memref<1024x32xf32, #tpu.memory_space<vmem>>, vector<1x16xf32>,
            %swap3A_1374 = vector.shape_cast %swap3A_1373 : vector<1x16xf32> to vector<16xf32>
            %swap3A_1375 = vector.shape_cast %broadcast_in_dim3A_10 : vector<16xf32> to vector<1x16xf32>
            tpu.vector_store %arg9[%swap3A_1371, %swap3A_1372], %swap3A_1375 {strides = array<i32>} : memref<1024x32xf32, #tpu.memory_space<vmem>>, vector<1x16xf32>,
            %add3A_1376 = arith.constant 12 : i32
            %add3A_1377 = arith.addi %add3A_1257, %add3A_1376 : i32
            %swap3A_1378 = arith.index_cast %add3A_1377 : i32 to index
            %swap3A_1379 = arith.constant 16 : index
            %swap3A_1380 = tpu.vector_load %arg9[%swap3A_1378, %swap3A_1379] {strides = array<i32>} : memref<1024x32xf32, #tpu.memory_space<vmem>>, vector<1x16xf32>,
            %swap3A_1381 = vector.shape_cast %swap3A_1380 : vector<1x16xf32> to vector<16xf32>
            %swap3A_1382 = vector.shape_cast %broadcast_in_dim3A_10 : vector<16xf32> to vector<1x16xf32>
            tpu.vector_store %arg9[%swap3A_1378, %swap3A_1379], %swap3A_1382 {strides = array<i32>} : memref<1024x32xf32, #tpu.memory_space<vmem>>, vector<1x16xf32>,
          } else {
          }
          %slice3A_1348 = vector.extract_strided_slice %min3A_1253 {offsets = [13], sizes = [1], strides = [1]} : vector<16xi32> to vector<1xi32>
          %squeeze3A_1349 = vector.extract %slice3A_1348[0] : i32 from vector<1xi32>
          %eq3A_1350 = arith.constant 0 : i32
          %eq3A_1351 = arith.cmpi eq, %squeeze3A_1349, %eq3A_1350 : i32
          %convert_element_type3A_1352 = arith.extui %eq3A_1351 : i1 to i32
          %cond3A_1353 = arith.constant 0 : i32
          %cond3A_1354 = arith.cmpi ne, %convert_element_type3A_1352, %cond3A_1353 : i32
          scf.if %cond3A_1354 {
            %add3A_1369 = arith.constant 13 : i32
            %add3A_1370 = arith.addi %add3A_1257, %add3A_1369 : i32
            %swap3A_1371 = arith.index_cast %add3A_1370 : i32 to index
            %swap3A_1372 = arith.constant 0 : index
            %swap3A_1373 = tpu.vector_load %arg9[%swap3A_1371, %swap3A_1372] {strides = array<i32>} : memref<1024x32xf32, #tpu.memory_space<vmem>>, vector<1x16xf32>,
            %swap3A_1374 = vector.shape_cast %swap3A_1373 : vector<1x16xf32> to vector<16xf32>
            %swap3A_1375 = vector.shape_cast %broadcast_in_dim3A_10 : vector<16xf32> to vector<1x16xf32>
            tpu.vector_store %arg9[%swap3A_1371, %swap3A_1372], %swap3A_1375 {strides = array<i32>} : memref<1024x32xf32, #tpu.memory_space<vmem>>, vector<1x16xf32>,
            %add3A_1376 = arith.constant 13 : i32
            %add3A_1377 = arith.addi %add3A_1257, %add3A_1376 : i32
            %swap3A_1378 = arith.index_cast %add3A_1377 : i32 to index
            %swap3A_1379 = arith.constant 16 : index
            %swap3A_1380 = tpu.vector_load %arg9[%swap3A_1378, %swap3A_1379] {strides = array<i32>} : memref<1024x32xf32, #tpu.memory_space<vmem>>, vector<1x16xf32>,
            %swap3A_1381 = vector.shape_cast %swap3A_1380 : vector<1x16xf32> to vector<16xf32>
            %swap3A_1382 = vector.shape_cast %broadcast_in_dim3A_10 : vector<16xf32> to vector<1x16xf32>
            tpu.vector_store %arg9[%swap3A_1378, %swap3A_1379], %swap3A_1382 {strides = array<i32>} : memref<1024x32xf32, #tpu.memory_space<vmem>>, vector<1x16xf32>,
          } else {
          }
          %slice3A_1355 = vector.extract_strided_slice %min3A_1253 {offsets = [14], sizes = [1], strides = [1]} : vector<16xi32> to vector<1xi32>
          %squeeze3A_1356 = vector.extract %slice3A_1355[0] : i32 from vector<1xi32>
          %eq3A_1357 = arith.constant 0 : i32
          %eq3A_1358 = arith.cmpi eq, %squeeze3A_1356, %eq3A_1357 : i32
          %convert_element_type3A_1359 = arith.extui %eq3A_1358 : i1 to i32
          %cond3A_1360 = arith.constant 0 : i32
          %cond3A_1361 = arith.cmpi ne, %convert_element_type3A_1359, %cond3A_1360 : i32
          scf.if %cond3A_1361 {
            %add3A_1369 = arith.constant 14 : i32
            %add3A_1370 = arith.addi %add3A_1257, %add3A_1369 : i32
            %swap3A_1371 = arith.index_cast %add3A_1370 : i32 to index
            %swap3A_1372 = arith.constant 0 : index
            %swap3A_1373 = tpu.vector_load %arg9[%swap3A_1371, %swap3A_1372] {strides = array<i32>} : memref<1024x32xf32, #tpu.memory_space<vmem>>, vector<1x16xf32>,
            %swap3A_1374 = vector.shape_cast %swap3A_1373 : vector<1x16xf32> to vector<16xf32>
            %swap3A_1375 = vector.shape_cast %broadcast_in_dim3A_10 : vector<16xf32> to vector<1x16xf32>
            tpu.vector_store %arg9[%swap3A_1371, %swap3A_1372], %swap3A_1375 {strides = array<i32>} : memref<1024x32xf32, #tpu.memory_space<vmem>>, vector<1x16xf32>,
            %add3A_1376 = arith.constant 14 : i32
            %add3A_1377 = arith.addi %add3A_1257, %add3A_1376 : i32
            %swap3A_1378 = arith.index_cast %add3A_1377 : i32 to index
            %swap3A_1379 = arith.constant 16 : index
            %swap3A_1380 = tpu.vector_load %arg9[%swap3A_1378, %swap3A_1379] {strides = array<i32>} : memref<1024x32xf32, #tpu.memory_space<vmem>>, vector<1x16xf32>,
            %swap3A_1381 = vector.shape_cast %swap3A_1380 : vector<1x16xf32> to vector<16xf32>
            %swap3A_1382 = vector.shape_cast %broadcast_in_dim3A_10 : vector<16xf32> to vector<1x16xf32>
            tpu.vector_store %arg9[%swap3A_1378, %swap3A_1379], %swap3A_1382 {strides = array<i32>} : memref<1024x32xf32, #tpu.memory_space<vmem>>, vector<1x16xf32>,
          } else {
          }
          %slice3A_1362 = vector.extract_strided_slice %min3A_1253 {offsets = [15], sizes = [1], strides = [1]} : vector<16xi32> to vector<1xi32>
          %squeeze3A_1363 = vector.extract %slice3A_1362[0] : i32 from vector<1xi32>
          %eq3A_1364 = arith.constant 0 : i32
          %eq3A_1365 = arith.cmpi eq, %squeeze3A_1363, %eq3A_1364 : i32
          %convert_element_type3A_1366 = arith.extui %eq3A_1365 : i1 to i32
          %cond3A_1367 = arith.constant 0 : i32
          %cond3A_1368 = arith.cmpi ne, %convert_element_type3A_1366, %cond3A_1367 : i32
          scf.if %cond3A_1368 {
            %add3A_1369 = arith.constant 15 : i32
            %add3A_1370 = arith.addi %add3A_1257, %add3A_1369 : i32
            %swap3A_1371 = arith.index_cast %add3A_1370 : i32 to index
            %swap3A_1372 = arith.constant 0 : index
            %swap3A_1373 = tpu.vector_load %arg9[%swap3A_1371, %swap3A_1372] {strides = array<i32>} : memref<1024x32xf32, #tpu.memory_space<vmem>>, vector<1x16xf32>,
            %swap3A_1374 = vector.shape_cast %swap3A_1373 : vector<1x16xf32> to vector<16xf32>
            %swap3A_1375 = vector.shape_cast %broadcast_in_dim3A_10 : vector<16xf32> to vector<1x16xf32>
            tpu.vector_store %arg9[%swap3A_1371, %swap3A_1372], %swap3A_1375 {strides = array<i32>} : memref<1024x32xf32, #tpu.memory_space<vmem>>, vector<1x16xf32>,
            %add3A_1376 = arith.constant 15 : i32
            %add3A_1377 = arith.addi %add3A_1257, %add3A_1376 : i32
            %swap3A_1378 = arith.index_cast %add3A_1377 : i32 to index
            %swap3A_1379 = arith.constant 16 : index
            %swap3A_1380 = tpu.vector_load %arg9[%swap3A_1378, %swap3A_1379] {strides = array<i32>} : memref<1024x32xf32, #tpu.memory_space<vmem>>, vector<1x16xf32>,
            %swap3A_1381 = vector.shape_cast %swap3A_1380 : vector<1x16xf32> to vector<16xf32>
            %swap3A_1382 = vector.shape_cast %broadcast_in_dim3A_10 : vector<16xf32> to vector<1x16xf32>
            tpu.vector_store %arg9[%swap3A_1378, %swap3A_1379], %swap3A_1382 {strides = array<i32>} : memref<1024x32xf32, #tpu.memory_space<vmem>>, vector<1x16xf32>,
          } else {
          }
        }
        %scan3A_1244 = arith.constant 8 : i32
      } else {
      }
      %mul3A_1202 = arith.constant 8 : i32
      %mul3A_1203 = arith.muli %scan3A_15, %mul3A_1202 : i32
      %add3A_1204 = arith.constant 5 : i32
      %add3A_1205 = arith.addi %mul3A_1203, %add3A_1204 : i32
      %slice3A_1206 = vector.extract_strided_slice %get3A_1151 {offsets = [5], sizes = [1], strides = [1]} : vector<16xi32> to vector<1xi32>
      %squeeze3A_1207 = vector.extract %slice3A_1206[0] : i32 from vector<1xi32>
      %ne3A_1208 = arith.constant 0 : i32
      %ne3A_1209 = arith.cmpi ne, %squeeze3A_1207, %ne3A_1208 : i32
      %convert_element_type3A_1210 = arith.extui %ne3A_1209 : i1 to i32
      %cond3A_1211 = arith.constant 0 : i32
      %cond3A_1212 = arith.cmpi ne, %convert_element_type3A_1210, %cond3A_1211 : i32
      scf.if %cond3A_1212 {
        %scan3A_1240 = arith.constant 0 : i32
        %scan3A_1241 = arith.constant 8 : i32
        %scan3A_1242 = arith.addi %scan3A_1240, %scan3A_1241 : i32
        %scan3A_1243 = arith.constant 1 : i32
        scf.for %scan3A_1245 = %scan3A_1240 to %scan3A_1242 step %scan3A_1243  : i32 {
          %mul3A_1246 = arith.constant 16 : i32
          %mul3A_1247 = arith.muli %scan3A_1245, %mul3A_1246 : i32
          %get3A_1248 = arith.index_cast %add3A_1205 : i32 to index
          %get3A_1249 = arith.index_cast %mul3A_1247 : i32 to index
          %get3A_1250 = tpu.vector_load %arg6[%get3A_1248, %get3A_1249] {strides = array<i32>} : memref<104x128xi32, #tpu.memory_space<vmem>>, vector<1x16xi32>,
          %get3A_1251 = vector.shape_cast %get3A_1250 : vector<1x16xi32> to vector<16xi32>
          %min3A = arith.constant 1 : i32
          %min3A_1252 = vector.broadcast %min3A : i32 to vector<16xi32>
          %min3A_1253 = arith.minsi %get3A_1251, %min3A_1252 : vector<16xi32>
          %mul3A_1254 = arith.constant 16 : i32
          %mul3A_1255 = arith.muli %scan3A_1245, %mul3A_1254 : i32
          %add3A_1256 = arith.constant 640 : i32
          %add3A_1257 = arith.addi %add3A_1256, %mul3A_1255 : i32
          %slice3A_1258 = vector.extract_strided_slice %min3A_1253 {offsets = [0], sizes = [1], strides = [1]} : vector<16xi32> to vector<1xi32>
          %squeeze3A_1259 = vector.extract %slice3A_1258[0] : i32 from vector<1xi32>
          %eq3A = arith.constant 0 : i32
          %eq3A_1260 = arith.cmpi eq, %squeeze3A_1259, %eq3A : i32
          %convert_element_type3A_1261 = arith.extui %eq3A_1260 : i1 to i32
          %cond3A_1262 = arith.constant 0 : i32
          %cond3A_1263 = arith.cmpi ne, %convert_element_type3A_1261, %cond3A_1262 : i32
          scf.if %cond3A_1263 {
            %add3A_1369 = arith.constant 0 : i32
            %add3A_1370 = arith.addi %add3A_1257, %add3A_1369 : i32
            %swap3A_1371 = arith.index_cast %add3A_1370 : i32 to index
            %swap3A_1372 = arith.constant 0 : index
            %swap3A_1373 = tpu.vector_load %arg9[%swap3A_1371, %swap3A_1372] {strides = array<i32>} : memref<1024x32xf32, #tpu.memory_space<vmem>>, vector<1x16xf32>,
            %swap3A_1374 = vector.shape_cast %swap3A_1373 : vector<1x16xf32> to vector<16xf32>
            %swap3A_1375 = vector.shape_cast %broadcast_in_dim3A_10 : vector<16xf32> to vector<1x16xf32>
            tpu.vector_store %arg9[%swap3A_1371, %swap3A_1372], %swap3A_1375 {strides = array<i32>} : memref<1024x32xf32, #tpu.memory_space<vmem>>, vector<1x16xf32>,
            %add3A_1376 = arith.constant 0 : i32
            %add3A_1377 = arith.addi %add3A_1257, %add3A_1376 : i32
            %swap3A_1378 = arith.index_cast %add3A_1377 : i32 to index
            %swap3A_1379 = arith.constant 16 : index
            %swap3A_1380 = tpu.vector_load %arg9[%swap3A_1378, %swap3A_1379] {strides = array<i32>} : memref<1024x32xf32, #tpu.memory_space<vmem>>, vector<1x16xf32>,
            %swap3A_1381 = vector.shape_cast %swap3A_1380 : vector<1x16xf32> to vector<16xf32>
            %swap3A_1382 = vector.shape_cast %broadcast_in_dim3A_10 : vector<16xf32> to vector<1x16xf32>
            tpu.vector_store %arg9[%swap3A_1378, %swap3A_1379], %swap3A_1382 {strides = array<i32>} : memref<1024x32xf32, #tpu.memory_space<vmem>>, vector<1x16xf32>,
          } else {
          }
          %slice3A_1264 = vector.extract_strided_slice %min3A_1253 {offsets = [1], sizes = [1], strides = [1]} : vector<16xi32> to vector<1xi32>
          %squeeze3A_1265 = vector.extract %slice3A_1264[0] : i32 from vector<1xi32>
          %eq3A_1266 = arith.constant 0 : i32
          %eq3A_1267 = arith.cmpi eq, %squeeze3A_1265, %eq3A_1266 : i32
          %convert_element_type3A_1268 = arith.extui %eq3A_1267 : i1 to i32
          %cond3A_1269 = arith.constant 0 : i32
          %cond3A_1270 = arith.cmpi ne, %convert_element_type3A_1268, %cond3A_1269 : i32
          scf.if %cond3A_1270 {
            %add3A_1369 = arith.constant 1 : i32
            %add3A_1370 = arith.addi %add3A_1257, %add3A_1369 : i32
            %swap3A_1371 = arith.index_cast %add3A_1370 : i32 to index
            %swap3A_1372 = arith.constant 0 : index
            %swap3A_1373 = tpu.vector_load %arg9[%swap3A_1371, %swap3A_1372] {strides = array<i32>} : memref<1024x32xf32, #tpu.memory_space<vmem>>, vector<1x16xf32>,
            %swap3A_1374 = vector.shape_cast %swap3A_1373 : vector<1x16xf32> to vector<16xf32>
            %swap3A_1375 = vector.shape_cast %broadcast_in_dim3A_10 : vector<16xf32> to vector<1x16xf32>
            tpu.vector_store %arg9[%swap3A_1371, %swap3A_1372], %swap3A_1375 {strides = array<i32>} : memref<1024x32xf32, #tpu.memory_space<vmem>>, vector<1x16xf32>,
            %add3A_1376 = arith.constant 1 : i32
            %add3A_1377 = arith.addi %add3A_1257, %add3A_1376 : i32
            %swap3A_1378 = arith.index_cast %add3A_1377 : i32 to index
            %swap3A_1379 = arith.constant 16 : index
            %swap3A_1380 = tpu.vector_load %arg9[%swap3A_1378, %swap3A_1379] {strides = array<i32>} : memref<1024x32xf32, #tpu.memory_space<vmem>>, vector<1x16xf32>,
            %swap3A_1381 = vector.shape_cast %swap3A_1380 : vector<1x16xf32> to vector<16xf32>
            %swap3A_1382 = vector.shape_cast %broadcast_in_dim3A_10 : vector<16xf32> to vector<1x16xf32>
            tpu.vector_store %arg9[%swap3A_1378, %swap3A_1379], %swap3A_1382 {strides = array<i32>} : memref<1024x32xf32, #tpu.memory_space<vmem>>, vector<1x16xf32>,
          } else {
          }
          %slice3A_1271 = vector.extract_strided_slice %min3A_1253 {offsets = [2], sizes = [1], strides = [1]} : vector<16xi32> to vector<1xi32>
          %squeeze3A_1272 = vector.extract %slice3A_1271[0] : i32 from vector<1xi32>
          %eq3A_1273 = arith.constant 0 : i32
          %eq3A_1274 = arith.cmpi eq, %squeeze3A_1272, %eq3A_1273 : i32
          %convert_element_type3A_1275 = arith.extui %eq3A_1274 : i1 to i32
          %cond3A_1276 = arith.constant 0 : i32
          %cond3A_1277 = arith.cmpi ne, %convert_element_type3A_1275, %cond3A_1276 : i32
          scf.if %cond3A_1277 {
            %add3A_1369 = arith.constant 2 : i32
            %add3A_1370 = arith.addi %add3A_1257, %add3A_1369 : i32
            %swap3A_1371 = arith.index_cast %add3A_1370 : i32 to index
            %swap3A_1372 = arith.constant 0 : index
            %swap3A_1373 = tpu.vector_load %arg9[%swap3A_1371, %swap3A_1372] {strides = array<i32>} : memref<1024x32xf32, #tpu.memory_space<vmem>>, vector<1x16xf32>,
            %swap3A_1374 = vector.shape_cast %swap3A_1373 : vector<1x16xf32> to vector<16xf32>
            %swap3A_1375 = vector.shape_cast %broadcast_in_dim3A_10 : vector<16xf32> to vector<1x16xf32>
            tpu.vector_store %arg9[%swap3A_1371, %swap3A_1372], %swap3A_1375 {strides = array<i32>} : memref<1024x32xf32, #tpu.memory_space<vmem>>, vector<1x16xf32>,
            %add3A_1376 = arith.constant 2 : i32
            %add3A_1377 = arith.addi %add3A_1257, %add3A_1376 : i32
            %swap3A_1378 = arith.index_cast %add3A_1377 : i32 to index
            %swap3A_1379 = arith.constant 16 : index
            %swap3A_1380 = tpu.vector_load %arg9[%swap3A_1378, %swap3A_1379] {strides = array<i32>} : memref<1024x32xf32, #tpu.memory_space<vmem>>, vector<1x16xf32>,
            %swap3A_1381 = vector.shape_cast %swap3A_1380 : vector<1x16xf32> to vector<16xf32>
            %swap3A_1382 = vector.shape_cast %broadcast_in_dim3A_10 : vector<16xf32> to vector<1x16xf32>
            tpu.vector_store %arg9[%swap3A_1378, %swap3A_1379], %swap3A_1382 {strides = array<i32>} : memref<1024x32xf32, #tpu.memory_space<vmem>>, vector<1x16xf32>,
          } else {
          }
          %slice3A_1278 = vector.extract_strided_slice %min3A_1253 {offsets = [3], sizes = [1], strides = [1]} : vector<16xi32> to vector<1xi32>
          %squeeze3A_1279 = vector.extract %slice3A_1278[0] : i32 from vector<1xi32>
          %eq3A_1280 = arith.constant 0 : i32
          %eq3A_1281 = arith.cmpi eq, %squeeze3A_1279, %eq3A_1280 : i32
          %convert_element_type3A_1282 = arith.extui %eq3A_1281 : i1 to i32
          %cond3A_1283 = arith.constant 0 : i32
          %cond3A_1284 = arith.cmpi ne, %convert_element_type3A_1282, %cond3A_1283 : i32
          scf.if %cond3A_1284 {
            %add3A_1369 = arith.constant 3 : i32
            %add3A_1370 = arith.addi %add3A_1257, %add3A_1369 : i32
            %swap3A_1371 = arith.index_cast %add3A_1370 : i32 to index
            %swap3A_1372 = arith.constant 0 : index
            %swap3A_1373 = tpu.vector_load %arg9[%swap3A_1371, %swap3A_1372] {strides = array<i32>} : memref<1024x32xf32, #tpu.memory_space<vmem>>, vector<1x16xf32>,
            %swap3A_1374 = vector.shape_cast %swap3A_1373 : vector<1x16xf32> to vector<16xf32>
            %swap3A_1375 = vector.shape_cast %broadcast_in_dim3A_10 : vector<16xf32> to vector<1x16xf32>
            tpu.vector_store %arg9[%swap3A_1371, %swap3A_1372], %swap3A_1375 {strides = array<i32>} : memref<1024x32xf32, #tpu.memory_space<vmem>>, vector<1x16xf32>,
            %add3A_1376 = arith.constant 3 : i32
            %add3A_1377 = arith.addi %add3A_1257, %add3A_1376 : i32
            %swap3A_1378 = arith.index_cast %add3A_1377 : i32 to index
            %swap3A_1379 = arith.constant 16 : index
            %swap3A_1380 = tpu.vector_load %arg9[%swap3A_1378, %swap3A_1379] {strides = array<i32>} : memref<1024x32xf32, #tpu.memory_space<vmem>>, vector<1x16xf32>,
            %swap3A_1381 = vector.shape_cast %swap3A_1380 : vector<1x16xf32> to vector<16xf32>
            %swap3A_1382 = vector.shape_cast %broadcast_in_dim3A_10 : vector<16xf32> to vector<1x16xf32>
            tpu.vector_store %arg9[%swap3A_1378, %swap3A_1379], %swap3A_1382 {strides = array<i32>} : memref<1024x32xf32, #tpu.memory_space<vmem>>, vector<1x16xf32>,
          } else {
          }
          %slice3A_1285 = vector.extract_strided_slice %min3A_1253 {offsets = [4], sizes = [1], strides = [1]} : vector<16xi32> to vector<1xi32>
          %squeeze3A_1286 = vector.extract %slice3A_1285[0] : i32 from vector<1xi32>
          %eq3A_1287 = arith.constant 0 : i32
          %eq3A_1288 = arith.cmpi eq, %squeeze3A_1286, %eq3A_1287 : i32
          %convert_element_type3A_1289 = arith.extui %eq3A_1288 : i1 to i32
          %cond3A_1290 = arith.constant 0 : i32
          %cond3A_1291 = arith.cmpi ne, %convert_element_type3A_1289, %cond3A_1290 : i32
          scf.if %cond3A_1291 {
            %add3A_1369 = arith.constant 4 : i32
            %add3A_1370 = arith.addi %add3A_1257, %add3A_1369 : i32
            %swap3A_1371 = arith.index_cast %add3A_1370 : i32 to index
            %swap3A_1372 = arith.constant 0 : index
            %swap3A_1373 = tpu.vector_load %arg9[%swap3A_1371, %swap3A_1372] {strides = array<i32>} : memref<1024x32xf32, #tpu.memory_space<vmem>>, vector<1x16xf32>,
            %swap3A_1374 = vector.shape_cast %swap3A_1373 : vector<1x16xf32> to vector<16xf32>
            %swap3A_1375 = vector.shape_cast %broadcast_in_dim3A_10 : vector<16xf32> to vector<1x16xf32>
            tpu.vector_store %arg9[%swap3A_1371, %swap3A_1372], %swap3A_1375 {strides = array<i32>} : memref<1024x32xf32, #tpu.memory_space<vmem>>, vector<1x16xf32>,
            %add3A_1376 = arith.constant 4 : i32
            %add3A_1377 = arith.addi %add3A_1257, %add3A_1376 : i32
            %swap3A_1378 = arith.index_cast %add3A_1377 : i32 to index
            %swap3A_1379 = arith.constant 16 : index
            %swap3A_1380 = tpu.vector_load %arg9[%swap3A_1378, %swap3A_1379] {strides = array<i32>} : memref<1024x32xf32, #tpu.memory_space<vmem>>, vector<1x16xf32>,
            %swap3A_1381 = vector.shape_cast %swap3A_1380 : vector<1x16xf32> to vector<16xf32>
            %swap3A_1382 = vector.shape_cast %broadcast_in_dim3A_10 : vector<16xf32> to vector<1x16xf32>
            tpu.vector_store %arg9[%swap3A_1378, %swap3A_1379], %swap3A_1382 {strides = array<i32>} : memref<1024x32xf32, #tpu.memory_space<vmem>>, vector<1x16xf32>,
          } else {
          }
          %slice3A_1292 = vector.extract_strided_slice %min3A_1253 {offsets = [5], sizes = [1], strides = [1]} : vector<16xi32> to vector<1xi32>
          %squeeze3A_1293 = vector.extract %slice3A_1292[0] : i32 from vector<1xi32>
          %eq3A_1294 = arith.constant 0 : i32
          %eq3A_1295 = arith.cmpi eq, %squeeze3A_1293, %eq3A_1294 : i32
          %convert_element_type3A_1296 = arith.extui %eq3A_1295 : i1 to i32
          %cond3A_1297 = arith.constant 0 : i32
          %cond3A_1298 = arith.cmpi ne, %convert_element_type3A_1296, %cond3A_1297 : i32
          scf.if %cond3A_1298 {
            %add3A_1369 = arith.constant 5 : i32
            %add3A_1370 = arith.addi %add3A_1257, %add3A_1369 : i32
            %swap3A_1371 = arith.index_cast %add3A_1370 : i32 to index
            %swap3A_1372 = arith.constant 0 : index
            %swap3A_1373 = tpu.vector_load %arg9[%swap3A_1371, %swap3A_1372] {strides = array<i32>} : memref<1024x32xf32, #tpu.memory_space<vmem>>, vector<1x16xf32>,
            %swap3A_1374 = vector.shape_cast %swap3A_1373 : vector<1x16xf32> to vector<16xf32>
            %swap3A_1375 = vector.shape_cast %broadcast_in_dim3A_10 : vector<16xf32> to vector<1x16xf32>
            tpu.vector_store %arg9[%swap3A_1371, %swap3A_1372], %swap3A_1375 {strides = array<i32>} : memref<1024x32xf32, #tpu.memory_space<vmem>>, vector<1x16xf32>,
            %add3A_1376 = arith.constant 5 : i32
            %add3A_1377 = arith.addi %add3A_1257, %add3A_1376 : i32
            %swap3A_1378 = arith.index_cast %add3A_1377 : i32 to index
            %swap3A_1379 = arith.constant 16 : index
            %swap3A_1380 = tpu.vector_load %arg9[%swap3A_1378, %swap3A_1379] {strides = array<i32>} : memref<1024x32xf32, #tpu.memory_space<vmem>>, vector<1x16xf32>,
            %swap3A_1381 = vector.shape_cast %swap3A_1380 : vector<1x16xf32> to vector<16xf32>
            %swap3A_1382 = vector.shape_cast %broadcast_in_dim3A_10 : vector<16xf32> to vector<1x16xf32>
            tpu.vector_store %arg9[%swap3A_1378, %swap3A_1379], %swap3A_1382 {strides = array<i32>} : memref<1024x32xf32, #tpu.memory_space<vmem>>, vector<1x16xf32>,
          } else {
          }
          %slice3A_1299 = vector.extract_strided_slice %min3A_1253 {offsets = [6], sizes = [1], strides = [1]} : vector<16xi32> to vector<1xi32>
          %squeeze3A_1300 = vector.extract %slice3A_1299[0] : i32 from vector<1xi32>
          %eq3A_1301 = arith.constant 0 : i32
          %eq3A_1302 = arith.cmpi eq, %squeeze3A_1300, %eq3A_1301 : i32
          %convert_element_type3A_1303 = arith.extui %eq3A_1302 : i1 to i32
          %cond3A_1304 = arith.constant 0 : i32
          %cond3A_1305 = arith.cmpi ne, %convert_element_type3A_1303, %cond3A_1304 : i32
          scf.if %cond3A_1305 {
            %add3A_1369 = arith.constant 6 : i32
            %add3A_1370 = arith.addi %add3A_1257, %add3A_1369 : i32
            %swap3A_1371 = arith.index_cast %add3A_1370 : i32 to index
            %swap3A_1372 = arith.constant 0 : index
            %swap3A_1373 = tpu.vector_load %arg9[%swap3A_1371, %swap3A_1372] {strides = array<i32>} : memref<1024x32xf32, #tpu.memory_space<vmem>>, vector<1x16xf32>,
            %swap3A_1374 = vector.shape_cast %swap3A_1373 : vector<1x16xf32> to vector<16xf32>
            %swap3A_1375 = vector.shape_cast %broadcast_in_dim3A_10 : vector<16xf32> to vector<1x16xf32>
            tpu.vector_store %arg9[%swap3A_1371, %swap3A_1372], %swap3A_1375 {strides = array<i32>} : memref<1024x32xf32, #tpu.memory_space<vmem>>, vector<1x16xf32>,
            %add3A_1376 = arith.constant 6 : i32
            %add3A_1377 = arith.addi %add3A_1257, %add3A_1376 : i32
            %swap3A_1378 = arith.index_cast %add3A_1377 : i32 to index
            %swap3A_1379 = arith.constant 16 : index
            %swap3A_1380 = tpu.vector_load %arg9[%swap3A_1378, %swap3A_1379] {strides = array<i32>} : memref<1024x32xf32, #tpu.memory_space<vmem>>, vector<1x16xf32>,
            %swap3A_1381 = vector.shape_cast %swap3A_1380 : vector<1x16xf32> to vector<16xf32>
            %swap3A_1382 = vector.shape_cast %broadcast_in_dim3A_10 : vector<16xf32> to vector<1x16xf32>
            tpu.vector_store %arg9[%swap3A_1378, %swap3A_1379], %swap3A_1382 {strides = array<i32>} : memref<1024x32xf32, #tpu.memory_space<vmem>>, vector<1x16xf32>,
          } else {
          }
          %slice3A_1306 = vector.extract_strided_slice %min3A_1253 {offsets = [7], sizes = [1], strides = [1]} : vector<16xi32> to vector<1xi32>
          %squeeze3A_1307 = vector.extract %slice3A_1306[0] : i32 from vector<1xi32>
          %eq3A_1308 = arith.constant 0 : i32
          %eq3A_1309 = arith.cmpi eq, %squeeze3A_1307, %eq3A_1308 : i32
          %convert_element_type3A_1310 = arith.extui %eq3A_1309 : i1 to i32
          %cond3A_1311 = arith.constant 0 : i32
          %cond3A_1312 = arith.cmpi ne, %convert_element_type3A_1310, %cond3A_1311 : i32
          scf.if %cond3A_1312 {
            %add3A_1369 = arith.constant 7 : i32
            %add3A_1370 = arith.addi %add3A_1257, %add3A_1369 : i32
            %swap3A_1371 = arith.index_cast %add3A_1370 : i32 to index
            %swap3A_1372 = arith.constant 0 : index
            %swap3A_1373 = tpu.vector_load %arg9[%swap3A_1371, %swap3A_1372] {strides = array<i32>} : memref<1024x32xf32, #tpu.memory_space<vmem>>, vector<1x16xf32>,
            %swap3A_1374 = vector.shape_cast %swap3A_1373 : vector<1x16xf32> to vector<16xf32>
            %swap3A_1375 = vector.shape_cast %broadcast_in_dim3A_10 : vector<16xf32> to vector<1x16xf32>
            tpu.vector_store %arg9[%swap3A_1371, %swap3A_1372], %swap3A_1375 {strides = array<i32>} : memref<1024x32xf32, #tpu.memory_space<vmem>>, vector<1x16xf32>,
            %add3A_1376 = arith.constant 7 : i32
            %add3A_1377 = arith.addi %add3A_1257, %add3A_1376 : i32
            %swap3A_1378 = arith.index_cast %add3A_1377 : i32 to index
            %swap3A_1379 = arith.constant 16 : index
            %swap3A_1380 = tpu.vector_load %arg9[%swap3A_1378, %swap3A_1379] {strides = array<i32>} : memref<1024x32xf32, #tpu.memory_space<vmem>>, vector<1x16xf32>,
            %swap3A_1381 = vector.shape_cast %swap3A_1380 : vector<1x16xf32> to vector<16xf32>
            %swap3A_1382 = vector.shape_cast %broadcast_in_dim3A_10 : vector<16xf32> to vector<1x16xf32>
            tpu.vector_store %arg9[%swap3A_1378, %swap3A_1379], %swap3A_1382 {strides = array<i32>} : memref<1024x32xf32, #tpu.memory_space<vmem>>, vector<1x16xf32>,
          } else {
          }
          %slice3A_1313 = vector.extract_strided_slice %min3A_1253 {offsets = [8], sizes = [1], strides = [1]} : vector<16xi32> to vector<1xi32>
          %squeeze3A_1314 = vector.extract %slice3A_1313[0] : i32 from vector<1xi32>
          %eq3A_1315 = arith.constant 0 : i32
          %eq3A_1316 = arith.cmpi eq, %squeeze3A_1314, %eq3A_1315 : i32
          %convert_element_type3A_1317 = arith.extui %eq3A_1316 : i1 to i32
          %cond3A_1318 = arith.constant 0 : i32
          %cond3A_1319 = arith.cmpi ne, %convert_element_type3A_1317, %cond3A_1318 : i32
          scf.if %cond3A_1319 {
            %add3A_1369 = arith.constant 8 : i32
            %add3A_1370 = arith.addi %add3A_1257, %add3A_1369 : i32
            %swap3A_1371 = arith.index_cast %add3A_1370 : i32 to index
            %swap3A_1372 = arith.constant 0 : index
            %swap3A_1373 = tpu.vector_load %arg9[%swap3A_1371, %swap3A_1372] {strides = array<i32>} : memref<1024x32xf32, #tpu.memory_space<vmem>>, vector<1x16xf32>,
            %swap3A_1374 = vector.shape_cast %swap3A_1373 : vector<1x16xf32> to vector<16xf32>
            %swap3A_1375 = vector.shape_cast %broadcast_in_dim3A_10 : vector<16xf32> to vector<1x16xf32>
            tpu.vector_store %arg9[%swap3A_1371, %swap3A_1372], %swap3A_1375 {strides = array<i32>} : memref<1024x32xf32, #tpu.memory_space<vmem>>, vector<1x16xf32>,
            %add3A_1376 = arith.constant 8 : i32
            %add3A_1377 = arith.addi %add3A_1257, %add3A_1376 : i32
            %swap3A_1378 = arith.index_cast %add3A_1377 : i32 to index
            %swap3A_1379 = arith.constant 16 : index
            %swap3A_1380 = tpu.vector_load %arg9[%swap3A_1378, %swap3A_1379] {strides = array<i32>} : memref<1024x32xf32, #tpu.memory_space<vmem>>, vector<1x16xf32>,
            %swap3A_1381 = vector.shape_cast %swap3A_1380 : vector<1x16xf32> to vector<16xf32>
            %swap3A_1382 = vector.shape_cast %broadcast_in_dim3A_10 : vector<16xf32> to vector<1x16xf32>
            tpu.vector_store %arg9[%swap3A_1378, %swap3A_1379], %swap3A_1382 {strides = array<i32>} : memref<1024x32xf32, #tpu.memory_space<vmem>>, vector<1x16xf32>,
          } else {
          }
          %slice3A_1320 = vector.extract_strided_slice %min3A_1253 {offsets = [9], sizes = [1], strides = [1]} : vector<16xi32> to vector<1xi32>
          %squeeze3A_1321 = vector.extract %slice3A_1320[0] : i32 from vector<1xi32>
          %eq3A_1322 = arith.constant 0 : i32
          %eq3A_1323 = arith.cmpi eq, %squeeze3A_1321, %eq3A_1322 : i32
          %convert_element_type3A_1324 = arith.extui %eq3A_1323 : i1 to i32
          %cond3A_1325 = arith.constant 0 : i32
          %cond3A_1326 = arith.cmpi ne, %convert_element_type3A_1324, %cond3A_1325 : i32
          scf.if %cond3A_1326 {
            %add3A_1369 = arith.constant 9 : i32
            %add3A_1370 = arith.addi %add3A_1257, %add3A_1369 : i32
            %swap3A_1371 = arith.index_cast %add3A_1370 : i32 to index
            %swap3A_1372 = arith.constant 0 : index
            %swap3A_1373 = tpu.vector_load %arg9[%swap3A_1371, %swap3A_1372] {strides = array<i32>} : memref<1024x32xf32, #tpu.memory_space<vmem>>, vector<1x16xf32>,
            %swap3A_1374 = vector.shape_cast %swap3A_1373 : vector<1x16xf32> to vector<16xf32>
            %swap3A_1375 = vector.shape_cast %broadcast_in_dim3A_10 : vector<16xf32> to vector<1x16xf32>
            tpu.vector_store %arg9[%swap3A_1371, %swap3A_1372], %swap3A_1375 {strides = array<i32>} : memref<1024x32xf32, #tpu.memory_space<vmem>>, vector<1x16xf32>,
            %add3A_1376 = arith.constant 9 : i32
            %add3A_1377 = arith.addi %add3A_1257, %add3A_1376 : i32
            %swap3A_1378 = arith.index_cast %add3A_1377 : i32 to index
            %swap3A_1379 = arith.constant 16 : index
            %swap3A_1380 = tpu.vector_load %arg9[%swap3A_1378, %swap3A_1379] {strides = array<i32>} : memref<1024x32xf32, #tpu.memory_space<vmem>>, vector<1x16xf32>,
            %swap3A_1381 = vector.shape_cast %swap3A_1380 : vector<1x16xf32> to vector<16xf32>
            %swap3A_1382 = vector.shape_cast %broadcast_in_dim3A_10 : vector<16xf32> to vector<1x16xf32>
            tpu.vector_store %arg9[%swap3A_1378, %swap3A_1379], %swap3A_1382 {strides = array<i32>} : memref<1024x32xf32, #tpu.memory_space<vmem>>, vector<1x16xf32>,
          } else {
          }
          %slice3A_1327 = vector.extract_strided_slice %min3A_1253 {offsets = [10], sizes = [1], strides = [1]} : vector<16xi32> to vector<1xi32>
          %squeeze3A_1328 = vector.extract %slice3A_1327[0] : i32 from vector<1xi32>
          %eq3A_1329 = arith.constant 0 : i32
          %eq3A_1330 = arith.cmpi eq, %squeeze3A_1328, %eq3A_1329 : i32
          %convert_element_type3A_1331 = arith.extui %eq3A_1330 : i1 to i32
          %cond3A_1332 = arith.constant 0 : i32
          %cond3A_1333 = arith.cmpi ne, %convert_element_type3A_1331, %cond3A_1332 : i32
          scf.if %cond3A_1333 {
            %add3A_1369 = arith.constant 10 : i32
            %add3A_1370 = arith.addi %add3A_1257, %add3A_1369 : i32
            %swap3A_1371 = arith.index_cast %add3A_1370 : i32 to index
            %swap3A_1372 = arith.constant 0 : index
            %swap3A_1373 = tpu.vector_load %arg9[%swap3A_1371, %swap3A_1372] {strides = array<i32>} : memref<1024x32xf32, #tpu.memory_space<vmem>>, vector<1x16xf32>,
            %swap3A_1374 = vector.shape_cast %swap3A_1373 : vector<1x16xf32> to vector<16xf32>
            %swap3A_1375 = vector.shape_cast %broadcast_in_dim3A_10 : vector<16xf32> to vector<1x16xf32>
            tpu.vector_store %arg9[%swap3A_1371, %swap3A_1372], %swap3A_1375 {strides = array<i32>} : memref<1024x32xf32, #tpu.memory_space<vmem>>, vector<1x16xf32>,
            %add3A_1376 = arith.constant 10 : i32
            %add3A_1377 = arith.addi %add3A_1257, %add3A_1376 : i32
            %swap3A_1378 = arith.index_cast %add3A_1377 : i32 to index
            %swap3A_1379 = arith.constant 16 : index
            %swap3A_1380 = tpu.vector_load %arg9[%swap3A_1378, %swap3A_1379] {strides = array<i32>} : memref<1024x32xf32, #tpu.memory_space<vmem>>, vector<1x16xf32>,
            %swap3A_1381 = vector.shape_cast %swap3A_1380 : vector<1x16xf32> to vector<16xf32>
            %swap3A_1382 = vector.shape_cast %broadcast_in_dim3A_10 : vector<16xf32> to vector<1x16xf32>
            tpu.vector_store %arg9[%swap3A_1378, %swap3A_1379], %swap3A_1382 {strides = array<i32>} : memref<1024x32xf32, #tpu.memory_space<vmem>>, vector<1x16xf32>,
          } else {
          }
          %slice3A_1334 = vector.extract_strided_slice %min3A_1253 {offsets = [11], sizes = [1], strides = [1]} : vector<16xi32> to vector<1xi32>
          %squeeze3A_1335 = vector.extract %slice3A_1334[0] : i32 from vector<1xi32>
          %eq3A_1336 = arith.constant 0 : i32
          %eq3A_1337 = arith.cmpi eq, %squeeze3A_1335, %eq3A_1336 : i32
          %convert_element_type3A_1338 = arith.extui %eq3A_1337 : i1 to i32
          %cond3A_1339 = arith.constant 0 : i32
          %cond3A_1340 = arith.cmpi ne, %convert_element_type3A_1338, %cond3A_1339 : i32
          scf.if %cond3A_1340 {
            %add3A_1369 = arith.constant 11 : i32
            %add3A_1370 = arith.addi %add3A_1257, %add3A_1369 : i32
            %swap3A_1371 = arith.index_cast %add3A_1370 : i32 to index
            %swap3A_1372 = arith.constant 0 : index
            %swap3A_1373 = tpu.vector_load %arg9[%swap3A_1371, %swap3A_1372] {strides = array<i32>} : memref<1024x32xf32, #tpu.memory_space<vmem>>, vector<1x16xf32>,
            %swap3A_1374 = vector.shape_cast %swap3A_1373 : vector<1x16xf32> to vector<16xf32>
            %swap3A_1375 = vector.shape_cast %broadcast_in_dim3A_10 : vector<16xf32> to vector<1x16xf32>
            tpu.vector_store %arg9[%swap3A_1371, %swap3A_1372], %swap3A_1375 {strides = array<i32>} : memref<1024x32xf32, #tpu.memory_space<vmem>>, vector<1x16xf32>,
            %add3A_1376 = arith.constant 11 : i32
            %add3A_1377 = arith.addi %add3A_1257, %add3A_1376 : i32
            %swap3A_1378 = arith.index_cast %add3A_1377 : i32 to index
            %swap3A_1379 = arith.constant 16 : index
            %swap3A_1380 = tpu.vector_load %arg9[%swap3A_1378, %swap3A_1379] {strides = array<i32>} : memref<1024x32xf32, #tpu.memory_space<vmem>>, vector<1x16xf32>,
            %swap3A_1381 = vector.shape_cast %swap3A_1380 : vector<1x16xf32> to vector<16xf32>
            %swap3A_1382 = vector.shape_cast %broadcast_in_dim3A_10 : vector<16xf32> to vector<1x16xf32>
            tpu.vector_store %arg9[%swap3A_1378, %swap3A_1379], %swap3A_1382 {strides = array<i32>} : memref<1024x32xf32, #tpu.memory_space<vmem>>, vector<1x16xf32>,
          } else {
          }
          %slice3A_1341 = vector.extract_strided_slice %min3A_1253 {offsets = [12], sizes = [1], strides = [1]} : vector<16xi32> to vector<1xi32>
          %squeeze3A_1342 = vector.extract %slice3A_1341[0] : i32 from vector<1xi32>
          %eq3A_1343 = arith.constant 0 : i32
          %eq3A_1344 = arith.cmpi eq, %squeeze3A_1342, %eq3A_1343 : i32
          %convert_element_type3A_1345 = arith.extui %eq3A_1344 : i1 to i32
          %cond3A_1346 = arith.constant 0 : i32
          %cond3A_1347 = arith.cmpi ne, %convert_element_type3A_1345, %cond3A_1346 : i32
          scf.if %cond3A_1347 {
            %add3A_1369 = arith.constant 12 : i32
            %add3A_1370 = arith.addi %add3A_1257, %add3A_1369 : i32
            %swap3A_1371 = arith.index_cast %add3A_1370 : i32 to index
            %swap3A_1372 = arith.constant 0 : index
            %swap3A_1373 = tpu.vector_load %arg9[%swap3A_1371, %swap3A_1372] {strides = array<i32>} : memref<1024x32xf32, #tpu.memory_space<vmem>>, vector<1x16xf32>,
            %swap3A_1374 = vector.shape_cast %swap3A_1373 : vector<1x16xf32> to vector<16xf32>
            %swap3A_1375 = vector.shape_cast %broadcast_in_dim3A_10 : vector<16xf32> to vector<1x16xf32>
            tpu.vector_store %arg9[%swap3A_1371, %swap3A_1372], %swap3A_1375 {strides = array<i32>} : memref<1024x32xf32, #tpu.memory_space<vmem>>, vector<1x16xf32>,
            %add3A_1376 = arith.constant 12 : i32
            %add3A_1377 = arith.addi %add3A_1257, %add3A_1376 : i32
            %swap3A_1378 = arith.index_cast %add3A_1377 : i32 to index
            %swap3A_1379 = arith.constant 16 : index
            %swap3A_1380 = tpu.vector_load %arg9[%swap3A_1378, %swap3A_1379] {strides = array<i32>} : memref<1024x32xf32, #tpu.memory_space<vmem>>, vector<1x16xf32>,
            %swap3A_1381 = vector.shape_cast %swap3A_1380 : vector<1x16xf32> to vector<16xf32>
            %swap3A_1382 = vector.shape_cast %broadcast_in_dim3A_10 : vector<16xf32> to vector<1x16xf32>
            tpu.vector_store %arg9[%swap3A_1378, %swap3A_1379], %swap3A_1382 {strides = array<i32>} : memref<1024x32xf32, #tpu.memory_space<vmem>>, vector<1x16xf32>,
          } else {
          }
          %slice3A_1348 = vector.extract_strided_slice %min3A_1253 {offsets = [13], sizes = [1], strides = [1]} : vector<16xi32> to vector<1xi32>
          %squeeze3A_1349 = vector.extract %slice3A_1348[0] : i32 from vector<1xi32>
          %eq3A_1350 = arith.constant 0 : i32
          %eq3A_1351 = arith.cmpi eq, %squeeze3A_1349, %eq3A_1350 : i32
          %convert_element_type3A_1352 = arith.extui %eq3A_1351 : i1 to i32
          %cond3A_1353 = arith.constant 0 : i32
          %cond3A_1354 = arith.cmpi ne, %convert_element_type3A_1352, %cond3A_1353 : i32
          scf.if %cond3A_1354 {
            %add3A_1369 = arith.constant 13 : i32
            %add3A_1370 = arith.addi %add3A_1257, %add3A_1369 : i32
            %swap3A_1371 = arith.index_cast %add3A_1370 : i32 to index
            %swap3A_1372 = arith.constant 0 : index
            %swap3A_1373 = tpu.vector_load %arg9[%swap3A_1371, %swap3A_1372] {strides = array<i32>} : memref<1024x32xf32, #tpu.memory_space<vmem>>, vector<1x16xf32>,
            %swap3A_1374 = vector.shape_cast %swap3A_1373 : vector<1x16xf32> to vector<16xf32>
            %swap3A_1375 = vector.shape_cast %broadcast_in_dim3A_10 : vector<16xf32> to vector<1x16xf32>
            tpu.vector_store %arg9[%swap3A_1371, %swap3A_1372], %swap3A_1375 {strides = array<i32>} : memref<1024x32xf32, #tpu.memory_space<vmem>>, vector<1x16xf32>,
            %add3A_1376 = arith.constant 13 : i32
            %add3A_1377 = arith.addi %add3A_1257, %add3A_1376 : i32
            %swap3A_1378 = arith.index_cast %add3A_1377 : i32 to index
            %swap3A_1379 = arith.constant 16 : index
            %swap3A_1380 = tpu.vector_load %arg9[%swap3A_1378, %swap3A_1379] {strides = array<i32>} : memref<1024x32xf32, #tpu.memory_space<vmem>>, vector<1x16xf32>,
            %swap3A_1381 = vector.shape_cast %swap3A_1380 : vector<1x16xf32> to vector<16xf32>
            %swap3A_1382 = vector.shape_cast %broadcast_in_dim3A_10 : vector<16xf32> to vector<1x16xf32>
            tpu.vector_store %arg9[%swap3A_1378, %swap3A_1379], %swap3A_1382 {strides = array<i32>} : memref<1024x32xf32, #tpu.memory_space<vmem>>, vector<1x16xf32>,
          } else {
          }
          %slice3A_1355 = vector.extract_strided_slice %min3A_1253 {offsets = [14], sizes = [1], strides = [1]} : vector<16xi32> to vector<1xi32>
          %squeeze3A_1356 = vector.extract %slice3A_1355[0] : i32 from vector<1xi32>
          %eq3A_1357 = arith.constant 0 : i32
          %eq3A_1358 = arith.cmpi eq, %squeeze3A_1356, %eq3A_1357 : i32
          %convert_element_type3A_1359 = arith.extui %eq3A_1358 : i1 to i32
          %cond3A_1360 = arith.constant 0 : i32
          %cond3A_1361 = arith.cmpi ne, %convert_element_type3A_1359, %cond3A_1360 : i32
          scf.if %cond3A_1361 {
            %add3A_1369 = arith.constant 14 : i32
            %add3A_1370 = arith.addi %add3A_1257, %add3A_1369 : i32
            %swap3A_1371 = arith.index_cast %add3A_1370 : i32 to index
            %swap3A_1372 = arith.constant 0 : index
            %swap3A_1373 = tpu.vector_load %arg9[%swap3A_1371, %swap3A_1372] {strides = array<i32>} : memref<1024x32xf32, #tpu.memory_space<vmem>>, vector<1x16xf32>,
            %swap3A_1374 = vector.shape_cast %swap3A_1373 : vector<1x16xf32> to vector<16xf32>
            %swap3A_1375 = vector.shape_cast %broadcast_in_dim3A_10 : vector<16xf32> to vector<1x16xf32>
            tpu.vector_store %arg9[%swap3A_1371, %swap3A_1372], %swap3A_1375 {strides = array<i32>} : memref<1024x32xf32, #tpu.memory_space<vmem>>, vector<1x16xf32>,
            %add3A_1376 = arith.constant 14 : i32
            %add3A_1377 = arith.addi %add3A_1257, %add3A_1376 : i32
            %swap3A_1378 = arith.index_cast %add3A_1377 : i32 to index
            %swap3A_1379 = arith.constant 16 : index
            %swap3A_1380 = tpu.vector_load %arg9[%swap3A_1378, %swap3A_1379] {strides = array<i32>} : memref<1024x32xf32, #tpu.memory_space<vmem>>, vector<1x16xf32>,
            %swap3A_1381 = vector.shape_cast %swap3A_1380 : vector<1x16xf32> to vector<16xf32>
            %swap3A_1382 = vector.shape_cast %broadcast_in_dim3A_10 : vector<16xf32> to vector<1x16xf32>
            tpu.vector_store %arg9[%swap3A_1378, %swap3A_1379], %swap3A_1382 {strides = array<i32>} : memref<1024x32xf32, #tpu.memory_space<vmem>>, vector<1x16xf32>,
          } else {
          }
          %slice3A_1362 = vector.extract_strided_slice %min3A_1253 {offsets = [15], sizes = [1], strides = [1]} : vector<16xi32> to vector<1xi32>
          %squeeze3A_1363 = vector.extract %slice3A_1362[0] : i32 from vector<1xi32>
          %eq3A_1364 = arith.constant 0 : i32
          %eq3A_1365 = arith.cmpi eq, %squeeze3A_1363, %eq3A_1364 : i32
          %convert_element_type3A_1366 = arith.extui %eq3A_1365 : i1 to i32
          %cond3A_1367 = arith.constant 0 : i32
          %cond3A_1368 = arith.cmpi ne, %convert_element_type3A_1366, %cond3A_1367 : i32
          scf.if %cond3A_1368 {
            %add3A_1369 = arith.constant 15 : i32
            %add3A_1370 = arith.addi %add3A_1257, %add3A_1369 : i32
            %swap3A_1371 = arith.index_cast %add3A_1370 : i32 to index
            %swap3A_1372 = arith.constant 0 : index
            %swap3A_1373 = tpu.vector_load %arg9[%swap3A_1371, %swap3A_1372] {strides = array<i32>} : memref<1024x32xf32, #tpu.memory_space<vmem>>, vector<1x16xf32>,
            %swap3A_1374 = vector.shape_cast %swap3A_1373 : vector<1x16xf32> to vector<16xf32>
            %swap3A_1375 = vector.shape_cast %broadcast_in_dim3A_10 : vector<16xf32> to vector<1x16xf32>
            tpu.vector_store %arg9[%swap3A_1371, %swap3A_1372], %swap3A_1375 {strides = array<i32>} : memref<1024x32xf32, #tpu.memory_space<vmem>>, vector<1x16xf32>,
            %add3A_1376 = arith.constant 15 : i32
            %add3A_1377 = arith.addi %add3A_1257, %add3A_1376 : i32
            %swap3A_1378 = arith.index_cast %add3A_1377 : i32 to index
            %swap3A_1379 = arith.constant 16 : index
            %swap3A_1380 = tpu.vector_load %arg9[%swap3A_1378, %swap3A_1379] {strides = array<i32>} : memref<1024x32xf32, #tpu.memory_space<vmem>>, vector<1x16xf32>,
            %swap3A_1381 = vector.shape_cast %swap3A_1380 : vector<1x16xf32> to vector<16xf32>
            %swap3A_1382 = vector.shape_cast %broadcast_in_dim3A_10 : vector<16xf32> to vector<1x16xf32>
            tpu.vector_store %arg9[%swap3A_1378, %swap3A_1379], %swap3A_1382 {strides = array<i32>} : memref<1024x32xf32, #tpu.memory_space<vmem>>, vector<1x16xf32>,
          } else {
          }
        }
        %scan3A_1244 = arith.constant 8 : i32
      } else {
      }
      %mul3A_1213 = arith.constant 8 : i32
      %mul3A_1214 = arith.muli %scan3A_15, %mul3A_1213 : i32
      %add3A_1215 = arith.constant 6 : i32
      %add3A_1216 = arith.addi %mul3A_1214, %add3A_1215 : i32
      %slice3A_1217 = vector.extract_strided_slice %get3A_1151 {offsets = [6], sizes = [1], strides = [1]} : vector<16xi32> to vector<1xi32>
      %squeeze3A_1218 = vector.extract %slice3A_1217[0] : i32 from vector<1xi32>
      %ne3A_1219 = arith.constant 0 : i32
      %ne3A_1220 = arith.cmpi ne, %squeeze3A_1218, %ne3A_1219 : i32
      %convert_element_type3A_1221 = arith.extui %ne3A_1220 : i1 to i32
      %cond3A_1222 = arith.constant 0 : i32
      %cond3A_1223 = arith.cmpi ne, %convert_element_type3A_1221, %cond3A_1222 : i32
      scf.if %cond3A_1223 {
        %scan3A_1240 = arith.constant 0 : i32
        %scan3A_1241 = arith.constant 8 : i32
        %scan3A_1242 = arith.addi %scan3A_1240, %scan3A_1241 : i32
        %scan3A_1243 = arith.constant 1 : i32
        scf.for %scan3A_1245 = %scan3A_1240 to %scan3A_1242 step %scan3A_1243  : i32 {
          %mul3A_1246 = arith.constant 16 : i32
          %mul3A_1247 = arith.muli %scan3A_1245, %mul3A_1246 : i32
          %get3A_1248 = arith.index_cast %add3A_1216 : i32 to index
          %get3A_1249 = arith.index_cast %mul3A_1247 : i32 to index
          %get3A_1250 = tpu.vector_load %arg6[%get3A_1248, %get3A_1249] {strides = array<i32>} : memref<104x128xi32, #tpu.memory_space<vmem>>, vector<1x16xi32>,
          %get3A_1251 = vector.shape_cast %get3A_1250 : vector<1x16xi32> to vector<16xi32>
          %min3A = arith.constant 1 : i32
          %min3A_1252 = vector.broadcast %min3A : i32 to vector<16xi32>
          %min3A_1253 = arith.minsi %get3A_1251, %min3A_1252 : vector<16xi32>
          %mul3A_1254 = arith.constant 16 : i32
          %mul3A_1255 = arith.muli %scan3A_1245, %mul3A_1254 : i32
          %add3A_1256 = arith.constant 768 : i32
          %add3A_1257 = arith.addi %add3A_1256, %mul3A_1255 : i32
          %slice3A_1258 = vector.extract_strided_slice %min3A_1253 {offsets = [0], sizes = [1], strides = [1]} : vector<16xi32> to vector<1xi32>
          %squeeze3A_1259 = vector.extract %slice3A_1258[0] : i32 from vector<1xi32>
          %eq3A = arith.constant 0 : i32
          %eq3A_1260 = arith.cmpi eq, %squeeze3A_1259, %eq3A : i32
          %convert_element_type3A_1261 = arith.extui %eq3A_1260 : i1 to i32
          %cond3A_1262 = arith.constant 0 : i32
          %cond3A_1263 = arith.cmpi ne, %convert_element_type3A_1261, %cond3A_1262 : i32
          scf.if %cond3A_1263 {
            %add3A_1369 = arith.constant 0 : i32
            %add3A_1370 = arith.addi %add3A_1257, %add3A_1369 : i32
            %swap3A_1371 = arith.index_cast %add3A_1370 : i32 to index
            %swap3A_1372 = arith.constant 0 : index
            %swap3A_1373 = tpu.vector_load %arg9[%swap3A_1371, %swap3A_1372] {strides = array<i32>} : memref<1024x32xf32, #tpu.memory_space<vmem>>, vector<1x16xf32>,
            %swap3A_1374 = vector.shape_cast %swap3A_1373 : vector<1x16xf32> to vector<16xf32>
            %swap3A_1375 = vector.shape_cast %broadcast_in_dim3A_10 : vector<16xf32> to vector<1x16xf32>
            tpu.vector_store %arg9[%swap3A_1371, %swap3A_1372], %swap3A_1375 {strides = array<i32>} : memref<1024x32xf32, #tpu.memory_space<vmem>>, vector<1x16xf32>,
            %add3A_1376 = arith.constant 0 : i32
            %add3A_1377 = arith.addi %add3A_1257, %add3A_1376 : i32
            %swap3A_1378 = arith.index_cast %add3A_1377 : i32 to index
            %swap3A_1379 = arith.constant 16 : index
            %swap3A_1380 = tpu.vector_load %arg9[%swap3A_1378, %swap3A_1379] {strides = array<i32>} : memref<1024x32xf32, #tpu.memory_space<vmem>>, vector<1x16xf32>,
            %swap3A_1381 = vector.shape_cast %swap3A_1380 : vector<1x16xf32> to vector<16xf32>
            %swap3A_1382 = vector.shape_cast %broadcast_in_dim3A_10 : vector<16xf32> to vector<1x16xf32>
            tpu.vector_store %arg9[%swap3A_1378, %swap3A_1379], %swap3A_1382 {strides = array<i32>} : memref<1024x32xf32, #tpu.memory_space<vmem>>, vector<1x16xf32>,
          } else {
          }
          %slice3A_1264 = vector.extract_strided_slice %min3A_1253 {offsets = [1], sizes = [1], strides = [1]} : vector<16xi32> to vector<1xi32>
          %squeeze3A_1265 = vector.extract %slice3A_1264[0] : i32 from vector<1xi32>
          %eq3A_1266 = arith.constant 0 : i32
          %eq3A_1267 = arith.cmpi eq, %squeeze3A_1265, %eq3A_1266 : i32
          %convert_element_type3A_1268 = arith.extui %eq3A_1267 : i1 to i32
          %cond3A_1269 = arith.constant 0 : i32
          %cond3A_1270 = arith.cmpi ne, %convert_element_type3A_1268, %cond3A_1269 : i32
          scf.if %cond3A_1270 {
            %add3A_1369 = arith.constant 1 : i32
            %add3A_1370 = arith.addi %add3A_1257, %add3A_1369 : i32
            %swap3A_1371 = arith.index_cast %add3A_1370 : i32 to index
            %swap3A_1372 = arith.constant 0 : index
            %swap3A_1373 = tpu.vector_load %arg9[%swap3A_1371, %swap3A_1372] {strides = array<i32>} : memref<1024x32xf32, #tpu.memory_space<vmem>>, vector<1x16xf32>,
            %swap3A_1374 = vector.shape_cast %swap3A_1373 : vector<1x16xf32> to vector<16xf32>
            %swap3A_1375 = vector.shape_cast %broadcast_in_dim3A_10 : vector<16xf32> to vector<1x16xf32>
            tpu.vector_store %arg9[%swap3A_1371, %swap3A_1372], %swap3A_1375 {strides = array<i32>} : memref<1024x32xf32, #tpu.memory_space<vmem>>, vector<1x16xf32>,
            %add3A_1376 = arith.constant 1 : i32
            %add3A_1377 = arith.addi %add3A_1257, %add3A_1376 : i32
            %swap3A_1378 = arith.index_cast %add3A_1377 : i32 to index
            %swap3A_1379 = arith.constant 16 : index
            %swap3A_1380 = tpu.vector_load %arg9[%swap3A_1378, %swap3A_1379] {strides = array<i32>} : memref<1024x32xf32, #tpu.memory_space<vmem>>, vector<1x16xf32>,
            %swap3A_1381 = vector.shape_cast %swap3A_1380 : vector<1x16xf32> to vector<16xf32>
            %swap3A_1382 = vector.shape_cast %broadcast_in_dim3A_10 : vector<16xf32> to vector<1x16xf32>
            tpu.vector_store %arg9[%swap3A_1378, %swap3A_1379], %swap3A_1382 {strides = array<i32>} : memref<1024x32xf32, #tpu.memory_space<vmem>>, vector<1x16xf32>,
          } else {
          }
          %slice3A_1271 = vector.extract_strided_slice %min3A_1253 {offsets = [2], sizes = [1], strides = [1]} : vector<16xi32> to vector<1xi32>
          %squeeze3A_1272 = vector.extract %slice3A_1271[0] : i32 from vector<1xi32>
          %eq3A_1273 = arith.constant 0 : i32
          %eq3A_1274 = arith.cmpi eq, %squeeze3A_1272, %eq3A_1273 : i32
          %convert_element_type3A_1275 = arith.extui %eq3A_1274 : i1 to i32
          %cond3A_1276 = arith.constant 0 : i32
          %cond3A_1277 = arith.cmpi ne, %convert_element_type3A_1275, %cond3A_1276 : i32
          scf.if %cond3A_1277 {
            %add3A_1369 = arith.constant 2 : i32
            %add3A_1370 = arith.addi %add3A_1257, %add3A_1369 : i32
            %swap3A_1371 = arith.index_cast %add3A_1370 : i32 to index
            %swap3A_1372 = arith.constant 0 : index
            %swap3A_1373 = tpu.vector_load %arg9[%swap3A_1371, %swap3A_1372] {strides = array<i32>} : memref<1024x32xf32, #tpu.memory_space<vmem>>, vector<1x16xf32>,
            %swap3A_1374 = vector.shape_cast %swap3A_1373 : vector<1x16xf32> to vector<16xf32>
            %swap3A_1375 = vector.shape_cast %broadcast_in_dim3A_10 : vector<16xf32> to vector<1x16xf32>
            tpu.vector_store %arg9[%swap3A_1371, %swap3A_1372], %swap3A_1375 {strides = array<i32>} : memref<1024x32xf32, #tpu.memory_space<vmem>>, vector<1x16xf32>,
            %add3A_1376 = arith.constant 2 : i32
            %add3A_1377 = arith.addi %add3A_1257, %add3A_1376 : i32
            %swap3A_1378 = arith.index_cast %add3A_1377 : i32 to index
            %swap3A_1379 = arith.constant 16 : index
            %swap3A_1380 = tpu.vector_load %arg9[%swap3A_1378, %swap3A_1379] {strides = array<i32>} : memref<1024x32xf32, #tpu.memory_space<vmem>>, vector<1x16xf32>,
            %swap3A_1381 = vector.shape_cast %swap3A_1380 : vector<1x16xf32> to vector<16xf32>
            %swap3A_1382 = vector.shape_cast %broadcast_in_dim3A_10 : vector<16xf32> to vector<1x16xf32>
            tpu.vector_store %arg9[%swap3A_1378, %swap3A_1379], %swap3A_1382 {strides = array<i32>} : memref<1024x32xf32, #tpu.memory_space<vmem>>, vector<1x16xf32>,
          } else {
          }
          %slice3A_1278 = vector.extract_strided_slice %min3A_1253 {offsets = [3], sizes = [1], strides = [1]} : vector<16xi32> to vector<1xi32>
          %squeeze3A_1279 = vector.extract %slice3A_1278[0] : i32 from vector<1xi32>
          %eq3A_1280 = arith.constant 0 : i32
          %eq3A_1281 = arith.cmpi eq, %squeeze3A_1279, %eq3A_1280 : i32
          %convert_element_type3A_1282 = arith.extui %eq3A_1281 : i1 to i32
          %cond3A_1283 = arith.constant 0 : i32
          %cond3A_1284 = arith.cmpi ne, %convert_element_type3A_1282, %cond3A_1283 : i32
          scf.if %cond3A_1284 {
            %add3A_1369 = arith.constant 3 : i32
            %add3A_1370 = arith.addi %add3A_1257, %add3A_1369 : i32
            %swap3A_1371 = arith.index_cast %add3A_1370 : i32 to index
            %swap3A_1372 = arith.constant 0 : index
            %swap3A_1373 = tpu.vector_load %arg9[%swap3A_1371, %swap3A_1372] {strides = array<i32>} : memref<1024x32xf32, #tpu.memory_space<vmem>>, vector<1x16xf32>,
            %swap3A_1374 = vector.shape_cast %swap3A_1373 : vector<1x16xf32> to vector<16xf32>
            %swap3A_1375 = vector.shape_cast %broadcast_in_dim3A_10 : vector<16xf32> to vector<1x16xf32>
            tpu.vector_store %arg9[%swap3A_1371, %swap3A_1372], %swap3A_1375 {strides = array<i32>} : memref<1024x32xf32, #tpu.memory_space<vmem>>, vector<1x16xf32>,
            %add3A_1376 = arith.constant 3 : i32
            %add3A_1377 = arith.addi %add3A_1257, %add3A_1376 : i32
            %swap3A_1378 = arith.index_cast %add3A_1377 : i32 to index
            %swap3A_1379 = arith.constant 16 : index
            %swap3A_1380 = tpu.vector_load %arg9[%swap3A_1378, %swap3A_1379] {strides = array<i32>} : memref<1024x32xf32, #tpu.memory_space<vmem>>, vector<1x16xf32>,
            %swap3A_1381 = vector.shape_cast %swap3A_1380 : vector<1x16xf32> to vector<16xf32>
            %swap3A_1382 = vector.shape_cast %broadcast_in_dim3A_10 : vector<16xf32> to vector<1x16xf32>
            tpu.vector_store %arg9[%swap3A_1378, %swap3A_1379], %swap3A_1382 {strides = array<i32>} : memref<1024x32xf32, #tpu.memory_space<vmem>>, vector<1x16xf32>,
          } else {
          }
          %slice3A_1285 = vector.extract_strided_slice %min3A_1253 {offsets = [4], sizes = [1], strides = [1]} : vector<16xi32> to vector<1xi32>
          %squeeze3A_1286 = vector.extract %slice3A_1285[0] : i32 from vector<1xi32>
          %eq3A_1287 = arith.constant 0 : i32
          %eq3A_1288 = arith.cmpi eq, %squeeze3A_1286, %eq3A_1287 : i32
          %convert_element_type3A_1289 = arith.extui %eq3A_1288 : i1 to i32
          %cond3A_1290 = arith.constant 0 : i32
          %cond3A_1291 = arith.cmpi ne, %convert_element_type3A_1289, %cond3A_1290 : i32
          scf.if %cond3A_1291 {
            %add3A_1369 = arith.constant 4 : i32
            %add3A_1370 = arith.addi %add3A_1257, %add3A_1369 : i32
            %swap3A_1371 = arith.index_cast %add3A_1370 : i32 to index
            %swap3A_1372 = arith.constant 0 : index
            %swap3A_1373 = tpu.vector_load %arg9[%swap3A_1371, %swap3A_1372] {strides = array<i32>} : memref<1024x32xf32, #tpu.memory_space<vmem>>, vector<1x16xf32>,
            %swap3A_1374 = vector.shape_cast %swap3A_1373 : vector<1x16xf32> to vector<16xf32>
            %swap3A_1375 = vector.shape_cast %broadcast_in_dim3A_10 : vector<16xf32> to vector<1x16xf32>
            tpu.vector_store %arg9[%swap3A_1371, %swap3A_1372], %swap3A_1375 {strides = array<i32>} : memref<1024x32xf32, #tpu.memory_space<vmem>>, vector<1x16xf32>,
            %add3A_1376 = arith.constant 4 : i32
            %add3A_1377 = arith.addi %add3A_1257, %add3A_1376 : i32
            %swap3A_1378 = arith.index_cast %add3A_1377 : i32 to index
            %swap3A_1379 = arith.constant 16 : index
            %swap3A_1380 = tpu.vector_load %arg9[%swap3A_1378, %swap3A_1379] {strides = array<i32>} : memref<1024x32xf32, #tpu.memory_space<vmem>>, vector<1x16xf32>,
            %swap3A_1381 = vector.shape_cast %swap3A_1380 : vector<1x16xf32> to vector<16xf32>
            %swap3A_1382 = vector.shape_cast %broadcast_in_dim3A_10 : vector<16xf32> to vector<1x16xf32>
            tpu.vector_store %arg9[%swap3A_1378, %swap3A_1379], %swap3A_1382 {strides = array<i32>} : memref<1024x32xf32, #tpu.memory_space<vmem>>, vector<1x16xf32>,
          } else {
          }
          %slice3A_1292 = vector.extract_strided_slice %min3A_1253 {offsets = [5], sizes = [1], strides = [1]} : vector<16xi32> to vector<1xi32>
          %squeeze3A_1293 = vector.extract %slice3A_1292[0] : i32 from vector<1xi32>
          %eq3A_1294 = arith.constant 0 : i32
          %eq3A_1295 = arith.cmpi eq, %squeeze3A_1293, %eq3A_1294 : i32
          %convert_element_type3A_1296 = arith.extui %eq3A_1295 : i1 to i32
          %cond3A_1297 = arith.constant 0 : i32
          %cond3A_1298 = arith.cmpi ne, %convert_element_type3A_1296, %cond3A_1297 : i32
          scf.if %cond3A_1298 {
            %add3A_1369 = arith.constant 5 : i32
            %add3A_1370 = arith.addi %add3A_1257, %add3A_1369 : i32
            %swap3A_1371 = arith.index_cast %add3A_1370 : i32 to index
            %swap3A_1372 = arith.constant 0 : index
            %swap3A_1373 = tpu.vector_load %arg9[%swap3A_1371, %swap3A_1372] {strides = array<i32>} : memref<1024x32xf32, #tpu.memory_space<vmem>>, vector<1x16xf32>,
            %swap3A_1374 = vector.shape_cast %swap3A_1373 : vector<1x16xf32> to vector<16xf32>
            %swap3A_1375 = vector.shape_cast %broadcast_in_dim3A_10 : vector<16xf32> to vector<1x16xf32>
            tpu.vector_store %arg9[%swap3A_1371, %swap3A_1372], %swap3A_1375 {strides = array<i32>} : memref<1024x32xf32, #tpu.memory_space<vmem>>, vector<1x16xf32>,
            %add3A_1376 = arith.constant 5 : i32
            %add3A_1377 = arith.addi %add3A_1257, %add3A_1376 : i32
            %swap3A_1378 = arith.index_cast %add3A_1377 : i32 to index
            %swap3A_1379 = arith.constant 16 : index
            %swap3A_1380 = tpu.vector_load %arg9[%swap3A_1378, %swap3A_1379] {strides = array<i32>} : memref<1024x32xf32, #tpu.memory_space<vmem>>, vector<1x16xf32>,
            %swap3A_1381 = vector.shape_cast %swap3A_1380 : vector<1x16xf32> to vector<16xf32>
            %swap3A_1382 = vector.shape_cast %broadcast_in_dim3A_10 : vector<16xf32> to vector<1x16xf32>
            tpu.vector_store %arg9[%swap3A_1378, %swap3A_1379], %swap3A_1382 {strides = array<i32>} : memref<1024x32xf32, #tpu.memory_space<vmem>>, vector<1x16xf32>,
          } else {
          }
          %slice3A_1299 = vector.extract_strided_slice %min3A_1253 {offsets = [6], sizes = [1], strides = [1]} : vector<16xi32> to vector<1xi32>
          %squeeze3A_1300 = vector.extract %slice3A_1299[0] : i32 from vector<1xi32>
          %eq3A_1301 = arith.constant 0 : i32
          %eq3A_1302 = arith.cmpi eq, %squeeze3A_1300, %eq3A_1301 : i32
          %convert_element_type3A_1303 = arith.extui %eq3A_1302 : i1 to i32
          %cond3A_1304 = arith.constant 0 : i32
          %cond3A_1305 = arith.cmpi ne, %convert_element_type3A_1303, %cond3A_1304 : i32
          scf.if %cond3A_1305 {
            %add3A_1369 = arith.constant 6 : i32
            %add3A_1370 = arith.addi %add3A_1257, %add3A_1369 : i32
            %swap3A_1371 = arith.index_cast %add3A_1370 : i32 to index
            %swap3A_1372 = arith.constant 0 : index
            %swap3A_1373 = tpu.vector_load %arg9[%swap3A_1371, %swap3A_1372] {strides = array<i32>} : memref<1024x32xf32, #tpu.memory_space<vmem>>, vector<1x16xf32>,
            %swap3A_1374 = vector.shape_cast %swap3A_1373 : vector<1x16xf32> to vector<16xf32>
            %swap3A_1375 = vector.shape_cast %broadcast_in_dim3A_10 : vector<16xf32> to vector<1x16xf32>
            tpu.vector_store %arg9[%swap3A_1371, %swap3A_1372], %swap3A_1375 {strides = array<i32>} : memref<1024x32xf32, #tpu.memory_space<vmem>>, vector<1x16xf32>,
            %add3A_1376 = arith.constant 6 : i32
            %add3A_1377 = arith.addi %add3A_1257, %add3A_1376 : i32
            %swap3A_1378 = arith.index_cast %add3A_1377 : i32 to index
            %swap3A_1379 = arith.constant 16 : index
            %swap3A_1380 = tpu.vector_load %arg9[%swap3A_1378, %swap3A_1379] {strides = array<i32>} : memref<1024x32xf32, #tpu.memory_space<vmem>>, vector<1x16xf32>,
            %swap3A_1381 = vector.shape_cast %swap3A_1380 : vector<1x16xf32> to vector<16xf32>
            %swap3A_1382 = vector.shape_cast %broadcast_in_dim3A_10 : vector<16xf32> to vector<1x16xf32>
            tpu.vector_store %arg9[%swap3A_1378, %swap3A_1379], %swap3A_1382 {strides = array<i32>} : memref<1024x32xf32, #tpu.memory_space<vmem>>, vector<1x16xf32>,
          } else {
          }
          %slice3A_1306 = vector.extract_strided_slice %min3A_1253 {offsets = [7], sizes = [1], strides = [1]} : vector<16xi32> to vector<1xi32>
          %squeeze3A_1307 = vector.extract %slice3A_1306[0] : i32 from vector<1xi32>
          %eq3A_1308 = arith.constant 0 : i32
          %eq3A_1309 = arith.cmpi eq, %squeeze3A_1307, %eq3A_1308 : i32
          %convert_element_type3A_1310 = arith.extui %eq3A_1309 : i1 to i32
          %cond3A_1311 = arith.constant 0 : i32
          %cond3A_1312 = arith.cmpi ne, %convert_element_type3A_1310, %cond3A_1311 : i32
          scf.if %cond3A_1312 {
            %add3A_1369 = arith.constant 7 : i32
            %add3A_1370 = arith.addi %add3A_1257, %add3A_1369 : i32
            %swap3A_1371 = arith.index_cast %add3A_1370 : i32 to index
            %swap3A_1372 = arith.constant 0 : index
            %swap3A_1373 = tpu.vector_load %arg9[%swap3A_1371, %swap3A_1372] {strides = array<i32>} : memref<1024x32xf32, #tpu.memory_space<vmem>>, vector<1x16xf32>,
            %swap3A_1374 = vector.shape_cast %swap3A_1373 : vector<1x16xf32> to vector<16xf32>
            %swap3A_1375 = vector.shape_cast %broadcast_in_dim3A_10 : vector<16xf32> to vector<1x16xf32>
            tpu.vector_store %arg9[%swap3A_1371, %swap3A_1372], %swap3A_1375 {strides = array<i32>} : memref<1024x32xf32, #tpu.memory_space<vmem>>, vector<1x16xf32>,
            %add3A_1376 = arith.constant 7 : i32
            %add3A_1377 = arith.addi %add3A_1257, %add3A_1376 : i32
            %swap3A_1378 = arith.index_cast %add3A_1377 : i32 to index
            %swap3A_1379 = arith.constant 16 : index
            %swap3A_1380 = tpu.vector_load %arg9[%swap3A_1378, %swap3A_1379] {strides = array<i32>} : memref<1024x32xf32, #tpu.memory_space<vmem>>, vector<1x16xf32>,
            %swap3A_1381 = vector.shape_cast %swap3A_1380 : vector<1x16xf32> to vector<16xf32>
            %swap3A_1382 = vector.shape_cast %broadcast_in_dim3A_10 : vector<16xf32> to vector<1x16xf32>
            tpu.vector_store %arg9[%swap3A_1378, %swap3A_1379], %swap3A_1382 {strides = array<i32>} : memref<1024x32xf32, #tpu.memory_space<vmem>>, vector<1x16xf32>,
          } else {
          }
          %slice3A_1313 = vector.extract_strided_slice %min3A_1253 {offsets = [8], sizes = [1], strides = [1]} : vector<16xi32> to vector<1xi32>
          %squeeze3A_1314 = vector.extract %slice3A_1313[0] : i32 from vector<1xi32>
          %eq3A_1315 = arith.constant 0 : i32
          %eq3A_1316 = arith.cmpi eq, %squeeze3A_1314, %eq3A_1315 : i32
          %convert_element_type3A_1317 = arith.extui %eq3A_1316 : i1 to i32
          %cond3A_1318 = arith.constant 0 : i32
          %cond3A_1319 = arith.cmpi ne, %convert_element_type3A_1317, %cond3A_1318 : i32
          scf.if %cond3A_1319 {
            %add3A_1369 = arith.constant 8 : i32
            %add3A_1370 = arith.addi %add3A_1257, %add3A_1369 : i32
            %swap3A_1371 = arith.index_cast %add3A_1370 : i32 to index
            %swap3A_1372 = arith.constant 0 : index
            %swap3A_1373 = tpu.vector_load %arg9[%swap3A_1371, %swap3A_1372] {strides = array<i32>} : memref<1024x32xf32, #tpu.memory_space<vmem>>, vector<1x16xf32>,
            %swap3A_1374 = vector.shape_cast %swap3A_1373 : vector<1x16xf32> to vector<16xf32>
            %swap3A_1375 = vector.shape_cast %broadcast_in_dim3A_10 : vector<16xf32> to vector<1x16xf32>
            tpu.vector_store %arg9[%swap3A_1371, %swap3A_1372], %swap3A_1375 {strides = array<i32>} : memref<1024x32xf32, #tpu.memory_space<vmem>>, vector<1x16xf32>,
            %add3A_1376 = arith.constant 8 : i32
            %add3A_1377 = arith.addi %add3A_1257, %add3A_1376 : i32
            %swap3A_1378 = arith.index_cast %add3A_1377 : i32 to index
            %swap3A_1379 = arith.constant 16 : index
            %swap3A_1380 = tpu.vector_load %arg9[%swap3A_1378, %swap3A_1379] {strides = array<i32>} : memref<1024x32xf32, #tpu.memory_space<vmem>>, vector<1x16xf32>,
            %swap3A_1381 = vector.shape_cast %swap3A_1380 : vector<1x16xf32> to vector<16xf32>
            %swap3A_1382 = vector.shape_cast %broadcast_in_dim3A_10 : vector<16xf32> to vector<1x16xf32>
            tpu.vector_store %arg9[%swap3A_1378, %swap3A_1379], %swap3A_1382 {strides = array<i32>} : memref<1024x32xf32, #tpu.memory_space<vmem>>, vector<1x16xf32>,
          } else {
          }
          %slice3A_1320 = vector.extract_strided_slice %min3A_1253 {offsets = [9], sizes = [1], strides = [1]} : vector<16xi32> to vector<1xi32>
          %squeeze3A_1321 = vector.extract %slice3A_1320[0] : i32 from vector<1xi32>
          %eq3A_1322 = arith.constant 0 : i32
          %eq3A_1323 = arith.cmpi eq, %squeeze3A_1321, %eq3A_1322 : i32
          %convert_element_type3A_1324 = arith.extui %eq3A_1323 : i1 to i32
          %cond3A_1325 = arith.constant 0 : i32
          %cond3A_1326 = arith.cmpi ne, %convert_element_type3A_1324, %cond3A_1325 : i32
          scf.if %cond3A_1326 {
            %add3A_1369 = arith.constant 9 : i32
            %add3A_1370 = arith.addi %add3A_1257, %add3A_1369 : i32
            %swap3A_1371 = arith.index_cast %add3A_1370 : i32 to index
            %swap3A_1372 = arith.constant 0 : index
            %swap3A_1373 = tpu.vector_load %arg9[%swap3A_1371, %swap3A_1372] {strides = array<i32>} : memref<1024x32xf32, #tpu.memory_space<vmem>>, vector<1x16xf32>,
            %swap3A_1374 = vector.shape_cast %swap3A_1373 : vector<1x16xf32> to vector<16xf32>
            %swap3A_1375 = vector.shape_cast %broadcast_in_dim3A_10 : vector<16xf32> to vector<1x16xf32>
            tpu.vector_store %arg9[%swap3A_1371, %swap3A_1372], %swap3A_1375 {strides = array<i32>} : memref<1024x32xf32, #tpu.memory_space<vmem>>, vector<1x16xf32>,
            %add3A_1376 = arith.constant 9 : i32
            %add3A_1377 = arith.addi %add3A_1257, %add3A_1376 : i32
            %swap3A_1378 = arith.index_cast %add3A_1377 : i32 to index
            %swap3A_1379 = arith.constant 16 : index
            %swap3A_1380 = tpu.vector_load %arg9[%swap3A_1378, %swap3A_1379] {strides = array<i32>} : memref<1024x32xf32, #tpu.memory_space<vmem>>, vector<1x16xf32>,
            %swap3A_1381 = vector.shape_cast %swap3A_1380 : vector<1x16xf32> to vector<16xf32>
            %swap3A_1382 = vector.shape_cast %broadcast_in_dim3A_10 : vector<16xf32> to vector<1x16xf32>
            tpu.vector_store %arg9[%swap3A_1378, %swap3A_1379], %swap3A_1382 {strides = array<i32>} : memref<1024x32xf32, #tpu.memory_space<vmem>>, vector<1x16xf32>,
          } else {
          }
          %slice3A_1327 = vector.extract_strided_slice %min3A_1253 {offsets = [10], sizes = [1], strides = [1]} : vector<16xi32> to vector<1xi32>
          %squeeze3A_1328 = vector.extract %slice3A_1327[0] : i32 from vector<1xi32>
          %eq3A_1329 = arith.constant 0 : i32
          %eq3A_1330 = arith.cmpi eq, %squeeze3A_1328, %eq3A_1329 : i32
          %convert_element_type3A_1331 = arith.extui %eq3A_1330 : i1 to i32
          %cond3A_1332 = arith.constant 0 : i32
          %cond3A_1333 = arith.cmpi ne, %convert_element_type3A_1331, %cond3A_1332 : i32
          scf.if %cond3A_1333 {
            %add3A_1369 = arith.constant 10 : i32
            %add3A_1370 = arith.addi %add3A_1257, %add3A_1369 : i32
            %swap3A_1371 = arith.index_cast %add3A_1370 : i32 to index
            %swap3A_1372 = arith.constant 0 : index
            %swap3A_1373 = tpu.vector_load %arg9[%swap3A_1371, %swap3A_1372] {strides = array<i32>} : memref<1024x32xf32, #tpu.memory_space<vmem>>, vector<1x16xf32>,
            %swap3A_1374 = vector.shape_cast %swap3A_1373 : vector<1x16xf32> to vector<16xf32>
            %swap3A_1375 = vector.shape_cast %broadcast_in_dim3A_10 : vector<16xf32> to vector<1x16xf32>
            tpu.vector_store %arg9[%swap3A_1371, %swap3A_1372], %swap3A_1375 {strides = array<i32>} : memref<1024x32xf32, #tpu.memory_space<vmem>>, vector<1x16xf32>,
            %add3A_1376 = arith.constant 10 : i32
            %add3A_1377 = arith.addi %add3A_1257, %add3A_1376 : i32
            %swap3A_1378 = arith.index_cast %add3A_1377 : i32 to index
            %swap3A_1379 = arith.constant 16 : index
            %swap3A_1380 = tpu.vector_load %arg9[%swap3A_1378, %swap3A_1379] {strides = array<i32>} : memref<1024x32xf32, #tpu.memory_space<vmem>>, vector<1x16xf32>,
            %swap3A_1381 = vector.shape_cast %swap3A_1380 : vector<1x16xf32> to vector<16xf32>
            %swap3A_1382 = vector.shape_cast %broadcast_in_dim3A_10 : vector<16xf32> to vector<1x16xf32>
            tpu.vector_store %arg9[%swap3A_1378, %swap3A_1379], %swap3A_1382 {strides = array<i32>} : memref<1024x32xf32, #tpu.memory_space<vmem>>, vector<1x16xf32>,
          } else {
          }
          %slice3A_1334 = vector.extract_strided_slice %min3A_1253 {offsets = [11], sizes = [1], strides = [1]} : vector<16xi32> to vector<1xi32>
          %squeeze3A_1335 = vector.extract %slice3A_1334[0] : i32 from vector<1xi32>
          %eq3A_1336 = arith.constant 0 : i32
          %eq3A_1337 = arith.cmpi eq, %squeeze3A_1335, %eq3A_1336 : i32
          %convert_element_type3A_1338 = arith.extui %eq3A_1337 : i1 to i32
          %cond3A_1339 = arith.constant 0 : i32
          %cond3A_1340 = arith.cmpi ne, %convert_element_type3A_1338, %cond3A_1339 : i32
          scf.if %cond3A_1340 {
            %add3A_1369 = arith.constant 11 : i32
            %add3A_1370 = arith.addi %add3A_1257, %add3A_1369 : i32
            %swap3A_1371 = arith.index_cast %add3A_1370 : i32 to index
            %swap3A_1372 = arith.constant 0 : index
            %swap3A_1373 = tpu.vector_load %arg9[%swap3A_1371, %swap3A_1372] {strides = array<i32>} : memref<1024x32xf32, #tpu.memory_space<vmem>>, vector<1x16xf32>,
            %swap3A_1374 = vector.shape_cast %swap3A_1373 : vector<1x16xf32> to vector<16xf32>
            %swap3A_1375 = vector.shape_cast %broadcast_in_dim3A_10 : vector<16xf32> to vector<1x16xf32>
            tpu.vector_store %arg9[%swap3A_1371, %swap3A_1372], %swap3A_1375 {strides = array<i32>} : memref<1024x32xf32, #tpu.memory_space<vmem>>, vector<1x16xf32>,
            %add3A_1376 = arith.constant 11 : i32
            %add3A_1377 = arith.addi %add3A_1257, %add3A_1376 : i32
            %swap3A_1378 = arith.index_cast %add3A_1377 : i32 to index
            %swap3A_1379 = arith.constant 16 : index
            %swap3A_1380 = tpu.vector_load %arg9[%swap3A_1378, %swap3A_1379] {strides = array<i32>} : memref<1024x32xf32, #tpu.memory_space<vmem>>, vector<1x16xf32>,
            %swap3A_1381 = vector.shape_cast %swap3A_1380 : vector<1x16xf32> to vector<16xf32>
            %swap3A_1382 = vector.shape_cast %broadcast_in_dim3A_10 : vector<16xf32> to vector<1x16xf32>
            tpu.vector_store %arg9[%swap3A_1378, %swap3A_1379], %swap3A_1382 {strides = array<i32>} : memref<1024x32xf32, #tpu.memory_space<vmem>>, vector<1x16xf32>,
          } else {
          }
          %slice3A_1341 = vector.extract_strided_slice %min3A_1253 {offsets = [12], sizes = [1], strides = [1]} : vector<16xi32> to vector<1xi32>
          %squeeze3A_1342 = vector.extract %slice3A_1341[0] : i32 from vector<1xi32>
          %eq3A_1343 = arith.constant 0 : i32
          %eq3A_1344 = arith.cmpi eq, %squeeze3A_1342, %eq3A_1343 : i32
          %convert_element_type3A_1345 = arith.extui %eq3A_1344 : i1 to i32
          %cond3A_1346 = arith.constant 0 : i32
          %cond3A_1347 = arith.cmpi ne, %convert_element_type3A_1345, %cond3A_1346 : i32
          scf.if %cond3A_1347 {
            %add3A_1369 = arith.constant 12 : i32
            %add3A_1370 = arith.addi %add3A_1257, %add3A_1369 : i32
            %swap3A_1371 = arith.index_cast %add3A_1370 : i32 to index
            %swap3A_1372 = arith.constant 0 : index
            %swap3A_1373 = tpu.vector_load %arg9[%swap3A_1371, %swap3A_1372] {strides = array<i32>} : memref<1024x32xf32, #tpu.memory_space<vmem>>, vector<1x16xf32>,
            %swap3A_1374 = vector.shape_cast %swap3A_1373 : vector<1x16xf32> to vector<16xf32>
            %swap3A_1375 = vector.shape_cast %broadcast_in_dim3A_10 : vector<16xf32> to vector<1x16xf32>
            tpu.vector_store %arg9[%swap3A_1371, %swap3A_1372], %swap3A_1375 {strides = array<i32>} : memref<1024x32xf32, #tpu.memory_space<vmem>>, vector<1x16xf32>,
            %add3A_1376 = arith.constant 12 : i32
            %add3A_1377 = arith.addi %add3A_1257, %add3A_1376 : i32
            %swap3A_1378 = arith.index_cast %add3A_1377 : i32 to index
            %swap3A_1379 = arith.constant 16 : index
            %swap3A_1380 = tpu.vector_load %arg9[%swap3A_1378, %swap3A_1379] {strides = array<i32>} : memref<1024x32xf32, #tpu.memory_space<vmem>>, vector<1x16xf32>,
            %swap3A_1381 = vector.shape_cast %swap3A_1380 : vector<1x16xf32> to vector<16xf32>
            %swap3A_1382 = vector.shape_cast %broadcast_in_dim3A_10 : vector<16xf32> to vector<1x16xf32>
            tpu.vector_store %arg9[%swap3A_1378, %swap3A_1379], %swap3A_1382 {strides = array<i32>} : memref<1024x32xf32, #tpu.memory_space<vmem>>, vector<1x16xf32>,
          } else {
          }
          %slice3A_1348 = vector.extract_strided_slice %min3A_1253 {offsets = [13], sizes = [1], strides = [1]} : vector<16xi32> to vector<1xi32>
          %squeeze3A_1349 = vector.extract %slice3A_1348[0] : i32 from vector<1xi32>
          %eq3A_1350 = arith.constant 0 : i32
          %eq3A_1351 = arith.cmpi eq, %squeeze3A_1349, %eq3A_1350 : i32
          %convert_element_type3A_1352 = arith.extui %eq3A_1351 : i1 to i32
          %cond3A_1353 = arith.constant 0 : i32
          %cond3A_1354 = arith.cmpi ne, %convert_element_type3A_1352, %cond3A_1353 : i32
          scf.if %cond3A_1354 {
            %add3A_1369 = arith.constant 13 : i32
            %add3A_1370 = arith.addi %add3A_1257, %add3A_1369 : i32
            %swap3A_1371 = arith.index_cast %add3A_1370 : i32 to index
            %swap3A_1372 = arith.constant 0 : index
            %swap3A_1373 = tpu.vector_load %arg9[%swap3A_1371, %swap3A_1372] {strides = array<i32>} : memref<1024x32xf32, #tpu.memory_space<vmem>>, vector<1x16xf32>,
            %swap3A_1374 = vector.shape_cast %swap3A_1373 : vector<1x16xf32> to vector<16xf32>
            %swap3A_1375 = vector.shape_cast %broadcast_in_dim3A_10 : vector<16xf32> to vector<1x16xf32>
            tpu.vector_store %arg9[%swap3A_1371, %swap3A_1372], %swap3A_1375 {strides = array<i32>} : memref<1024x32xf32, #tpu.memory_space<vmem>>, vector<1x16xf32>,
            %add3A_1376 = arith.constant 13 : i32
            %add3A_1377 = arith.addi %add3A_1257, %add3A_1376 : i32
            %swap3A_1378 = arith.index_cast %add3A_1377 : i32 to index
            %swap3A_1379 = arith.constant 16 : index
            %swap3A_1380 = tpu.vector_load %arg9[%swap3A_1378, %swap3A_1379] {strides = array<i32>} : memref<1024x32xf32, #tpu.memory_space<vmem>>, vector<1x16xf32>,
            %swap3A_1381 = vector.shape_cast %swap3A_1380 : vector<1x16xf32> to vector<16xf32>
            %swap3A_1382 = vector.shape_cast %broadcast_in_dim3A_10 : vector<16xf32> to vector<1x16xf32>
            tpu.vector_store %arg9[%swap3A_1378, %swap3A_1379], %swap3A_1382 {strides = array<i32>} : memref<1024x32xf32, #tpu.memory_space<vmem>>, vector<1x16xf32>,
          } else {
          }
          %slice3A_1355 = vector.extract_strided_slice %min3A_1253 {offsets = [14], sizes = [1], strides = [1]} : vector<16xi32> to vector<1xi32>
          %squeeze3A_1356 = vector.extract %slice3A_1355[0] : i32 from vector<1xi32>
          %eq3A_1357 = arith.constant 0 : i32
          %eq3A_1358 = arith.cmpi eq, %squeeze3A_1356, %eq3A_1357 : i32
          %convert_element_type3A_1359 = arith.extui %eq3A_1358 : i1 to i32
          %cond3A_1360 = arith.constant 0 : i32
          %cond3A_1361 = arith.cmpi ne, %convert_element_type3A_1359, %cond3A_1360 : i32
          scf.if %cond3A_1361 {
            %add3A_1369 = arith.constant 14 : i32
            %add3A_1370 = arith.addi %add3A_1257, %add3A_1369 : i32
            %swap3A_1371 = arith.index_cast %add3A_1370 : i32 to index
            %swap3A_1372 = arith.constant 0 : index
            %swap3A_1373 = tpu.vector_load %arg9[%swap3A_1371, %swap3A_1372] {strides = array<i32>} : memref<1024x32xf32, #tpu.memory_space<vmem>>, vector<1x16xf32>,
            %swap3A_1374 = vector.shape_cast %swap3A_1373 : vector<1x16xf32> to vector<16xf32>
            %swap3A_1375 = vector.shape_cast %broadcast_in_dim3A_10 : vector<16xf32> to vector<1x16xf32>
            tpu.vector_store %arg9[%swap3A_1371, %swap3A_1372], %swap3A_1375 {strides = array<i32>} : memref<1024x32xf32, #tpu.memory_space<vmem>>, vector<1x16xf32>,
            %add3A_1376 = arith.constant 14 : i32
            %add3A_1377 = arith.addi %add3A_1257, %add3A_1376 : i32
            %swap3A_1378 = arith.index_cast %add3A_1377 : i32 to index
            %swap3A_1379 = arith.constant 16 : index
            %swap3A_1380 = tpu.vector_load %arg9[%swap3A_1378, %swap3A_1379] {strides = array<i32>} : memref<1024x32xf32, #tpu.memory_space<vmem>>, vector<1x16xf32>,
            %swap3A_1381 = vector.shape_cast %swap3A_1380 : vector<1x16xf32> to vector<16xf32>
            %swap3A_1382 = vector.shape_cast %broadcast_in_dim3A_10 : vector<16xf32> to vector<1x16xf32>
            tpu.vector_store %arg9[%swap3A_1378, %swap3A_1379], %swap3A_1382 {strides = array<i32>} : memref<1024x32xf32, #tpu.memory_space<vmem>>, vector<1x16xf32>,
          } else {
          }
          %slice3A_1362 = vector.extract_strided_slice %min3A_1253 {offsets = [15], sizes = [1], strides = [1]} : vector<16xi32> to vector<1xi32>
          %squeeze3A_1363 = vector.extract %slice3A_1362[0] : i32 from vector<1xi32>
          %eq3A_1364 = arith.constant 0 : i32
          %eq3A_1365 = arith.cmpi eq, %squeeze3A_1363, %eq3A_1364 : i32
          %convert_element_type3A_1366 = arith.extui %eq3A_1365 : i1 to i32
          %cond3A_1367 = arith.constant 0 : i32
          %cond3A_1368 = arith.cmpi ne, %convert_element_type3A_1366, %cond3A_1367 : i32
          scf.if %cond3A_1368 {
            %add3A_1369 = arith.constant 15 : i32
            %add3A_1370 = arith.addi %add3A_1257, %add3A_1369 : i32
            %swap3A_1371 = arith.index_cast %add3A_1370 : i32 to index
            %swap3A_1372 = arith.constant 0 : index
            %swap3A_1373 = tpu.vector_load %arg9[%swap3A_1371, %swap3A_1372] {strides = array<i32>} : memref<1024x32xf32, #tpu.memory_space<vmem>>, vector<1x16xf32>,
            %swap3A_1374 = vector.shape_cast %swap3A_1373 : vector<1x16xf32> to vector<16xf32>
            %swap3A_1375 = vector.shape_cast %broadcast_in_dim3A_10 : vector<16xf32> to vector<1x16xf32>
            tpu.vector_store %arg9[%swap3A_1371, %swap3A_1372], %swap3A_1375 {strides = array<i32>} : memref<1024x32xf32, #tpu.memory_space<vmem>>, vector<1x16xf32>,
            %add3A_1376 = arith.constant 15 : i32
            %add3A_1377 = arith.addi %add3A_1257, %add3A_1376 : i32
            %swap3A_1378 = arith.index_cast %add3A_1377 : i32 to index
            %swap3A_1379 = arith.constant 16 : index
            %swap3A_1380 = tpu.vector_load %arg9[%swap3A_1378, %swap3A_1379] {strides = array<i32>} : memref<1024x32xf32, #tpu.memory_space<vmem>>, vector<1x16xf32>,
            %swap3A_1381 = vector.shape_cast %swap3A_1380 : vector<1x16xf32> to vector<16xf32>
            %swap3A_1382 = vector.shape_cast %broadcast_in_dim3A_10 : vector<16xf32> to vector<1x16xf32>
            tpu.vector_store %arg9[%swap3A_1378, %swap3A_1379], %swap3A_1382 {strides = array<i32>} : memref<1024x32xf32, #tpu.memory_space<vmem>>, vector<1x16xf32>,
          } else {
          }
        }
        %scan3A_1244 = arith.constant 8 : i32
      } else {
      }
      %mul3A_1224 = arith.constant 8 : i32
      %mul3A_1225 = arith.muli %scan3A_15, %mul3A_1224 : i32
      %add3A_1226 = arith.constant 7 : i32
      %add3A_1227 = arith.addi %mul3A_1225, %add3A_1226 : i32
      %slice3A_1228 = vector.extract_strided_slice %get3A_1151 {offsets = [7], sizes = [1], strides = [1]} : vector<16xi32> to vector<1xi32>
      %squeeze3A_1229 = vector.extract %slice3A_1228[0] : i32 from vector<1xi32>
      %ne3A_1230 = arith.constant 0 : i32
      %ne3A_1231 = arith.cmpi ne, %squeeze3A_1229, %ne3A_1230 : i32
      %convert_element_type3A_1232 = arith.extui %ne3A_1231 : i1 to i32
      %cond3A_1233 = arith.constant 0 : i32
      %cond3A_1234 = arith.cmpi ne, %convert_element_type3A_1232, %cond3A_1233 : i32
      scf.if %cond3A_1234 {
        %scan3A_1240 = arith.constant 0 : i32
        %scan3A_1241 = arith.constant 8 : i32
        %scan3A_1242 = arith.addi %scan3A_1240, %scan3A_1241 : i32
        %scan3A_1243 = arith.constant 1 : i32
        scf.for %scan3A_1245 = %scan3A_1240 to %scan3A_1242 step %scan3A_1243  : i32 {
          %mul3A_1246 = arith.constant 16 : i32
          %mul3A_1247 = arith.muli %scan3A_1245, %mul3A_1246 : i32
          %get3A_1248 = arith.index_cast %add3A_1227 : i32 to index
          %get3A_1249 = arith.index_cast %mul3A_1247 : i32 to index
          %get3A_1250 = tpu.vector_load %arg6[%get3A_1248, %get3A_1249] {strides = array<i32>} : memref<104x128xi32, #tpu.memory_space<vmem>>, vector<1x16xi32>,
          %get3A_1251 = vector.shape_cast %get3A_1250 : vector<1x16xi32> to vector<16xi32>
          %min3A = arith.constant 1 : i32
          %min3A_1252 = vector.broadcast %min3A : i32 to vector<16xi32>
          %min3A_1253 = arith.minsi %get3A_1251, %min3A_1252 : vector<16xi32>
          %mul3A_1254 = arith.constant 16 : i32
          %mul3A_1255 = arith.muli %scan3A_1245, %mul3A_1254 : i32
          %add3A_1256 = arith.constant 896 : i32
          %add3A_1257 = arith.addi %add3A_1256, %mul3A_1255 : i32
          %slice3A_1258 = vector.extract_strided_slice %min3A_1253 {offsets = [0], sizes = [1], strides = [1]} : vector<16xi32> to vector<1xi32>
          %squeeze3A_1259 = vector.extract %slice3A_1258[0] : i32 from vector<1xi32>
          %eq3A = arith.constant 0 : i32
          %eq3A_1260 = arith.cmpi eq, %squeeze3A_1259, %eq3A : i32
          %convert_element_type3A_1261 = arith.extui %eq3A_1260 : i1 to i32
          %cond3A_1262 = arith.constant 0 : i32
          %cond3A_1263 = arith.cmpi ne, %convert_element_type3A_1261, %cond3A_1262 : i32
          scf.if %cond3A_1263 {
            %add3A_1369 = arith.constant 0 : i32
            %add3A_1370 = arith.addi %add3A_1257, %add3A_1369 : i32
            %swap3A_1371 = arith.index_cast %add3A_1370 : i32 to index
            %swap3A_1372 = arith.constant 0 : index
            %swap3A_1373 = tpu.vector_load %arg9[%swap3A_1371, %swap3A_1372] {strides = array<i32>} : memref<1024x32xf32, #tpu.memory_space<vmem>>, vector<1x16xf32>,
            %swap3A_1374 = vector.shape_cast %swap3A_1373 : vector<1x16xf32> to vector<16xf32>
            %swap3A_1375 = vector.shape_cast %broadcast_in_dim3A_10 : vector<16xf32> to vector<1x16xf32>
            tpu.vector_store %arg9[%swap3A_1371, %swap3A_1372], %swap3A_1375 {strides = array<i32>} : memref<1024x32xf32, #tpu.memory_space<vmem>>, vector<1x16xf32>,
            %add3A_1376 = arith.constant 0 : i32
            %add3A_1377 = arith.addi %add3A_1257, %add3A_1376 : i32
            %swap3A_1378 = arith.index_cast %add3A_1377 : i32 to index
            %swap3A_1379 = arith.constant 16 : index
            %swap3A_1380 = tpu.vector_load %arg9[%swap3A_1378, %swap3A_1379] {strides = array<i32>} : memref<1024x32xf32, #tpu.memory_space<vmem>>, vector<1x16xf32>,
            %swap3A_1381 = vector.shape_cast %swap3A_1380 : vector<1x16xf32> to vector<16xf32>
            %swap3A_1382 = vector.shape_cast %broadcast_in_dim3A_10 : vector<16xf32> to vector<1x16xf32>
            tpu.vector_store %arg9[%swap3A_1378, %swap3A_1379], %swap3A_1382 {strides = array<i32>} : memref<1024x32xf32, #tpu.memory_space<vmem>>, vector<1x16xf32>,
          } else {
          }
          %slice3A_1264 = vector.extract_strided_slice %min3A_1253 {offsets = [1], sizes = [1], strides = [1]} : vector<16xi32> to vector<1xi32>
          %squeeze3A_1265 = vector.extract %slice3A_1264[0] : i32 from vector<1xi32>
          %eq3A_1266 = arith.constant 0 : i32
          %eq3A_1267 = arith.cmpi eq, %squeeze3A_1265, %eq3A_1266 : i32
          %convert_element_type3A_1268 = arith.extui %eq3A_1267 : i1 to i32
          %cond3A_1269 = arith.constant 0 : i32
          %cond3A_1270 = arith.cmpi ne, %convert_element_type3A_1268, %cond3A_1269 : i32
          scf.if %cond3A_1270 {
            %add3A_1369 = arith.constant 1 : i32
            %add3A_1370 = arith.addi %add3A_1257, %add3A_1369 : i32
            %swap3A_1371 = arith.index_cast %add3A_1370 : i32 to index
            %swap3A_1372 = arith.constant 0 : index
            %swap3A_1373 = tpu.vector_load %arg9[%swap3A_1371, %swap3A_1372] {strides = array<i32>} : memref<1024x32xf32, #tpu.memory_space<vmem>>, vector<1x16xf32>,
            %swap3A_1374 = vector.shape_cast %swap3A_1373 : vector<1x16xf32> to vector<16xf32>
            %swap3A_1375 = vector.shape_cast %broadcast_in_dim3A_10 : vector<16xf32> to vector<1x16xf32>
            tpu.vector_store %arg9[%swap3A_1371, %swap3A_1372], %swap3A_1375 {strides = array<i32>} : memref<1024x32xf32, #tpu.memory_space<vmem>>, vector<1x16xf32>,
            %add3A_1376 = arith.constant 1 : i32
            %add3A_1377 = arith.addi %add3A_1257, %add3A_1376 : i32
            %swap3A_1378 = arith.index_cast %add3A_1377 : i32 to index
            %swap3A_1379 = arith.constant 16 : index
            %swap3A_1380 = tpu.vector_load %arg9[%swap3A_1378, %swap3A_1379] {strides = array<i32>} : memref<1024x32xf32, #tpu.memory_space<vmem>>, vector<1x16xf32>,
            %swap3A_1381 = vector.shape_cast %swap3A_1380 : vector<1x16xf32> to vector<16xf32>
            %swap3A_1382 = vector.shape_cast %broadcast_in_dim3A_10 : vector<16xf32> to vector<1x16xf32>
            tpu.vector_store %arg9[%swap3A_1378, %swap3A_1379], %swap3A_1382 {strides = array<i32>} : memref<1024x32xf32, #tpu.memory_space<vmem>>, vector<1x16xf32>,
          } else {
          }
          %slice3A_1271 = vector.extract_strided_slice %min3A_1253 {offsets = [2], sizes = [1], strides = [1]} : vector<16xi32> to vector<1xi32>
          %squeeze3A_1272 = vector.extract %slice3A_1271[0] : i32 from vector<1xi32>
          %eq3A_1273 = arith.constant 0 : i32
          %eq3A_1274 = arith.cmpi eq, %squeeze3A_1272, %eq3A_1273 : i32
          %convert_element_type3A_1275 = arith.extui %eq3A_1274 : i1 to i32
          %cond3A_1276 = arith.constant 0 : i32
          %cond3A_1277 = arith.cmpi ne, %convert_element_type3A_1275, %cond3A_1276 : i32
          scf.if %cond3A_1277 {
            %add3A_1369 = arith.constant 2 : i32
            %add3A_1370 = arith.addi %add3A_1257, %add3A_1369 : i32
            %swap3A_1371 = arith.index_cast %add3A_1370 : i32 to index
            %swap3A_1372 = arith.constant 0 : index
            %swap3A_1373 = tpu.vector_load %arg9[%swap3A_1371, %swap3A_1372] {strides = array<i32>} : memref<1024x32xf32, #tpu.memory_space<vmem>>, vector<1x16xf32>,
            %swap3A_1374 = vector.shape_cast %swap3A_1373 : vector<1x16xf32> to vector<16xf32>
            %swap3A_1375 = vector.shape_cast %broadcast_in_dim3A_10 : vector<16xf32> to vector<1x16xf32>
            tpu.vector_store %arg9[%swap3A_1371, %swap3A_1372], %swap3A_1375 {strides = array<i32>} : memref<1024x32xf32, #tpu.memory_space<vmem>>, vector<1x16xf32>,
            %add3A_1376 = arith.constant 2 : i32
            %add3A_1377 = arith.addi %add3A_1257, %add3A_1376 : i32
            %swap3A_1378 = arith.index_cast %add3A_1377 : i32 to index
            %swap3A_1379 = arith.constant 16 : index
            %swap3A_1380 = tpu.vector_load %arg9[%swap3A_1378, %swap3A_1379] {strides = array<i32>} : memref<1024x32xf32, #tpu.memory_space<vmem>>, vector<1x16xf32>,
            %swap3A_1381 = vector.shape_cast %swap3A_1380 : vector<1x16xf32> to vector<16xf32>
            %swap3A_1382 = vector.shape_cast %broadcast_in_dim3A_10 : vector<16xf32> to vector<1x16xf32>
            tpu.vector_store %arg9[%swap3A_1378, %swap3A_1379], %swap3A_1382 {strides = array<i32>} : memref<1024x32xf32, #tpu.memory_space<vmem>>, vector<1x16xf32>,
          } else {
          }
          %slice3A_1278 = vector.extract_strided_slice %min3A_1253 {offsets = [3], sizes = [1], strides = [1]} : vector<16xi32> to vector<1xi32>
          %squeeze3A_1279 = vector.extract %slice3A_1278[0] : i32 from vector<1xi32>
          %eq3A_1280 = arith.constant 0 : i32
          %eq3A_1281 = arith.cmpi eq, %squeeze3A_1279, %eq3A_1280 : i32
          %convert_element_type3A_1282 = arith.extui %eq3A_1281 : i1 to i32
          %cond3A_1283 = arith.constant 0 : i32
          %cond3A_1284 = arith.cmpi ne, %convert_element_type3A_1282, %cond3A_1283 : i32
          scf.if %cond3A_1284 {
            %add3A_1369 = arith.constant 3 : i32
            %add3A_1370 = arith.addi %add3A_1257, %add3A_1369 : i32
            %swap3A_1371 = arith.index_cast %add3A_1370 : i32 to index
            %swap3A_1372 = arith.constant 0 : index
            %swap3A_1373 = tpu.vector_load %arg9[%swap3A_1371, %swap3A_1372] {strides = array<i32>} : memref<1024x32xf32, #tpu.memory_space<vmem>>, vector<1x16xf32>,
            %swap3A_1374 = vector.shape_cast %swap3A_1373 : vector<1x16xf32> to vector<16xf32>
            %swap3A_1375 = vector.shape_cast %broadcast_in_dim3A_10 : vector<16xf32> to vector<1x16xf32>
            tpu.vector_store %arg9[%swap3A_1371, %swap3A_1372], %swap3A_1375 {strides = array<i32>} : memref<1024x32xf32, #tpu.memory_space<vmem>>, vector<1x16xf32>,
            %add3A_1376 = arith.constant 3 : i32
            %add3A_1377 = arith.addi %add3A_1257, %add3A_1376 : i32
            %swap3A_1378 = arith.index_cast %add3A_1377 : i32 to index
            %swap3A_1379 = arith.constant 16 : index
            %swap3A_1380 = tpu.vector_load %arg9[%swap3A_1378, %swap3A_1379] {strides = array<i32>} : memref<1024x32xf32, #tpu.memory_space<vmem>>, vector<1x16xf32>,
            %swap3A_1381 = vector.shape_cast %swap3A_1380 : vector<1x16xf32> to vector<16xf32>
            %swap3A_1382 = vector.shape_cast %broadcast_in_dim3A_10 : vector<16xf32> to vector<1x16xf32>
            tpu.vector_store %arg9[%swap3A_1378, %swap3A_1379], %swap3A_1382 {strides = array<i32>} : memref<1024x32xf32, #tpu.memory_space<vmem>>, vector<1x16xf32>,
          } else {
          }
          %slice3A_1285 = vector.extract_strided_slice %min3A_1253 {offsets = [4], sizes = [1], strides = [1]} : vector<16xi32> to vector<1xi32>
          %squeeze3A_1286 = vector.extract %slice3A_1285[0] : i32 from vector<1xi32>
          %eq3A_1287 = arith.constant 0 : i32
          %eq3A_1288 = arith.cmpi eq, %squeeze3A_1286, %eq3A_1287 : i32
          %convert_element_type3A_1289 = arith.extui %eq3A_1288 : i1 to i32
          %cond3A_1290 = arith.constant 0 : i32
          %cond3A_1291 = arith.cmpi ne, %convert_element_type3A_1289, %cond3A_1290 : i32
          scf.if %cond3A_1291 {
            %add3A_1369 = arith.constant 4 : i32
            %add3A_1370 = arith.addi %add3A_1257, %add3A_1369 : i32
            %swap3A_1371 = arith.index_cast %add3A_1370 : i32 to index
            %swap3A_1372 = arith.constant 0 : index
            %swap3A_1373 = tpu.vector_load %arg9[%swap3A_1371, %swap3A_1372] {strides = array<i32>} : memref<1024x32xf32, #tpu.memory_space<vmem>>, vector<1x16xf32>,
            %swap3A_1374 = vector.shape_cast %swap3A_1373 : vector<1x16xf32> to vector<16xf32>
            %swap3A_1375 = vector.shape_cast %broadcast_in_dim3A_10 : vector<16xf32> to vector<1x16xf32>
            tpu.vector_store %arg9[%swap3A_1371, %swap3A_1372], %swap3A_1375 {strides = array<i32>} : memref<1024x32xf32, #tpu.memory_space<vmem>>, vector<1x16xf32>,
            %add3A_1376 = arith.constant 4 : i32
            %add3A_1377 = arith.addi %add3A_1257, %add3A_1376 : i32
            %swap3A_1378 = arith.index_cast %add3A_1377 : i32 to index
            %swap3A_1379 = arith.constant 16 : index
            %swap3A_1380 = tpu.vector_load %arg9[%swap3A_1378, %swap3A_1379] {strides = array<i32>} : memref<1024x32xf32, #tpu.memory_space<vmem>>, vector<1x16xf32>,
            %swap3A_1381 = vector.shape_cast %swap3A_1380 : vector<1x16xf32> to vector<16xf32>
            %swap3A_1382 = vector.shape_cast %broadcast_in_dim3A_10 : vector<16xf32> to vector<1x16xf32>
            tpu.vector_store %arg9[%swap3A_1378, %swap3A_1379], %swap3A_1382 {strides = array<i32>} : memref<1024x32xf32, #tpu.memory_space<vmem>>, vector<1x16xf32>,
          } else {
          }
          %slice3A_1292 = vector.extract_strided_slice %min3A_1253 {offsets = [5], sizes = [1], strides = [1]} : vector<16xi32> to vector<1xi32>
          %squeeze3A_1293 = vector.extract %slice3A_1292[0] : i32 from vector<1xi32>
          %eq3A_1294 = arith.constant 0 : i32
          %eq3A_1295 = arith.cmpi eq, %squeeze3A_1293, %eq3A_1294 : i32
          %convert_element_type3A_1296 = arith.extui %eq3A_1295 : i1 to i32
          %cond3A_1297 = arith.constant 0 : i32
          %cond3A_1298 = arith.cmpi ne, %convert_element_type3A_1296, %cond3A_1297 : i32
          scf.if %cond3A_1298 {
            %add3A_1369 = arith.constant 5 : i32
            %add3A_1370 = arith.addi %add3A_1257, %add3A_1369 : i32
            %swap3A_1371 = arith.index_cast %add3A_1370 : i32 to index
            %swap3A_1372 = arith.constant 0 : index
            %swap3A_1373 = tpu.vector_load %arg9[%swap3A_1371, %swap3A_1372] {strides = array<i32>} : memref<1024x32xf32, #tpu.memory_space<vmem>>, vector<1x16xf32>,
            %swap3A_1374 = vector.shape_cast %swap3A_1373 : vector<1x16xf32> to vector<16xf32>
            %swap3A_1375 = vector.shape_cast %broadcast_in_dim3A_10 : vector<16xf32> to vector<1x16xf32>
            tpu.vector_store %arg9[%swap3A_1371, %swap3A_1372], %swap3A_1375 {strides = array<i32>} : memref<1024x32xf32, #tpu.memory_space<vmem>>, vector<1x16xf32>,
            %add3A_1376 = arith.constant 5 : i32
            %add3A_1377 = arith.addi %add3A_1257, %add3A_1376 : i32
            %swap3A_1378 = arith.index_cast %add3A_1377 : i32 to index
            %swap3A_1379 = arith.constant 16 : index
            %swap3A_1380 = tpu.vector_load %arg9[%swap3A_1378, %swap3A_1379] {strides = array<i32>} : memref<1024x32xf32, #tpu.memory_space<vmem>>, vector<1x16xf32>,
            %swap3A_1381 = vector.shape_cast %swap3A_1380 : vector<1x16xf32> to vector<16xf32>
            %swap3A_1382 = vector.shape_cast %broadcast_in_dim3A_10 : vector<16xf32> to vector<1x16xf32>
            tpu.vector_store %arg9[%swap3A_1378, %swap3A_1379], %swap3A_1382 {strides = array<i32>} : memref<1024x32xf32, #tpu.memory_space<vmem>>, vector<1x16xf32>,
          } else {
          }
          %slice3A_1299 = vector.extract_strided_slice %min3A_1253 {offsets = [6], sizes = [1], strides = [1]} : vector<16xi32> to vector<1xi32>
          %squeeze3A_1300 = vector.extract %slice3A_1299[0] : i32 from vector<1xi32>
          %eq3A_1301 = arith.constant 0 : i32
          %eq3A_1302 = arith.cmpi eq, %squeeze3A_1300, %eq3A_1301 : i32
          %convert_element_type3A_1303 = arith.extui %eq3A_1302 : i1 to i32
          %cond3A_1304 = arith.constant 0 : i32
          %cond3A_1305 = arith.cmpi ne, %convert_element_type3A_1303, %cond3A_1304 : i32
          scf.if %cond3A_1305 {
            %add3A_1369 = arith.constant 6 : i32
            %add3A_1370 = arith.addi %add3A_1257, %add3A_1369 : i32
            %swap3A_1371 = arith.index_cast %add3A_1370 : i32 to index
            %swap3A_1372 = arith.constant 0 : index
            %swap3A_1373 = tpu.vector_load %arg9[%swap3A_1371, %swap3A_1372] {strides = array<i32>} : memref<1024x32xf32, #tpu.memory_space<vmem>>, vector<1x16xf32>,
            %swap3A_1374 = vector.shape_cast %swap3A_1373 : vector<1x16xf32> to vector<16xf32>
            %swap3A_1375 = vector.shape_cast %broadcast_in_dim3A_10 : vector<16xf32> to vector<1x16xf32>
            tpu.vector_store %arg9[%swap3A_1371, %swap3A_1372], %swap3A_1375 {strides = array<i32>} : memref<1024x32xf32, #tpu.memory_space<vmem>>, vector<1x16xf32>,
            %add3A_1376 = arith.constant 6 : i32
            %add3A_1377 = arith.addi %add3A_1257, %add3A_1376 : i32
            %swap3A_1378 = arith.index_cast %add3A_1377 : i32 to index
            %swap3A_1379 = arith.constant 16 : index
            %swap3A_1380 = tpu.vector_load %arg9[%swap3A_1378, %swap3A_1379] {strides = array<i32>} : memref<1024x32xf32, #tpu.memory_space<vmem>>, vector<1x16xf32>,
            %swap3A_1381 = vector.shape_cast %swap3A_1380 : vector<1x16xf32> to vector<16xf32>
            %swap3A_1382 = vector.shape_cast %broadcast_in_dim3A_10 : vector<16xf32> to vector<1x16xf32>
            tpu.vector_store %arg9[%swap3A_1378, %swap3A_1379], %swap3A_1382 {strides = array<i32>} : memref<1024x32xf32, #tpu.memory_space<vmem>>, vector<1x16xf32>,
          } else {
          }
          %slice3A_1306 = vector.extract_strided_slice %min3A_1253 {offsets = [7], sizes = [1], strides = [1]} : vector<16xi32> to vector<1xi32>
          %squeeze3A_1307 = vector.extract %slice3A_1306[0] : i32 from vector<1xi32>
          %eq3A_1308 = arith.constant 0 : i32
          %eq3A_1309 = arith.cmpi eq, %squeeze3A_1307, %eq3A_1308 : i32
          %convert_element_type3A_1310 = arith.extui %eq3A_1309 : i1 to i32
          %cond3A_1311 = arith.constant 0 : i32
          %cond3A_1312 = arith.cmpi ne, %convert_element_type3A_1310, %cond3A_1311 : i32
          scf.if %cond3A_1312 {
            %add3A_1369 = arith.constant 7 : i32
            %add3A_1370 = arith.addi %add3A_1257, %add3A_1369 : i32
            %swap3A_1371 = arith.index_cast %add3A_1370 : i32 to index
            %swap3A_1372 = arith.constant 0 : index
            %swap3A_1373 = tpu.vector_load %arg9[%swap3A_1371, %swap3A_1372] {strides = array<i32>} : memref<1024x32xf32, #tpu.memory_space<vmem>>, vector<1x16xf32>,
            %swap3A_1374 = vector.shape_cast %swap3A_1373 : vector<1x16xf32> to vector<16xf32>
            %swap3A_1375 = vector.shape_cast %broadcast_in_dim3A_10 : vector<16xf32> to vector<1x16xf32>
            tpu.vector_store %arg9[%swap3A_1371, %swap3A_1372], %swap3A_1375 {strides = array<i32>} : memref<1024x32xf32, #tpu.memory_space<vmem>>, vector<1x16xf32>,
            %add3A_1376 = arith.constant 7 : i32
            %add3A_1377 = arith.addi %add3A_1257, %add3A_1376 : i32
            %swap3A_1378 = arith.index_cast %add3A_1377 : i32 to index
            %swap3A_1379 = arith.constant 16 : index
            %swap3A_1380 = tpu.vector_load %arg9[%swap3A_1378, %swap3A_1379] {strides = array<i32>} : memref<1024x32xf32, #tpu.memory_space<vmem>>, vector<1x16xf32>,
            %swap3A_1381 = vector.shape_cast %swap3A_1380 : vector<1x16xf32> to vector<16xf32>
            %swap3A_1382 = vector.shape_cast %broadcast_in_dim3A_10 : vector<16xf32> to vector<1x16xf32>
            tpu.vector_store %arg9[%swap3A_1378, %swap3A_1379], %swap3A_1382 {strides = array<i32>} : memref<1024x32xf32, #tpu.memory_space<vmem>>, vector<1x16xf32>,
          } else {
          }
          %slice3A_1313 = vector.extract_strided_slice %min3A_1253 {offsets = [8], sizes = [1], strides = [1]} : vector<16xi32> to vector<1xi32>
          %squeeze3A_1314 = vector.extract %slice3A_1313[0] : i32 from vector<1xi32>
          %eq3A_1315 = arith.constant 0 : i32
          %eq3A_1316 = arith.cmpi eq, %squeeze3A_1314, %eq3A_1315 : i32
          %convert_element_type3A_1317 = arith.extui %eq3A_1316 : i1 to i32
          %cond3A_1318 = arith.constant 0 : i32
          %cond3A_1319 = arith.cmpi ne, %convert_element_type3A_1317, %cond3A_1318 : i32
          scf.if %cond3A_1319 {
            %add3A_1369 = arith.constant 8 : i32
            %add3A_1370 = arith.addi %add3A_1257, %add3A_1369 : i32
            %swap3A_1371 = arith.index_cast %add3A_1370 : i32 to index
            %swap3A_1372 = arith.constant 0 : index
            %swap3A_1373 = tpu.vector_load %arg9[%swap3A_1371, %swap3A_1372] {strides = array<i32>} : memref<1024x32xf32, #tpu.memory_space<vmem>>, vector<1x16xf32>,
            %swap3A_1374 = vector.shape_cast %swap3A_1373 : vector<1x16xf32> to vector<16xf32>
            %swap3A_1375 = vector.shape_cast %broadcast_in_dim3A_10 : vector<16xf32> to vector<1x16xf32>
            tpu.vector_store %arg9[%swap3A_1371, %swap3A_1372], %swap3A_1375 {strides = array<i32>} : memref<1024x32xf32, #tpu.memory_space<vmem>>, vector<1x16xf32>,
            %add3A_1376 = arith.constant 8 : i32
            %add3A_1377 = arith.addi %add3A_1257, %add3A_1376 : i32
            %swap3A_1378 = arith.index_cast %add3A_1377 : i32 to index
            %swap3A_1379 = arith.constant 16 : index
            %swap3A_1380 = tpu.vector_load %arg9[%swap3A_1378, %swap3A_1379] {strides = array<i32>} : memref<1024x32xf32, #tpu.memory_space<vmem>>, vector<1x16xf32>,
            %swap3A_1381 = vector.shape_cast %swap3A_1380 : vector<1x16xf32> to vector<16xf32>
            %swap3A_1382 = vector.shape_cast %broadcast_in_dim3A_10 : vector<16xf32> to vector<1x16xf32>
            tpu.vector_store %arg9[%swap3A_1378, %swap3A_1379], %swap3A_1382 {strides = array<i32>} : memref<1024x32xf32, #tpu.memory_space<vmem>>, vector<1x16xf32>,
          } else {
          }
          %slice3A_1320 = vector.extract_strided_slice %min3A_1253 {offsets = [9], sizes = [1], strides = [1]} : vector<16xi32> to vector<1xi32>
          %squeeze3A_1321 = vector.extract %slice3A_1320[0] : i32 from vector<1xi32>
          %eq3A_1322 = arith.constant 0 : i32
          %eq3A_1323 = arith.cmpi eq, %squeeze3A_1321, %eq3A_1322 : i32
          %convert_element_type3A_1324 = arith.extui %eq3A_1323 : i1 to i32
          %cond3A_1325 = arith.constant 0 : i32
          %cond3A_1326 = arith.cmpi ne, %convert_element_type3A_1324, %cond3A_1325 : i32
          scf.if %cond3A_1326 {
            %add3A_1369 = arith.constant 9 : i32
            %add3A_1370 = arith.addi %add3A_1257, %add3A_1369 : i32
            %swap3A_1371 = arith.index_cast %add3A_1370 : i32 to index
            %swap3A_1372 = arith.constant 0 : index
            %swap3A_1373 = tpu.vector_load %arg9[%swap3A_1371, %swap3A_1372] {strides = array<i32>} : memref<1024x32xf32, #tpu.memory_space<vmem>>, vector<1x16xf32>,
            %swap3A_1374 = vector.shape_cast %swap3A_1373 : vector<1x16xf32> to vector<16xf32>
            %swap3A_1375 = vector.shape_cast %broadcast_in_dim3A_10 : vector<16xf32> to vector<1x16xf32>
            tpu.vector_store %arg9[%swap3A_1371, %swap3A_1372], %swap3A_1375 {strides = array<i32>} : memref<1024x32xf32, #tpu.memory_space<vmem>>, vector<1x16xf32>,
            %add3A_1376 = arith.constant 9 : i32
            %add3A_1377 = arith.addi %add3A_1257, %add3A_1376 : i32
            %swap3A_1378 = arith.index_cast %add3A_1377 : i32 to index
            %swap3A_1379 = arith.constant 16 : index
            %swap3A_1380 = tpu.vector_load %arg9[%swap3A_1378, %swap3A_1379] {strides = array<i32>} : memref<1024x32xf32, #tpu.memory_space<vmem>>, vector<1x16xf32>,
            %swap3A_1381 = vector.shape_cast %swap3A_1380 : vector<1x16xf32> to vector<16xf32>
            %swap3A_1382 = vector.shape_cast %broadcast_in_dim3A_10 : vector<16xf32> to vector<1x16xf32>
            tpu.vector_store %arg9[%swap3A_1378, %swap3A_1379], %swap3A_1382 {strides = array<i32>} : memref<1024x32xf32, #tpu.memory_space<vmem>>, vector<1x16xf32>,
          } else {
          }
          %slice3A_1327 = vector.extract_strided_slice %min3A_1253 {offsets = [10], sizes = [1], strides = [1]} : vector<16xi32> to vector<1xi32>
          %squeeze3A_1328 = vector.extract %slice3A_1327[0] : i32 from vector<1xi32>
          %eq3A_1329 = arith.constant 0 : i32
          %eq3A_1330 = arith.cmpi eq, %squeeze3A_1328, %eq3A_1329 : i32
          %convert_element_type3A_1331 = arith.extui %eq3A_1330 : i1 to i32
          %cond3A_1332 = arith.constant 0 : i32
          %cond3A_1333 = arith.cmpi ne, %convert_element_type3A_1331, %cond3A_1332 : i32
          scf.if %cond3A_1333 {
            %add3A_1369 = arith.constant 10 : i32
            %add3A_1370 = arith.addi %add3A_1257, %add3A_1369 : i32
            %swap3A_1371 = arith.index_cast %add3A_1370 : i32 to index
            %swap3A_1372 = arith.constant 0 : index
            %swap3A_1373 = tpu.vector_load %arg9[%swap3A_1371, %swap3A_1372] {strides = array<i32>} : memref<1024x32xf32, #tpu.memory_space<vmem>>, vector<1x16xf32>,
            %swap3A_1374 = vector.shape_cast %swap3A_1373 : vector<1x16xf32> to vector<16xf32>
            %swap3A_1375 = vector.shape_cast %broadcast_in_dim3A_10 : vector<16xf32> to vector<1x16xf32>
            tpu.vector_store %arg9[%swap3A_1371, %swap3A_1372], %swap3A_1375 {strides = array<i32>} : memref<1024x32xf32, #tpu.memory_space<vmem>>, vector<1x16xf32>,
            %add3A_1376 = arith.constant 10 : i32
            %add3A_1377 = arith.addi %add3A_1257, %add3A_1376 : i32
            %swap3A_1378 = arith.index_cast %add3A_1377 : i32 to index
            %swap3A_1379 = arith.constant 16 : index
            %swap3A_1380 = tpu.vector_load %arg9[%swap3A_1378, %swap3A_1379] {strides = array<i32>} : memref<1024x32xf32, #tpu.memory_space<vmem>>, vector<1x16xf32>,
            %swap3A_1381 = vector.shape_cast %swap3A_1380 : vector<1x16xf32> to vector<16xf32>
            %swap3A_1382 = vector.shape_cast %broadcast_in_dim3A_10 : vector<16xf32> to vector<1x16xf32>
            tpu.vector_store %arg9[%swap3A_1378, %swap3A_1379], %swap3A_1382 {strides = array<i32>} : memref<1024x32xf32, #tpu.memory_space<vmem>>, vector<1x16xf32>,
          } else {
          }
          %slice3A_1334 = vector.extract_strided_slice %min3A_1253 {offsets = [11], sizes = [1], strides = [1]} : vector<16xi32> to vector<1xi32>
          %squeeze3A_1335 = vector.extract %slice3A_1334[0] : i32 from vector<1xi32>
          %eq3A_1336 = arith.constant 0 : i32
          %eq3A_1337 = arith.cmpi eq, %squeeze3A_1335, %eq3A_1336 : i32
          %convert_element_type3A_1338 = arith.extui %eq3A_1337 : i1 to i32
          %cond3A_1339 = arith.constant 0 : i32
          %cond3A_1340 = arith.cmpi ne, %convert_element_type3A_1338, %cond3A_1339 : i32
          scf.if %cond3A_1340 {
            %add3A_1369 = arith.constant 11 : i32
            %add3A_1370 = arith.addi %add3A_1257, %add3A_1369 : i32
            %swap3A_1371 = arith.index_cast %add3A_1370 : i32 to index
            %swap3A_1372 = arith.constant 0 : index
            %swap3A_1373 = tpu.vector_load %arg9[%swap3A_1371, %swap3A_1372] {strides = array<i32>} : memref<1024x32xf32, #tpu.memory_space<vmem>>, vector<1x16xf32>,
            %swap3A_1374 = vector.shape_cast %swap3A_1373 : vector<1x16xf32> to vector<16xf32>
            %swap3A_1375 = vector.shape_cast %broadcast_in_dim3A_10 : vector<16xf32> to vector<1x16xf32>
            tpu.vector_store %arg9[%swap3A_1371, %swap3A_1372], %swap3A_1375 {strides = array<i32>} : memref<1024x32xf32, #tpu.memory_space<vmem>>, vector<1x16xf32>,
            %add3A_1376 = arith.constant 11 : i32
            %add3A_1377 = arith.addi %add3A_1257, %add3A_1376 : i32
            %swap3A_1378 = arith.index_cast %add3A_1377 : i32 to index
            %swap3A_1379 = arith.constant 16 : index
            %swap3A_1380 = tpu.vector_load %arg9[%swap3A_1378, %swap3A_1379] {strides = array<i32>} : memref<1024x32xf32, #tpu.memory_space<vmem>>, vector<1x16xf32>,
            %swap3A_1381 = vector.shape_cast %swap3A_1380 : vector<1x16xf32> to vector<16xf32>
            %swap3A_1382 = vector.shape_cast %broadcast_in_dim3A_10 : vector<16xf32> to vector<1x16xf32>
            tpu.vector_store %arg9[%swap3A_1378, %swap3A_1379], %swap3A_1382 {strides = array<i32>} : memref<1024x32xf32, #tpu.memory_space<vmem>>, vector<1x16xf32>,
          } else {
          }
          %slice3A_1341 = vector.extract_strided_slice %min3A_1253 {offsets = [12], sizes = [1], strides = [1]} : vector<16xi32> to vector<1xi32>
          %squeeze3A_1342 = vector.extract %slice3A_1341[0] : i32 from vector<1xi32>
          %eq3A_1343 = arith.constant 0 : i32
          %eq3A_1344 = arith.cmpi eq, %squeeze3A_1342, %eq3A_1343 : i32
          %convert_element_type3A_1345 = arith.extui %eq3A_1344 : i1 to i32
          %cond3A_1346 = arith.constant 0 : i32
          %cond3A_1347 = arith.cmpi ne, %convert_element_type3A_1345, %cond3A_1346 : i32
          scf.if %cond3A_1347 {
            %add3A_1369 = arith.constant 12 : i32
            %add3A_1370 = arith.addi %add3A_1257, %add3A_1369 : i32
            %swap3A_1371 = arith.index_cast %add3A_1370 : i32 to index
            %swap3A_1372 = arith.constant 0 : index
            %swap3A_1373 = tpu.vector_load %arg9[%swap3A_1371, %swap3A_1372] {strides = array<i32>} : memref<1024x32xf32, #tpu.memory_space<vmem>>, vector<1x16xf32>,
            %swap3A_1374 = vector.shape_cast %swap3A_1373 : vector<1x16xf32> to vector<16xf32>
            %swap3A_1375 = vector.shape_cast %broadcast_in_dim3A_10 : vector<16xf32> to vector<1x16xf32>
            tpu.vector_store %arg9[%swap3A_1371, %swap3A_1372], %swap3A_1375 {strides = array<i32>} : memref<1024x32xf32, #tpu.memory_space<vmem>>, vector<1x16xf32>,
            %add3A_1376 = arith.constant 12 : i32
            %add3A_1377 = arith.addi %add3A_1257, %add3A_1376 : i32
            %swap3A_1378 = arith.index_cast %add3A_1377 : i32 to index
            %swap3A_1379 = arith.constant 16 : index
            %swap3A_1380 = tpu.vector_load %arg9[%swap3A_1378, %swap3A_1379] {strides = array<i32>} : memref<1024x32xf32, #tpu.memory_space<vmem>>, vector<1x16xf32>,
            %swap3A_1381 = vector.shape_cast %swap3A_1380 : vector<1x16xf32> to vector<16xf32>
            %swap3A_1382 = vector.shape_cast %broadcast_in_dim3A_10 : vector<16xf32> to vector<1x16xf32>
            tpu.vector_store %arg9[%swap3A_1378, %swap3A_1379], %swap3A_1382 {strides = array<i32>} : memref<1024x32xf32, #tpu.memory_space<vmem>>, vector<1x16xf32>,
          } else {
          }
          %slice3A_1348 = vector.extract_strided_slice %min3A_1253 {offsets = [13], sizes = [1], strides = [1]} : vector<16xi32> to vector<1xi32>
          %squeeze3A_1349 = vector.extract %slice3A_1348[0] : i32 from vector<1xi32>
          %eq3A_1350 = arith.constant 0 : i32
          %eq3A_1351 = arith.cmpi eq, %squeeze3A_1349, %eq3A_1350 : i32
          %convert_element_type3A_1352 = arith.extui %eq3A_1351 : i1 to i32
          %cond3A_1353 = arith.constant 0 : i32
          %cond3A_1354 = arith.cmpi ne, %convert_element_type3A_1352, %cond3A_1353 : i32
          scf.if %cond3A_1354 {
            %add3A_1369 = arith.constant 13 : i32
            %add3A_1370 = arith.addi %add3A_1257, %add3A_1369 : i32
            %swap3A_1371 = arith.index_cast %add3A_1370 : i32 to index
            %swap3A_1372 = arith.constant 0 : index
            %swap3A_1373 = tpu.vector_load %arg9[%swap3A_1371, %swap3A_1372] {strides = array<i32>} : memref<1024x32xf32, #tpu.memory_space<vmem>>, vector<1x16xf32>,
            %swap3A_1374 = vector.shape_cast %swap3A_1373 : vector<1x16xf32> to vector<16xf32>
            %swap3A_1375 = vector.shape_cast %broadcast_in_dim3A_10 : vector<16xf32> to vector<1x16xf32>
            tpu.vector_store %arg9[%swap3A_1371, %swap3A_1372], %swap3A_1375 {strides = array<i32>} : memref<1024x32xf32, #tpu.memory_space<vmem>>, vector<1x16xf32>,
            %add3A_1376 = arith.constant 13 : i32
            %add3A_1377 = arith.addi %add3A_1257, %add3A_1376 : i32
            %swap3A_1378 = arith.index_cast %add3A_1377 : i32 to index
            %swap3A_1379 = arith.constant 16 : index
            %swap3A_1380 = tpu.vector_load %arg9[%swap3A_1378, %swap3A_1379] {strides = array<i32>} : memref<1024x32xf32, #tpu.memory_space<vmem>>, vector<1x16xf32>,
            %swap3A_1381 = vector.shape_cast %swap3A_1380 : vector<1x16xf32> to vector<16xf32>
            %swap3A_1382 = vector.shape_cast %broadcast_in_dim3A_10 : vector<16xf32> to vector<1x16xf32>
            tpu.vector_store %arg9[%swap3A_1378, %swap3A_1379], %swap3A_1382 {strides = array<i32>} : memref<1024x32xf32, #tpu.memory_space<vmem>>, vector<1x16xf32>,
          } else {
          }
          %slice3A_1355 = vector.extract_strided_slice %min3A_1253 {offsets = [14], sizes = [1], strides = [1]} : vector<16xi32> to vector<1xi32>
          %squeeze3A_1356 = vector.extract %slice3A_1355[0] : i32 from vector<1xi32>
          %eq3A_1357 = arith.constant 0 : i32
          %eq3A_1358 = arith.cmpi eq, %squeeze3A_1356, %eq3A_1357 : i32
          %convert_element_type3A_1359 = arith.extui %eq3A_1358 : i1 to i32
          %cond3A_1360 = arith.constant 0 : i32
          %cond3A_1361 = arith.cmpi ne, %convert_element_type3A_1359, %cond3A_1360 : i32
          scf.if %cond3A_1361 {
            %add3A_1369 = arith.constant 14 : i32
            %add3A_1370 = arith.addi %add3A_1257, %add3A_1369 : i32
            %swap3A_1371 = arith.index_cast %add3A_1370 : i32 to index
            %swap3A_1372 = arith.constant 0 : index
            %swap3A_1373 = tpu.vector_load %arg9[%swap3A_1371, %swap3A_1372] {strides = array<i32>} : memref<1024x32xf32, #tpu.memory_space<vmem>>, vector<1x16xf32>,
            %swap3A_1374 = vector.shape_cast %swap3A_1373 : vector<1x16xf32> to vector<16xf32>
            %swap3A_1375 = vector.shape_cast %broadcast_in_dim3A_10 : vector<16xf32> to vector<1x16xf32>
            tpu.vector_store %arg9[%swap3A_1371, %swap3A_1372], %swap3A_1375 {strides = array<i32>} : memref<1024x32xf32, #tpu.memory_space<vmem>>, vector<1x16xf32>,
            %add3A_1376 = arith.constant 14 : i32
            %add3A_1377 = arith.addi %add3A_1257, %add3A_1376 : i32
            %swap3A_1378 = arith.index_cast %add3A_1377 : i32 to index
            %swap3A_1379 = arith.constant 16 : index
            %swap3A_1380 = tpu.vector_load %arg9[%swap3A_1378, %swap3A_1379] {strides = array<i32>} : memref<1024x32xf32, #tpu.memory_space<vmem>>, vector<1x16xf32>,
            %swap3A_1381 = vector.shape_cast %swap3A_1380 : vector<1x16xf32> to vector<16xf32>
            %swap3A_1382 = vector.shape_cast %broadcast_in_dim3A_10 : vector<16xf32> to vector<1x16xf32>
            tpu.vector_store %arg9[%swap3A_1378, %swap3A_1379], %swap3A_1382 {strides = array<i32>} : memref<1024x32xf32, #tpu.memory_space<vmem>>, vector<1x16xf32>,
          } else {
          }
          %slice3A_1362 = vector.extract_strided_slice %min3A_1253 {offsets = [15], sizes = [1], strides = [1]} : vector<16xi32> to vector<1xi32>
          %squeeze3A_1363 = vector.extract %slice3A_1362[0] : i32 from vector<1xi32>
          %eq3A_1364 = arith.constant 0 : i32
          %eq3A_1365 = arith.cmpi eq, %squeeze3A_1363, %eq3A_1364 : i32
          %convert_element_type3A_1366 = arith.extui %eq3A_1365 : i1 to i32
          %cond3A_1367 = arith.constant 0 : i32
          %cond3A_1368 = arith.cmpi ne, %convert_element_type3A_1366, %cond3A_1367 : i32
          scf.if %cond3A_1368 {
            %add3A_1369 = arith.constant 15 : i32
            %add3A_1370 = arith.addi %add3A_1257, %add3A_1369 : i32
            %swap3A_1371 = arith.index_cast %add3A_1370 : i32 to index
            %swap3A_1372 = arith.constant 0 : index
            %swap3A_1373 = tpu.vector_load %arg9[%swap3A_1371, %swap3A_1372] {strides = array<i32>} : memref<1024x32xf32, #tpu.memory_space<vmem>>, vector<1x16xf32>,
            %swap3A_1374 = vector.shape_cast %swap3A_1373 : vector<1x16xf32> to vector<16xf32>
            %swap3A_1375 = vector.shape_cast %broadcast_in_dim3A_10 : vector<16xf32> to vector<1x16xf32>
            tpu.vector_store %arg9[%swap3A_1371, %swap3A_1372], %swap3A_1375 {strides = array<i32>} : memref<1024x32xf32, #tpu.memory_space<vmem>>, vector<1x16xf32>,
            %add3A_1376 = arith.constant 15 : i32
            %add3A_1377 = arith.addi %add3A_1257, %add3A_1376 : i32
            %swap3A_1378 = arith.index_cast %add3A_1377 : i32 to index
            %swap3A_1379 = arith.constant 16 : index
            %swap3A_1380 = tpu.vector_load %arg9[%swap3A_1378, %swap3A_1379] {strides = array<i32>} : memref<1024x32xf32, #tpu.memory_space<vmem>>, vector<1x16xf32>,
            %swap3A_1381 = vector.shape_cast %swap3A_1380 : vector<1x16xf32> to vector<16xf32>
            %swap3A_1382 = vector.shape_cast %broadcast_in_dim3A_10 : vector<16xf32> to vector<1x16xf32>
            tpu.vector_store %arg9[%swap3A_1378, %swap3A_1379], %swap3A_1382 {strides = array<i32>} : memref<1024x32xf32, #tpu.memory_space<vmem>>, vector<1x16xf32>,
          } else {
          }
        }
        %scan3A_1244 = arith.constant 8 : i32
      } else {
      }
      %mul3A_1235 = arith.constant 8 : i32
      %mul3A_1236 = arith.muli %scan3A_15, %mul3A_1235 : i32
      %mul3A_1237 = arith.constant 128 : i32
      %mul3A_1238 = arith.muli %mul3A_1236, %mul3A_1237 : i32
      %add3A_1239 = arith.addi %mul3A_4, %mul3A_1238 : i32
      "tpu.region"() ({
        %run_scoped3A = tpu.sem_alloc : memref<!tpu.dma_semaphore, #tpu.memory_space<semaphore_mem>>
        %dma_start3A_1240 = arith.constant 0 : i32
        %dma_start3A_1241 = tpu.memref_slice %arg5[%add3A_1239, %dma_start3A_1240] : memref<425984x32xf32, #tpu.memory_space<hbm>> -> memref<1024x32xf32, #tpu.memory_space<hbm>>
        %dma_start3A_1242 = arith.constant 0 : i32
        %dma_start3A_1243 = tpu.memref_slice %arg5[%add3A_1239, %dma_start3A_1242] : memref<425984x32xf32, #tpu.memory_space<hbm>> -> memref<1024x32xf32, #tpu.memory_space<hbm>>
        tpu.enqueue_dma source(%arg9 : memref<1024x32xf32, #tpu.memory_space<vmem>>) target(%dma_start3A_1243 : memref<1024x32xf32, #tpu.memory_space<hbm>>) target_semaphore(%run_scoped3A : memref<!tpu.dma_semaphore, #tpu.memory_space<semaphore_mem>>)
        %dma_wait3A_1244 = arith.constant 0 : i32
        %dma_wait3A_1245 = tpu.memref_slice %arg5[%add3A_1239, %dma_wait3A_1244] : memref<425984x32xf32, #tpu.memory_space<hbm>> -> memref<1024x32xf32, #tpu.memory_space<hbm>>
        %dma_wait3A_1246 = arith.constant 0 : i32
        %dma_wait3A_1247 = tpu.memref_slice %arg5[%add3A_1239, %dma_wait3A_1246] : memref<425984x32xf32, #tpu.memory_space<hbm>> -> memref<1024x32xf32, #tpu.memory_space<hbm>>
        tpu.wait_dma2 semaphore(%run_scoped3A : memref<!tpu.dma_semaphore, #tpu.memory_space<semaphore_mem>>) src(%arg9 : memref<1024x32xf32, #tpu.memory_space<vmem>>) dst(%dma_wait3A_1247 : memref<1024x32xf32, #tpu.memory_space<hbm>>)
        tpu.yield
      }) : () -> ()
    }
    %scan3A_14 = arith.constant 13 : i32
    return
  }
}

</mosaic_0001>

<sc_bundles>
// kernel: kernel.3.cloned.1.call-start
scs
__scs_entry_jumppad:
0x0: {  	(pc) =	sbr.rel $0x88, $3  }
0x1: {  	(tag) =	ssettag $0x0;
	lr =	simm.s32 $0x1  }
0x2: {  	[smem:$0x3F9F] =	sst lr;
	_ =	strace $0xD0000000  }
0x3: {  	_ = 	snop  }
0x4: {  	_ = 	snop  }
0x5: {  	_ = 	snop  }
0x6: {  	_ = 	snop  }
0x7: {  	_ = 	snop  }
__scs_overlays_trampoline_lowered:
0x8: {  	[smem:$0x3FAE] =	sst s0  }
0x9: {  	[smem:$0x3FAF] =	sst s1  }
0xa: {  	[smem:$0x3FB0] =	sst s2  }
0xb: {  	[smem:$0x3FB1] =	sst s3  }
0xc: {  	[smem:$0x3FB2] =	sst s4  }
0xd: {  	[smem:$0x3FB3] =	sst s5  }
0xe: {  	[smem:$0x3FB4] =	sst s6  }
0xf: {  	[smem:$0x3FB5] =	sst s7  }
0x10: {  	[smem:$0x3FB6] =	sst s8  }
0x11: {  	[smem:$0x3FB7] =	sst s9;
	s0 =	simm.s32 @!p0 $0x0  }
0x12: {  	s1 =	sld [smem:$0x3F9D];
	s0 =	simm.s32 @p0 $0x1  }
0x13: {  	[smem:$0x3FB8] =	sst s0;
	s0 =	simm.s32 @!p1 $0x0  }
0x14: {  	s2 =	sld [smem:$0x3F9C];
	s0 =	simm.s32 @p1 $0x1  }
0x15: {  	[smem:$0x3FB9] =	sst s0;
	s0 =	simm.s32 @!p2 $0x0  }
0x16: {  	s3 =	sld [smem:$0x3FDB];
	s0 =	simm.s32 @p2 $0x1  }
0x17: {  	s4 =	simm.s32 $0x1BF5;
	[smem:$0x3FBB] =	sst s0  }
0x18: {  	s0 =	sld [smem:$0x3F9E];
	_ =	swait.ge [sflag:s4], $0x0  }
0x19: {  	s7 =	sld [smem:$0x3F9F]  }
0x1a: {  	s8 =	sadd.s32 $0xFFFFE003, lr  }
0x1b: {  	s9 =	sadd.s32 $0xFFFFFEF7, lr;
	s5 =	simm.s32 $0xFFFFFFFF;
	p2 =	slt.u32 s8, $0xFFFFF086  }
0x1c: {  	p1 =	slt.u32 s9, $0xF7A;
	s5 =	simm.s32 @!p2 $0x0  }
0x1d: {  	s5 =	simm.s32 @p1 $0x1;
	p0 =	seq.s32 s7, s2  }
0x1e: {  	s7 =	smul.u32 @!p0 $0xF7A, s2;
	p2 =	seq.s32 @!p0 s5, $0x0  }
0x1f: {  	s9 =	smul.u32 $0xF7A, s1;
	s8 =	simm.s32 @!p0 $0x1BF5;
	p2 =	por !p2, p0  }
0x20: {  	[sflag:s8] =	ssyncset.s32 @!p0 $0xFFFFF086;
	s6 =	sadd.s32 @!p0 s3, s7;
	s7 =	simm.s32 @!p0 $0x108  }
0x21: {  	s3 =	sadd.s32 s3, s9;
	s6 =	sadd.s32 @!p0 $0x88, s6;
	s7 =	simm.s32 @p2 $0x1082  }
0x22: {  	[simem:s7], [sflag:s8] =	dma.local @!p0 [hbm:s6], $0xF7A  }
0x23: {  	s9 =	sor.u32 $0xD0000000, s2;
	s6 =	simm.s32 $0x108;
	_ =	swait.ge @!p0 [sflag:s8], $0x0  }
0x24: {  	s3 =	sadd.s32 $0x88, s3;
	s6 =	simm.s32 @!p1 $0x1082;
	[sflag:s4] =	ssyncset.s32 $0xFFFFF086  }
0x25: {  	[simem:s6], [sflag:s4] =	dma.local [hbm:s3], $0xF7A  }
0x26: {  	[smem:$0x3F9F] =	sst s1;
	(tag) =	ssettag s2;
	_ =	strace s9  }
0x27: {  	s1 =	sld [smem:$0x3FAF]  }
0x28: {  	s2 =	sld [smem:$0x3FB0]  }
0x29: {  	s4 =	sld [smem:$0x3FB2]  }
0x2a: {  	p0 =	seq.s32 s5, $0x0;
	s5 =	sld [smem:$0x3FB3]  }
0x2b: {  	s6 =	sld [smem:$0x3FB4]  }
0x2c: {  	s7 =	sld [smem:$0x3FB5]  }
0x2d: {  	s3 =	simm.s32 $0x108;
	s8 =	sld [smem:$0x3FB6]  }
0x2e: {  	s3 =	simm.s32 @!p0 $0x1082;
	s9 =	sld [smem:$0x3FB7]  }
0x2f: {  	lr =	sadd.s32 s0, s3;
	s0 =	sld [smem:$0x3FAE]  }
0x30: {  	s3 =	sld [smem:$0x3FB1]  }
0x31: {  	[smem:$0x3FBA] =	sst s10  }
0x32: {  	s10 =	sld [smem:$0x3FB8];
	_ =	sdelay $0x3  }
0x33: {  	p0 =	seq.s32 s10, $0x1;
	s10 =	sld [smem:$0x3FBA];
	_ =	sdelay $0x3  }
0x34: {  	[smem:$0x3FBA] =	sst s10  }
0x35: {  	s10 =	sld [smem:$0x3FB9];
	_ =	sdelay $0x3  }
0x36: {  	p1 =	seq.s32 s10, $0x1;
	s10 =	sld [smem:$0x3FBA];
	_ =	sdelay $0x3  }
0x37: {  	[smem:$0x3FBA] =	sst s10  }
0x38: {  	s10 =	sld [smem:$0x3FBB]  }
0x39: {  	_ = 	snop;
	(pc) =	sbr.ind lr, $3  }
0x3a: {  	_ = 	snop  }
0x3b: {  	_ = 	snop  }
0x3c: {  	p2 =	seq.s32 s10, $0x1;
	s10 =	sld [smem:$0x3FBA]  }
0x3d: {  	_ =	shalt  }
0x3e: {  	_ =	shalt  }
0x3f: {  	_ =	shalt  }
0x40: {  	_ =	shalt  }
0x41: {  	_ =	shalt  }
0x42: {  	_ =	shalt  }
0x43: {  	_ =	shalt  }
0x44: {  	_ =	shalt  }
0x45: {  	_ =	shalt  }
0x46: {  	_ =	shalt  }
0x47: {  	_ =	shalt  }
0x48: {  	_ =	shalt  }
0x49: {  	_ =	shalt  }
0x4a: {  	_ =	shalt  }
0x4b: {  	_ =	shalt  }
0x4c: {  	_ =	shalt  }
0x4d: {  	_ =	shalt  }
0x4e: {  	_ =	shalt  }
0x4f: {  	_ =	shalt  }
0x50: {  	_ =	shalt  }
0x51: {  	_ =	shalt  }
0x52: {  	_ =	shalt  }
0x53: {  	_ =	shalt  }
0x54: {  	_ =	shalt  }
0x55: {  	_ =	shalt  }
0x56: {  	_ =	shalt  }
0x57: {  	_ =	shalt  }
0x58: {  	_ =	shalt  }
0x59: {  	_ =	shalt  }
0x5a: {  	_ =	shalt  }
0x5b: {  	_ =	shalt  }
0x5c: {  	_ =	shalt  }
0x5d: {  	_ =	shalt  }
0x5e: {  	_ =	shalt  }
0x5f: {  	_ =	shalt  }
0x60: {  	_ =	shalt  }
0x61: {  	_ =	shalt  }
0x62: {  	_ =	shalt  }
0x63: {  	_ =	shalt  }
0x64: {  	_ =	shalt  }
0x65: {  	_ =	shalt  }
0x66: {  	_ =	shalt  }
0x67: {  	_ =	shalt  }
0x68: {  	_ =	shalt  }
0x69: {  	_ =	shalt  }
0x6a: {  	_ =	shalt  }
0x6b: {  	_ =	shalt  }
0x6c: {  	_ =	shalt  }
0x6d: {  	_ =	shalt  }
0x6e: {  	_ =	shalt  }
0x6f: {  	_ =	shalt  }
0x70: {  	_ =	shalt  }
0x71: {  	_ =	shalt  }
0x72: {  	_ =	shalt  }
0x73: {  	_ =	shalt  }
0x74: {  	_ =	shalt  }
0x75: {  	_ =	shalt  }
0x76: {  	_ =	shalt  }
0x77: {  	_ =	shalt  }
0x78: {  	_ =	shalt  }
0x79: {  	_ =	shalt  }
0x7a: {  	_ =	shalt  }
0x7b: {  	_ =	shalt  }
0x7c: {  	_ =	shalt  }
0x7d: {  	_ =	shalt  }
0x7e: {  	_ =	shalt  }
0x7f: {  	_ =	shalt  }
0x80: {  	_ =	shalt  }
0x81: {  	_ =	shalt  }
0x82: {  	_ =	shalt  }
0x83: {  	_ =	shalt  }
0x84: {  	_ =	shalt  }
0x85: {  	_ =	shalt  }
0x86: {  	_ =	shalt  }
0x87: {  	_ =	shalt  }
.Lfunc_end0:
.L_simem_size_0:
called_computation.1_lowered:
.L_overlay_start_0:
0x88: {  	s2 =	sld [smem:$0x3FD9]  }
0x89: {  	s3 =	sld [smem:$0x3FFE];
	_ =	sdelay $0x1  }
0x8a: {  	s1 =	srdreg.scid  }
0x8b: {  	s0 =	sand.u32 $0x1, s1  }
0x8c: {  	s17 =	sshll.u32 s0, $0xA;
	s2 =	sadd.s32 s3, s2  }
0x8d: {  	s2 =	sadd.s32 s2, s17  }
0x8e: {  	[smem:$0x3FC6] =	sst s2  }
0x8f: {  	_ = 	snop  }
0x90: {  	s2 =	sld [smem:$0x3FD0];
	(tm) =	ssettm $0x1  }
0x91: {  	s18 =	sld [smem:$0x3FFB];
	_ =	sdelay $0x3  }
0x92: {  	_ =	strace s18  }
0x93: {  	s3 =	sld [smem:$0x3FFC];
	_ =	sdelay $0x3  }
0x94: {  	_ =	strace s3  }
0x95: {  	s3 =	sld [smem:$0x3FFD];
	_ =	sdelay $0x3  }
0x96: {  	_ =	strace s3  }
0x97: {  	_ =	strace $0x8FFFFFFF  }
0x98: {  	s19 =	sld [smem:$0x3FDB];
	_ =	sdelay $0x1  }
0x99: {  	s4 =	simm.s32 $_scs_section_size  }
0x9a: {  	s5 =	simm.s32 $_size__tile_overlayer_lowered;
	s6 =	simm.s32 $_tile_overlayer_lowered  }
0x9b: {  	s22 =	simm.s32 $0x1BFF;
	s21 =	sshll.u32 s6, $0x1;
	s3 =	sadd.s32 s4, s19  }
0x9c: {  	s7 =	simm.s32 $0x0;
	s20 =	sshll.u32 s5, $0x1;
	s5 =	sadd.s32 s21, s3  }
0x9d: {  	[timem:s7], [sflag:s22] =	dma.local [hbm:s5], s20  }
0x9e: {  	_ =	swait.ge [sflag:s22], s20  }
0x9f: {  	s4 =	ssub.s32 $0x0, s20;
	[sflag:s22] =	ssyncset.done $0x0  }
0xa0: {  	[sflag:s22] =	ssyncadd.s32 s4;
	_ =	sdelay $0x1  }
0xa1: {  	s23 =	simm.s32 $0x1B8B  }
0xa2: {  	_ =	swait.ge [sflag:s23], $0x1  }
0xa3: {  	[sflag:s23] =	ssyncset.done $0x0  }
0xa4: {  	s25 =	simm.s32 $0x1B8E;
	s24 =	sld [smem:$0x3FFE];
	[sflag:s23] =	ssyncadd.s32 $0xFFFFFFFF  }
0xa5: {  	s26 =	simm.s32 $execute0_lowered;
	[smem:$0x3FD2] =	sst s25  }
0xa6: {  	s5 =	sshll.u32 s26, $0x1;
	_ =	strace $0x80000046;
	[dreg:$0x1] =	wrdreg $0xFFFFFFFF  }
0xa7: {  	s28 =	simm.s32 $_size_execute0_lowered;
	s3 =	sadd.s32 s3, s5;
	[dreg:$0x0] =	wrdreg $0x0  }
0xa8: {  	s5 =	sshll.u32 s28, $0x1;
	[dreg:$0x2] =	wrdreg s3  }
0xa9: {  	[dreg:$0x3] =	wrdreg s5  }
0xaa: {  	[dreg:$0x4] =	wrdreg $0xC0  }
0xab: {  	_ =	task [dreg:s7], $0x5FFFF  }
0xac: {  	[dreg:$0x1] =	wrdreg $0xFFFFFFFF  }
0xad: {  	[dreg:$0x0] =	wrdreg $0x60  }
0xae: {  	[dreg:$0x2] =	wrdreg s24  }
0xaf: {  	[dreg:$0x3] =	wrdreg s2  }
0xb0: {  	[dreg:$0x4] =	wrdreg $0x9  }
0xb1: {  	_ =	task.clear_ibuf [dreg:s7], $0x5FFFF;
	_ =	strace $0x90000046  }
0xb2: {  	s29 =	simm.s32 $0x9;
	_ =	strace $0x80000048  }
0xb3: {  	_ =	swait.ge [sflag:s29], $0x1  }
0xb4: {  	[sflag:s29] =	ssyncadd.s32 $0xFFFFFFFF  }
0xb5: {  	_ =	strace $0x90000048  }
0xb6: {  	_ =	sfence  }
0xb7: {  	s30 =	sld [smem:$0x0];
	_ =	sdelay $0x2  }
0xb8: {  	s31 =	sshll.u32 s1, $0xD;
	s1 =	sshrl.u32 s1, $0x2  }
0xb9: {  	s3 =	sand.u32 $0x4000, s31;
	s1 =	sadd.s32 s1, s30  }
0xba: {  	s0 =	sor.u32 s3, s0;
	s1 =	sshll.u32 s1, $0x11  }
0xbb: {  	s0 =	sor.u32 s1, s0  }
0xbc: {  	s0 =	sadd.s32 $0x8F2B, s0  }
0xbd: {  	[sflag:s0] =	ssyncadd.remote.s32 $0x1  }
0xbe: {  	_ =	sfence.sel $0xFFFF  }
0xbf: {  	[dreg:$0x0] =	wrdreg $0xFFFFFFFF;
	(pc) =	sbr.abs _section_cstart, $3  }
0xc0: {  	[dreg:$0x1] =	wrdreg $0xFFFFFFFF  }
0xc1: {  	_ =	task.clear_ibuf [dreg:s7], $0x2FFFF;
	_ =	strace $0x9FFFFFFF  }
0xc2: {  	(tm) =	ssettm $0x7FFFFFFF  }
0xc3: {  	_ =	shalt  }
tec
execute0_lowered:
.L_overlay_start_1:
0x0: {  	(tag) =	ssettag $0x1  }
0x1: {  	s0 =	srdreg.scid  }
0x2: {  	s2 =	stileid.u32;
	s1 =	rddreg [dreg:$0x0];
	s3 =	simm.s32 $0x0  }
0x3: {  	s9 =	simm.s32 $0x2;
	s0 =	sand.u32 $0x1, s0;
	s2 =	sshll.u32 s2, $0x1  }
0x4: {  	s11 =	simm.s32 $0x80;
	s12 =	simm.s32 $0x6878;
	s2 =	sor.u32 s0, s2  }
0x5: {  	s19 =	simm.s32 $0xD878;
	s0 =	ssub.s32 $0x2, s0;
	s4 =	smul.u32 $0x680, s2  }
0x6: {  	s20 =	simm.s32 $0x1;
	s5 =	smul.u32 $0xD, s2;
	s29 =	sshrl.u32 s0, $0x1  }
.Ltmp0:
0x7: {  	[smem:$0x7FF] =	sst s3;
	s0 =	ssub.s32 s0, s29;
	(pc) =	sbr.rel .LBB2_1-.Ltmp0, $4  }
0x8: {  	_ =	strace $0x80000047;
	s6 =	sadd.s32 s4, s1;
	s0 =	smax.u32 s0, $0x1  }
0x9: {  	s5 =	sadd.s32 s5, s1;
	s30 =	sadd.s32 $0x400, s6;
	[dreg:$0x5] =	wrdreg s0  }
0xa: {  	s7 =	smul.u32 $0x68000, s2;
	s31 =	sadd.s32 $0xD400, s5;
	[dreg:$0x3] =	wrdreg s30  }
0xb: {  	v0 =	vimm.s32 $0x0;
	s4 =	sadd.s32 $0xF4FA00, s1;
	s1 =	simm.s32 $0x0;
	[dreg:$0x4] =	wrdreg s31  }
.LBB2_35:
0xc: {  	s1 =	rddreg [dreg:$0x6]  }
0xd: {  	s0 =	rddreg [dreg:$0x5];
	s1 =	sadd.s32 $0x1, s1  }
0xe: {  	p0 =	sne.s32 s1, s0  }
.Ltmp1:
0xf: {  	_ = 	snop;
	(pc) =	sbr.rel @!p0 .LBB2_36-.Ltmp1, $1  }
0x10: {  	_ =	sdelay $0x3  }
.LBB2_1:
0x11: {  	[dreg:$0x6] =	wrdreg s1  }
0x12: {  	s0 =	rddreg [dreg:$0x3]  }
0x13: {  	[tilespmem:s3], [sflag:$0x2] =	stream.linear.gather [hbm4b:s0+s3], $0x3400, $0x38;
	[tilespmem:$0xE878] =	vst v63  }
0x14: {  	_ =	swait.ge [sflag:s9], $0x3400  }
0x15: {  	s26 =	simm.s32 $0x6800;
	[sflag:s9] =	ssyncset.done $0x0  }
0x16: {  	s22 =	simm.s32 $0x100;
	s23 =	simm.s32 $0x180;
	[sflag:s9] =	ssyncadd.s32 $0xFFFFCC00  }
.Ltmp2:
0x17: {  	s5 =	simm.s32 $0x200;
	s25 =	rddreg [dreg:$0x4];
	[tilespmem:$0x6868] =	vst v0;
	(pc) =	sbr.rel .LBB2_2-.Ltmp2, $4  }
0x18: {  	[tilespmem:s26], [sflag:$0x2] =	stream.linear.gather [hbm4b:s25+s3], $0x68, $0x38;
	[tilespmem:$0xE878] =	vst v63  }
0x19: {  	s28 =	simm.s32 $0x380;
	s29 =	simm.s32 $0x80;
	_ =	swait.ge [sflag:s9], $0x68  }
0x1a: {  	s30 =	simm.s32 $0x0;
	s31 =	simm.s32 $0x0;
	[sflag:s9] =	ssyncset.done $0x0  }
0x1b: {  	s25 =	simm.s32 $0x280;
	s26 =	simm.s32 $0x300;
	[sflag:s9] =	ssyncadd.s32 $0xFFFFFF98  }
.LBB2_34:
0x1c: {  	s0 =	sshll.u32 s31, $0xF  }
0x1d: {  	s1 =	rddreg [dreg:$0x1];
	s31 =	sadd.s32 $0x1, s31;
	s0 =	sadd.s32 s7, s0  }
0x1e: {  	s30 =	sadd.s32 $0x400, s30;
	p0 =	sne.s32 s31, $0xD;
	s0 =	sshrl.u32 s0, $0x3  }
.Ltmp3:
0x1f: {  	s29 =	sadd.s32 $0x400, s29;
	s0 =	sadd.s32 s1, s0;
	(pc) =	sbr.rel @!p0 .LBB2_35-.Ltmp3, $4  }
0x20: {  	[hbm4b:s0+s3] =	stream.linear.scatter [tilespmem:s12], [sflag:$0x2], $0x8000, $0x38;
	[tilespmem:$0xE878] =	vst v63  }
0x21: {  	s22 =	sadd.s32 $0x400, s22;
	s23 =	sadd.s32 $0x400, s23;
	_ =	swait.ge [sflag:s9], $0x8000  }
0x22: {  	s5 =	sadd.s32 $0x400, s5;
	s25 =	sadd.s32 $0x400, s25;
	[sflag:s9] =	ssyncset.done $0x0  }
0x23: {  	s26 =	sadd.s32 $0x400, s26;
	s28 =	sadd.s32 $0x400, s28;
	[sflag:s9] =	ssyncadd.s32 $0xFFFF8000  }
.LBB2_2:
0x24: {  	s1 =	sshll.u32 s31, $0xA  }
0x25: {  	v1 =	vld [tilespmem:s1+$0x0]  }
0x26: {  	v2 =	vld [tilespmem:s1+$0x10]  }
0x27: {  	v3 =	vld [tilespmem:s1+$0x20]  }
0x28: {  	v4 =	vld [tilespmem:s1+$0x30]  }
0x29: {  	v5 =	vld [tilespmem:s1+$0x40]  }
0x2a: {  	v6 =	vld [tilespmem:s1+$0x50];
	v1 =	vadd.s32 $0xFFFFFFFF, v1  }
0x2b: {  	v7 =	vld [tilespmem:s1+$0x60];
	v2 =	vadd.s32 $0xFFFFFFFF, v2;
	vm0 =	vgt.s32 v1, $0x0  }
0x2c: {  	v8 =	vld [tilespmem:s1+$0x70];
	v3 =	vadd.s32 $0xFFFFFFFF, v3;
	vm13 =	vgt.s32 v2, $0x0;
	v1 =	vnsel vm0, $0x0, v1  }
0x2d: {  	vm14 =	vgt.s32 v3, $0x0;
	[tilespmem:s1+$0x3400] =	vst v1;
	v1 =	vnsel vm13, $0x0, v2;
	v2 =	vadd.s32 $0xFFFFFFFF, v4  }
0x2e: {  	[tilespmem:s1+$0x3410] =	vst v1;
	v1 =	vnsel vm14, $0x0, v3;
	vm15 =	vgt.s32 v2, $0x0;
	v3 =	vadd.s32 $0xFFFFFFFF, v5  }
0x2f: {  	[tilespmem:s1+$0x3420] =	vst v1;
	v1 =	vnsel vm15, $0x0, v2;
	vm4 =	vgt.s32 v3, $0x0;
	v2 =	vadd.s32 $0xFFFFFFFF, v6  }
0x30: {  	[tilespmem:s1+$0x3430] =	vst v1;
	v1 =	vnsel vm4, $0x0, v3;
	vm5 =	vgt.s32 v2, $0x0;
	v3 =	vadd.s32 $0xFFFFFFFF, v7  }
0x31: {  	[tilespmem:s1+$0x3440] =	vst v1;
	v1 =	vnsel vm5, $0x0, v2;
	vm6 =	vgt.s32 v3, $0x0;
	v2 =	vadd.s32 $0xFFFFFFFF, v8  }
0x32: {  	[tilespmem:s1+$0x3450] =	vst v1;
	v1 =	vnsel vm6, $0x0, v3;
	vm7 =	vgt.s32 v2, $0x0  }
0x33: {  	[tilespmem:s1+$0x3460] =	vst v1;
	v1 =	vnsel vm7, $0x0, v2  }
0x34: {  	s0 =	sadd.s32 $0x3400, s1;
	[tilespmem:s1+$0x3470] =	vst v1  }
0x35: {  	[tilespmem:s12], [sflag:$0x1] =	stream.indirect.gather [hbm4b:s4+s11], $0x20, s0, s11, $0xb8;
	[tilespmem:$0xE878] =	vst v63  }
0x36: {  	v1 =	vld [tilespmem:s1+$0x80]  }
0x37: {  	v2 =	vld [tilespmem:s1+$0x90]  }
0x38: {  	v3 =	vld [tilespmem:s1+$0xA0]  }
0x39: {  	v29 =	vld [tilespmem:s1+$0xB0]  }
0x3a: {  	v30 =	vld [tilespmem:s1+$0xC0]  }
0x3b: {  	v31 =	vld [tilespmem:s1+$0xD0];
	v1 =	vadd.s32 $0xFFFFFFFF, v1  }
0x3c: {  	v32 =	vld [tilespmem:s1+$0xE0];
	v2 =	vadd.s32 $0xFFFFFFFF, v2;
	vm8 =	vgt.s32 v1, $0x0  }
0x3d: {  	v33 =	vld [tilespmem:s1+$0xF0];
	v3 =	vadd.s32 $0xFFFFFFFF, v3;
	vm9 =	vgt.s32 v2, $0x0;
	v1 =	vnsel vm8, $0x0, v1  }
0x3e: {  	vm10 =	vgt.s32 v3, $0x0;
	[tilespmem:s1+$0x3480] =	vst v1;
	v1 =	vnsel vm9, $0x0, v2;
	v2 =	vadd.s32 $0xFFFFFFFF, v29  }
0x3f: {  	[tilespmem:s1+$0x3490] =	vst v1;
	v1 =	vnsel vm10, $0x0, v3;
	vm11 =	vgt.s32 v2, $0x0;
	v3 =	vadd.s32 $0xFFFFFFFF, v30  }
0x40: {  	[tilespmem:s1+$0x34A0] =	vst v1;
	v1 =	vnsel vm11, $0x0, v2;
	vm12 =	vgt.s32 v3, $0x0;
	v2 =	vadd.s32 $0xFFFFFFFF, v31  }
0x41: {  	[tilespmem:s1+$0x34B0] =	vst v1;
	v1 =	vnsel vm12, $0x0, v3;
	vm13 =	vgt.s32 v2, $0x0;
	v3 =	vadd.s32 $0xFFFFFFFF, v32  }
0x42: {  	[tilespmem:s1+$0x34C0] =	vst v1;
	v1 =	vnsel vm13, $0x0, v2;
	vm14 =	vgt.s32 v3, $0x0;
	v2 =	vadd.s32 $0xFFFFFFFF, v33  }
0x43: {  	[tilespmem:s1+$0x34D0] =	vst v1;
	v1 =	vnsel vm14, $0x0, v3;
	vm15 =	vgt.s32 v2, $0x0  }
0x44: {  	[tilespmem:s1+$0x34E0] =	vst v1;
	v1 =	vnsel vm15, $0x0, v2  }
0x45: {  	s2 =	simm.s32 $0x7878;
	s18 =	sadd.s32 $0x3480, s1;
	[tilespmem:s1+$0x34F0] =	vst v1  }
0x46: {  	[tilespmem:s2], [sflag:$0x1] =	stream.indirect.gather [hbm4b:s4+s11], $0x20, s18, s11, $0xb8;
	[tilespmem:$0xE878] =	vst v63  }
0x47: {  	v1 =	vld [tilespmem:s1+$0x100]  }
0x48: {  	v2 =	vld [tilespmem:s1+$0x110]  }
0x49: {  	v3 =	vld [tilespmem:s1+$0x120]  }
0x4a: {  	v34 =	vld [tilespmem:s1+$0x130]  }
0x4b: {  	v35 =	vld [tilespmem:s1+$0x140]  }
0x4c: {  	v36 =	vld [tilespmem:s1+$0x150];
	v1 =	vadd.s32 $0xFFFFFFFF, v1  }
0x4d: {  	v37 =	vld [tilespmem:s1+$0x160];
	v2 =	vadd.s32 $0xFFFFFFFF, v2;
	vm4 =	vgt.s32 v1, $0x0  }
0x4e: {  	v38 =	vld [tilespmem:s1+$0x170];
	v3 =	vadd.s32 $0xFFFFFFFF, v3;
	vm5 =	vgt.s32 v2, $0x0;
	v1 =	vnsel vm4, $0x0, v1  }
0x4f: {  	vm6 =	vgt.s32 v3, $0x0;
	[tilespmem:s1+$0x3500] =	vst v1;
	v1 =	vnsel vm5, $0x0, v2;
	v2 =	vadd.s32 $0xFFFFFFFF, v34  }
0x50: {  	[tilespmem:s1+$0x3510] =	vst v1;
	v1 =	vnsel vm6, $0x0, v3;
	vm7 =	vgt.s32 v2, $0x0;
	v3 =	vadd.s32 $0xFFFFFFFF, v35  }
0x51: {  	[tilespmem:s1+$0x3520] =	vst v1;
	v1 =	vnsel vm7, $0x0, v2;
	vm8 =	vgt.s32 v3, $0x0;
	v2 =	vadd.s32 $0xFFFFFFFF, v36  }
0x52: {  	[tilespmem:s1+$0x3530] =	vst v1;
	v1 =	vnsel vm8, $0x0, v3;
	vm9 =	vgt.s32 v2, $0x0;
	v3 =	vadd.s32 $0xFFFFFFFF, v37  }
0x53: {  	[tilespmem:s1+$0x3540] =	vst v1;
	v1 =	vnsel vm9, $0x0, v2;
	vm10 =	vgt.s32 v3, $0x0;
	v2 =	vadd.s32 $0xFFFFFFFF, v38  }
0x54: {  	[tilespmem:s1+$0x3550] =	vst v1;
	v1 =	vnsel vm10, $0x0, v3;
	vm11 =	vgt.s32 v2, $0x0  }
0x55: {  	[tilespmem:s1+$0x3560] =	vst v1;
	v1 =	vnsel vm11, $0x0, v2  }
0x56: {  	s24 =	simm.s32 $0x8878;
	s21 =	sadd.s32 $0x3500, s1;
	[tilespmem:s1+$0x3570] =	vst v1  }
0x57: {  	[tilespmem:s24], [sflag:$0x1] =	stream.indirect.gather [hbm4b:s4+s11], $0x20, s21, s11, $0xb8;
	[tilespmem:$0xE878] =	vst v63  }
0x58: {  	v1 =	vld [tilespmem:s1+$0x180]  }
0x59: {  	v2 =	vld [tilespmem:s1+$0x190]  }
0x5a: {  	v3 =	vld [tilespmem:s1+$0x1A0]  }
0x5b: {  	v39 =	vld [tilespmem:s1+$0x1B0]  }
0x5c: {  	v40 =	vld [tilespmem:s1+$0x1C0]  }
0x5d: {  	v41 =	vld [tilespmem:s1+$0x1D0];
	v1 =	vadd.s32 $0xFFFFFFFF, v1  }
0x5e: {  	v42 =	vld [tilespmem:s1+$0x1E0];
	v2 =	vadd.s32 $0xFFFFFFFF, v2;
	vm12 =	vgt.s32 v1, $0x0  }
0x5f: {  	v43 =	vld [tilespmem:s1+$0x1F0];
	v3 =	vadd.s32 $0xFFFFFFFF, v3;
	vm13 =	vgt.s32 v2, $0x0;
	v1 =	vnsel vm12, $0x0, v1  }
0x60: {  	vm14 =	vgt.s32 v3, $0x0;
	[tilespmem:s1+$0x3580] =	vst v1;
	v1 =	vnsel vm13, $0x0, v2;
	v2 =	vadd.s32 $0xFFFFFFFF, v39  }
0x61: {  	[tilespmem:s1+$0x3590] =	vst v1;
	v1 =	vnsel vm14, $0x0, v3;
	vm15 =	vgt.s32 v2, $0x0;
	v3 =	vadd.s32 $0xFFFFFFFF, v40  }
0x62: {  	[tilespmem:s1+$0x35A0] =	vst v1;
	v1 =	vnsel vm15, $0x0, v2;
	vm4 =	vgt.s32 v3, $0x0;
	v2 =	vadd.s32 $0xFFFFFFFF, v41  }
0x63: {  	[tilespmem:s1+$0x35B0] =	vst v1;
	v1 =	vnsel vm4, $0x0, v3;
	vm5 =	vgt.s32 v2, $0x0;
	v3 =	vadd.s32 $0xFFFFFFFF, v42  }
0x64: {  	[tilespmem:s1+$0x35C0] =	vst v1;
	v1 =	vnsel vm5, $0x0, v2;
	vm6 =	vgt.s32 v3, $0x0;
	v2 =	vadd.s32 $0xFFFFFFFF, v43  }
0x65: {  	[tilespmem:s1+$0x35D0] =	vst v1;
	v1 =	vnsel vm6, $0x0, v3;
	vm7 =	vgt.s32 v2, $0x0  }
0x66: {  	[tilespmem:s1+$0x35E0] =	vst v1;
	v1 =	vnsel vm7, $0x0, v2  }
0x67: {  	s8 =	simm.s32 $0x9878;
	s6 =	sadd.s32 $0x3580, s1;
	[tilespmem:s1+$0x35F0] =	vst v1  }
0x68: {  	[tilespmem:s8], [sflag:$0x1] =	stream.indirect.gather [hbm4b:s4+s11], $0x20, s6, s11, $0xb8;
	[tilespmem:$0xE878] =	vst v63  }
0x69: {  	v1 =	vld [tilespmem:s1+$0x200]  }
0x6a: {  	v2 =	vld [tilespmem:s1+$0x210]  }
0x6b: {  	v3 =	vld [tilespmem:s1+$0x220]  }
0x6c: {  	v44 =	vld [tilespmem:s1+$0x230]  }
0x6d: {  	v45 =	vld [tilespmem:s1+$0x240]  }
0x6e: {  	v46 =	vld [tilespmem:s1+$0x250];
	v1 =	vadd.s32 $0xFFFFFFFF, v1  }
0x6f: {  	v47 =	vld [tilespmem:s1+$0x260];
	v2 =	vadd.s32 $0xFFFFFFFF, v2;
	vm8 =	vgt.s32 v1, $0x0  }
0x70: {  	v48 =	vld [tilespmem:s1+$0x270];
	v3 =	vadd.s32 $0xFFFFFFFF, v3;
	vm9 =	vgt.s32 v2, $0x0;
	v1 =	vnsel vm8, $0x0, v1  }
0x71: {  	vm10 =	vgt.s32 v3, $0x0;
	[tilespmem:s1+$0x3600] =	vst v1;
	v1 =	vnsel vm9, $0x0, v2;
	v2 =	vadd.s32 $0xFFFFFFFF, v44  }
0x72: {  	[tilespmem:s1+$0x3610] =	vst v1;
	v1 =	vnsel vm10, $0x0, v3;
	vm11 =	vgt.s32 v2, $0x0;
	v3 =	vadd.s32 $0xFFFFFFFF, v45  }
0x73: {  	[tilespmem:s1+$0x3620] =	vst v1;
	v1 =	vnsel vm11, $0x0, v2;
	vm12 =	vgt.s32 v3, $0x0;
	v2 =	vadd.s32 $0xFFFFFFFF, v46  }
0x74: {  	[tilespmem:s1+$0x3630] =	vst v1;
	v1 =	vnsel vm12, $0x0, v3;
	vm13 =	vgt.s32 v2, $0x0;
	v3 =	vadd.s32 $0xFFFFFFFF, v47  }
0x75: {  	[tilespmem:s1+$0x3640] =	vst v1;
	v1 =	vnsel vm13, $0x0, v2;
	vm14 =	vgt.s32 v3, $0x0;
	v2 =	vadd.s32 $0xFFFFFFFF, v48  }
0x76: {  	[tilespmem:s1+$0x3650] =	vst v1;
	v1 =	vnsel vm14, $0x0, v3;
	vm15 =	vgt.s32 v2, $0x0  }
0x77: {  	[tilespmem:s1+$0x3660] =	vst v1;
	v1 =	vnsel vm15, $0x0, v2  }
0x78: {  	s13 =	simm.s32 $0xA878;
	s10 =	sadd.s32 $0x3600, s1;
	[tilespmem:s1+$0x3670] =	vst v1  }
0x79: {  	[tilespmem:s13], [sflag:$0x1] =	stream.indirect.gather [hbm4b:s4+s11], $0x20, s10, s11, $0xb8;
	[tilespmem:$0xE878] =	vst v63  }
0x7a: {  	v1 =	vld [tilespmem:s1+$0x280]  }
0x7b: {  	v2 =	vld [tilespmem:s1+$0x290]  }
0x7c: {  	v3 =	vld [tilespmem:s1+$0x2A0]  }
0x7d: {  	v49 =	vld [tilespmem:s1+$0x2B0]  }
0x7e: {  	v50 =	vld [tilespmem:s1+$0x2C0]  }
0x7f: {  	v51 =	vld [tilespmem:s1+$0x2D0];
	v1 =	vadd.s32 $0xFFFFFFFF, v1  }
0x80: {  	v52 =	vld [tilespmem:s1+$0x2E0];
	v2 =	vadd.s32 $0xFFFFFFFF, v2;
	vm4 =	vgt.s32 v1, $0x0  }
0x81: {  	v53 =	vld [tilespmem:s1+$0x2F0];
	v3 =	vadd.s32 $0xFFFFFFFF, v3;
	vm5 =	vgt.s32 v2, $0x0;
	v1 =	vnsel vm4, $0x0, v1  }
0x82: {  	vm6 =	vgt.s32 v3, $0x0;
	[tilespmem:s1+$0x3680] =	vst v1;
	v1 =	vnsel vm5, $0x0, v2;
	v2 =	vadd.s32 $0xFFFFFFFF, v49  }
0x83: {  	[tilespmem:s1+$0x3690] =	vst v1;
	v1 =	vnsel vm6, $0x0, v3;
	vm7 =	vgt.s32 v2, $0x0;
	v3 =	vadd.s32 $0xFFFFFFFF, v50  }
0x84: {  	[tilespmem:s1+$0x36A0] =	vst v1;
	v1 =	vnsel vm7, $0x0, v2;
	vm8 =	vgt.s32 v3, $0x0;
	v2 =	vadd.s32 $0xFFFFFFFF, v51  }
0x85: {  	[tilespmem:s1+$0x36B0] =	vst v1;
	v1 =	vnsel vm8, $0x0, v3;
	vm9 =	vgt.s32 v2, $0x0;
	v3 =	vadd.s32 $0xFFFFFFFF, v52  }
0x86: {  	[tilespmem:s1+$0x36C0] =	vst v1;
	v1 =	vnsel vm9, $0x0, v2;
	vm10 =	vgt.s32 v3, $0x0;
	v2 =	vadd.s32 $0xFFFFFFFF, v53  }
0x87: {  	[tilespmem:s1+$0x36D0] =	vst v1;
	v1 =	vnsel vm10, $0x0, v3;
	vm11 =	vgt.s32 v2, $0x0  }
0x88: {  	[tilespmem:s1+$0x36E0] =	vst v1;
	v1 =	vnsel vm11, $0x0, v2  }
0x89: {  	s15 =	simm.s32 $0xB878;
	s14 =	sadd.s32 $0x3680, s1;
	[tilespmem:s1+$0x36F0] =	vst v1  }
0x8a: {  	[tilespmem:s15], [sflag:$0x1] =	stream.indirect.gather [hbm4b:s4+s11], $0x20, s14, s11, $0xb8;
	[tilespmem:$0xE878] =	vst v63  }
0x8b: {  	v1 =	vld [tilespmem:s1+$0x300]  }
0x8c: {  	v2 =	vld [tilespmem:s1+$0x310]  }
0x8d: {  	v3 =	vld [tilespmem:s1+$0x320]  }
0x8e: {  	v54 =	vld [tilespmem:s1+$0x330]  }
0x8f: {  	v55 =	vld [tilespmem:s1+$0x340]  }
0x90: {  	v56 =	vld [tilespmem:s1+$0x350];
	v1 =	vadd.s32 $0xFFFFFFFF, v1  }
0x91: {  	v57 =	vld [tilespmem:s1+$0x360];
	v2 =	vadd.s32 $0xFFFFFFFF, v2;
	vm12 =	vgt.s32 v1, $0x0  }
0x92: {  	v58 =	vld [tilespmem:s1+$0x370];
	v3 =	vadd.s32 $0xFFFFFFFF, v3;
	vm13 =	vgt.s32 v2, $0x0;
	v1 =	vnsel vm12, $0x0, v1  }
0x93: {  	vm14 =	vgt.s32 v3, $0x0;
	[tilespmem:s1+$0x3700] =	vst v1;
	v1 =	vnsel vm13, $0x0, v2;
	v2 =	vadd.s32 $0xFFFFFFFF, v54  }
0x94: {  	[tilespmem:s1+$0x3710] =	vst v1;
	v1 =	vnsel vm14, $0x0, v3;
	vm15 =	vgt.s32 v2, $0x0;
	v3 =	vadd.s32 $0xFFFFFFFF, v55  }
0x95: {  	[tilespmem:s1+$0x3720] =	vst v1;
	v1 =	vnsel vm15, $0x0, v2;
	vm4 =	vgt.s32 v3, $0x0;
	v2 =	vadd.s32 $0xFFFFFFFF, v56  }
0x96: {  	[tilespmem:s1+$0x3730] =	vst v1;
	v1 =	vnsel vm4, $0x0, v3;
	vm5 =	vgt.s32 v2, $0x0;
	v3 =	vadd.s32 $0xFFFFFFFF, v57  }
0x97: {  	[tilespmem:s1+$0x3740] =	vst v1;
	v1 =	vnsel vm5, $0x0, v2;
	vm6 =	vgt.s32 v3, $0x0;
	v2 =	vadd.s32 $0xFFFFFFFF, v58  }
0x98: {  	[tilespmem:s1+$0x3750] =	vst v1;
	v1 =	vnsel vm6, $0x0, v3;
	vm7 =	vgt.s32 v2, $0x0  }
0x99: {  	[tilespmem:s1+$0x3760] =	vst v1;
	v1 =	vnsel vm7, $0x0, v2  }
0x9a: {  	s17 =	simm.s32 $0xC878;
	s16 =	sadd.s32 $0x3700, s1;
	[tilespmem:s1+$0x3770] =	vst v1  }
0x9b: {  	[tilespmem:s17], [sflag:$0x1] =	stream.indirect.gather [hbm4b:s4+s11], $0x20, s16, s11, $0xb8;
	[tilespmem:$0xE878] =	vst v63  }
0x9c: {  	v1 =	vld [tilespmem:s1+$0x380]  }
0x9d: {  	v2 =	vld [tilespmem:s1+$0x390]  }
0x9e: {  	v3 =	vld [tilespmem:s1+$0x3A0]  }
0x9f: {  	v59 =	vld [tilespmem:s1+$0x3B0]  }
0xa0: {  	v60 =	vld [tilespmem:s1+$0x3C0]  }
0xa1: {  	v61 =	vld [tilespmem:s1+$0x3D0];
	v1 =	vadd.s32 $0xFFFFFFFF, v1  }
0xa2: {  	v62 =	vld [tilespmem:s1+$0x3E0];
	v2 =	vadd.s32 $0xFFFFFFFF, v2;
	vm8 =	vgt.s32 v1, $0x0  }
0xa3: {  	v63 =	vld [tilespmem:s1+$0x3F0];
	v3 =	vadd.s32 $0xFFFFFFFF, v3;
	vm9 =	vgt.s32 v2, $0x0;
	v1 =	vnsel vm8, $0x0, v1  }
0xa4: {  	vm10 =	vgt.s32 v3, $0x0;
	[tilespmem:s1+$0x3780] =	vst v1;
	v1 =	vnsel vm9, $0x0, v2;
	v2 =	vadd.s32 $0xFFFFFFFF, v59  }
0xa5: {  	[tilespmem:s1+$0x3790] =	vst v1;
	v1 =	vnsel vm10, $0x0, v3;
	vm11 =	vgt.s32 v2, $0x0;
	v3 =	vadd.s32 $0xFFFFFFFF, v60  }
0xa6: {  	[tilespmem:s1+$0x37A0] =	vst v1;
	v1 =	vnsel vm11, $0x0, v2;
	vm12 =	vgt.s32 v3, $0x0;
	v2 =	vadd.s32 $0xFFFFFFFF, v61  }
0xa7: {  	[tilespmem:s1+$0x37B0] =	vst v1;
	v1 =	vnsel vm12, $0x0, v3;
	vm13 =	vgt.s32 v2, $0x0;
	v3 =	vadd.s32 $0xFFFFFFFF, v62  }
0xa8: {  	[tilespmem:s1+$0x37C0] =	vst v1;
	v1 =	vnsel vm13, $0x0, v2;
	vm14 =	vgt.s32 v3, $0x0;
	v2 =	vadd.s32 $0xFFFFFFFF, v63  }
0xa9: {  	[tilespmem:s1+$0x37D0] =	vst v1;
	v1 =	vnsel vm14, $0x0, v3;
	vm15 =	vgt.s32 v2, $0x0  }
0xaa: {  	[tilespmem:s1+$0x37E0] =	vst v1;
	v1 =	vnsel vm15, $0x0, v2  }
0xab: {  	s18 =	sadd.s32 $0x3780, s1;
	[tilespmem:s1+$0x37F0] =	vst v1  }
0xac: {  	[tilespmem:s19], [sflag:$0x1] =	stream.indirect.gather [hbm4b:s4+s11], $0x20, s18, s11, $0xb8;
	[tilespmem:$0xE878] =	vst v63  }
0xad: {  	_ =	swait.ge [sflag:s20], $0x1000  }
0xae: {  	[sflag:s20] =	ssyncset.done $0x0  }
0xaf: {  	[sflag:s20] =	ssyncadd.s32 $0xFFFFF000  }
0xb0: {  	_ =	swait.ge [sflag:s20], $0x1000  }
0xb1: {  	[sflag:s20] =	ssyncset.done $0x0  }
0xb2: {  	[sflag:s20] =	ssyncadd.s32 $0xFFFFF000  }
0xb3: {  	_ =	swait.ge [sflag:s20], $0x1000  }
0xb4: {  	[sflag:s20] =	ssyncset.done $0x0  }
0xb5: {  	[sflag:s20] =	ssyncadd.s32 $0xFFFFF000  }
0xb6: {  	_ =	swait.ge [sflag:s20], $0x1000  }
0xb7: {  	[sflag:s20] =	ssyncset.done $0x0  }
0xb8: {  	[sflag:s20] =	ssyncadd.s32 $0xFFFFF000  }
0xb9: {  	_ =	swait.ge [sflag:s20], $0x1000  }
0xba: {  	[sflag:s20] =	ssyncset.done $0x0  }
0xbb: {  	[sflag:s20] =	ssyncadd.s32 $0xFFFFF000  }
0xbc: {  	_ =	swait.ge [sflag:s20], $0x1000  }
0xbd: {  	[sflag:s20] =	ssyncset.done $0x0  }
0xbe: {  	[sflag:s20] =	ssyncadd.s32 $0xFFFFF000  }
0xbf: {  	_ =	swait.ge [sflag:s20], $0x1000  }
0xc0: {  	[sflag:s20] =	ssyncset.done $0x0  }
0xc1: {  	[sflag:s20] =	ssyncadd.s32 $0xFFFFF000  }
0xc2: {  	_ =	swait.ge [sflag:s20], $0x1000  }
0xc3: {  	s21 =	sshll.u32 s31, $0x3;
	[sflag:s20] =	ssyncset.done $0x0  }
0xc4: {  	s0 =	sand.u32 $0x3FFFFFF8, s21;
	[sflag:s20] =	ssyncadd.s32 $0xFFFFF000  }
0xc5: {  	v1 =	vld [tilespmem:s0+$0x6800];
	_ =	sdelay $0x4  }
0xc6: {  	(v2sf) =	vpush v1, $0x0;
	_ =	sdelay $0xe  }
0xc7: {  	s24 =	spop (v2sf)  }
0xc8: {  	p0 =	seq.s32 s24, $0x0  }
.Ltmp4:
0xc9: {  	_ = 	snop;
	(pc) =	sbr.rel @p0 .LBB2_6-.Ltmp4, $1  }
0xca: {  	_ =	sdelay $0x3  }
0xcb: {  	v2 =	vmov s30;
	_ =	sdelay $0x3  }
0xcc: {  	s0 =	simm.s32 $0x0  }
0xcd: {  	v3 =	vld.idx.msk [tilespmem:v2+s0+$0x0 ss:$0x1], $0xffff;
	_ =	sdelay $0x4  }
0xce: {  	vm0 =	vlt.s32 v3, $0x1  }
0xcf: {  	v3 =	vnsel vm0, $0x1, v3  }
0xd0: {  	(v2sf) =	vpush v3, $0x0;
	_ =	sdelay $0x1  }
0xd1: {  	(v2sf) =	vpush v3, $0x1;
	_ =	sdelay $0x1  }
0xd2: {  	(v2sf) =	vpush v3, $0x2;
	_ =	sdelay $0x1  }
0xd3: {  	(v2sf) =	vpush v3, $0x3;
	_ =	sdelay $0x1  }
0xd4: {  	(v2sf) =	vpush v3, $0x4;
	_ =	sdelay $0x1  }
0xd5: {  	(v2sf) =	vpush v3, $0x5;
	_ =	sdelay $0x1  }
0xd6: {  	(v2sf) =	vpush v3, $0x6;
	_ =	sdelay $0x1  }
0xd7: {  	(v2sf) =	vpush v3, $0x7  }
0xd8: {  	s17 =	spop (v2sf)  }
0xd9: {  	(v2sf) =	vpush v3, $0x8;
	p0 =	sne.s32 s17, $0x0  }
0xda: {  	s1 =	simm.s32 $0x6978;
	s18 =	spop (v2sf);
	v4 =	vimm.f32 @!p0 $0.0e+00  }
0xdb: {  	(v2sf) =	vpush v3, $0x9;
	p1 =	sne.s32 s18, $0x0;
	[tilespmem:s1+$0xFFFFFF00] =	vst @!p0 v4  }
0xdc: {  	s21 =	spop (v2sf);
	v5 =	vimm.f32 @!p1 $0.0e+00;
	[tilespmem:s1+$0xFFFFFF10] =	vst @!p0 v4  }
0xdd: {  	(v2sf) =	vpush v3, $0xA;
	p0 =	sne.s32 s21, $0x0;
	[tilespmem:s1+$0xFFFFFF20] =	vst @!p1 v5  }
0xde: {  	s24 =	spop (v2sf);
	v4 =	vimm.f32 @!p0 $0.0e+00;
	[tilespmem:s1+$0xFFFFFF30] =	vst @!p1 v5  }
0xdf: {  	(v2sf) =	vpush v3, $0xB;
	p1 =	sne.s32 s24, $0x0;
	[tilespmem:s1+$0xFFFFFF40] =	vst @!p0 v4  }
0xe0: {  	s2 =	spop (v2sf);
	v5 =	vimm.f32 @!p1 $0.0e+00;
	[tilespmem:s1+$0xFFFFFF50] =	vst @!p0 v4  }
0xe1: {  	(v2sf) =	vpush v3, $0xC;
	p0 =	sne.s32 s2, $0x0;
	[tilespmem:s1+$0xFFFFFF60] =	vst @!p1 v5  }
0xe2: {  	s6 =	spop (v2sf);
	v4 =	vimm.f32 @!p0 $0.0e+00;
	[tilespmem:s1+$0xFFFFFF70] =	vst @!p1 v5  }
0xe3: {  	(v2sf) =	vpush v3, $0xD;
	p1 =	sne.s32 s6, $0x0;
	[tilespmem:s1+$0xFFFFFF80] =	vst @!p0 v4  }
0xe4: {  	s8 =	spop (v2sf);
	v5 =	vimm.f32 @!p1 $0.0e+00;
	[tilespmem:s1+$0xFFFFFF90] =	vst @!p0 v4  }
0xe5: {  	(v2sf) =	vpush v3, $0xE;
	p0 =	sne.s32 s8, $0x0;
	[tilespmem:s1+$0xFFFFFFA0] =	vst @!p1 v5  }
0xe6: {  	s10 =	spop (v2sf);
	v4 =	vimm.f32 @!p0 $0.0e+00;
	[tilespmem:s1+$0xFFFFFFB0] =	vst @!p1 v5  }
0xe7: {  	(v2sf) =	vpush v3, $0xF;
	p1 =	sne.s32 s10, $0x0;
	[tilespmem:s1+$0xFFFFFFC0] =	vst @!p0 v4  }
0xe8: {  	v3 =	vimm.f32 @!p1 $0.0e+00;
	[tilespmem:s1+$0xFFFFFFD0] =	vst @!p0 v4;
	s13 =	spop (v2sf)  }
0xe9: {  	[tilespmem:s1+$0xFFFFFFE0] =	vst @!p1 v3;
	p0 =	sne.s32 s13, $0x0  }
0xea: {  	[tilespmem:s1+$0xFFFFFFF0] =	vst @!p1 v3;
	s14 =	spop (v2sf);
	v4 =	vimm.f32 @!p0 $0.0e+00  }
0xeb: {  	p1 =	sne.s32 s14, $0x0;
	[tilespmem:s1+$0x0] =	vst @!p0 v4  }
0xec: {  	s15 =	spop (v2sf);
	v3 =	vimm.f32 @!p1 $0.0e+00;
	[tilespmem:s1+$0x10] =	vst @!p0 v4  }
0xed: {  	p0 =	sne.s32 s15, $0x0;
	[tilespmem:s1+$0x20] =	vst @!p1 v3  }
0xee: {  	s16 =	spop (v2sf);
	v4 =	vimm.f32 @!p0 $0.0e+00;
	[tilespmem:s1+$0x30] =	vst @!p1 v3  }
0xef: {  	p1 =	sne.s32 s16, $0x0;
	[tilespmem:s1+$0x40] =	vst @!p0 v4  }
0xf0: {  	s17 =	spop (v2sf);
	v3 =	vimm.f32 @!p1 $0.0e+00;
	[tilespmem:s1+$0x50] =	vst @!p0 v4  }
0xf1: {  	p0 =	sne.s32 s17, $0x0;
	[tilespmem:s1+$0x60] =	vst @!p1 v3  }
0xf2: {  	s18 =	spop (v2sf);
	v4 =	vimm.f32 @!p0 $0.0e+00;
	[tilespmem:s1+$0x70] =	vst @!p1 v3  }
0xf3: {  	p1 =	sne.s32 s18, $0x0;
	[tilespmem:s1+$0x80] =	vst @!p0 v4  }
0xf4: {  	s21 =	spop (v2sf);
	v3 =	vimm.f32 @!p1 $0.0e+00;
	[tilespmem:s1+$0x90] =	vst @!p0 v4  }
0xf5: {  	p0 =	sne.s32 s21, $0x0;
	[tilespmem:s1+$0xA0] =	vst @!p1 v3  }
0xf6: {  	s24 =	spop (v2sf);
	v4 =	vimm.f32 @!p0 $0.0e+00;
	[tilespmem:s1+$0xB0] =	vst @!p1 v3  }
0xf7: {  	p1 =	sne.s32 s24, $0x0;
	[tilespmem:s1+$0xC0] =	vst @!p0 v4  }
0xf8: {  	[tilespmem:s1+$0xD0] =	vst @!p0 v4;
	v3 =	vimm.f32 @!p1 $0.0e+00  }
0xf9: {  	s0 =	simm.s32 $0x40;
	[tilespmem:s1+$0xE0] =	vst @!p1 v3  }
.LBB2_4:
0xfa: {  	s2 =	sshra.s32 s0, $0x2;
	[tilespmem:s1+$0xF0] =	vst @!p1 v3  }
0xfb: {  	v3 =	vld.idx.msk [tilespmem:v2+s2+$0x0 ss:$0x1], $0xffff;
	_ =	sdelay $0x4  }
0xfc: {  	vm0 =	vlt.s32 v3, $0x1  }
0xfd: {  	v3 =	vnsel vm0, $0x1, v3  }
0xfe: {  	(v2sf) =	vpush v3, $0x0;
	_ =	sdelay $0x1  }
0xff: {  	(v2sf) =	vpush v3, $0x1;
	_ =	sdelay $0x1  }
0x100: {  	(v2sf) =	vpush v3, $0x2  }
0x101: {  	(v2sf) =	vpush v3, $0x3  }
0x102: {  	(v2sf) =	vpush v3, $0x4  }
0x103: {  	(v2sf) =	vpush v3, $0x5  }
0x104: {  	(v2sf) =	vpush v3, $0x6  }
0x105: {  	(v2sf) =	vpush v3, $0x7  }
0x106: {  	(v2sf) =	vpush v3, $0x8  }
0x107: {  	(v2sf) =	vpush v3, $0x9  }
0x108: {  	(v2sf) =	vpush v3, $0xA  }
0x109: {  	(v2sf) =	vpush v3, $0xB  }
0x10a: {  	(v2sf) =	vpush v3, $0xC  }
0x10b: {  	s0 =	sadd.s32 $0x40, s0;
	(v2sf) =	vpush v3, $0xD;
	s10 =	spop (v2sf)  }
0x10c: {  	p0 =	sne.s32 s0, $0x200;
	(v2sf) =	vpush v3, $0xE;
	p1 =	sne.s32 s10, $0x0  }
0x10d: {  	s1 =	sadd.s32 $0x200, s1;
	s2 =	simm.s32 @!p0 $0x0;
	(v2sf) =	vpush v3, $0xF;
	s13 =	spop (v2sf);
	v3 =	vimm.f32 @!p1 $0.0e+00  }
0x10e: {  	s2 =	simm.s32 @p0 $0x1;
	p0 =	sne.s32 s13, $0x0;
	[tilespmem:s1+$0xFFFFFF00] =	vst @!p1 v3  }
0x10f: {  	s14 =	spop (v2sf);
	v4 =	vimm.f32 @!p0 $0.0e+00;
	[tilespmem:s1+$0xFFFFFF10] =	vst @!p1 v3  }
0x110: {  	p4 =	sne.s32 s14, $0x0;
	[tilespmem:s1+$0xFFFFFF20] =	vst @!p0 v4  }
0x111: {  	s15 =	spop (v2sf);
	v3 =	vimm.f32 @!p4 $0.0e+00;
	[tilespmem:s1+$0xFFFFFF30] =	vst @!p0 v4  }
0x112: {  	p3 =	sne.s32 s15, $0x0;
	[tilespmem:s1+$0xFFFFFF40] =	vst @!p4 v3  }
0x113: {  	s16 =	spop (v2sf);
	v5 =	vimm.f32 @!p3 $0.0e+00;
	[tilespmem:s1+$0xFFFFFF50] =	vst @!p4 v3  }
0x114: {  	p2 =	sne.s32 s16, $0x0;
	s17 =	spop (v2sf);
	[tilespmem:s1+$0xFFFFFF60] =	vst @!p3 v5  }
0x115: {  	v4 =	vimm.f32 @!p2 $0.0e+00;
	s18 =	spop (v2sf);
	[tilespmem:s1+$0xFFFFFF70] =	vst @!p3 v5  }
0x116: {  	p0 =	sne.s32 s17, $0x0;
	s21 =	spop (v2sf);
	[tilespmem:s1+$0xFFFFFF80] =	vst @!p2 v4  }
0x117: {  	v6 =	vimm.f32 @!p0 $0.0e+00;
	[tilespmem:s1+$0xFFFFFF90] =	vst @!p2 v4;
	s24 =	spop (v2sf)  }
0x118: {  	p1 =	sne.s32 s18, $0x0;
	[tilespmem:s1+$0xFFFFFFA0] =	vst @!p0 v6;
	s6 =	spop (v2sf)  }
0x119: {  	v3 =	vimm.f32 @!p1 $0.0e+00;
	p4 =	sne.s32 s21, $0x0;
	[tilespmem:s1+$0xFFFFFFB0] =	vst @!p0 v6;
	s8 =	spop (v2sf)  }
0x11a: {  	[smem:$0x7FD] =	sst s2;
	s2 =	simm.s32 @!p4 $0x0;
	[tilespmem:s1+$0xFFFFFFC0] =	vst @!p1 v3;
	p5 =	sne.s32 s8, $0x0  }
0x11b: {  	[tilespmem:s1+$0xFFFFFFD0] =	vst @!p1 v3;
	s2 =	simm.s32 @p4 $0x1;
	s10 =	spop (v2sf);
	v4 =	vimm.f32 @!p5 $0.0e+00  }
0x11c: {  	v7 =	vimm.f32 @!p4 $0.0e+00;
	p4 =	sne.s32 s24, $0x0;
	p3 =	sne.s32 s6, $0x0;
	p6 =	sne.s32 s10, $0x0;
	[tilespmem:s1+$0x40] =	vst @!p5 v4  }
0x11d: {  	[smem:$0x7FA] =	sst s2;
	s2 =	simm.s32 @!p4 $0x0;
	s13 =	spop (v2sf);
	v9 =	vimm.f32 @!p6 $0.0e+00;
	[tilespmem:s1+$0x50] =	vst @!p5 v4  }
0x11e: {  	v5 =	vimm.f32 @!p4 $0.0e+00;
	s2 =	simm.s32 @p4 $0x1;
	s17 =	sld [smem:$0x7FA];
	p4 =	sne.s32 s13, $0x0;
	[tilespmem:s1+$0x60] =	vst @!p6 v9  }
0x11f: {  	[smem:$0x7FB] =	sst s2;
	s2 =	simm.s32 @!p3 $0x0;
	v6 =	vimm.f32 @!p4 $0.0e+00;
	[tilespmem:s1+$0x70] =	vst @!p6 v9  }
0x120: {  	s2 =	simm.s32 @p3 $0x1;
	s18 =	sld [smem:$0x7FB];
	[tilespmem:s1+$0x80] =	vst @!p4 v6  }
0x121: {  	[smem:$0x7FC] =	sst s2;
	p0 =	seq.s32 s17, $0x1;
	[tilespmem:s1+$0x90] =	vst @!p4 v6  }
0x122: {  	[tilespmem:s1+$0xFFFFFFE0] =	vst @!p0 v7;
	s21 =	sld [smem:$0x7FC]  }
0x123: {  	[tilespmem:s1+$0xFFFFFFF0] =	vst @!p0 v7;
	p0 =	seq.s32 s18, $0x1  }
0x124: {  	s24 =	sld [smem:$0x7FD];
	[tilespmem:s1+$0x0] =	vst @!p0 v5  }
0x125: {  	v8 =	vimm.f32 @!p3 $0.0e+00;
	s14 =	spop (v2sf);
	[tilespmem:s1+$0x10] =	vst @!p0 v5;
	p0 =	seq.s32 s21, $0x1  }
0x126: {  	p3 =	sne.s32 s14, $0x0;
	[tilespmem:s1+$0x20] =	vst @!p0 v8  }
0x127: {  	s15 =	spop (v2sf);
	v10 =	vimm.f32 @!p3 $0.0e+00;
	[tilespmem:s1+$0x30] =	vst @!p0 v8;
	p0 =	seq.s32 s24, $0x1  }
.Ltmp5:
0x128: {  	p2 =	sne.s32 s15, $0x0;
	[tilespmem:s1+$0xA0] =	vst @!p3 v10;
	(pc) =	sbr.rel @p0 .LBB2_4-.Ltmp5, $4  }
0x129: {  	s16 =	spop (v2sf);
	v11 =	vimm.f32 @!p2 $0.0e+00;
	[tilespmem:s1+$0xB0] =	vst @!p3 v10  }
0x12a: {  	p1 =	sne.s32 s16, $0x0;
	[tilespmem:s1+$0xC0] =	vst @!p2 v11  }
0x12b: {  	v3 =	vimm.f32 @!p1 $0.0e+00;
	[tilespmem:s1+$0xD0] =	vst @!p2 v11  }
0x12c: {  	[tilespmem:s1+$0xE0] =	vst @!p1 v3  }
0x12d: {  	[tilespmem:s1+$0xF0] =	vst @!p1 v3  }
.LBB2_6:
0x12e: {  	(v2sf) =	vpush v1, $0x1;
	_ =	sdelay $0xe  }
0x12f: {  	s0 =	spop (v2sf)  }
0x130: {  	p0 =	seq.s32 s0, $0x0  }
.Ltmp6:
0x131: {  	_ = 	snop;
	(pc) =	sbr.rel @p0 .LBB2_10-.Ltmp6, $1  }
0x132: {  	_ =	sdelay $0x3  }
0x133: {  	v2 =	vmov s29;
	_ =	sdelay $0x3  }
0x134: {  	s0 =	simm.s32 $0x0  }
0x135: {  	v3 =	vld.idx.msk [tilespmem:v2+s0+$0x0 ss:$0x1], $0xffff;
	_ =	sdelay $0x4  }
0x136: {  	vm0 =	vlt.s32 v3, $0x1  }
0x137: {  	v3 =	vnsel vm0, $0x1, v3  }
0x138: {  	(v2sf) =	vpush v3, $0x0;
	_ =	sdelay $0x1  }
0x139: {  	(v2sf) =	vpush v3, $0x1;
	_ =	sdelay $0x1  }
0x13a: {  	(v2sf) =	vpush v3, $0x2;
	_ =	sdelay $0x1  }
0x13b: {  	(v2sf) =	vpush v3, $0x3;
	_ =	sdelay $0x1  }
0x13c: {  	(v2sf) =	vpush v3, $0x4;
	_ =	sdelay $0x1  }
0x13d: {  	(v2sf) =	vpush v3, $0x5;
	_ =	sdelay $0x1  }
0x13e: {  	(v2sf) =	vpush v3, $0x6;
	_ =	sdelay $0x1  }
0x13f: {  	(v2sf) =	vpush v3, $0x7  }
0x140: {  	s17 =	spop (v2sf)  }
0x141: {  	(v2sf) =	vpush v3, $0x8;
	p0 =	sne.s32 s17, $0x0  }
0x142: {  	s1 =	simm.s32 $0x7A68;
	s18 =	spop (v2sf);
	v4 =	vimm.f32 @!p0 $0.0e+00  }
0x143: {  	(v2sf) =	vpush v3, $0x9;
	p1 =	sne.s32 s18, $0x0;
	[tilespmem:s1+$0xFFFFFE10] =	vst @!p0 v4  }
0x144: {  	s21 =	spop (v2sf);
	v5 =	vimm.f32 @!p1 $0.0e+00;
	[tilespmem:s1+$0xFFFFFE20] =	vst @!p0 v4  }
0x145: {  	(v2sf) =	vpush v3, $0xA;
	p0 =	sne.s32 s21, $0x0;
	[tilespmem:s1+$0xFFFFFE30] =	vst @!p1 v5  }
0x146: {  	s24 =	spop (v2sf);
	v4 =	vimm.f32 @!p0 $0.0e+00;
	[tilespmem:s1+$0xFFFFFE40] =	vst @!p1 v5  }
0x147: {  	(v2sf) =	vpush v3, $0xB;
	p1 =	sne.s32 s24, $0x0;
	[tilespmem:s1+$0xFFFFFE50] =	vst @!p0 v4  }
0x148: {  	s2 =	spop (v2sf);
	v5 =	vimm.f32 @!p1 $0.0e+00;
	[tilespmem:s1+$0xFFFFFE60] =	vst @!p0 v4  }
0x149: {  	(v2sf) =	vpush v3, $0xC;
	p0 =	sne.s32 s2, $0x0;
	[tilespmem:s1+$0xFFFFFE70] =	vst @!p1 v5  }
0x14a: {  	s6 =	spop (v2sf);
	v4 =	vimm.f32 @!p0 $0.0e+00;
	[tilespmem:s1+$0xFFFFFE80] =	vst @!p1 v5  }
0x14b: {  	(v2sf) =	vpush v3, $0xD;
	p1 =	sne.s32 s6, $0x0;
	[tilespmem:s1+$0xFFFFFE90] =	vst @!p0 v4  }
0x14c: {  	s8 =	spop (v2sf);
	v5 =	vimm.f32 @!p1 $0.0e+00;
	[tilespmem:s1+$0xFFFFFEA0] =	vst @!p0 v4  }
0x14d: {  	(v2sf) =	vpush v3, $0xE;
	p0 =	sne.s32 s8, $0x0;
	[tilespmem:s1+$0xFFFFFEB0] =	vst @!p1 v5  }
0x14e: {  	s10 =	spop (v2sf);
	v4 =	vimm.f32 @!p0 $0.0e+00;
	[tilespmem:s1+$0xFFFFFEC0] =	vst @!p1 v5  }
0x14f: {  	(v2sf) =	vpush v3, $0xF;
	p1 =	sne.s32 s10, $0x0;
	[tilespmem:s1+$0xFFFFFED0] =	vst @!p0 v4  }
0x150: {  	v3 =	vimm.f32 @!p1 $0.0e+00;
	[tilespmem:s1+$0xFFFFFEE0] =	vst @!p0 v4;
	s13 =	spop (v2sf)  }
0x151: {  	[tilespmem:s1+$0xFFFFFEF0] =	vst @!p1 v3;
	p0 =	sne.s32 s13, $0x0  }
0x152: {  	[tilespmem:s1+$0xFFFFFF00] =	vst @!p1 v3;
	s14 =	spop (v2sf);
	v4 =	vimm.f32 @!p0 $0.0e+00  }
0x153: {  	p1 =	sne.s32 s14, $0x0;
	[tilespmem:s1+$0xFFFFFF10] =	vst @!p0 v4  }
0x154: {  	s15 =	spop (v2sf);
	v3 =	vimm.f32 @!p1 $0.0e+00;
	[tilespmem:s1+$0xFFFFFF20] =	vst @!p0 v4  }
0x155: {  	p0 =	sne.s32 s15, $0x0;
	[tilespmem:s1+$0xFFFFFF30] =	vst @!p1 v3  }
0x156: {  	s16 =	spop (v2sf);
	v4 =	vimm.f32 @!p0 $0.0e+00;
	[tilespmem:s1+$0xFFFFFF40] =	vst @!p1 v3  }
0x157: {  	p1 =	sne.s32 s16, $0x0;
	[tilespmem:s1+$0xFFFFFF50] =	vst @!p0 v4  }
0x158: {  	s17 =	spop (v2sf);
	v3 =	vimm.f32 @!p1 $0.0e+00;
	[tilespmem:s1+$0xFFFFFF60] =	vst @!p0 v4  }
0x159: {  	p0 =	sne.s32 s17, $0x0;
	[tilespmem:s1+$0xFFFFFF70] =	vst @!p1 v3  }
0x15a: {  	s18 =	spop (v2sf);
	v4 =	vimm.f32 @!p0 $0.0e+00;
	[tilespmem:s1+$0xFFFFFF80] =	vst @!p1 v3  }
0x15b: {  	p1 =	sne.s32 s18, $0x0;
	[tilespmem:s1+$0xFFFFFF90] =	vst @!p0 v4  }
0x15c: {  	s21 =	spop (v2sf);
	v3 =	vimm.f32 @!p1 $0.0e+00;
	[tilespmem:s1+$0xFFFFFFA0] =	vst @!p0 v4  }
0x15d: {  	p0 =	sne.s32 s21, $0x0;
	[tilespmem:s1+$0xFFFFFFB0] =	vst @!p1 v3  }
0x15e: {  	s24 =	spop (v2sf);
	v4 =	vimm.f32 @!p0 $0.0e+00;
	[tilespmem:s1+$0xFFFFFFC0] =	vst @!p1 v3  }
0x15f: {  	p1 =	sne.s32 s24, $0x0;
	[tilespmem:s1+$0xFFFFFFD0] =	vst @!p0 v4  }
0x160: {  	[tilespmem:s1+$0xFFFFFFE0] =	vst @!p0 v4;
	v3 =	vimm.f32 @!p1 $0.0e+00  }
0x161: {  	s0 =	simm.s32 $0x40;
	[tilespmem:s1+$0xFFFFFFF0] =	vst @!p1 v3  }
.LBB2_8:
0x162: {  	s2 =	sshra.s32 s0, $0x2;
	[tilespmem:s1+$0x0] =	vst @!p1 v3  }
0x163: {  	v3 =	vld.idx.msk [tilespmem:v2+s2+$0x0 ss:$0x1], $0xffff;
	_ =	sdelay $0x4  }
0x164: {  	vm0 =	vlt.s32 v3, $0x1  }
0x165: {  	v3 =	vnsel vm0, $0x1, v3  }
0x166: {  	(v2sf) =	vpush v3, $0x0;
	_ =	sdelay $0x1  }
0x167: {  	(v2sf) =	vpush v3, $0x1;
	_ =	sdelay $0x1  }
0x168: {  	(v2sf) =	vpush v3, $0x2  }
0x169: {  	(v2sf) =	vpush v3, $0x3  }
0x16a: {  	(v2sf) =	vpush v3, $0x4  }
0x16b: {  	(v2sf) =	vpush v3, $0x5  }
0x16c: {  	(v2sf) =	vpush v3, $0x6  }
0x16d: {  	(v2sf) =	vpush v3, $0x7  }
0x16e: {  	(v2sf) =	vpush v3, $0x8  }
0x16f: {  	(v2sf) =	vpush v3, $0x9  }
0x170: {  	(v2sf) =	vpush v3, $0xA  }
0x171: {  	(v2sf) =	vpush v3, $0xB  }
0x172: {  	(v2sf) =	vpush v3, $0xC  }
0x173: {  	s0 =	sadd.s32 $0x40, s0;
	(v2sf) =	vpush v3, $0xD;
	s10 =	spop (v2sf)  }
0x174: {  	p0 =	sne.s32 s0, $0x200;
	(v2sf) =	vpush v3, $0xE;
	p1 =	sne.s32 s10, $0x0  }
0x175: {  	s1 =	sadd.s32 $0x200, s1;
	s2 =	simm.s32 @!p0 $0x0;
	(v2sf) =	vpush v3, $0xF;
	s13 =	spop (v2sf);
	v3 =	vimm.f32 @!p1 $0.0e+00  }
0x176: {  	s2 =	simm.s32 @p0 $0x1;
	p0 =	sne.s32 s13, $0x0;
	[tilespmem:s1+$0xFFFFFE10] =	vst @!p1 v3  }
0x177: {  	s14 =	spop (v2sf);
	v4 =	vimm.f32 @!p0 $0.0e+00;
	[tilespmem:s1+$0xFFFFFE20] =	vst @!p1 v3  }
0x178: {  	p4 =	sne.s32 s14, $0x0;
	[tilespmem:s1+$0xFFFFFE30] =	vst @!p0 v4  }
0x179: {  	s15 =	spop (v2sf);
	v3 =	vimm.f32 @!p4 $0.0e+00;
	[tilespmem:s1+$0xFFFFFE40] =	vst @!p0 v4  }
0x17a: {  	p3 =	sne.s32 s15, $0x0;
	[tilespmem:s1+$0xFFFFFE50] =	vst @!p4 v3  }
0x17b: {  	s16 =	spop (v2sf);
	v5 =	vimm.f32 @!p3 $0.0e+00;
	[tilespmem:s1+$0xFFFFFE60] =	vst @!p4 v3  }
0x17c: {  	p2 =	sne.s32 s16, $0x0;
	s17 =	spop (v2sf);
	[tilespmem:s1+$0xFFFFFE70] =	vst @!p3 v5  }
0x17d: {  	v4 =	vimm.f32 @!p2 $0.0e+00;
	s18 =	spop (v2sf);
	[tilespmem:s1+$0xFFFFFE80] =	vst @!p3 v5  }
0x17e: {  	p0 =	sne.s32 s17, $0x0;
	s21 =	spop (v2sf);
	[tilespmem:s1+$0xFFFFFE90] =	vst @!p2 v4  }
0x17f: {  	v6 =	vimm.f32 @!p0 $0.0e+00;
	[tilespmem:s1+$0xFFFFFEA0] =	vst @!p2 v4;
	s24 =	spop (v2sf)  }
0x180: {  	p1 =	sne.s32 s18, $0x0;
	[tilespmem:s1+$0xFFFFFEB0] =	vst @!p0 v6;
	s6 =	spop (v2sf)  }
0x181: {  	v3 =	vimm.f32 @!p1 $0.0e+00;
	p4 =	sne.s32 s21, $0x0;
	[tilespmem:s1+$0xFFFFFEC0] =	vst @!p0 v6;
	s8 =	spop (v2sf)  }
0x182: {  	[smem:$0x7F9] =	sst s2;
	s2 =	simm.s32 @!p4 $0x0;
	[tilespmem:s1+$0xFFFFFED0] =	vst @!p1 v3;
	p5 =	sne.s32 s8, $0x0  }
0x183: {  	[tilespmem:s1+$0xFFFFFEE0] =	vst @!p1 v3;
	s2 =	simm.s32 @p4 $0x1;
	s10 =	spop (v2sf);
	v4 =	vimm.f32 @!p5 $0.0e+00  }
0x184: {  	v7 =	vimm.f32 @!p4 $0.0e+00;
	p4 =	sne.s32 s24, $0x0;
	p3 =	sne.s32 s6, $0x0;
	p6 =	sne.s32 s10, $0x0;
	[tilespmem:s1+$0xFFFFFF50] =	vst @!p5 v4  }
0x185: {  	[smem:$0x7F6] =	sst s2;
	s2 =	simm.s32 @!p4 $0x0;
	s13 =	spop (v2sf);
	v9 =	vimm.f32 @!p6 $0.0e+00;
	[tilespmem:s1+$0xFFFFFF60] =	vst @!p5 v4  }
0x186: {  	v5 =	vimm.f32 @!p4 $0.0e+00;
	s2 =	simm.s32 @p4 $0x1;
	s17 =	sld [smem:$0x7F6];
	p4 =	sne.s32 s13, $0x0;
	[tilespmem:s1+$0xFFFFFF70] =	vst @!p6 v9  }
0x187: {  	[smem:$0x7F7] =	sst s2;
	s2 =	simm.s32 @!p3 $0x0;
	v6 =	vimm.f32 @!p4 $0.0e+00;
	[tilespmem:s1+$0xFFFFFF80] =	vst @!p6 v9  }
0x188: {  	s2 =	simm.s32 @p3 $0x1;
	s18 =	sld [smem:$0x7F7];
	[tilespmem:s1+$0xFFFFFF90] =	vst @!p4 v6  }
0x189: {  	[smem:$0x7F8] =	sst s2;
	p0 =	seq.s32 s17, $0x1;
	[tilespmem:s1+$0xFFFFFFA0] =	vst @!p4 v6  }
0x18a: {  	[tilespmem:s1+$0xFFFFFEF0] =	vst @!p0 v7;
	s21 =	sld [smem:$0x7F8]  }
0x18b: {  	[tilespmem:s1+$0xFFFFFF00] =	vst @!p0 v7;
	p0 =	seq.s32 s18, $0x1  }
0x18c: {  	s24 =	sld [smem:$0x7F9];
	[tilespmem:s1+$0xFFFFFF10] =	vst @!p0 v5  }
0x18d: {  	v8 =	vimm.f32 @!p3 $0.0e+00;
	s14 =	spop (v2sf);
	[tilespmem:s1+$0xFFFFFF20] =	vst @!p0 v5;
	p0 =	seq.s32 s21, $0x1  }
0x18e: {  	p3 =	sne.s32 s14, $0x0;
	[tilespmem:s1+$0xFFFFFF30] =	vst @!p0 v8  }
0x18f: {  	s15 =	spop (v2sf);
	v10 =	vimm.f32 @!p3 $0.0e+00;
	[tilespmem:s1+$0xFFFFFF40] =	vst @!p0 v8;
	p0 =	seq.s32 s24, $0x1  }
.Ltmp7:
0x190: {  	p2 =	sne.s32 s15, $0x0;
	[tilespmem:s1+$0xFFFFFFB0] =	vst @!p3 v10;
	(pc) =	sbr.rel @p0 .LBB2_8-.Ltmp7, $4  }
0x191: {  	s16 =	spop (v2sf);
	v11 =	vimm.f32 @!p2 $0.0e+00;
	[tilespmem:s1+$0xFFFFFFC0] =	vst @!p3 v10  }
0x192: {  	p1 =	sne.s32 s16, $0x0;
	[tilespmem:s1+$0xFFFFFFD0] =	vst @!p2 v11  }
0x193: {  	v3 =	vimm.f32 @!p1 $0.0e+00;
	[tilespmem:s1+$0xFFFFFFE0] =	vst @!p2 v11  }
0x194: {  	[tilespmem:s1+$0xFFFFFFF0] =	vst @!p1 v3  }
0x195: {  	[tilespmem:s1+$0x0] =	vst @!p1 v3  }
.LBB2_10:
0x196: {  	(v2sf) =	vpush v1, $0x2;
	_ =	sdelay $0xe  }
0x197: {  	s0 =	spop (v2sf)  }
0x198: {  	p0 =	seq.s32 s0, $0x0  }
.Ltmp8:
0x199: {  	_ = 	snop;
	(pc) =	sbr.rel @p0 .LBB2_14-.Ltmp8, $1  }
0x19a: {  	_ =	sdelay $0x3  }
0x19b: {  	v2 =	vmov s22;
	_ =	sdelay $0x3  }
0x19c: {  	s0 =	simm.s32 $0x0  }
0x19d: {  	v3 =	vld.idx.msk [tilespmem:v2+s0+$0x0 ss:$0x1], $0xffff;
	_ =	sdelay $0x4  }
0x19e: {  	vm0 =	vlt.s32 v3, $0x1  }
0x19f: {  	v3 =	vnsel vm0, $0x1, v3  }
0x1a0: {  	(v2sf) =	vpush v3, $0x0;
	_ =	sdelay $0x1  }
0x1a1: {  	(v2sf) =	vpush v3, $0x1;
	_ =	sdelay $0x1  }
0x1a2: {  	(v2sf) =	vpush v3, $0x2;
	_ =	sdelay $0x1  }
0x1a3: {  	(v2sf) =	vpush v3, $0x3;
	_ =	sdelay $0x1  }
0x1a4: {  	(v2sf) =	vpush v3, $0x4;
	_ =	sdelay $0x1  }
0x1a5: {  	(v2sf) =	vpush v3, $0x5;
	_ =	sdelay $0x1  }
0x1a6: {  	(v2sf) =	vpush v3, $0x6;
	_ =	sdelay $0x1  }
0x1a7: {  	(v2sf) =	vpush v3, $0x7  }
0x1a8: {  	s17 =	spop (v2sf)  }
0x1a9: {  	(v2sf) =	vpush v3, $0x8;
	p0 =	sne.s32 s17, $0x0  }
0x1aa: {  	s1 =	simm.s32 $0x8A68;
	s18 =	spop (v2sf);
	v4 =	vimm.f32 @!p0 $0.0e+00  }
0x1ab: {  	(v2sf) =	vpush v3, $0x9;
	p1 =	sne.s32 s18, $0x0;
	[tilespmem:s1+$0xFFFFFE10] =	vst @!p0 v4  }
0x1ac: {  	s21 =	spop (v2sf);
	v5 =	vimm.f32 @!p1 $0.0e+00;
	[tilespmem:s1+$0xFFFFFE20] =	vst @!p0 v4  }
0x1ad: {  	(v2sf) =	vpush v3, $0xA;
	p0 =	sne.s32 s21, $0x0;
	[tilespmem:s1+$0xFFFFFE30] =	vst @!p1 v5  }
0x1ae: {  	s24 =	spop (v2sf);
	v4 =	vimm.f32 @!p0 $0.0e+00;
	[tilespmem:s1+$0xFFFFFE40] =	vst @!p1 v5  }
0x1af: {  	(v2sf) =	vpush v3, $0xB;
	p1 =	sne.s32 s24, $0x0;
	[tilespmem:s1+$0xFFFFFE50] =	vst @!p0 v4  }
0x1b0: {  	s2 =	spop (v2sf);
	v5 =	vimm.f32 @!p1 $0.0e+00;
	[tilespmem:s1+$0xFFFFFE60] =	vst @!p0 v4  }
0x1b1: {  	(v2sf) =	vpush v3, $0xC;
	p0 =	sne.s32 s2, $0x0;
	[tilespmem:s1+$0xFFFFFE70] =	vst @!p1 v5  }
0x1b2: {  	s6 =	spop (v2sf);
	v4 =	vimm.f32 @!p0 $0.0e+00;
	[tilespmem:s1+$0xFFFFFE80] =	vst @!p1 v5  }
0x1b3: {  	(v2sf) =	vpush v3, $0xD;
	p1 =	sne.s32 s6, $0x0;
	[tilespmem:s1+$0xFFFFFE90] =	vst @!p0 v4  }
0x1b4: {  	s8 =	spop (v2sf);
	v5 =	vimm.f32 @!p1 $0.0e+00;
	[tilespmem:s1+$0xFFFFFEA0] =	vst @!p0 v4  }
0x1b5: {  	(v2sf) =	vpush v3, $0xE;
	p0 =	sne.s32 s8, $0x0;
	[tilespmem:s1+$0xFFFFFEB0] =	vst @!p1 v5  }
0x1b6: {  	s10 =	spop (v2sf);
	v4 =	vimm.f32 @!p0 $0.0e+00;
	[tilespmem:s1+$0xFFFFFEC0] =	vst @!p1 v5  }
0x1b7: {  	(v2sf) =	vpush v3, $0xF;
	p1 =	sne.s32 s10, $0x0;
	[tilespmem:s1+$0xFFFFFED0] =	vst @!p0 v4  }
0x1b8: {  	v3 =	vimm.f32 @!p1 $0.0e+00;
	[tilespmem:s1+$0xFFFFFEE0] =	vst @!p0 v4;
	s13 =	spop (v2sf)  }
0x1b9: {  	[tilespmem:s1+$0xFFFFFEF0] =	vst @!p1 v3;
	p0 =	sne.s32 s13, $0x0  }
0x1ba: {  	[tilespmem:s1+$0xFFFFFF00] =	vst @!p1 v3;
	s14 =	spop (v2sf);
	v4 =	vimm.f32 @!p0 $0.0e+00  }
0x1bb: {  	p1 =	sne.s32 s14, $0x0;
	[tilespmem:s1+$0xFFFFFF10] =	vst @!p0 v4  }
0x1bc: {  	s15 =	spop (v2sf);
	v3 =	vimm.f32 @!p1 $0.0e+00;
	[tilespmem:s1+$0xFFFFFF20] =	vst @!p0 v4  }
0x1bd: {  	p0 =	sne.s32 s15, $0x0;
	[tilespmem:s1+$0xFFFFFF30] =	vst @!p1 v3  }
0x1be: {  	s16 =	spop (v2sf);
	v4 =	vimm.f32 @!p0 $0.0e+00;
	[tilespmem:s1+$0xFFFFFF40] =	vst @!p1 v3  }
0x1bf: {  	p1 =	sne.s32 s16, $0x0;
	[tilespmem:s1+$0xFFFFFF50] =	vst @!p0 v4  }
0x1c0: {  	s17 =	spop (v2sf);
	v3 =	vimm.f32 @!p1 $0.0e+00;
	[tilespmem:s1+$0xFFFFFF60] =	vst @!p0 v4  }
0x1c1: {  	p0 =	sne.s32 s17, $0x0;
	[tilespmem:s1+$0xFFFFFF70] =	vst @!p1 v3  }
0x1c2: {  	s18 =	spop (v2sf);
	v4 =	vimm.f32 @!p0 $0.0e+00;
	[tilespmem:s1+$0xFFFFFF80] =	vst @!p1 v3  }
0x1c3: {  	p1 =	sne.s32 s18, $0x0;
	[tilespmem:s1+$0xFFFFFF90] =	vst @!p0 v4  }
0x1c4: {  	s21 =	spop (v2sf);
	v3 =	vimm.f32 @!p1 $0.0e+00;
	[tilespmem:s1+$0xFFFFFFA0] =	vst @!p0 v4  }
0x1c5: {  	p0 =	sne.s32 s21, $0x0;
	[tilespmem:s1+$0xFFFFFFB0] =	vst @!p1 v3  }
0x1c6: {  	s24 =	spop (v2sf);
	v4 =	vimm.f32 @!p0 $0.0e+00;
	[tilespmem:s1+$0xFFFFFFC0] =	vst @!p1 v3  }
0x1c7: {  	p1 =	sne.s32 s24, $0x0;
	[tilespmem:s1+$0xFFFFFFD0] =	vst @!p0 v4  }
0x1c8: {  	[tilespmem:s1+$0xFFFFFFE0] =	vst @!p0 v4;
	v3 =	vimm.f32 @!p1 $0.0e+00  }
0x1c9: {  	s0 =	simm.s32 $0x40;
	[tilespmem:s1+$0xFFFFFFF0] =	vst @!p1 v3  }
.LBB2_12:
0x1ca: {  	s2 =	sshra.s32 s0, $0x2;
	[tilespmem:s1+$0x0] =	vst @!p1 v3  }
0x1cb: {  	v3 =	vld.idx.msk [tilespmem:v2+s2+$0x0 ss:$0x1], $0xffff;
	_ =	sdelay $0x4  }
0x1cc: {  	vm0 =	vlt.s32 v3, $0x1  }
0x1cd: {  	v3 =	vnsel vm0, $0x1, v3  }
0x1ce: {  	(v2sf) =	vpush v3, $0x0;
	_ =	sdelay $0x1  }
0x1cf: {  	(v2sf) =	vpush v3, $0x1;
	_ =	sdelay $0x1  }
0x1d0: {  	(v2sf) =	vpush v3, $0x2  }
0x1d1: {  	(v2sf) =	vpush v3, $0x3  }
0x1d2: {  	(v2sf) =	vpush v3, $0x4  }
0x1d3: {  	(v2sf) =	vpush v3, $0x5  }
0x1d4: {  	(v2sf) =	vpush v3, $0x6  }
0x1d5: {  	(v2sf) =	vpush v3, $0x7  }
0x1d6: {  	(v2sf) =	vpush v3, $0x8  }
0x1d7: {  	(v2sf) =	vpush v3, $0x9  }
0x1d8: {  	(v2sf) =	vpush v3, $0xA  }
0x1d9: {  	(v2sf) =	vpush v3, $0xB  }
0x1da: {  	(v2sf) =	vpush v3, $0xC  }
0x1db: {  	s0 =	sadd.s32 $0x40, s0;
	(v2sf) =	vpush v3, $0xD;
	s10 =	spop (v2sf)  }
0x1dc: {  	p0 =	sne.s32 s0, $0x200;
	(v2sf) =	vpush v3, $0xE;
	p1 =	sne.s32 s10, $0x0  }
0x1dd: {  	s1 =	sadd.s32 $0x200, s1;
	s2 =	simm.s32 @!p0 $0x0;
	(v2sf) =	vpush v3, $0xF;
	s13 =	spop (v2sf);
	v3 =	vimm.f32 @!p1 $0.0e+00  }
0x1de: {  	s2 =	simm.s32 @p0 $0x1;
	p0 =	sne.s32 s13, $0x0;
	[tilespmem:s1+$0xFFFFFE10] =	vst @!p1 v3  }
0x1df: {  	s14 =	spop (v2sf);
	v4 =	vimm.f32 @!p0 $0.0e+00;
	[tilespmem:s1+$0xFFFFFE20] =	vst @!p1 v3  }
0x1e0: {  	p4 =	sne.s32 s14, $0x0;
	[tilespmem:s1+$0xFFFFFE30] =	vst @!p0 v4  }
0x1e1: {  	s15 =	spop (v2sf);
	v3 =	vimm.f32 @!p4 $0.0e+00;
	[tilespmem:s1+$0xFFFFFE40] =	vst @!p0 v4  }
0x1e2: {  	p3 =	sne.s32 s15, $0x0;
	[tilespmem:s1+$0xFFFFFE50] =	vst @!p4 v3  }
0x1e3: {  	s16 =	spop (v2sf);
	v5 =	vimm.f32 @!p3 $0.0e+00;
	[tilespmem:s1+$0xFFFFFE60] =	vst @!p4 v3  }
0x1e4: {  	p2 =	sne.s32 s16, $0x0;
	s17 =	spop (v2sf);
	[tilespmem:s1+$0xFFFFFE70] =	vst @!p3 v5  }
0x1e5: {  	v4 =	vimm.f32 @!p2 $0.0e+00;
	s18 =	spop (v2sf);
	[tilespmem:s1+$0xFFFFFE80] =	vst @!p3 v5  }
0x1e6: {  	p0 =	sne.s32 s17, $0x0;
	s21 =	spop (v2sf);
	[tilespmem:s1+$0xFFFFFE90] =	vst @!p2 v4  }
0x1e7: {  	v6 =	vimm.f32 @!p0 $0.0e+00;
	[tilespmem:s1+$0xFFFFFEA0] =	vst @!p2 v4;
	s24 =	spop (v2sf)  }
0x1e8: {  	p1 =	sne.s32 s18, $0x0;
	[tilespmem:s1+$0xFFFFFEB0] =	vst @!p0 v6;
	s6 =	spop (v2sf)  }
0x1e9: {  	v3 =	vimm.f32 @!p1 $0.0e+00;
	p4 =	sne.s32 s21, $0x0;
	[tilespmem:s1+$0xFFFFFEC0] =	vst @!p0 v6;
	s8 =	spop (v2sf)  }
0x1ea: {  	[smem:$0x7F5] =	sst s2;
	s2 =	simm.s32 @!p4 $0x0;
	[tilespmem:s1+$0xFFFFFED0] =	vst @!p1 v3;
	p5 =	sne.s32 s8, $0x0  }
0x1eb: {  	[tilespmem:s1+$0xFFFFFEE0] =	vst @!p1 v3;
	s2 =	simm.s32 @p4 $0x1;
	s10 =	spop (v2sf);
	v4 =	vimm.f32 @!p5 $0.0e+00  }
0x1ec: {  	v7 =	vimm.f32 @!p4 $0.0e+00;
	p4 =	sne.s32 s24, $0x0;
	p3 =	sne.s32 s6, $0x0;
	p6 =	sne.s32 s10, $0x0;
	[tilespmem:s1+$0xFFFFFF50] =	vst @!p5 v4  }
0x1ed: {  	[smem:$0x7F2] =	sst s2;
	s2 =	simm.s32 @!p4 $0x0;
	s13 =	spop (v2sf);
	v9 =	vimm.f32 @!p6 $0.0e+00;
	[tilespmem:s1+$0xFFFFFF60] =	vst @!p5 v4  }
0x1ee: {  	v5 =	vimm.f32 @!p4 $0.0e+00;
	s2 =	simm.s32 @p4 $0x1;
	s17 =	sld [smem:$0x7F2];
	p4 =	sne.s32 s13, $0x0;
	[tilespmem:s1+$0xFFFFFF70] =	vst @!p6 v9  }
0x1ef: {  	[smem:$0x7F3] =	sst s2;
	s2 =	simm.s32 @!p3 $0x0;
	v6 =	vimm.f32 @!p4 $0.0e+00;
	[tilespmem:s1+$0xFFFFFF80] =	vst @!p6 v9  }
0x1f0: {  	s2 =	simm.s32 @p3 $0x1;
	s18 =	sld [smem:$0x7F3];
	[tilespmem:s1+$0xFFFFFF90] =	vst @!p4 v6  }
0x1f1: {  	[smem:$0x7F4] =	sst s2;
	p0 =	seq.s32 s17, $0x1;
	[tilespmem:s1+$0xFFFFFFA0] =	vst @!p4 v6  }
0x1f2: {  	[tilespmem:s1+$0xFFFFFEF0] =	vst @!p0 v7;
	s21 =	sld [smem:$0x7F4]  }
0x1f3: {  	[tilespmem:s1+$0xFFFFFF00] =	vst @!p0 v7;
	p0 =	seq.s32 s18, $0x1  }
0x1f4: {  	s24 =	sld [smem:$0x7F5];
	[tilespmem:s1+$0xFFFFFF10] =	vst @!p0 v5  }
0x1f5: {  	v8 =	vimm.f32 @!p3 $0.0e+00;
	s14 =	spop (v2sf);
	[tilespmem:s1+$0xFFFFFF20] =	vst @!p0 v5;
	p0 =	seq.s32 s21, $0x1  }
0x1f6: {  	p3 =	sne.s32 s14, $0x0;
	[tilespmem:s1+$0xFFFFFF30] =	vst @!p0 v8  }
0x1f7: {  	s15 =	spop (v2sf);
	v10 =	vimm.f32 @!p3 $0.0e+00;
	[tilespmem:s1+$0xFFFFFF40] =	vst @!p0 v8;
	p0 =	seq.s32 s24, $0x1  }
.Ltmp9:
0x1f8: {  	p2 =	sne.s32 s15, $0x0;
	[tilespmem:s1+$0xFFFFFFB0] =	vst @!p3 v10;
	(pc) =	sbr.rel @p0 .LBB2_12-.Ltmp9, $4  }
0x1f9: {  	s16 =	spop (v2sf);
	v11 =	vimm.f32 @!p2 $0.0e+00;
	[tilespmem:s1+$0xFFFFFFC0] =	vst @!p3 v10  }
0x1fa: {  	p1 =	sne.s32 s16, $0x0;
	[tilespmem:s1+$0xFFFFFFD0] =	vst @!p2 v11  }
0x1fb: {  	v3 =	vimm.f32 @!p1 $0.0e+00;
	[tilespmem:s1+$0xFFFFFFE0] =	vst @!p2 v11  }
0x1fc: {  	[tilespmem:s1+$0xFFFFFFF0] =	vst @!p1 v3  }
0x1fd: {  	[tilespmem:s1+$0x0] =	vst @!p1 v3  }
.LBB2_14:
0x1fe: {  	(v2sf) =	vpush v1, $0x3;
	_ =	sdelay $0xe  }
0x1ff: {  	s0 =	spop (v2sf)  }
0x200: {  	p0 =	seq.s32 s0, $0x0  }
.Ltmp10:
0x201: {  	_ = 	snop;
	(pc) =	sbr.rel @p0 .LBB2_18-.Ltmp10, $1  }
0x202: {  	_ =	sdelay $0x3  }
0x203: {  	v2 =	vmov s23;
	_ =	sdelay $0x3  }
0x204: {  	s0 =	simm.s32 $0x0  }
0x205: {  	v3 =	vld.idx.msk [tilespmem:v2+s0+$0x0 ss:$0x1], $0xffff;
	_ =	sdelay $0x4  }
0x206: {  	vm0 =	vlt.s32 v3, $0x1  }
0x207: {  	v3 =	vnsel vm0, $0x1, v3  }
0x208: {  	(v2sf) =	vpush v3, $0x0;
	_ =	sdelay $0x1  }
0x209: {  	(v2sf) =	vpush v3, $0x1;
	_ =	sdelay $0x1  }
0x20a: {  	(v2sf) =	vpush v3, $0x2;
	_ =	sdelay $0x1  }
0x20b: {  	(v2sf) =	vpush v3, $0x3;
	_ =	sdelay $0x1  }
0x20c: {  	(v2sf) =	vpush v3, $0x4;
	_ =	sdelay $0x1  }
0x20d: {  	(v2sf) =	vpush v3, $0x5;
	_ =	sdelay $0x1  }
0x20e: {  	(v2sf) =	vpush v3, $0x6;
	_ =	sdelay $0x1  }
0x20f: {  	(v2sf) =	vpush v3, $0x7  }
0x210: {  	s17 =	spop (v2sf)  }
0x211: {  	(v2sf) =	vpush v3, $0x8;
	p0 =	sne.s32 s17, $0x0  }
0x212: {  	s1 =	simm.s32 $0x9A68;
	s18 =	spop (v2sf);
	v4 =	vimm.f32 @!p0 $0.0e+00  }
0x213: {  	(v2sf) =	vpush v3, $0x9;
	p1 =	sne.s32 s18, $0x0;
	[tilespmem:s1+$0xFFFFFE10] =	vst @!p0 v4  }
0x214: {  	s21 =	spop (v2sf);
	v5 =	vimm.f32 @!p1 $0.0e+00;
	[tilespmem:s1+$0xFFFFFE20] =	vst @!p0 v4  }
0x215: {  	(v2sf) =	vpush v3, $0xA;
	p0 =	sne.s32 s21, $0x0;
	[tilespmem:s1+$0xFFFFFE30] =	vst @!p1 v5  }
0x216: {  	s24 =	spop (v2sf);
	v4 =	vimm.f32 @!p0 $0.0e+00;
	[tilespmem:s1+$0xFFFFFE40] =	vst @!p1 v5  }
0x217: {  	(v2sf) =	vpush v3, $0xB;
	p1 =	sne.s32 s24, $0x0;
	[tilespmem:s1+$0xFFFFFE50] =	vst @!p0 v4  }
0x218: {  	s2 =	spop (v2sf);
	v5 =	vimm.f32 @!p1 $0.0e+00;
	[tilespmem:s1+$0xFFFFFE60] =	vst @!p0 v4  }
0x219: {  	(v2sf) =	vpush v3, $0xC;
	p0 =	sne.s32 s2, $0x0;
	[tilespmem:s1+$0xFFFFFE70] =	vst @!p1 v5  }
0x21a: {  	s6 =	spop (v2sf);
	v4 =	vimm.f32 @!p0 $0.0e+00;
	[tilespmem:s1+$0xFFFFFE80] =	vst @!p1 v5  }
0x21b: {  	(v2sf) =	vpush v3, $0xD;
	p1 =	sne.s32 s6, $0x0;
	[tilespmem:s1+$0xFFFFFE90] =	vst @!p0 v4  }
0x21c: {  	s8 =	spop (v2sf);
	v5 =	vimm.f32 @!p1 $0.0e+00;
	[tilespmem:s1+$0xFFFFFEA0] =	vst @!p0 v4  }
0x21d: {  	(v2sf) =	vpush v3, $0xE;
	p0 =	sne.s32 s8, $0x0;
	[tilespmem:s1+$0xFFFFFEB0] =	vst @!p1 v5  }
0x21e: {  	s10 =	spop (v2sf);
	v4 =	vimm.f32 @!p0 $0.0e+00;
	[tilespmem:s1+$0xFFFFFEC0] =	vst @!p1 v5  }
0x21f: {  	(v2sf) =	vpush v3, $0xF;
	p1 =	sne.s32 s10, $0x0;
	[tilespmem:s1+$0xFFFFFED0] =	vst @!p0 v4  }
0x220: {  	v3 =	vimm.f32 @!p1 $0.0e+00;
	[tilespmem:s1+$0xFFFFFEE0] =	vst @!p0 v4;
	s13 =	spop (v2sf)  }
0x221: {  	[tilespmem:s1+$0xFFFFFEF0] =	vst @!p1 v3;
	p0 =	sne.s32 s13, $0x0  }
0x222: {  	[tilespmem:s1+$0xFFFFFF00] =	vst @!p1 v3;
	s14 =	spop (v2sf);
	v4 =	vimm.f32 @!p0 $0.0e+00  }
0x223: {  	p1 =	sne.s32 s14, $0x0;
	[tilespmem:s1+$0xFFFFFF10] =	vst @!p0 v4  }
0x224: {  	s15 =	spop (v2sf);
	v3 =	vimm.f32 @!p1 $0.0e+00;
	[tilespmem:s1+$0xFFFFFF20] =	vst @!p0 v4  }
0x225: {  	p0 =	sne.s32 s15, $0x0;
	[tilespmem:s1+$0xFFFFFF30] =	vst @!p1 v3  }
0x226: {  	s16 =	spop (v2sf);
	v4 =	vimm.f32 @!p0 $0.0e+00;
	[tilespmem:s1+$0xFFFFFF40] =	vst @!p1 v3  }
0x227: {  	p1 =	sne.s32 s16, $0x0;
	[tilespmem:s1+$0xFFFFFF50] =	vst @!p0 v4  }
0x228: {  	s17 =	spop (v2sf);
	v3 =	vimm.f32 @!p1 $0.0e+00;
	[tilespmem:s1+$0xFFFFFF60] =	vst @!p0 v4  }
0x229: {  	p0 =	sne.s32 s17, $0x0;
	[tilespmem:s1+$0xFFFFFF70] =	vst @!p1 v3  }
0x22a: {  	s18 =	spop (v2sf);
	v4 =	vimm.f32 @!p0 $0.0e+00;
	[tilespmem:s1+$0xFFFFFF80] =	vst @!p1 v3  }
0x22b: {  	p1 =	sne.s32 s18, $0x0;
	[tilespmem:s1+$0xFFFFFF90] =	vst @!p0 v4  }
0x22c: {  	s21 =	spop (v2sf);
	v3 =	vimm.f32 @!p1 $0.0e+00;
	[tilespmem:s1+$0xFFFFFFA0] =	vst @!p0 v4  }
0x22d: {  	p0 =	sne.s32 s21, $0x0;
	[tilespmem:s1+$0xFFFFFFB0] =	vst @!p1 v3  }
0x22e: {  	s24 =	spop (v2sf);
	v4 =	vimm.f32 @!p0 $0.0e+00;
	[tilespmem:s1+$0xFFFFFFC0] =	vst @!p1 v3  }
0x22f: {  	p1 =	sne.s32 s24, $0x0;
	[tilespmem:s1+$0xFFFFFFD0] =	vst @!p0 v4  }
0x230: {  	[tilespmem:s1+$0xFFFFFFE0] =	vst @!p0 v4;
	v3 =	vimm.f32 @!p1 $0.0e+00  }
0x231: {  	s0 =	simm.s32 $0x40;
	[tilespmem:s1+$0xFFFFFFF0] =	vst @!p1 v3  }
.LBB2_16:
0x232: {  	s2 =	sshra.s32 s0, $0x2;
	[tilespmem:s1+$0x0] =	vst @!p1 v3  }
0x233: {  	v3 =	vld.idx.msk [tilespmem:v2+s2+$0x0 ss:$0x1], $0xffff;
	_ =	sdelay $0x4  }
0x234: {  	vm0 =	vlt.s32 v3, $0x1  }
0x235: {  	v3 =	vnsel vm0, $0x1, v3  }
0x236: {  	(v2sf) =	vpush v3, $0x0;
	_ =	sdelay $0x1  }
0x237: {  	(v2sf) =	vpush v3, $0x1;
	_ =	sdelay $0x1  }
0x238: {  	(v2sf) =	vpush v3, $0x2  }
0x239: {  	(v2sf) =	vpush v3, $0x3  }
0x23a: {  	(v2sf) =	vpush v3, $0x4  }
0x23b: {  	(v2sf) =	vpush v3, $0x5  }
0x23c: {  	(v2sf) =	vpush v3, $0x6  }
0x23d: {  	(v2sf) =	vpush v3, $0x7  }
0x23e: {  	(v2sf) =	vpush v3, $0x8  }
0x23f: {  	(v2sf) =	vpush v3, $0x9  }
0x240: {  	(v2sf) =	vpush v3, $0xA  }
0x241: {  	(v2sf) =	vpush v3, $0xB  }
0x242: {  	(v2sf) =	vpush v3, $0xC  }
0x243: {  	s0 =	sadd.s32 $0x40, s0;
	(v2sf) =	vpush v3, $0xD;
	s10 =	spop (v2sf)  }
0x244: {  	p0 =	sne.s32 s0, $0x200;
	(v2sf) =	vpush v3, $0xE;
	p1 =	sne.s32 s10, $0x0  }
0x245: {  	s1 =	sadd.s32 $0x200, s1;
	s2 =	simm.s32 @!p0 $0x0;
	(v2sf) =	vpush v3, $0xF;
	s13 =	spop (v2sf);
	v3 =	vimm.f32 @!p1 $0.0e+00  }
0x246: {  	s2 =	simm.s32 @p0 $0x1;
	p0 =	sne.s32 s13, $0x0;
	[tilespmem:s1+$0xFFFFFE10] =	vst @!p1 v3  }
0x247: {  	s14 =	spop (v2sf);
	v4 =	vimm.f32 @!p0 $0.0e+00;
	[tilespmem:s1+$0xFFFFFE20] =	vst @!p1 v3  }
0x248: {  	p4 =	sne.s32 s14, $0x0;
	[tilespmem:s1+$0xFFFFFE30] =	vst @!p0 v4  }
0x249: {  	s15 =	spop (v2sf);
	v3 =	vimm.f32 @!p4 $0.0e+00;
	[tilespmem:s1+$0xFFFFFE40] =	vst @!p0 v4  }
0x24a: {  	p3 =	sne.s32 s15, $0x0;
	[tilespmem:s1+$0xFFFFFE50] =	vst @!p4 v3  }
0x24b: {  	s16 =	spop (v2sf);
	v5 =	vimm.f32 @!p3 $0.0e+00;
	[tilespmem:s1+$0xFFFFFE60] =	vst @!p4 v3  }
0x24c: {  	p2 =	sne.s32 s16, $0x0;
	s17 =	spop (v2sf);
	[tilespmem:s1+$0xFFFFFE70] =	vst @!p3 v5  }
0x24d: {  	v4 =	vimm.f32 @!p2 $0.0e+00;
	s18 =	spop (v2sf);
	[tilespmem:s1+$0xFFFFFE80] =	vst @!p3 v5  }
0x24e: {  	p0 =	sne.s32 s17, $0x0;
	s21 =	spop (v2sf);
	[tilespmem:s1+$0xFFFFFE90] =	vst @!p2 v4  }
0x24f: {  	v6 =	vimm.f32 @!p0 $0.0e+00;
	[tilespmem:s1+$0xFFFFFEA0] =	vst @!p2 v4;
	s24 =	spop (v2sf)  }
0x250: {  	p1 =	sne.s32 s18, $0x0;
	[tilespmem:s1+$0xFFFFFEB0] =	vst @!p0 v6;
	s6 =	spop (v2sf)  }
0x251: {  	v3 =	vimm.f32 @!p1 $0.0e+00;
	p4 =	sne.s32 s21, $0x0;
	[tilespmem:s1+$0xFFFFFEC0] =	vst @!p0 v6;
	s8 =	spop (v2sf)  }
0x252: {  	[smem:$0x7F1] =	sst s2;
	s2 =	simm.s32 @!p4 $0x0;
	[tilespmem:s1+$0xFFFFFED0] =	vst @!p1 v3;
	p5 =	sne.s32 s8, $0x0  }
0x253: {  	[tilespmem:s1+$0xFFFFFEE0] =	vst @!p1 v3;
	s2 =	simm.s32 @p4 $0x1;
	s10 =	spop (v2sf);
	v4 =	vimm.f32 @!p5 $0.0e+00  }
0x254: {  	v7 =	vimm.f32 @!p4 $0.0e+00;
	p4 =	sne.s32 s24, $0x0;
	p3 =	sne.s32 s6, $0x0;
	p6 =	sne.s32 s10, $0x0;
	[tilespmem:s1+$0xFFFFFF50] =	vst @!p5 v4  }
0x255: {  	[smem:$0x7EE] =	sst s2;
	s2 =	simm.s32 @!p4 $0x0;
	s13 =	spop (v2sf);
	v9 =	vimm.f32 @!p6 $0.0e+00;
	[tilespmem:s1+$0xFFFFFF60] =	vst @!p5 v4  }
0x256: {  	v5 =	vimm.f32 @!p4 $0.0e+00;
	s2 =	simm.s32 @p4 $0x1;
	s17 =	sld [smem:$0x7EE];
	p4 =	sne.s32 s13, $0x0;
	[tilespmem:s1+$0xFFFFFF70] =	vst @!p6 v9  }
0x257: {  	[smem:$0x7EF] =	sst s2;
	s2 =	simm.s32 @!p3 $0x0;
	v6 =	vimm.f32 @!p4 $0.0e+00;
	[tilespmem:s1+$0xFFFFFF80] =	vst @!p6 v9  }
0x258: {  	s2 =	simm.s32 @p3 $0x1;
	s18 =	sld [smem:$0x7EF];
	[tilespmem:s1+$0xFFFFFF90] =	vst @!p4 v6  }
0x259: {  	[smem:$0x7F0] =	sst s2;
	p0 =	seq.s32 s17, $0x1;
	[tilespmem:s1+$0xFFFFFFA0] =	vst @!p4 v6  }
0x25a: {  	[tilespmem:s1+$0xFFFFFEF0] =	vst @!p0 v7;
	s21 =	sld [smem:$0x7F0]  }
0x25b: {  	[tilespmem:s1+$0xFFFFFF00] =	vst @!p0 v7;
	p0 =	seq.s32 s18, $0x1  }
0x25c: {  	s24 =	sld [smem:$0x7F1];
	[tilespmem:s1+$0xFFFFFF10] =	vst @!p0 v5  }
0x25d: {  	v8 =	vimm.f32 @!p3 $0.0e+00;
	s14 =	spop (v2sf);
	[tilespmem:s1+$0xFFFFFF20] =	vst @!p0 v5;
	p0 =	seq.s32 s21, $0x1  }
0x25e: {  	p3 =	sne.s32 s14, $0x0;
	[tilespmem:s1+$0xFFFFFF30] =	vst @!p0 v8  }
0x25f: {  	s15 =	spop (v2sf);
	v10 =	vimm.f32 @!p3 $0.0e+00;
	[tilespmem:s1+$0xFFFFFF40] =	vst @!p0 v8;
	p0 =	seq.s32 s24, $0x1  }
.Ltmp11:
0x260: {  	p2 =	sne.s32 s15, $0x0;
	[tilespmem:s1+$0xFFFFFFB0] =	vst @!p3 v10;
	(pc) =	sbr.rel @p0 .LBB2_16-.Ltmp11, $4  }
0x261: {  	s16 =	spop (v2sf);
	v11 =	vimm.f32 @!p2 $0.0e+00;
	[tilespmem:s1+$0xFFFFFFC0] =	vst @!p3 v10  }
0x262: {  	p1 =	sne.s32 s16, $0x0;
	[tilespmem:s1+$0xFFFFFFD0] =	vst @!p2 v11  }
0x263: {  	v3 =	vimm.f32 @!p1 $0.0e+00;
	[tilespmem:s1+$0xFFFFFFE0] =	vst @!p2 v11  }
0x264: {  	[tilespmem:s1+$0xFFFFFFF0] =	vst @!p1 v3  }
0x265: {  	[tilespmem:s1+$0x0] =	vst @!p1 v3  }
.LBB2_18:
0x266: {  	(v2sf) =	vpush v1, $0x4;
	_ =	sdelay $0xe  }
0x267: {  	s0 =	spop (v2sf)  }
0x268: {  	p0 =	seq.s32 s0, $0x0  }
.Ltmp12:
0x269: {  	_ = 	snop;
	(pc) =	sbr.rel @p0 .LBB2_22-.Ltmp12, $2  }
0x26a: {  	_ =	sdelay $0x2  }
0x26b: {  	s1 =	simm.s32 $0x0  }
0x26c: {  	v2 =	vld [tilespmem:s5+$0x0];
	_ =	sdelay $0x4  }
0x26d: {  	vm0 =	vlt.s32 v2, $0x1  }
0x26e: {  	v2 =	vnsel vm0, $0x1, v2  }
0x26f: {  	(v2sf) =	vpush v2, $0x0;
	_ =	sdelay $0x1  }
0x270: {  	(v2sf) =	vpush v2, $0x1;
	_ =	sdelay $0x1  }
0x271: {  	(v2sf) =	vpush v2, $0x2  }
0x272: {  	(v2sf) =	vpush v2, $0x3  }
0x273: {  	(v2sf) =	vpush v2, $0x4  }
0x274: {  	(v2sf) =	vpush v2, $0x5  }
0x275: {  	(v2sf) =	vpush v2, $0x6  }
0x276: {  	(v2sf) =	vpush v2, $0x7  }
0x277: {  	(v2sf) =	vpush v2, $0x8  }
0x278: {  	(v2sf) =	vpush v2, $0x9  }
0x279: {  	(v2sf) =	vpush v2, $0xA  }
0x27a: {  	(v2sf) =	vpush v2, $0xB  }
0x27b: {  	(v2sf) =	vpush v2, $0xC  }
0x27c: {  	(v2sf) =	vpush v2, $0xD;
	s0 =	spop (v2sf)  }
0x27d: {  	(v2sf) =	vpush v2, $0xE;
	p0 =	sne.s32 s0, $0x0  }
0x27e: {  	(v2sf) =	vpush v2, $0xF;
	s16 =	spop (v2sf);
	s2 =	simm.s32 @!p0 $0x0;
	v2 =	vimm.f32 @!p0 $0.0e+00  }
0x27f: {  	p1 =	sne.s32 s16, $0x0;
	[tilespmem:s2+$0xA878] =	vst @!p0 v2  }
0x280: {  	s17 =	spop (v2sf);
	[tilespmem:s2+$0xA888] =	vst @!p0 v2;
	s2 =	simm.s32 @!p1 $0x0;
	v2 =	vimm.f32 @!p1 $0.0e+00  }
0x281: {  	s6 =	spop (v2sf);
	p0 =	sne.s32 s17, $0x0;
	[tilespmem:s2+$0xA898] =	vst @!p1 v2  }
0x282: {  	s18 =	spop (v2sf);
	[tilespmem:s2+$0xA8A8] =	vst @!p1 v2;
	s2 =	simm.s32 @!p0 $0x0;
	v2 =	vimm.f32 @!p0 $0.0e+00  }
0x283: {  	p1 =	sne.s32 s6, $0x0;
	s8 =	spop (v2sf);
	[tilespmem:s2+$0xA8B8] =	vst @!p0 v2  }
0x284: {  	[tilespmem:s2+$0xA8C8] =	vst @!p0 v2;
	s2 =	simm.s32 @!p1 $0x0;
	v2 =	vimm.f32 @!p1 $0.0e+00;
	s21 =	spop (v2sf)  }
0x285: {  	p0 =	sne.s32 s18, $0x0;
	[tilespmem:s2+$0xA8D8] =	vst @!p1 v2;
	s10 =	spop (v2sf)  }
0x286: {  	[tilespmem:s2+$0xA8E8] =	vst @!p1 v2;
	s2 =	simm.s32 @!p0 $0x0;
	v2 =	vimm.f32 @!p0 $0.0e+00;
	s24 =	spop (v2sf)  }
0x287: {  	p1 =	sne.s32 s8, $0x0;
	[tilespmem:s2+$0xA8F8] =	vst @!p0 v2;
	s15 =	spop (v2sf)  }
0x288: {  	[tilespmem:s2+$0xA908] =	vst @!p0 v2;
	s8 =	simm.s32 @!p1 $0x0;
	v2 =	vimm.f32 @!p1 $0.0e+00;
	s14 =	spop (v2sf)  }
0x289: {  	p0 =	sne.s32 s21, $0x0;
	[tilespmem:s8+$0xA918] =	vst @!p1 v2;
	s13 =	spop (v2sf)  }
0x28a: {  	[tilespmem:s8+$0xA928] =	vst @!p1 v2;
	s6 =	simm.s32 @!p0 $0x0;
	v2 =	vimm.f32 @!p0 $0.0e+00;
	s2 =	spop (v2sf)  }
0x28b: {  	s0 =	simm.s32 $0x0;
	p1 =	sne.s32 s10, $0x0;
	[tilespmem:s6+$0xA938] =	vst @!p0 v2;
	s21 =	spop (v2sf)  }
0x28c: {  	s10 =	simm.s32 $0x800;
	[tilespmem:s6+$0xA948] =	vst @!p0 v2;
	s16 =	simm.s32 @!p1 $0x0;
	v2 =	vimm.f32 @!p1 $0.0e+00;
	s8 =	spop (v2sf)  }
0x28d: {  	p2 =	sne.s32 s24, $0x0;
	s24 =	smov.u32 s5;
	[tilespmem:s16+$0xA958] =	vst @!p1 v2;
	s6 =	spop (v2sf)  }
.LBB2_20:
0x28e: {  	[tilespmem:s16+$0xA968] =	vst @!p1 v2;
	s16 =	sshra.s32 @!p2 s0, $0x2  }
0x28f: {  	v2 =	vimm.f32 @!p2 $0.0e+00;
	s24 =	sadd.s32 $0x10, s24;
	s17 =	smov.u32 s10;
	s10 =	sadd.s32 $0x800, s10  }
0x290: {  	p1 =	sne.s32 s15, $0x0;
	p0 =	sne.s32 s10, $0x4000;
	[tilespmem:s16+$0xA978] =	vst @!p2 v2  }
0x291: {  	s15 =	sshra.s32 @!p1 s0, $0x2;
	[tilespmem:s16+$0xA988] =	vst @!p2 v2;
	v2 =	vimm.f32 @!p1 $0.0e+00  }
0x292: {  	p2 =	sne.s32 s14, $0x0;
	[tilespmem:s15+$0xA998] =	vst @!p1 v2  }
0x293: {  	s14 =	sshra.s32 @!p2 s0, $0x2;
	[tilespmem:s15+$0xA9A8] =	vst @!p1 v2;
	v2 =	vimm.f32 @!p2 $0.0e+00  }
0x294: {  	p1 =	sne.s32 s13, $0x0;
	[tilespmem:s14+$0xA9B8] =	vst @!p2 v2  }
0x295: {  	s13 =	sshra.s32 @!p1 s0, $0x2;
	[tilespmem:s14+$0xA9C8] =	vst @!p2 v2;
	v2 =	vimm.f32 @!p1 $0.0e+00  }
0x296: {  	p2 =	sne.s32 s2, $0x0;
	[tilespmem:s13+$0xA9D8] =	vst @!p1 v2  }
0x297: {  	s2 =	sshra.s32 @!p2 s0, $0x2;
	[tilespmem:s13+$0xA9E8] =	vst @!p1 v2;
	v2 =	vimm.f32 @!p2 $0.0e+00  }
0x298: {  	p1 =	sne.s32 s21, $0x0;
	[tilespmem:s2+$0xA9F8] =	vst @!p2 v2  }
0x299: {  	[tilespmem:s2+$0xAA08] =	vst @!p2 v2;
	s2 =	sshra.s32 @!p1 s0, $0x2;
	v2 =	vimm.f32 @!p1 $0.0e+00  }
0x29a: {  	p2 =	sne.s32 s8, $0x0;
	[tilespmem:s2+$0xAA18] =	vst @!p1 v2  }
0x29b: {  	[tilespmem:s2+$0xAA28] =	vst @!p1 v2;
	s2 =	sshra.s32 @!p2 s0, $0x2;
	v2 =	vimm.f32 @!p2 $0.0e+00  }
0x29c: {  	p1 =	sne.s32 s6, $0x0;
	[tilespmem:s2+$0xAA38] =	vst @!p2 v2  }
0x29d: {  	[tilespmem:s2+$0xAA48] =	vst @!p2 v2;
	s2 =	sshra.s32 @!p1 s0, $0x2;
	v2 =	vimm.f32 @!p1 $0.0e+00;
	s0 =	smov.u32 s17  }
0x29e: {  	[tilespmem:s2+$0xAA58] =	vst @!p1 v2  }
0x29f: {  	[tilespmem:s2+$0xAA68] =	vst @!p1 v2  }
0x2a0: {  	v2 =	vld [tilespmem:s24+$0x0];
	_ =	sdelay $0x4  }
0x2a1: {  	vm0 =	vlt.s32 v2, $0x1  }
0x2a2: {  	v2 =	vnsel vm0, $0x1, v2  }
0x2a3: {  	(v2sf) =	vpush v2, $0x0  }
0x2a4: {  	(v2sf) =	vpush v2, $0x1  }
0x2a5: {  	(v2sf) =	vpush v2, $0x2  }
0x2a6: {  	(v2sf) =	vpush v2, $0x3  }
0x2a7: {  	(v2sf) =	vpush v2, $0x4  }
0x2a8: {  	(v2sf) =	vpush v2, $0x5  }
0x2a9: {  	(v2sf) =	vpush v2, $0x6  }
0x2aa: {  	(v2sf) =	vpush v2, $0x7  }
0x2ab: {  	(v2sf) =	vpush v2, $0x8  }
0x2ac: {  	(v2sf) =	vpush v2, $0x9  }
0x2ad: {  	(v2sf) =	vpush v2, $0xA  }
0x2ae: {  	(v2sf) =	vpush v2, $0xB  }
0x2af: {  	(v2sf) =	vpush v2, $0xC  }
0x2b0: {  	(v2sf) =	vpush v2, $0xD  }
0x2b1: {  	(v2sf) =	vpush v2, $0xE  }
0x2b2: {  	s2 =	spop (v2sf);
	(v2sf) =	vpush v2, $0xF  }
0x2b3: {  	p1 =	sne.s32 s2, $0x0;
	s2 =	spop (v2sf)  }
0x2b4: {  	s6 =	sshra.s32 @!p1 s0, $0x2;
	v2 =	vimm.f32 @!p1 $0.0e+00;
	s8 =	spop (v2sf)  }
0x2b5: {  	p2 =	sne.s32 s2, $0x0;
	[tilespmem:s6+$0xA878] =	vst @!p1 v2;
	s2 =	spop (v2sf)  }
0x2b6: {  	[tilespmem:s6+$0xA888] =	vst @!p1 v2;
	s6 =	sshra.s32 @!p2 s0, $0x2;
	v2 =	vimm.f32 @!p2 $0.0e+00;
	s13 =	spop (v2sf)  }
0x2b7: {  	p1 =	sne.s32 s8, $0x0;
	[tilespmem:s6+$0xA898] =	vst @!p2 v2;
	s8 =	spop (v2sf)  }
0x2b8: {  	[tilespmem:s6+$0xA8A8] =	vst @!p2 v2;
	s6 =	sshra.s32 @!p1 s0, $0x2;
	v2 =	vimm.f32 @!p1 $0.0e+00;
	s16 =	spop (v2sf)  }
0x2b9: {  	p2 =	sne.s32 s2, $0x0;
	[tilespmem:s6+$0xA8B8] =	vst @!p1 v2;
	s17 =	spop (v2sf)  }
0x2ba: {  	s2 =	sshra.s32 @!p2 s0, $0x2;
	[tilespmem:s6+$0xA8C8] =	vst @!p1 v2;
	v2 =	vimm.f32 @!p2 $0.0e+00;
	s18 =	spop (v2sf)  }
0x2bb: {  	p1 =	sne.s32 s13, $0x0;
	[tilespmem:s2+$0xA8D8] =	vst @!p2 v2;
	s15 =	spop (v2sf)  }
0x2bc: {  	[tilespmem:s2+$0xA8E8] =	vst @!p2 v2;
	s2 =	sshra.s32 @!p1 s0, $0x2;
	v2 =	vimm.f32 @!p1 $0.0e+00;
	s14 =	spop (v2sf)  }
0x2bd: {  	p2 =	sne.s32 s8, $0x0;
	[tilespmem:s2+$0xA8F8] =	vst @!p1 v2;
	s13 =	spop (v2sf)  }
0x2be: {  	s6 =	sshra.s32 @!p2 s0, $0x2;
	[tilespmem:s2+$0xA908] =	vst @!p1 v2;
	v2 =	vimm.f32 @!p2 $0.0e+00;
	s2 =	spop (v2sf)  }
.Ltmp13:
0x2bf: {  	p3 =	sne.s32 s16, $0x0;
	[tilespmem:s6+$0xA918] =	vst @!p2 v2;
	s21 =	spop (v2sf);
	(pc) =	sbr.rel @p0 .LBB2_20-.Ltmp13, $4  }
0x2c0: {  	s16 =	sshra.s32 @!p3 s0, $0x2;
	[tilespmem:s6+$0xA928] =	vst @!p2 v2;
	v2 =	vimm.f32 @!p3 $0.0e+00;
	s8 =	spop (v2sf)  }
0x2c1: {  	p1 =	sne.s32 s17, $0x0;
	[tilespmem:s16+$0xA938] =	vst @!p3 v2;
	s6 =	spop (v2sf)  }
0x2c2: {  	[tilespmem:s16+$0xA948] =	vst @!p3 v2;
	s16 =	sshra.s32 @!p1 s0, $0x2;
	v2 =	vimm.f32 @!p1 $0.0e+00  }
0x2c3: {  	p2 =	sne.s32 s18, $0x0;
	[tilespmem:s16+$0xA958] =	vst @!p1 v2  }
0x2c4: {  	[tilespmem:s16+$0xA968] =	vst @!p1 v2;
	s10 =	sshra.s32 @!p2 s0, $0x2;
	v2 =	vimm.f32 @!p2 $0.0e+00  }
0x2c5: {  	p0 =	sne.s32 s15, $0x0;
	[tilespmem:s10+$0xA978] =	vst @!p2 v2  }
0x2c6: {  	[tilespmem:s10+$0xA988] =	vst @!p2 v2;
	s10 =	sshra.s32 @!p0 s0, $0x2;
	v2 =	vimm.f32 @!p0 $0.0e+00  }
0x2c7: {  	p1 =	sne.s32 s14, $0x0;
	[tilespmem:s10+$0xA998] =	vst @!p0 v2  }
0x2c8: {  	[tilespmem:s10+$0xA9A8] =	vst @!p0 v2;
	s10 =	sshra.s32 @!p1 s0, $0x2;
	v2 =	vimm.f32 @!p1 $0.0e+00  }
0x2c9: {  	p0 =	sne.s32 s13, $0x0;
	[tilespmem:s10+$0xA9B8] =	vst @!p1 v2  }
0x2ca: {  	[tilespmem:s10+$0xA9C8] =	vst @!p1 v2;
	s10 =	sshra.s32 @!p0 s0, $0x2;
	v2 =	vimm.f32 @!p0 $0.0e+00  }
0x2cb: {  	p1 =	sne.s32 s2, $0x0;
	[tilespmem:s10+$0xA9D8] =	vst @!p0 v2  }
0x2cc: {  	[tilespmem:s10+$0xA9E8] =	vst @!p0 v2;
	s2 =	sshra.s32 @!p1 s0, $0x2;
	v2 =	vimm.f32 @!p1 $0.0e+00  }
0x2cd: {  	p0 =	sne.s32 s21, $0x0;
	[tilespmem:s2+$0xA9F8] =	vst @!p1 v2  }
0x2ce: {  	[tilespmem:s2+$0xAA08] =	vst @!p1 v2;
	s2 =	sshra.s32 @!p0 s0, $0x2;
	v2 =	vimm.f32 @!p0 $0.0e+00  }
0x2cf: {  	p1 =	sne.s32 s8, $0x0;
	[tilespmem:s2+$0xAA18] =	vst @!p0 v2  }
0x2d0: {  	[tilespmem:s2+$0xAA28] =	vst @!p0 v2;
	s2 =	sshra.s32 @!p1 s0, $0x2;
	v2 =	vimm.f32 @!p1 $0.0e+00  }
0x2d1: {  	p0 =	sne.s32 s6, $0x0;
	[tilespmem:s2+$0xAA38] =	vst @!p1 v2  }
0x2d2: {  	[tilespmem:s2+$0xAA48] =	vst @!p1 v2;
	s0 =	sshra.s32 @!p0 s0, $0x2;
	v2 =	vimm.f32 @!p0 $0.0e+00  }
0x2d3: {  	[tilespmem:s0+$0xAA58] =	vst @!p0 v2  }
0x2d4: {  	[tilespmem:s0+$0xAA68] =	vst @!p0 v2  }
.LBB2_22:
0x2d5: {  	(v2sf) =	vpush v1, $0x5;
	_ =	sdelay $0xe  }
0x2d6: {  	s0 =	spop (v2sf)  }
0x2d7: {  	p0 =	seq.s32 s0, $0x0  }
.Ltmp14:
0x2d8: {  	_ = 	snop;
	(pc) =	sbr.rel @p0 .LBB2_26-.Ltmp14, $1  }
0x2d9: {  	_ =	sdelay $0x3  }
0x2da: {  	v2 =	vld [tilespmem:s25+$0x0];
	_ =	sdelay $0x4  }
0x2db: {  	vm0 =	vlt.s32 v2, $0x1  }
0x2dc: {  	v2 =	vnsel vm0, $0x1, v2  }
0x2dd: {  	(v2sf) =	vpush v2, $0x0;
	_ =	sdelay $0x1  }
0x2de: {  	(v2sf) =	vpush v2, $0x1;
	_ =	sdelay $0x1  }
0x2df: {  	(v2sf) =	vpush v2, $0x2  }
0x2e0: {  	(v2sf) =	vpush v2, $0x3  }
0x2e1: {  	(v2sf) =	vpush v2, $0x4  }
0x2e2: {  	(v2sf) =	vpush v2, $0x5  }
0x2e3: {  	(v2sf) =	vpush v2, $0x6  }
0x2e4: {  	(v2sf) =	vpush v2, $0x7  }
0x2e5: {  	(v2sf) =	vpush v2, $0x8  }
0x2e6: {  	(v2sf) =	vpush v2, $0x9  }
0x2e7: {  	(v2sf) =	vpush v2, $0xA  }
0x2e8: {  	(v2sf) =	vpush v2, $0xB  }
0x2e9: {  	(v2sf) =	vpush v2, $0xC  }
0x2ea: {  	(v2sf) =	vpush v2, $0xD;
	s0 =	spop (v2sf)  }
0x2eb: {  	(v2sf) =	vpush v2, $0xE;
	p0 =	sne.s32 s0, $0x0  }
0x2ec: {  	(v2sf) =	vpush v2, $0xF;
	s17 =	spop (v2sf);
	s2 =	simm.s32 @!p0 $0x0;
	v2 =	vimm.f32 @!p0 $0.0e+00  }
0x2ed: {  	p1 =	sne.s32 s17, $0x0;
	[tilespmem:s2+$0xB878] =	vst @!p0 v2  }
0x2ee: {  	s18 =	spop (v2sf);
	[tilespmem:s2+$0xB888] =	vst @!p0 v2;
	s2 =	simm.s32 @!p1 $0x0;
	v2 =	vimm.f32 @!p1 $0.0e+00  }
0x2ef: {  	s6 =	spop (v2sf);
	p0 =	sne.s32 s18, $0x0;
	[tilespmem:s2+$0xB898] =	vst @!p1 v2  }
0x2f0: {  	s21 =	spop (v2sf);
	[tilespmem:s2+$0xB8A8] =	vst @!p1 v2;
	s2 =	simm.s32 @!p0 $0x0;
	v2 =	vimm.f32 @!p0 $0.0e+00  }
0x2f1: {  	p1 =	sne.s32 s6, $0x0;
	s8 =	spop (v2sf);
	[tilespmem:s2+$0xB8B8] =	vst @!p0 v2  }
0x2f2: {  	[tilespmem:s2+$0xB8C8] =	vst @!p0 v2;
	s2 =	simm.s32 @!p1 $0x0;
	v2 =	vimm.f32 @!p1 $0.0e+00;
	s24 =	spop (v2sf)  }
0x2f3: {  	p0 =	sne.s32 s21, $0x0;
	[tilespmem:s2+$0xB8D8] =	vst @!p1 v2;
	s10 =	spop (v2sf)  }
0x2f4: {  	[tilespmem:s2+$0xB8E8] =	vst @!p1 v2;
	s0 =	simm.s32 @!p0 $0x0;
	v2 =	vimm.f32 @!p0 $0.0e+00;
	s17 =	spop (v2sf)  }
0x2f5: {  	p1 =	sne.s32 s8, $0x0;
	[tilespmem:s0+$0xB8F8] =	vst @!p0 v2;
	s15 =	spop (v2sf)  }
0x2f6: {  	[tilespmem:s0+$0xB908] =	vst @!p0 v2;
	s0 =	simm.s32 @!p1 $0x0;
	v2 =	vimm.f32 @!p1 $0.0e+00;
	s14 =	spop (v2sf)  }
0x2f7: {  	p0 =	sne.s32 s24, $0x0;
	[tilespmem:s0+$0xB918] =	vst @!p1 v2;
	s13 =	spop (v2sf)  }
0x2f8: {  	[tilespmem:s0+$0xB928] =	vst @!p1 v2;
	s0 =	simm.s32 @!p0 $0x0;
	v2 =	vimm.f32 @!p0 $0.0e+00;
	s2 =	spop (v2sf)  }
0x2f9: {  	p1 =	sne.s32 s10, $0x0;
	[tilespmem:s0+$0xB938] =	vst @!p0 v2;
	s21 =	spop (v2sf)  }
0x2fa: {  	s10 =	smov.u32 s25;
	[tilespmem:s0+$0xB948] =	vst @!p0 v2;
	s16 =	simm.s32 @!p1 $0x0;
	v2 =	vimm.f32 @!p1 $0.0e+00;
	s8 =	spop (v2sf)  }
0x2fb: {  	s0 =	simm.s32 $0x800;
	p2 =	sne.s32 s17, $0x0;
	[tilespmem:s16+$0xB958] =	vst @!p1 v2;
	s6 =	spop (v2sf)  }
.LBB2_24:
0x2fc: {  	[tilespmem:s16+$0xB968] =	vst @!p1 v2;
	s16 =	sshra.s32 @!p2 s1, $0x2  }
0x2fd: {  	v2 =	vimm.f32 @!p2 $0.0e+00;
	s10 =	sadd.s32 $0x10, s10;
	s17 =	smov.u32 s0;
	s0 =	sadd.s32 $0x800, s0  }
0x2fe: {  	p1 =	sne.s32 s15, $0x0;
	p0 =	sne.s32 s0, $0x4000;
	[tilespmem:s16+$0xB978] =	vst @!p2 v2  }
0x2ff: {  	s15 =	sshra.s32 @!p1 s1, $0x2;
	[tilespmem:s16+$0xB988] =	vst @!p2 v2;
	v2 =	vimm.f32 @!p1 $0.0e+00  }
0x300: {  	p2 =	sne.s32 s14, $0x0;
	[tilespmem:s15+$0xB998] =	vst @!p1 v2  }
0x301: {  	s14 =	sshra.s32 @!p2 s1, $0x2;
	[tilespmem:s15+$0xB9A8] =	vst @!p1 v2;
	v2 =	vimm.f32 @!p2 $0.0e+00  }
0x302: {  	p1 =	sne.s32 s13, $0x0;
	[tilespmem:s14+$0xB9B8] =	vst @!p2 v2  }
0x303: {  	s13 =	sshra.s32 @!p1 s1, $0x2;
	[tilespmem:s14+$0xB9C8] =	vst @!p2 v2;
	v2 =	vimm.f32 @!p1 $0.0e+00  }
0x304: {  	p2 =	sne.s32 s2, $0x0;
	[tilespmem:s13+$0xB9D8] =	vst @!p1 v2  }
0x305: {  	s2 =	sshra.s32 @!p2 s1, $0x2;
	[tilespmem:s13+$0xB9E8] =	vst @!p1 v2;
	v2 =	vimm.f32 @!p2 $0.0e+00  }
0x306: {  	p1 =	sne.s32 s21, $0x0;
	[tilespmem:s2+$0xB9F8] =	vst @!p2 v2  }
0x307: {  	[tilespmem:s2+$0xBA08] =	vst @!p2 v2;
	s2 =	sshra.s32 @!p1 s1, $0x2;
	v2 =	vimm.f32 @!p1 $0.0e+00  }
0x308: {  	p2 =	sne.s32 s8, $0x0;
	[tilespmem:s2+$0xBA18] =	vst @!p1 v2  }
0x309: {  	[tilespmem:s2+$0xBA28] =	vst @!p1 v2;
	s2 =	sshra.s32 @!p2 s1, $0x2;
	v2 =	vimm.f32 @!p2 $0.0e+00  }
0x30a: {  	p1 =	sne.s32 s6, $0x0;
	[tilespmem:s2+$0xBA38] =	vst @!p2 v2  }
0x30b: {  	[tilespmem:s2+$0xBA48] =	vst @!p2 v2;
	s2 =	sshra.s32 @!p1 s1, $0x2;
	v2 =	vimm.f32 @!p1 $0.0e+00;
	s1 =	smov.u32 s17  }
0x30c: {  	[tilespmem:s2+$0xBA58] =	vst @!p1 v2  }
0x30d: {  	[tilespmem:s2+$0xBA68] =	vst @!p1 v2  }
0x30e: {  	v2 =	vld [tilespmem:s10+$0x0];
	_ =	sdelay $0x4  }
0x30f: {  	vm0 =	vlt.s32 v2, $0x1  }
0x310: {  	v2 =	vnsel vm0, $0x1, v2  }
0x311: {  	(v2sf) =	vpush v2, $0x0  }
0x312: {  	(v2sf) =	vpush v2, $0x1  }
0x313: {  	(v2sf) =	vpush v2, $0x2  }
0x314: {  	(v2sf) =	vpush v2, $0x3  }
0x315: {  	(v2sf) =	vpush v2, $0x4  }
0x316: {  	(v2sf) =	vpush v2, $0x5  }
0x317: {  	(v2sf) =	vpush v2, $0x6  }
0x318: {  	(v2sf) =	vpush v2, $0x7  }
0x319: {  	(v2sf) =	vpush v2, $0x8  }
0x31a: {  	(v2sf) =	vpush v2, $0x9  }
0x31b: {  	(v2sf) =	vpush v2, $0xA  }
0x31c: {  	(v2sf) =	vpush v2, $0xB  }
0x31d: {  	(v2sf) =	vpush v2, $0xC  }
0x31e: {  	(v2sf) =	vpush v2, $0xD  }
0x31f: {  	(v2sf) =	vpush v2, $0xE  }
0x320: {  	s2 =	spop (v2sf);
	(v2sf) =	vpush v2, $0xF  }
0x321: {  	p1 =	sne.s32 s2, $0x0;
	s2 =	spop (v2sf)  }
0x322: {  	s6 =	sshra.s32 @!p1 s1, $0x2;
	v2 =	vimm.f32 @!p1 $0.0e+00;
	s8 =	spop (v2sf)  }
0x323: {  	p2 =	sne.s32 s2, $0x0;
	[tilespmem:s6+$0xB878] =	vst @!p1 v2;
	s2 =	spop (v2sf)  }
0x324: {  	[tilespmem:s6+$0xB888] =	vst @!p1 v2;
	s6 =	sshra.s32 @!p2 s1, $0x2;
	v2 =	vimm.f32 @!p2 $0.0e+00;
	s13 =	spop (v2sf)  }
0x325: {  	p1 =	sne.s32 s8, $0x0;
	[tilespmem:s6+$0xB898] =	vst @!p2 v2;
	s8 =	spop (v2sf)  }
0x326: {  	[tilespmem:s6+$0xB8A8] =	vst @!p2 v2;
	s6 =	sshra.s32 @!p1 s1, $0x2;
	v2 =	vimm.f32 @!p1 $0.0e+00;
	s16 =	spop (v2sf)  }
0x327: {  	p2 =	sne.s32 s2, $0x0;
	[tilespmem:s6+$0xB8B8] =	vst @!p1 v2;
	s17 =	spop (v2sf)  }
0x328: {  	s2 =	sshra.s32 @!p2 s1, $0x2;
	[tilespmem:s6+$0xB8C8] =	vst @!p1 v2;
	v2 =	vimm.f32 @!p2 $0.0e+00;
	s18 =	spop (v2sf)  }
0x329: {  	p1 =	sne.s32 s13, $0x0;
	[tilespmem:s2+$0xB8D8] =	vst @!p2 v2;
	s15 =	spop (v2sf)  }
0x32a: {  	[tilespmem:s2+$0xB8E8] =	vst @!p2 v2;
	s2 =	sshra.s32 @!p1 s1, $0x2;
	v2 =	vimm.f32 @!p1 $0.0e+00;
	s14 =	spop (v2sf)  }
0x32b: {  	p2 =	sne.s32 s8, $0x0;
	[tilespmem:s2+$0xB8F8] =	vst @!p1 v2;
	s13 =	spop (v2sf)  }
0x32c: {  	s6 =	sshra.s32 @!p2 s1, $0x2;
	[tilespmem:s2+$0xB908] =	vst @!p1 v2;
	v2 =	vimm.f32 @!p2 $0.0e+00;
	s2 =	spop (v2sf)  }
.Ltmp15:
0x32d: {  	p3 =	sne.s32 s16, $0x0;
	[tilespmem:s6+$0xB918] =	vst @!p2 v2;
	s21 =	spop (v2sf);
	(pc) =	sbr.rel @p0 .LBB2_24-.Ltmp15, $4  }
0x32e: {  	s16 =	sshra.s32 @!p3 s1, $0x2;
	[tilespmem:s6+$0xB928] =	vst @!p2 v2;
	v2 =	vimm.f32 @!p3 $0.0e+00;
	s8 =	spop (v2sf)  }
0x32f: {  	p1 =	sne.s32 s17, $0x0;
	[tilespmem:s16+$0xB938] =	vst @!p3 v2;
	s6 =	spop (v2sf)  }
0x330: {  	[tilespmem:s16+$0xB948] =	vst @!p3 v2;
	s16 =	sshra.s32 @!p1 s1, $0x2;
	v2 =	vimm.f32 @!p1 $0.0e+00  }
0x331: {  	p2 =	sne.s32 s18, $0x0;
	[tilespmem:s16+$0xB958] =	vst @!p1 v2  }
0x332: {  	[tilespmem:s16+$0xB968] =	vst @!p1 v2;
	s0 =	sshra.s32 @!p2 s1, $0x2;
	v2 =	vimm.f32 @!p2 $0.0e+00  }
0x333: {  	p0 =	sne.s32 s15, $0x0;
	[tilespmem:s0+$0xB978] =	vst @!p2 v2  }
0x334: {  	[tilespmem:s0+$0xB988] =	vst @!p2 v2;
	s0 =	sshra.s32 @!p0 s1, $0x2;
	v2 =	vimm.f32 @!p0 $0.0e+00  }
0x335: {  	p1 =	sne.s32 s14, $0x0;
	[tilespmem:s0+$0xB998] =	vst @!p0 v2  }
0x336: {  	[tilespmem:s0+$0xB9A8] =	vst @!p0 v2;
	s0 =	sshra.s32 @!p1 s1, $0x2;
	v2 =	vimm.f32 @!p1 $0.0e+00  }
0x337: {  	p0 =	sne.s32 s13, $0x0;
	[tilespmem:s0+$0xB9B8] =	vst @!p1 v2  }
0x338: {  	[tilespmem:s0+$0xB9C8] =	vst @!p1 v2;
	s0 =	sshra.s32 @!p0 s1, $0x2;
	v2 =	vimm.f32 @!p0 $0.0e+00  }
0x339: {  	p1 =	sne.s32 s2, $0x0;
	[tilespmem:s0+$0xB9D8] =	vst @!p0 v2  }
0x33a: {  	[tilespmem:s0+$0xB9E8] =	vst @!p0 v2;
	s0 =	sshra.s32 @!p1 s1, $0x2;
	v2 =	vimm.f32 @!p1 $0.0e+00  }
0x33b: {  	p0 =	sne.s32 s21, $0x0;
	[tilespmem:s0+$0xB9F8] =	vst @!p1 v2  }
0x33c: {  	[tilespmem:s0+$0xBA08] =	vst @!p1 v2;
	s0 =	sshra.s32 @!p0 s1, $0x2;
	v2 =	vimm.f32 @!p0 $0.0e+00  }
0x33d: {  	p1 =	sne.s32 s8, $0x0;
	[tilespmem:s0+$0xBA18] =	vst @!p0 v2  }
0x33e: {  	[tilespmem:s0+$0xBA28] =	vst @!p0 v2;
	s0 =	sshra.s32 @!p1 s1, $0x2;
	v2 =	vimm.f32 @!p1 $0.0e+00  }
0x33f: {  	p0 =	sne.s32 s6, $0x0;
	[tilespmem:s0+$0xBA38] =	vst @!p1 v2  }
0x340: {  	[tilespmem:s0+$0xBA48] =	vst @!p1 v2;
	s0 =	sshra.s32 @!p0 s1, $0x2;
	v2 =	vimm.f32 @!p0 $0.0e+00  }
0x341: {  	[tilespmem:s0+$0xBA58] =	vst @!p0 v2  }
0x342: {  	[tilespmem:s0+$0xBA68] =	vst @!p0 v2  }
.LBB2_26:
0x343: {  	(v2sf) =	vpush v1, $0x6;
	_ =	sdelay $0xe  }
0x344: {  	s0 =	spop (v2sf)  }
0x345: {  	p0 =	seq.s32 s0, $0x0  }
.Ltmp16:
0x346: {  	_ = 	snop;
	(pc) =	sbr.rel @p0 .LBB2_30-.Ltmp16, $2  }
0x347: {  	_ =	sdelay $0x2  }
0x348: {  	s1 =	simm.s32 $0x0  }
0x349: {  	v2 =	vld [tilespmem:s26+$0x0];
	_ =	sdelay $0x4  }
0x34a: {  	vm0 =	vlt.s32 v2, $0x1  }
0x34b: {  	v2 =	vnsel vm0, $0x1, v2  }
0x34c: {  	(v2sf) =	vpush v2, $0x0;
	_ =	sdelay $0x1  }
0x34d: {  	(v2sf) =	vpush v2, $0x1;
	_ =	sdelay $0x1  }
0x34e: {  	(v2sf) =	vpush v2, $0x2  }
0x34f: {  	(v2sf) =	vpush v2, $0x3  }
0x350: {  	(v2sf) =	vpush v2, $0x4  }
0x351: {  	(v2sf) =	vpush v2, $0x5  }
0x352: {  	(v2sf) =	vpush v2, $0x6  }
0x353: {  	(v2sf) =	vpush v2, $0x7  }
0x354: {  	(v2sf) =	vpush v2, $0x8  }
0x355: {  	(v2sf) =	vpush v2, $0x9  }
0x356: {  	(v2sf) =	vpush v2, $0xA  }
0x357: {  	(v2sf) =	vpush v2, $0xB  }
0x358: {  	(v2sf) =	vpush v2, $0xC  }
0x359: {  	(v2sf) =	vpush v2, $0xD;
	s0 =	spop (v2sf)  }
0x35a: {  	(v2sf) =	vpush v2, $0xE;
	p0 =	sne.s32 s0, $0x0  }
0x35b: {  	(v2sf) =	vpush v2, $0xF;
	s16 =	spop (v2sf);
	s2 =	simm.s32 @!p0 $0x0;
	v2 =	vimm.f32 @!p0 $0.0e+00  }
0x35c: {  	p1 =	sne.s32 s16, $0x0;
	[tilespmem:s2+$0xC878] =	vst @!p0 v2  }
0x35d: {  	s17 =	spop (v2sf);
	[tilespmem:s2+$0xC888] =	vst @!p0 v2;
	s2 =	simm.s32 @!p1 $0x0;
	v2 =	vimm.f32 @!p1 $0.0e+00  }
0x35e: {  	s6 =	spop (v2sf);
	p0 =	sne.s32 s17, $0x0;
	[tilespmem:s2+$0xC898] =	vst @!p1 v2  }
0x35f: {  	s18 =	spop (v2sf);
	[tilespmem:s2+$0xC8A8] =	vst @!p1 v2;
	s2 =	simm.s32 @!p0 $0x0;
	v2 =	vimm.f32 @!p0 $0.0e+00  }
0x360: {  	p1 =	sne.s32 s6, $0x0;
	s8 =	spop (v2sf);
	[tilespmem:s2+$0xC8B8] =	vst @!p0 v2  }
0x361: {  	[tilespmem:s2+$0xC8C8] =	vst @!p0 v2;
	s2 =	simm.s32 @!p1 $0x0;
	v2 =	vimm.f32 @!p1 $0.0e+00;
	s21 =	spop (v2sf)  }
0x362: {  	p0 =	sne.s32 s18, $0x0;
	[tilespmem:s2+$0xC8D8] =	vst @!p1 v2;
	s10 =	spop (v2sf)  }
0x363: {  	[tilespmem:s2+$0xC8E8] =	vst @!p1 v2;
	s2 =	simm.s32 @!p0 $0x0;
	v2 =	vimm.f32 @!p0 $0.0e+00;
	s24 =	spop (v2sf)  }
0x364: {  	p1 =	sne.s32 s8, $0x0;
	[tilespmem:s2+$0xC8F8] =	vst @!p0 v2;
	s15 =	spop (v2sf)  }
0x365: {  	[tilespmem:s2+$0xC908] =	vst @!p0 v2;
	s8 =	simm.s32 @!p1 $0x0;
	v2 =	vimm.f32 @!p1 $0.0e+00;
	s14 =	spop (v2sf)  }
0x366: {  	p0 =	sne.s32 s21, $0x0;
	[tilespmem:s8+$0xC918] =	vst @!p1 v2;
	s13 =	spop (v2sf)  }
0x367: {  	[tilespmem:s8+$0xC928] =	vst @!p1 v2;
	s6 =	simm.s32 @!p0 $0x0;
	v2 =	vimm.f32 @!p0 $0.0e+00;
	s2 =	spop (v2sf)  }
0x368: {  	s0 =	simm.s32 $0x0;
	p1 =	sne.s32 s10, $0x0;
	[tilespmem:s6+$0xC938] =	vst @!p0 v2;
	s21 =	spop (v2sf)  }
0x369: {  	s10 =	simm.s32 $0x800;
	[tilespmem:s6+$0xC948] =	vst @!p0 v2;
	s16 =	simm.s32 @!p1 $0x0;
	v2 =	vimm.f32 @!p1 $0.0e+00;
	s8 =	spop (v2sf)  }
0x36a: {  	p2 =	sne.s32 s24, $0x0;
	s24 =	smov.u32 s26;
	[tilespmem:s16+$0xC958] =	vst @!p1 v2;
	s6 =	spop (v2sf)  }
.LBB2_28:
0x36b: {  	[tilespmem:s16+$0xC968] =	vst @!p1 v2;
	s16 =	sshra.s32 @!p2 s0, $0x2  }
0x36c: {  	v2 =	vimm.f32 @!p2 $0.0e+00;
	s24 =	sadd.s32 $0x10, s24;
	s17 =	smov.u32 s10;
	s10 =	sadd.s32 $0x800, s10  }
0x36d: {  	p1 =	sne.s32 s15, $0x0;
	p0 =	sne.s32 s10, $0x4000;
	[tilespmem:s16+$0xC978] =	vst @!p2 v2  }
0x36e: {  	s15 =	sshra.s32 @!p1 s0, $0x2;
	[tilespmem:s16+$0xC988] =	vst @!p2 v2;
	v2 =	vimm.f32 @!p1 $0.0e+00  }
0x36f: {  	p2 =	sne.s32 s14, $0x0;
	[tilespmem:s15+$0xC998] =	vst @!p1 v2  }
0x370: {  	s14 =	sshra.s32 @!p2 s0, $0x2;
	[tilespmem:s15+$0xC9A8] =	vst @!p1 v2;
	v2 =	vimm.f32 @!p2 $0.0e+00  }
0x371: {  	p1 =	sne.s32 s13, $0x0;
	[tilespmem:s14+$0xC9B8] =	vst @!p2 v2  }
0x372: {  	s13 =	sshra.s32 @!p1 s0, $0x2;
	[tilespmem:s14+$0xC9C8] =	vst @!p2 v2;
	v2 =	vimm.f32 @!p1 $0.0e+00  }
0x373: {  	p2 =	sne.s32 s2, $0x0;
	[tilespmem:s13+$0xC9D8] =	vst @!p1 v2  }
0x374: {  	s2 =	sshra.s32 @!p2 s0, $0x2;
	[tilespmem:s13+$0xC9E8] =	vst @!p1 v2;
	v2 =	vimm.f32 @!p2 $0.0e+00  }
0x375: {  	p1 =	sne.s32 s21, $0x0;
	[tilespmem:s2+$0xC9F8] =	vst @!p2 v2  }
0x376: {  	[tilespmem:s2+$0xCA08] =	vst @!p2 v2;
	s2 =	sshra.s32 @!p1 s0, $0x2;
	v2 =	vimm.f32 @!p1 $0.0e+00  }
0x377: {  	p2 =	sne.s32 s8, $0x0;
	[tilespmem:s2+$0xCA18] =	vst @!p1 v2  }
0x378: {  	[tilespmem:s2+$0xCA28] =	vst @!p1 v2;
	s2 =	sshra.s32 @!p2 s0, $0x2;
	v2 =	vimm.f32 @!p2 $0.0e+00  }
0x379: {  	p1 =	sne.s32 s6, $0x0;
	[tilespmem:s2+$0xCA38] =	vst @!p2 v2  }
0x37a: {  	[tilespmem:s2+$0xCA48] =	vst @!p2 v2;
	s2 =	sshra.s32 @!p1 s0, $0x2;
	v2 =	vimm.f32 @!p1 $0.0e+00;
	s0 =	smov.u32 s17  }
0x37b: {  	[tilespmem:s2+$0xCA58] =	vst @!p1 v2  }
0x37c: {  	[tilespmem:s2+$0xCA68] =	vst @!p1 v2  }
0x37d: {  	v2 =	vld [tilespmem:s24+$0x0];
	_ =	sdelay $0x4  }
0x37e: {  	vm0 =	vlt.s32 v2, $0x1  }
0x37f: {  	v2 =	vnsel vm0, $0x1, v2  }
0x380: {  	(v2sf) =	vpush v2, $0x0  }
0x381: {  	(v2sf) =	vpush v2, $0x1  }
0x382: {  	(v2sf) =	vpush v2, $0x2  }
0x383: {  	(v2sf) =	vpush v2, $0x3  }
0x384: {  	(v2sf) =	vpush v2, $0x4  }
0x385: {  	(v2sf) =	vpush v2, $0x5  }
0x386: {  	(v2sf) =	vpush v2, $0x6  }
0x387: {  	(v2sf) =	vpush v2, $0x7  }
0x388: {  	(v2sf) =	vpush v2, $0x8  }
0x389: {  	(v2sf) =	vpush v2, $0x9  }
0x38a: {  	(v2sf) =	vpush v2, $0xA  }
0x38b: {  	(v2sf) =	vpush v2, $0xB  }
0x38c: {  	(v2sf) =	vpush v2, $0xC  }
0x38d: {  	(v2sf) =	vpush v2, $0xD  }
0x38e: {  	(v2sf) =	vpush v2, $0xE  }
0x38f: {  	s2 =	spop (v2sf);
	(v2sf) =	vpush v2, $0xF  }
0x390: {  	p1 =	sne.s32 s2, $0x0;
	s2 =	spop (v2sf)  }
0x391: {  	s6 =	sshra.s32 @!p1 s0, $0x2;
	v2 =	vimm.f32 @!p1 $0.0e+00;
	s8 =	spop (v2sf)  }
0x392: {  	p2 =	sne.s32 s2, $0x0;
	[tilespmem:s6+$0xC878] =	vst @!p1 v2;
	s2 =	spop (v2sf)  }
0x393: {  	[tilespmem:s6+$0xC888] =	vst @!p1 v2;
	s6 =	sshra.s32 @!p2 s0, $0x2;
	v2 =	vimm.f32 @!p2 $0.0e+00;
	s13 =	spop (v2sf)  }
0x394: {  	p1 =	sne.s32 s8, $0x0;
	[tilespmem:s6+$0xC898] =	vst @!p2 v2;
	s8 =	spop (v2sf)  }
0x395: {  	[tilespmem:s6+$0xC8A8] =	vst @!p2 v2;
	s6 =	sshra.s32 @!p1 s0, $0x2;
	v2 =	vimm.f32 @!p1 $0.0e+00;
	s16 =	spop (v2sf)  }
0x396: {  	p2 =	sne.s32 s2, $0x0;
	[tilespmem:s6+$0xC8B8] =	vst @!p1 v2;
	s17 =	spop (v2sf)  }
0x397: {  	s2 =	sshra.s32 @!p2 s0, $0x2;
	[tilespmem:s6+$0xC8C8] =	vst @!p1 v2;
	v2 =	vimm.f32 @!p2 $0.0e+00;
	s18 =	spop (v2sf)  }
0x398: {  	p1 =	sne.s32 s13, $0x0;
	[tilespmem:s2+$0xC8D8] =	vst @!p2 v2;
	s15 =	spop (v2sf)  }
0x399: {  	[tilespmem:s2+$0xC8E8] =	vst @!p2 v2;
	s2 =	sshra.s32 @!p1 s0, $0x2;
	v2 =	vimm.f32 @!p1 $0.0e+00;
	s14 =	spop (v2sf)  }
0x39a: {  	p2 =	sne.s32 s8, $0x0;
	[tilespmem:s2+$0xC8F8] =	vst @!p1 v2;
	s13 =	spop (v2sf)  }
0x39b: {  	s6 =	sshra.s32 @!p2 s0, $0x2;
	[tilespmem:s2+$0xC908] =	vst @!p1 v2;
	v2 =	vimm.f32 @!p2 $0.0e+00;
	s2 =	spop (v2sf)  }
.Ltmp17:
0x39c: {  	p3 =	sne.s32 s16, $0x0;
	[tilespmem:s6+$0xC918] =	vst @!p2 v2;
	s21 =	spop (v2sf);
	(pc) =	sbr.rel @p0 .LBB2_28-.Ltmp17, $4  }
0x39d: {  	s16 =	sshra.s32 @!p3 s0, $0x2;
	[tilespmem:s6+$0xC928] =	vst @!p2 v2;
	v2 =	vimm.f32 @!p3 $0.0e+00;
	s8 =	spop (v2sf)  }
0x39e: {  	p1 =	sne.s32 s17, $0x0;
	[tilespmem:s16+$0xC938] =	vst @!p3 v2;
	s6 =	spop (v2sf)  }
0x39f: {  	[tilespmem:s16+$0xC948] =	vst @!p3 v2;
	s16 =	sshra.s32 @!p1 s0, $0x2;
	v2 =	vimm.f32 @!p1 $0.0e+00  }
0x3a0: {  	p2 =	sne.s32 s18, $0x0;
	[tilespmem:s16+$0xC958] =	vst @!p1 v2  }
0x3a1: {  	[tilespmem:s16+$0xC968] =	vst @!p1 v2;
	s10 =	sshra.s32 @!p2 s0, $0x2;
	v2 =	vimm.f32 @!p2 $0.0e+00  }
0x3a2: {  	p0 =	sne.s32 s15, $0x0;
	[tilespmem:s10+$0xC978] =	vst @!p2 v2  }
0x3a3: {  	[tilespmem:s10+$0xC988] =	vst @!p2 v2;
	s10 =	sshra.s32 @!p0 s0, $0x2;
	v2 =	vimm.f32 @!p0 $0.0e+00  }
0x3a4: {  	p1 =	sne.s32 s14, $0x0;
	[tilespmem:s10+$0xC998] =	vst @!p0 v2  }
0x3a5: {  	[tilespmem:s10+$0xC9A8] =	vst @!p0 v2;
	s10 =	sshra.s32 @!p1 s0, $0x2;
	v2 =	vimm.f32 @!p1 $0.0e+00  }
0x3a6: {  	p0 =	sne.s32 s13, $0x0;
	[tilespmem:s10+$0xC9B8] =	vst @!p1 v2  }
0x3a7: {  	[tilespmem:s10+$0xC9C8] =	vst @!p1 v2;
	s10 =	sshra.s32 @!p0 s0, $0x2;
	v2 =	vimm.f32 @!p0 $0.0e+00  }
0x3a8: {  	p1 =	sne.s32 s2, $0x0;
	[tilespmem:s10+$0xC9D8] =	vst @!p0 v2  }
0x3a9: {  	[tilespmem:s10+$0xC9E8] =	vst @!p0 v2;
	s2 =	sshra.s32 @!p1 s0, $0x2;
	v2 =	vimm.f32 @!p1 $0.0e+00  }
0x3aa: {  	p0 =	sne.s32 s21, $0x0;
	[tilespmem:s2+$0xC9F8] =	vst @!p1 v2  }
0x3ab: {  	[tilespmem:s2+$0xCA08] =	vst @!p1 v2;
	s2 =	sshra.s32 @!p0 s0, $0x2;
	v2 =	vimm.f32 @!p0 $0.0e+00  }
0x3ac: {  	p1 =	sne.s32 s8, $0x0;
	[tilespmem:s2+$0xCA18] =	vst @!p0 v2  }
0x3ad: {  	[tilespmem:s2+$0xCA28] =	vst @!p0 v2;
	s2 =	sshra.s32 @!p1 s0, $0x2;
	v2 =	vimm.f32 @!p1 $0.0e+00  }
0x3ae: {  	p0 =	sne.s32 s6, $0x0;
	[tilespmem:s2+$0xCA38] =	vst @!p1 v2  }
0x3af: {  	[tilespmem:s2+$0xCA48] =	vst @!p1 v2;
	s0 =	sshra.s32 @!p0 s0, $0x2;
	v2 =	vimm.f32 @!p0 $0.0e+00  }
0x3b0: {  	[tilespmem:s0+$0xCA58] =	vst @!p0 v2  }
0x3b1: {  	[tilespmem:s0+$0xCA68] =	vst @!p0 v2  }
.LBB2_30:
0x3b2: {  	(v2sf) =	vpush v1, $0x7;
	_ =	sdelay $0xe  }
0x3b3: {  	s0 =	spop (v2sf)  }
0x3b4: {  	p0 =	seq.s32 s0, $0x0  }
.Ltmp18:
0x3b5: {  	_ = 	snop;
	(pc) =	sbr.rel @p0 .LBB2_34-.Ltmp18, $1  }
0x3b6: {  	_ =	sdelay $0x3  }
0x3b7: {  	v1 =	vld [tilespmem:s28+$0x0];
	_ =	sdelay $0x4  }
0x3b8: {  	vm0 =	vlt.s32 v1, $0x1  }
0x3b9: {  	v1 =	vnsel vm0, $0x1, v1  }
0x3ba: {  	(v2sf) =	vpush v1, $0x0;
	_ =	sdelay $0x1  }
0x3bb: {  	(v2sf) =	vpush v1, $0x1;
	_ =	sdelay $0x1  }
0x3bc: {  	(v2sf) =	vpush v1, $0x2  }
0x3bd: {  	(v2sf) =	vpush v1, $0x3  }
0x3be: {  	(v2sf) =	vpush v1, $0x4  }
0x3bf: {  	(v2sf) =	vpush v1, $0x5  }
0x3c0: {  	(v2sf) =	vpush v1, $0x6  }
0x3c1: {  	(v2sf) =	vpush v1, $0x7  }
0x3c2: {  	(v2sf) =	vpush v1, $0x8  }
0x3c3: {  	(v2sf) =	vpush v1, $0x9  }
0x3c4: {  	(v2sf) =	vpush v1, $0xA  }
0x3c5: {  	(v2sf) =	vpush v1, $0xB  }
0x3c6: {  	(v2sf) =	vpush v1, $0xC  }
0x3c7: {  	(v2sf) =	vpush v1, $0xD;
	s0 =	spop (v2sf)  }
0x3c8: {  	(v2sf) =	vpush v1, $0xE;
	p0 =	sne.s32 s0, $0x0  }
0x3c9: {  	(v2sf) =	vpush v1, $0xF;
	s17 =	spop (v2sf);
	s2 =	simm.s32 @!p0 $0x0;
	v1 =	vimm.f32 @!p0 $0.0e+00  }
0x3ca: {  	p1 =	sne.s32 s17, $0x0;
	[tilespmem:s2+$0xD878] =	vst @!p0 v1  }
0x3cb: {  	s18 =	spop (v2sf);
	[tilespmem:s2+$0xD888] =	vst @!p0 v1;
	s2 =	simm.s32 @!p1 $0x0;
	v1 =	vimm.f32 @!p1 $0.0e+00  }
0x3cc: {  	s6 =	spop (v2sf);
	p0 =	sne.s32 s18, $0x0;
	[tilespmem:s2+$0xD898] =	vst @!p1 v1  }
0x3cd: {  	s21 =	spop (v2sf);
	[tilespmem:s2+$0xD8A8] =	vst @!p1 v1;
	s2 =	simm.s32 @!p0 $0x0;
	v1 =	vimm.f32 @!p0 $0.0e+00  }
0x3ce: {  	p1 =	sne.s32 s6, $0x0;
	s8 =	spop (v2sf);
	[tilespmem:s2+$0xD8B8] =	vst @!p0 v1  }
0x3cf: {  	[tilespmem:s2+$0xD8C8] =	vst @!p0 v1;
	s2 =	simm.s32 @!p1 $0x0;
	v1 =	vimm.f32 @!p1 $0.0e+00;
	s24 =	spop (v2sf)  }
0x3d0: {  	p0 =	sne.s32 s21, $0x0;
	[tilespmem:s2+$0xD8D8] =	vst @!p1 v1;
	s10 =	spop (v2sf)  }
0x3d1: {  	[tilespmem:s2+$0xD8E8] =	vst @!p1 v1;
	s0 =	simm.s32 @!p0 $0x0;
	v1 =	vimm.f32 @!p0 $0.0e+00;
	s17 =	spop (v2sf)  }
0x3d2: {  	p1 =	sne.s32 s8, $0x0;
	[tilespmem:s0+$0xD8F8] =	vst @!p0 v1;
	s15 =	spop (v2sf)  }
0x3d3: {  	[tilespmem:s0+$0xD908] =	vst @!p0 v1;
	s0 =	simm.s32 @!p1 $0x0;
	v1 =	vimm.f32 @!p1 $0.0e+00;
	s14 =	spop (v2sf)  }
0x3d4: {  	p0 =	sne.s32 s24, $0x0;
	[tilespmem:s0+$0xD918] =	vst @!p1 v1;
	s13 =	spop (v2sf)  }
0x3d5: {  	[tilespmem:s0+$0xD928] =	vst @!p1 v1;
	s0 =	simm.s32 @!p0 $0x0;
	v1 =	vimm.f32 @!p0 $0.0e+00;
	s2 =	spop (v2sf)  }
0x3d6: {  	p1 =	sne.s32 s10, $0x0;
	[tilespmem:s0+$0xD938] =	vst @!p0 v1;
	s21 =	spop (v2sf)  }
0x3d7: {  	s10 =	smov.u32 s28;
	[tilespmem:s0+$0xD948] =	vst @!p0 v1;
	s16 =	simm.s32 @!p1 $0x0;
	v1 =	vimm.f32 @!p1 $0.0e+00;
	s8 =	spop (v2sf)  }
0x3d8: {  	s0 =	simm.s32 $0x800;
	p2 =	sne.s32 s17, $0x0;
	[tilespmem:s16+$0xD958] =	vst @!p1 v1;
	s6 =	spop (v2sf)  }
.LBB2_32:
0x3d9: {  	[tilespmem:s16+$0xD968] =	vst @!p1 v1;
	s16 =	sshra.s32 @!p2 s1, $0x2  }
0x3da: {  	v1 =	vimm.f32 @!p2 $0.0e+00;
	s10 =	sadd.s32 $0x10, s10;
	s17 =	smov.u32 s0;
	s0 =	sadd.s32 $0x800, s0  }
0x3db: {  	p1 =	sne.s32 s15, $0x0;
	p0 =	sne.s32 s0, $0x4000;
	[tilespmem:s16+$0xD978] =	vst @!p2 v1  }
0x3dc: {  	s15 =	sshra.s32 @!p1 s1, $0x2;
	[tilespmem:s16+$0xD988] =	vst @!p2 v1;
	v1 =	vimm.f32 @!p1 $0.0e+00  }
0x3dd: {  	p2 =	sne.s32 s14, $0x0;
	[tilespmem:s15+$0xD998] =	vst @!p1 v1  }
0x3de: {  	s14 =	sshra.s32 @!p2 s1, $0x2;
	[tilespmem:s15+$0xD9A8] =	vst @!p1 v1;
	v1 =	vimm.f32 @!p2 $0.0e+00  }
0x3df: {  	p1 =	sne.s32 s13, $0x0;
	[tilespmem:s14+$0xD9B8] =	vst @!p2 v1  }
0x3e0: {  	s13 =	sshra.s32 @!p1 s1, $0x2;
	[tilespmem:s14+$0xD9C8] =	vst @!p2 v1;
	v1 =	vimm.f32 @!p1 $0.0e+00  }
0x3e1: {  	p2 =	sne.s32 s2, $0x0;
	[tilespmem:s13+$0xD9D8] =	vst @!p1 v1  }
0x3e2: {  	s2 =	sshra.s32 @!p2 s1, $0x2;
	[tilespmem:s13+$0xD9E8] =	vst @!p1 v1;
	v1 =	vimm.f32 @!p2 $0.0e+00  }
0x3e3: {  	p1 =	sne.s32 s21, $0x0;
	[tilespmem:s2+$0xD9F8] =	vst @!p2 v1  }
0x3e4: {  	[tilespmem:s2+$0xDA08] =	vst @!p2 v1;
	s2 =	sshra.s32 @!p1 s1, $0x2;
	v1 =	vimm.f32 @!p1 $0.0e+00  }
0x3e5: {  	p2 =	sne.s32 s8, $0x0;
	[tilespmem:s2+$0xDA18] =	vst @!p1 v1  }
0x3e6: {  	[tilespmem:s2+$0xDA28] =	vst @!p1 v1;
	s2 =	sshra.s32 @!p2 s1, $0x2;
	v1 =	vimm.f32 @!p2 $0.0e+00  }
0x3e7: {  	p1 =	sne.s32 s6, $0x0;
	[tilespmem:s2+$0xDA38] =	vst @!p2 v1  }
0x3e8: {  	[tilespmem:s2+$0xDA48] =	vst @!p2 v1;
	s2 =	sshra.s32 @!p1 s1, $0x2;
	v1 =	vimm.f32 @!p1 $0.0e+00;
	s1 =	smov.u32 s17  }
0x3e9: {  	[tilespmem:s2+$0xDA58] =	vst @!p1 v1  }
0x3ea: {  	[tilespmem:s2+$0xDA68] =	vst @!p1 v1  }
0x3eb: {  	v1 =	vld [tilespmem:s10+$0x0];
	_ =	sdelay $0x4  }
0x3ec: {  	vm0 =	vlt.s32 v1, $0x1  }
0x3ed: {  	v1 =	vnsel vm0, $0x1, v1  }
0x3ee: {  	(v2sf) =	vpush v1, $0x0  }
0x3ef: {  	(v2sf) =	vpush v1, $0x1  }
0x3f0: {  	(v2sf) =	vpush v1, $0x2  }
0x3f1: {  	(v2sf) =	vpush v1, $0x3  }
0x3f2: {  	(v2sf) =	vpush v1, $0x4  }
0x3f3: {  	(v2sf) =	vpush v1, $0x5  }
0x3f4: {  	(v2sf) =	vpush v1, $0x6  }
0x3f5: {  	(v2sf) =	vpush v1, $0x7  }
0x3f6: {  	(v2sf) =	vpush v1, $0x8  }
0x3f7: {  	(v2sf) =	vpush v1, $0x9  }
0x3f8: {  	(v2sf) =	vpush v1, $0xA  }
0x3f9: {  	(v2sf) =	vpush v1, $0xB  }
0x3fa: {  	(v2sf) =	vpush v1, $0xC  }
0x3fb: {  	(v2sf) =	vpush v1, $0xD  }
0x3fc: {  	(v2sf) =	vpush v1, $0xE  }
0x3fd: {  	s2 =	spop (v2sf);
	(v2sf) =	vpush v1, $0xF  }
0x3fe: {  	p1 =	sne.s32 s2, $0x0;
	s2 =	spop (v2sf)  }
0x3ff: {  	s6 =	sshra.s32 @!p1 s1, $0x2;
	v1 =	vimm.f32 @!p1 $0.0e+00;
	s8 =	spop (v2sf)  }
0x400: {  	p2 =	sne.s32 s2, $0x0;
	[tilespmem:s6+$0xD878] =	vst @!p1 v1;
	s2 =	spop (v2sf)  }
0x401: {  	[tilespmem:s6+$0xD888] =	vst @!p1 v1;
	s6 =	sshra.s32 @!p2 s1, $0x2;
	v1 =	vimm.f32 @!p2 $0.0e+00;
	s13 =	spop (v2sf)  }
0x402: {  	p1 =	sne.s32 s8, $0x0;
	[tilespmem:s6+$0xD898] =	vst @!p2 v1;
	s8 =	spop (v2sf)  }
0x403: {  	[tilespmem:s6+$0xD8A8] =	vst @!p2 v1;
	s6 =	sshra.s32 @!p1 s1, $0x2;
	v1 =	vimm.f32 @!p1 $0.0e+00;
	s16 =	spop (v2sf)  }
0x404: {  	p2 =	sne.s32 s2, $0x0;
	[tilespmem:s6+$0xD8B8] =	vst @!p1 v1;
	s17 =	spop (v2sf)  }
0x405: {  	s2 =	sshra.s32 @!p2 s1, $0x2;
	[tilespmem:s6+$0xD8C8] =	vst @!p1 v1;
	v1 =	vimm.f32 @!p2 $0.0e+00;
	s18 =	spop (v2sf)  }
0x406: {  	p1 =	sne.s32 s13, $0x0;
	[tilespmem:s2+$0xD8D8] =	vst @!p2 v1;
	s15 =	spop (v2sf)  }
0x407: {  	[tilespmem:s2+$0xD8E8] =	vst @!p2 v1;
	s2 =	sshra.s32 @!p1 s1, $0x2;
	v1 =	vimm.f32 @!p1 $0.0e+00;
	s14 =	spop (v2sf)  }
0x408: {  	p2 =	sne.s32 s8, $0x0;
	[tilespmem:s2+$0xD8F8] =	vst @!p1 v1;
	s13 =	spop (v2sf)  }
0x409: {  	s6 =	sshra.s32 @!p2 s1, $0x2;
	[tilespmem:s2+$0xD908] =	vst @!p1 v1;
	v1 =	vimm.f32 @!p2 $0.0e+00;
	s2 =	spop (v2sf)  }
.Ltmp19:
0x40a: {  	p3 =	sne.s32 s16, $0x0;
	[tilespmem:s6+$0xD918] =	vst @!p2 v1;
	s21 =	spop (v2sf);
	(pc) =	sbr.rel @p0 .LBB2_32-.Ltmp19, $4  }
0x40b: {  	s16 =	sshra.s32 @!p3 s1, $0x2;
	[tilespmem:s6+$0xD928] =	vst @!p2 v1;
	v1 =	vimm.f32 @!p3 $0.0e+00;
	s8 =	spop (v2sf)  }
0x40c: {  	p1 =	sne.s32 s17, $0x0;
	[tilespmem:s16+$0xD938] =	vst @!p3 v1;
	s6 =	spop (v2sf)  }
0x40d: {  	[tilespmem:s16+$0xD948] =	vst @!p3 v1;
	s16 =	sshra.s32 @!p1 s1, $0x2;
	v1 =	vimm.f32 @!p1 $0.0e+00  }
0x40e: {  	p2 =	sne.s32 s18, $0x0;
	[tilespmem:s16+$0xD958] =	vst @!p1 v1  }
0x40f: {  	[tilespmem:s16+$0xD968] =	vst @!p1 v1;
	s0 =	sshra.s32 @!p2 s1, $0x2;
	v1 =	vimm.f32 @!p2 $0.0e+00  }
0x410: {  	p0 =	sne.s32 s15, $0x0;
	[tilespmem:s0+$0xD978] =	vst @!p2 v1  }
0x411: {  	[tilespmem:s0+$0xD988] =	vst @!p2 v1;
	s0 =	sshra.s32 @!p0 s1, $0x2;
	v1 =	vimm.f32 @!p0 $0.0e+00  }
0x412: {  	p1 =	sne.s32 s14, $0x0;
	[tilespmem:s0+$0xD998] =	vst @!p0 v1  }
0x413: {  	[tilespmem:s0+$0xD9A8] =	vst @!p0 v1;
	s0 =	sshra.s32 @!p1 s1, $0x2;
	v1 =	vimm.f32 @!p1 $0.0e+00  }
0x414: {  	p0 =	sne.s32 s13, $0x0;
	[tilespmem:s0+$0xD9B8] =	vst @!p1 v1  }
0x415: {  	[tilespmem:s0+$0xD9C8] =	vst @!p1 v1;
	s0 =	sshra.s32 @!p0 s1, $0x2;
	v1 =	vimm.f32 @!p0 $0.0e+00  }
0x416: {  	p1 =	sne.s32 s2, $0x0;
	[tilespmem:s0+$0xD9D8] =	vst @!p0 v1  }
0x417: {  	[tilespmem:s0+$0xD9E8] =	vst @!p0 v1;
	s0 =	sshra.s32 @!p1 s1, $0x2;
	v1 =	vimm.f32 @!p1 $0.0e+00  }
0x418: {  	p0 =	sne.s32 s21, $0x0;
	[tilespmem:s0+$0xD9F8] =	vst @!p1 v1  }
0x419: {  	[tilespmem:s0+$0xDA08] =	vst @!p1 v1;
	s0 =	sshra.s32 @!p0 s1, $0x2;
	v1 =	vimm.f32 @!p0 $0.0e+00  }
0x41a: {  	p1 =	sne.s32 s8, $0x0;
	[tilespmem:s0+$0xDA18] =	vst @!p0 v1  }
.Ltmp20:
0x41b: {  	[tilespmem:s0+$0xDA28] =	vst @!p0 v1;
	s0 =	sshra.s32 @!p1 s1, $0x2;
	v1 =	vimm.f32 @!p1 $0.0e+00;
	(pc) =	sbr.rel .LBB2_34-.Ltmp20, $4  }
0x41c: {  	p0 =	sne.s32 s6, $0x0;
	[tilespmem:s0+$0xDA38] =	vst @!p1 v1  }
0x41d: {  	[tilespmem:s0+$0xDA48] =	vst @!p1 v1;
	s0 =	sshra.s32 @!p0 s1, $0x2;
	v1 =	vimm.f32 @!p0 $0.0e+00  }
0x41e: {  	[tilespmem:s0+$0xDA58] =	vst @!p0 v1  }
0x41f: {  	[tilespmem:s0+$0xDA68] =	vst @!p0 v1  }
.LBB2_36:
0x420: {  	_ =	sfence.sel $0x180000  }
0x421: {  	[bflag:$0x0] =	sbarrier.arrive $0xFFFF  }
0x422: {  	_ =	strace $0x90000047  }
0x423: {  	s0 =	stileid.u32;
	[bflag:$0x2] =	sbarrier.arrive $0xFFFF  }
0x424: {  	p0 =	sne.s32 s0, $0x0;
	s0 =	rddreg [dreg:$0x2]  }
0x425: {  	s0 =	sadd.s32 @!p0 $0x100000, s0  }
0x426: {  	[sflag:s0] =	ssyncadd.tile.s32 @!p0 $0x1;
	_ =	shalt  }
.Lfunc_end2:
_tile_overlayer_lowered:
.L_overlay_start_2:
0x427: {  	(tag) =	ssettag $0x2  }
0x428: {  	s0 =	rddreg [dreg:$0x0];
	s2 =	stileid.u32  }
0x429: {  	s1 =	rddreg [dreg:$0x1];
	p0 =	sne.s32 s2, $0x0  }
0x42a: {  	s3 =	rddreg [dreg:$0x2];
	[bflag:$0x3] =	sbarrier.arrive $0xFFFF;
	s2 =	simm.s32 @!p0 $0x1C02  }
0x42b: {  	[timem:s3], [sflag:s2] =	dma.local @!p0 [hbm:s0], s1  }
0x42c: {  	s0 =	simm.s32 @!p0 $0x2  }
0x42d: {  	_ =	swait.ge @!p0 [sflag:s0], s1  }
0x42e: {  	s1 =	ssub.s32 @!p0 $0x0, s1;
	[sflag:s0] =	ssyncset.done @!p0 $0x0  }
0x42f: {  	[sflag:s0] =	ssyncadd.s32 @!p0 s1  }
0x430: {  	[bflag:$0x3] =	sbarrier.arrive $0xFFFF  }
0x431: {  	_ =	shalt  }

// kernel: sparse-core-data-format-call.cloned.1.call-start
scs
called_computation_lowered:
.L_overlay_start_0:
0x0: {  	s2 =	sld [smem:$0x3FD9]  }
0x1: {  	s3 =	sld [smem:$0x3FFE];
	_ =	sdelay $0x1  }
0x2: {  	s1 =	srdreg.scid  }
0x3: {  	s0 =	sand.u32 $0x1, s1  }
0x4: {  	s18 =	sshll.u32 s0, $0xA;
	s2 =	sadd.s32 s3, s2  }
0x5: {  	s2 =	sadd.s32 s2, s18  }
0x6: {  	[smem:$0x3FC6] =	sst s2  }
0x7: {  	_ = 	snop  }
0x8: {  	s2 =	sld [smem:$0x3FD0];
	(tm) =	ssettm $0x1  }
0x9: {  	s19 =	sld [smem:$0x3FFB];
	_ =	sdelay $0x3  }
0xa: {  	_ =	strace s19  }
0xb: {  	s3 =	sld [smem:$0x3FFC];
	_ =	sdelay $0x3  }
0xc: {  	_ =	strace s3  }
0xd: {  	s3 =	sld [smem:$0x3FFD];
	_ =	sdelay $0x3  }
0xe: {  	_ =	strace s3  }
0xf: {  	_ =	strace $0x8FFFFFFF  }
0x10: {  	s20 =	sld [smem:$0x3FDB];
	_ =	sdelay $0x1  }
0x11: {  	s4 =	simm.s32 $_scs_section_size  }
0x12: {  	s5 =	simm.s32 $_size__tile_overlayer_lowered;
	s6 =	simm.s32 $_tile_overlayer_lowered  }
0x13: {  	s23 =	simm.s32 $0x1BFF;
	s22 =	sshll.u32 s6, $0x1;
	s3 =	sadd.s32 s4, s20  }
0x14: {  	s7 =	simm.s32 $0x0;
	s21 =	sshll.u32 s5, $0x1;
	s5 =	sadd.s32 s22, s3  }
0x15: {  	[timem:s7], [sflag:s23] =	dma.local [hbm:s5], s21  }
0x16: {  	_ =	swait.ge [sflag:s23], s21  }
0x17: {  	s4 =	ssub.s32 $0x0, s21;
	[sflag:s23] =	ssyncset.done $0x0  }
0x18: {  	[sflag:s23] =	ssyncadd.s32 s4;
	_ =	sdelay $0x1  }
0x19: {  	s24 =	simm.s32 $0x1B8B  }
0x1a: {  	_ =	swait.ge [sflag:s24], $0x1  }
0x1b: {  	[sflag:s24] =	ssyncset.done $0x0  }
0x1c: {  	s26 =	simm.s32 $0x1B8E;
	s25 =	sld [smem:$0x3FFE];
	[sflag:s24] =	ssyncadd.s32 $0xFFFFFFFF  }
0x1d: {  	s27 =	simm.s32 $execute0_lowered;
	[smem:$0x3FD2] =	sst s26  }
0x1e: {  	s5 =	sshll.u32 s27, $0x1;
	_ =	strace $0x80000049;
	[dreg:$0x1] =	wrdreg $0xFFFFFFFF  }
0x1f: {  	s28 =	simm.s32 $_size_execute0_lowered;
	s3 =	sadd.s32 s3, s5;
	[dreg:$0x0] =	wrdreg $0x0  }
0x20: {  	s5 =	sshll.u32 s28, $0x1;
	[dreg:$0x2] =	wrdreg s3  }
0x21: {  	[dreg:$0x3] =	wrdreg s5  }
0x22: {  	[dreg:$0x4] =	wrdreg $0xC0  }
0x23: {  	_ =	task [dreg:s7], $0x5FFFF  }
0x24: {  	[dreg:$0x1] =	wrdreg $0xFFFFFFFF  }
0x25: {  	[dreg:$0x0] =	wrdreg $0x60  }
0x26: {  	[dreg:$0x2] =	wrdreg s25  }
0x27: {  	[dreg:$0x3] =	wrdreg s2  }
0x28: {  	[dreg:$0x4] =	wrdreg $0x9  }
0x29: {  	_ =	task.clear_ibuf [dreg:s7], $0x5FFFF;
	_ =	strace $0x90000049  }
0x2a: {  	s29 =	simm.s32 $0x9;
	_ =	strace $0x8000004B  }
0x2b: {  	_ =	swait.ge [sflag:s29], $0x1  }
0x2c: {  	[sflag:s29] =	ssyncadd.s32 $0xFFFFFFFF  }
0x2d: {  	_ =	strace $0x9000004B  }
0x2e: {  	_ =	sfence  }
0x2f: {  	s30 =	sld [smem:$0x0];
	_ =	sdelay $0x2  }
0x30: {  	s31 =	sshll.u32 s1, $0xD;
	s1 =	sshrl.u32 s1, $0x2  }
0x31: {  	s3 =	sand.u32 $0x4000, s31;
	s1 =	sadd.s32 s1, s30  }
0x32: {  	s0 =	sor.u32 s3, s0;
	s1 =	sshll.u32 s1, $0x11  }
0x33: {  	s0 =	sor.u32 s1, s0  }
0x34: {  	s0 =	sadd.s32 $0x8F2B, s0  }
0x35: {  	[sflag:s0] =	ssyncadd.remote.s32 $0x1  }
0x36: {  	_ =	sfence.sel $0xFFFF  }
0x37: {  	[dreg:$0x0] =	wrdreg $0xFFFFFFFF;
	(pc) =	sbr.abs _section_cstart, $3  }
0x38: {  	[dreg:$0x1] =	wrdreg $0xFFFFFFFF  }
0x39: {  	_ =	task.clear_ibuf [dreg:s7], $0x2FFFF;
	_ =	strace $0x9FFFFFFF  }
0x3a: {  	(tm) =	ssettm $0x7FFFFFFF  }
0x3b: {  	_ =	shalt  }
tec
execute0_lowered:
.L_overlay_start_1:
0x0: {  	(tag) =	ssettag $0x1  }
0x1: {  	s0 =	srdreg.scid  }
0x2: {  	s1 =	sshll.u32 s0, $0x4  }
0x3: {  	s0 =	stileid.u32;
	s1 =	sand.u32 $0x10, s1  }
0x4: {  	s1 =	sor.u32 s0, s1  }
0x5: {  	s6 =	rddreg [dreg:$0x0];
	s4 =	simm.s32 $0x1;
	s2 =	sshll.u32 s1, $0x7  }
0x6: {  	s7 =	simm.s32 $0x2;
	s12 =	simm.s32 $0x0;
	s1 =	ssub.s32 $0x4000, s2  }
0x7: {  	s8 =	simm.s32 $0x20000;
	s13 =	simm.s32 $0x0;
	s3 =	sand.u32 $0xF80, s1  }
0x8: {  	s9 =	simm.s32 $0x0;
	s5 =	sshrl.u32 s1, $0xC;
	p0 =	sne.s32 s3, $0x0  }
.Ltmp0:
0x9: {  	s1 =	rddreg [dreg:$0x2];
	s4 =	simm.s32 @!p0 $0x0;
	(pc) =	sbr.rel .LBB1_1-.Ltmp0, $4  }
0xa: {  	s11 =	simm.s32 $0x0;
	s3 =	rddreg [dreg:$0x1];
	s5 =	sadd.s32 s4, s5  }
0xb: {  	_ =	strace $0x8000004A;
	s4 =	simm.s32 $0x1;
	s5 =	smul.u32 $0x1A, s5  }
0xc: {  	s6 =	sadd.s32 $0x400, s6;
	s10 =	smov.u32 s2;
	[sflag:s4] =	ssyncpa.u1 $0x0  }
0xd: {  	p0 =	por $0x0, $0x0;
	[sflag:s7] =	ssyncpa.u1 $0x0;
	s7 =	sor.u32 $0x1, s5  }
.LBB1_4:
0xe: {  	s16 =	sshll.u32 s13, $0x3;
	s17 =	sand.u32 $0x78, s13  }
0xf: {  	s30 =	sand.u32 $0xF800, s13;
	s12 =	sshll.u32 s12, $0x10;
	s16 =	sand.u32 $0x3C00, s16  }
0x10: {  	s31 =	sand.u32 $0x7, s13;
	s16 =	sor.u32 s17, s16;
	s17 =	sadd.s32 s3, s30  }
0x11: {  	s13 =	sshll.u32 s31, $0x12;
	s16 =	sshrl.u32 s16, $0x3;
	s12 =	sadd.s32 s12, s17  }
0x12: {  	[tilespmem:s15+$0x0 ss:$0x81] =	vst.msk $0xffff, v0;
	s13 =	sor.u32 $0x400, s13;
	s12 =	sadd.s32 s16, s12  }
0x13: {  	[hbm4b:s12+s13] =	stream.strided.scatter [tilespmem:s14], [sflag:$0x2], $0x1000, s8, s13, $0x20;
	[tilespmem:$0x4040] =	vst v63  }
.LBB1_5:
0x14: {  	s14 =	sadd.s32 $0x1, s9  }
0x15: {  	s12 =	sadd.s32 $0x1000, s10;
	s16 =	smov.u32 s10;
	p2 =	sgt.s32 s14, $0x19  }
0x16: {  	s16 =	smov.u32 @p2 s12  }
0x17: {  	s14 =	simm.s32 @p2 $0x0;
	p2 =	sgt.s32 s16, $0x3FFF  }
0x18: {  	s16 =	smov.u32 @p2 s2;
	p2 =	sne.s32 s11, s7  }
.Ltmp1:
0x19: {  	p1 =	slt.u32 s11, $0x2;
	(pc) =	sbr.rel @!p2 .LBB1_6-.Ltmp1, $4  }
0x1a: {  	s15 =	simm.s32 @!p1 $0x2  }
0x1b: {  	s13 =	smov.u32 s10;
	p0 =	por !p0, !p0;
	_ =	swait.ge @!p1 [sflag:s15], $0x1000  }
0x1c: {  	s12 =	smov.u32 s9;
	[sflag:s15] =	ssyncset.done @!p1 $0x0;
	s9 =	smov.u32 s14  }
0x1d: {  	s11 =	sadd.s32 $0x1, s11;
	[sflag:s15] =	ssyncadd.s32 @!p1 $0xFFFFF000;
	s10 =	smov.u32 s16  }
.LBB1_1:
0x1e: {  	p1 =	sge.u32 s11, s5  }
0x1f: {  	s31 =	sadd.s32 $0xFFFFFFFF, s11;
	s14 =	sxor.u32 @!p1 $0xFFFFFFFF, s11  }
0x20: {  	s15 =	sshll.u32 @!p1 s10, $0x9;
	s16 =	sshll.u32 @!p1 s9, $0x4;
	s17 =	simm.s32 @!p1 $0x1000  }
0x21: {  	s14 =	sshll.u32 @!p1 s14, $0xC;
	s16 =	sand.u32 @!p1 $0x1F0, s16;
	s15 =	sadd.s32 @!p1 s6, s15  }
0x22: {  	s14 =	sand.u32 @!p1 $0x1000, s14;
	s15 =	sadd.s32 @!p1 s16, s15;
	s16 =	simm.s32 @!p1 $0x20  }
0x23: {  	[tilespmem:s14], [sflag:$0x1] =	stream.strided.gather @!p1 [hbm4b:s15+s16], $0x1000, s17, s16, $0x38;
	[tilespmem:$0x4040] =	vst v63  }
0x24: {  	p1 =	sge.u32 s31, s5  }
.Ltmp2:
0x25: {  	_ = 	snop;
	(pc) =	sbr.rel @p1 .LBB1_5-.Ltmp2, $1  }
0x26: {  	_ =	sdelay $0x3  }
0x27: {  	s14 =	simm.s32 $0x1  }
0x28: {  	_ =	swait.ge [sflag:s4], $0x1000;
	s14 =	simm.s32 @!p0 $0x0  }
0x29: {  	[sflag:s4] =	ssyncset.done $0x0;
	s15 =	sshll.u32 s14, $0xC  }
0x2a: {  	[sflag:s4] =	ssyncadd.s32 $0xFFFFF000;
	s18 =	sor.u32 $0x10, s15  }
0x2b: {  	s14 =	smul.u32 $0x4080, s14;
	v1 =	vld [tilespmem:s18+$0x0]  }
0x2c: {  	s30 =	sand.u32 $0x1, s11;
	v0 =	vld [tilespmem:s18+$0xFFFFFFF0]  }
0x2d: {  	s15 =	smul.u32 $0x4080, s30;
	s14 =	sshrl.u32 s14, $0x2  }
0x2e: {  	s16 =	sor.u32 $0x2000, s14  }
0x2f: {  	s31 =	sshrl.u32 s15, $0x2;
	s15 =	sadd.s32 $0x0, s16  }
0x30: {  	s17 =	simm.s32 $0x4;
	s18 =	sadd.s32 $0x20, s18;
	s14 =	sor.u32 $0x2000, s31;
	[tilespmem:s15+$0x810 ss:$0x81] =	vst.msk $0xffff, v1  }
.LBB1_3:
0x31: {  	v1 =	vld [tilespmem:s18+$0x0];
	p1 =	sne.s32 s17, $0x1FC;
	[tilespmem:s15+$0x0 ss:$0x81] =	vst.msk $0xffff, v0;
	s15 =	smov.u32 s17;
	s17 =	sadd.s32 $0x4, s17  }
.Ltmp3:
0x32: {  	v0 =	vld [tilespmem:s18+$0xFFFFFFF0];
	(pc) =	sbr.rel @p1 .LBB1_3-.Ltmp3, $4  }
0x33: {  	_ = 	snop  }
0x34: {  	s15 =	sshra.s32 s15, $0x2  }
0x35: {  	s15 =	sadd.s32 s15, s16  }
0x36: {  	s18 =	sadd.s32 $0x20, s18;
	[tilespmem:s15+$0x810 ss:$0x81] =	vst.msk $0xffff, v1  }
.Ltmp4:
0x37: {  	_ = 	snop;
	(pc) =	sbr.rel .LBB1_4-.Ltmp4, $1  }
0x38: {  	_ =	sdelay $0x3  }
.LBB1_6:
0x39: {  	_ =	sfence.sel $0x180000  }
0x3a: {  	s2 =	simm.s32 $0x1;
	[bflag:$0x0] =	sbarrier.arrive $0xFFFF  }
0x3b: {  	s31 =	simm.s32 $0x2;
	[sflag:s2] =	ssyncpa.u1 $0x1  }
0x3c: {  	[sflag:s31] =	ssyncpa.u1 $0x1  }
0x3d: {  	p0 =	sne.s32 s0, $0x0;
	_ =	strace $0x9000004A  }
0x3e: {  	s0 =	sadd.s32 @!p0 $0x100000, s1;
	[bflag:$0x2] =	sbarrier.arrive $0xFFFF  }
0x3f: {  	[sflag:s0] =	ssyncadd.tile.s32 @!p0 $0x1;
	_ =	shalt  }
.Lfunc_end1:
_tile_overlayer_lowered:
.L_overlay_start_2:
0x40: {  	(tag) =	ssettag $0x2  }
0x41: {  	s0 =	rddreg [dreg:$0x0];
	s2 =	stileid.u32  }
0x42: {  	s1 =	rddreg [dreg:$0x1];
	p0 =	sne.s32 s2, $0x0  }
0x43: {  	s3 =	rddreg [dreg:$0x2];
	[bflag:$0x3] =	sbarrier.arrive $0xFFFF;
	s2 =	simm.s32 @!p0 $0x1C01  }
0x44: {  	[timem:s3], [sflag:s2] =	dma.local @!p0 [hbm:s0], s1  }
0x45: {  	s0 =	simm.s32 @!p0 $0x1  }
0x46: {  	_ =	swait.ge @!p0 [sflag:s0], s1  }
0x47: {  	s1 =	ssub.s32 @!p0 $0x0, s1;
	[sflag:s0] =	ssyncset.done @!p0 $0x0  }
0x48: {  	[sflag:s0] =	ssyncadd.s32 @!p0 s1  }
0x49: {  	[bflag:$0x3] =	sbarrier.arrive $0xFFFF  }
0x4a: {  	_ =	shalt  }

</sc_bundles>
